<compile_context>
chip_gen: v7x
topology: tpu7x:2x2x1
jax: 0.10.2.dev20260603
libtpu: 0.0.44.dev20260713+nightly
codegen_flags: <defaults>
</compile_context>

<pallas_src>
import functools

import jax
import jax.numpy as jnp
from jax import lax
from jax.experimental import pallas as pl
from jax.experimental.pallas import tpu as pltpu
from jax.experimental.pallas import tpu_sc as plsc

_NUM_SAMPLES = 512
_N_BISECT = 26
_BB = 8
_BD = 256
_L = 16


_NUM_SC_CORES = 2
_NUM_SC_SUBCORES = 16


def _make_sc_stats(b, d):
    nc = _NUM_SC_CORES
    n_chunks = d // _L
    rank = d - d * 3 // 4
    mesh = plsc.VectorSubcoreMesh(
        core_axis_name="c", subcore_axis_name="s",
        num_cores=_NUM_SC_CORES, num_subcores=_NUM_SC_SUBCORES)

    @functools.partial(
        pl.kernel,
        out_type=jax.ShapeDtypeStruct((b, _L), jnp.float32),
        mesh=mesh,
        scratch_types=[
            pltpu.VMEM((d,), jnp.float32),
            pltpu.VMEM((_L,), jnp.float32),
        ],
        compiler_params=pltpu.CompilerParams(needs_layout_passes=False),
    )
    def sc_stats(x_hbm, out_hbm, row_v, out_v):
        wid = lax.axis_index("s") * nc + lax.axis_index("c")
        pltpu.sync_copy(x_hbm.at[wid], row_v)

        def chunk(i):
            return row_v[pl.ds(i * _L, _L)]

        zeros = jnp.zeros((_L,), jnp.float32)

        def reduce_scalar(vec, op):
            acc = vec[0]
            for i in range(1, _L):
                acc = op(acc, vec[i])
            return acc

        c0 = chunk(0)
        s_acc, mn_acc, mx_acc = c0, c0, c0
        for i in range(1, n_chunks):
            c = chunk(i)
            s_acc = s_acc + c
            mn_acc = jnp.minimum(mn_acc, c)
            mx_acc = jnp.maximum(mx_acc, c)
        total = reduce_scalar(s_acc, lax.add)
        mu = total * jnp.float32(1.0 / d)
        lo0 = reduce_scalar(mn_acc, lax.min)
        hi0 = reduce_scalar(mx_acc, lax.max)
        mu_vec = jnp.full((_L,), mu, jnp.float32)

        sq_acc = zeros
        for i in range(n_chunks):
            t = chunk(i) - mu_vec
            sq_acc = sq_acc + t * t
        sumsq = reduce_scalar(sq_acc, lax.add)

        rank_i = jnp.int32(rank)
        izeros = jnp.zeros((_L,), jnp.int32)

        def bisect(_, carry):
            lo, hi = carry
            mid = lo * 0.5 + hi * 0.5
            mid_vec = jnp.full((_L,), mid, jnp.float32)
            accs = [izeros, izeros, izeros, izeros]
            for i in range(n_chunks):
                accs[i % 4] = accs[i % 4] + plsc.all_reduce_population_count(
                    chunk(i) <= mid_vec)
            cnt = ((accs[0] + accs[1]) + (accs[2] + accs[3]))[0]
            pred = cnt >= rank_i
            return jnp.where(pred, lo, mid), jnp.where(pred, mid, hi)

        _, mean = lax.fori_loop(0, _N_BISECT, bisect, (lo0, hi0))

        lane = lax.iota(jnp.int32, _L)
        res = jnp.where(lane == 0, jnp.full((_L,), mean, jnp.float32),
                        jnp.where(lane == 1, mu_vec,
                                  jnp.full((_L,), sumsq, jnp.float32)))
        out_v[...] = res
        pltpu.sync_copy(out_v, out_hbm.at[wid])

    return sc_stats


def _bcast_kernel(d, x_ref, st_ref, o_ref):
    x = x_ref[...]
    st = st_ref[...]
    mean = st[:, 0:1]
    mu = st[:, 1:2]
    sumsq = st[:, 2:3]
    del mu
    std = jnp.sqrt(sumsq / (d - 1))
    x_norm = (x - mean) / std ** 0.3
    expo = jnp.clip(-x_norm / 0.001, -50.0, 50.0)
    y = 1.0 / (1.0 + jnp.exp(expo))
    o_ref[...] = jnp.broadcast_to(y[..., None], o_ref.shape)


def kernel(x, k):
    del k
    b, d = x.shape

    stats = _make_sc_stats(b, d)(x)

    out = pl.pallas_call(
        functools.partial(_bcast_kernel, d),
        grid=(b // _BB, d // _BD),
        in_specs=[
            pl.BlockSpec((_BB, _BD), lambda i, j: (i, j)),
            pl.BlockSpec((_BB, _L), lambda i, j: (i, 0)),
        ],
        out_specs=pl.BlockSpec((_BB, _BD, _NUM_SAMPLES), lambda i, j: (i, j, 0)),
        out_shape=jax.ShapeDtypeStruct((b, d, _NUM_SAMPLES), x.dtype),
    )(x, stats)
    return out

# --- scband reference (transcript-rebuilt; emitter-appended) ---
"""Pipeline reference for scband-perturbed-top-kfunction1-33079838114718 (READ-ONLY COPY).

The authoritative reference and input builder live on the scoring server;
editing this copy changes nothing except your own understanding.
"""

import jax, jax.numpy as jnp
import numpy as np


def setup_inputs(seed: int = 0) -> dict:
    key = jax.random.key(seed)
    x = jax.random.normal(key, (32, 2048), dtype=jnp.float32)
    return {"x": x, "k": 256}


def reference(x, k):
    num_samples = 512
    sigma = 0.05
    b, d = x.shape
    noise = jnp.zeros((b, d, num_samples), dtype=x.dtype)
    # torch.sort(x, dim=-1, descending=True)
    sorted_tensor = -jnp.sort(-x, axis=-1)
    start_idx = d * 3 // 4
    # torch.std_mean uses unbiased std (ddof=1)
    std = jnp.std(x, axis=-1, ddof=1)
    mean = sorted_tensor[:, start_idx]
    x_norm = (x - jnp.repeat(mean[:, None], d, axis=1)) / jnp.repeat(std[:, None], d, axis=1) ** 0.3
    # temperature-controlled sigmoid, temp=0.001
    exponent = -x_norm / 0.001
    exponent = jnp.clip(exponent, -50.0, 50.0)
    y = 1.0 / (1.0 + jnp.exp(exponent))
    perturbed_x = y[:, :, None] + noise * sigma
    return perturbed_x

if __name__ == "__main__":
    import jax
    _d = setup_inputs()
    print(jax.jit(kernel)(*tuple(_d.values())))

</pallas_src>

<mosaic_0001>
#map = affine_map<(d0, d1) -> (0, 0)>
module attributes {stable_mosaic.version = 14 : i64} {
  func.func @sc_stats(%arg0: i32, %arg1: i32, %arg2: memref<32x2048xf32, #tpu.memory_space<hbm>>, %arg3: memref<32x16xf32, #tpu.memory_space<hbm>>, %arg4: memref<2048xf32, #tpu.memory_space<vmem>>, %arg5: memref<16xf32, #tpu.memory_space<vmem>>) attributes {dimension_semantics = [#tpu.dimension_semantics<core_parallel>, #tpu.dimension_semantics<subcore_parallel>], iteration_bounds = array<i64: 2, 16>, scalar_prefetch = 0 : i64, scratch_operands = 2 : i64, tpu.core_type = #tpu.core_type<sc_vector_subcore>, window_params = [{transform_indices = #map}, {transform_indices = #map}]} {
    %mul3A = arith.constant 2 : i32
    %mul3A_0 = arith.muli %arg1, %mul3A : i32
    %add3A = arith.addi %mul3A_0, %arg0 : i32
    "tpu.region"() ({
      %run_scoped3A = tpu.sem_alloc : memref<!tpu.dma_semaphore, #tpu.memory_space<semaphore_mem>>
      %dma_start3A = arith.constant 0 : i32
      %dma_start3A_1481 = tpu.memref_slice %arg2[%add3A, %dma_start3A] : memref<32x2048xf32, #tpu.memory_space<hbm>> -> memref<1x2048xf32, #tpu.memory_space<hbm>>
      %dma_start3A_1482 = tpu.memref_squeeze %dma_start3A_1481 : memref<1x2048xf32, #tpu.memory_space<hbm>> -> memref<2048xf32, #tpu.memory_space<hbm>>
      %dma_start3A_1483 = arith.constant 0 : i32
      %dma_start3A_1484 = tpu.memref_slice %arg2[%add3A, %dma_start3A_1483] : memref<32x2048xf32, #tpu.memory_space<hbm>> -> memref<1x2048xf32, #tpu.memory_space<hbm>>
      %dma_start3A_1485 = tpu.memref_squeeze %dma_start3A_1484 : memref<1x2048xf32, #tpu.memory_space<hbm>> -> memref<2048xf32, #tpu.memory_space<hbm>>
      tpu.enqueue_dma source(%dma_start3A_1485 : memref<2048xf32, #tpu.memory_space<hbm>>) target(%arg4 : memref<2048xf32, #tpu.memory_space<vmem>>) target_semaphore(%run_scoped3A : memref<!tpu.dma_semaphore, #tpu.memory_space<semaphore_mem>>)
      %dma_wait3A = arith.constant 0 : i32
      %dma_wait3A_1486 = tpu.memref_slice %arg2[%add3A, %dma_wait3A] : memref<32x2048xf32, #tpu.memory_space<hbm>> -> memref<1x2048xf32, #tpu.memory_space<hbm>>
      %dma_wait3A_1487 = tpu.memref_squeeze %dma_wait3A_1486 : memref<1x2048xf32, #tpu.memory_space<hbm>> -> memref<2048xf32, #tpu.memory_space<hbm>>
      %dma_wait3A_1488 = arith.constant 0 : i32
      %dma_wait3A_1489 = tpu.memref_slice %arg2[%add3A, %dma_wait3A_1488] : memref<32x2048xf32, #tpu.memory_space<hbm>> -> memref<1x2048xf32, #tpu.memory_space<hbm>>
      %dma_wait3A_1490 = tpu.memref_squeeze %dma_wait3A_1489 : memref<1x2048xf32, #tpu.memory_space<hbm>> -> memref<2048xf32, #tpu.memory_space<hbm>>
      tpu.wait_dma2 semaphore(%run_scoped3A : memref<!tpu.dma_semaphore, #tpu.memory_space<semaphore_mem>>) src(%dma_wait3A_1490 : memref<2048xf32, #tpu.memory_space<hbm>>) dst(%arg4 : memref<2048xf32, #tpu.memory_space<vmem>>)
      tpu.yield
    }) : () -> ()
    %broadcast_in_dim3A = arith.constant 0.000000e+00 : f32
    %broadcast_in_dim3A_1 = vector.broadcast %broadcast_in_dim3A : f32 to vector<16xf32>
    %get3A = arith.constant 0 : index
    %get3A_2 = tpu.vector_load %arg4[%get3A] {strides = array<i32>} : memref<2048xf32, #tpu.memory_space<vmem>>, vector<16xf32>,
    %get3A_3 = arith.constant 16 : index
    %get3A_4 = tpu.vector_load %arg4[%get3A_3] {strides = array<i32>} : memref<2048xf32, #tpu.memory_space<vmem>>, vector<16xf32>,
    %add3A_5 = arith.addf %get3A_2, %get3A_4 : vector<16xf32>
    %min3A = arith.minimumf %get3A_2, %get3A_4 : vector<16xf32>
    %max3A = arith.maximumf %get3A_2, %get3A_4 : vector<16xf32>
    %get3A_6 = arith.constant 32 : index
    %get3A_7 = tpu.vector_load %arg4[%get3A_6] {strides = array<i32>} : memref<2048xf32, #tpu.memory_space<vmem>>, vector<16xf32>,
    %add3A_8 = arith.addf %add3A_5, %get3A_7 : vector<16xf32>
    %min3A_9 = arith.minimumf %min3A, %get3A_7 : vector<16xf32>
    %max3A_10 = arith.maximumf %max3A, %get3A_7 : vector<16xf32>
    %get3A_11 = arith.constant 48 : index
    %get3A_12 = tpu.vector_load %arg4[%get3A_11] {strides = array<i32>} : memref<2048xf32, #tpu.memory_space<vmem>>, vector<16xf32>,
    %add3A_13 = arith.addf %add3A_8, %get3A_12 : vector<16xf32>
    %min3A_14 = arith.minimumf %min3A_9, %get3A_12 : vector<16xf32>
    %max3A_15 = arith.maximumf %max3A_10, %get3A_12 : vector<16xf32>
    %get3A_16 = arith.constant 64 : index
    %get3A_17 = tpu.vector_load %arg4[%get3A_16] {strides = array<i32>} : memref<2048xf32, #tpu.memory_space<vmem>>, vector<16xf32>,
    %add3A_18 = arith.addf %add3A_13, %get3A_17 : vector<16xf32>
    %min3A_19 = arith.minimumf %min3A_14, %get3A_17 : vector<16xf32>
    %max3A_20 = arith.maximumf %max3A_15, %get3A_17 : vector<16xf32>
    %get3A_21 = arith.constant 80 : index
    %get3A_22 = tpu.vector_load %arg4[%get3A_21] {strides = array<i32>} : memref<2048xf32, #tpu.memory_space<vmem>>, vector<16xf32>,
    %add3A_23 = arith.addf %add3A_18, %get3A_22 : vector<16xf32>
    %min3A_24 = arith.minimumf %min3A_19, %get3A_22 : vector<16xf32>
    %max3A_25 = arith.maximumf %max3A_20, %get3A_22 : vector<16xf32>
    %get3A_26 = arith.constant 96 : index
    %get3A_27 = tpu.vector_load %arg4[%get3A_26] {strides = array<i32>} : memref<2048xf32, #tpu.memory_space<vmem>>, vector<16xf32>,
    %add3A_28 = arith.addf %add3A_23, %get3A_27 : vector<16xf32>
    %min3A_29 = arith.minimumf %min3A_24, %get3A_27 : vector<16xf32>
    %max3A_30 = arith.maximumf %max3A_25, %get3A_27 : vector<16xf32>
    %get3A_31 = arith.constant 112 : index
    %get3A_32 = tpu.vector_load %arg4[%get3A_31] {strides = array<i32>} : memref<2048xf32, #tpu.memory_space<vmem>>, vector<16xf32>,
    %add3A_33 = arith.addf %add3A_28, %get3A_32 : vector<16xf32>
    %min3A_34 = arith.minimumf %min3A_29, %get3A_32 : vector<16xf32>
    %max3A_35 = arith.maximumf %max3A_30, %get3A_32 : vector<16xf32>
    %get3A_36 = arith.constant 128 : index
    %get3A_37 = tpu.vector_load %arg4[%get3A_36] {strides = array<i32>} : memref<2048xf32, #tpu.memory_space<vmem>>, vector<16xf32>,
    %add3A_38 = arith.addf %add3A_33, %get3A_37 : vector<16xf32>
    %min3A_39 = arith.minimumf %min3A_34, %get3A_37 : vector<16xf32>
    %max3A_40 = arith.maximumf %max3A_35, %get3A_37 : vector<16xf32>
    %get3A_41 = arith.constant 144 : index
    %get3A_42 = tpu.vector_load %arg4[%get3A_41] {strides = array<i32>} : memref<2048xf32, #tpu.memory_space<vmem>>, vector<16xf32>,
    %add3A_43 = arith.addf %add3A_38, %get3A_42 : vector<16xf32>
    %min3A_44 = arith.minimumf %min3A_39, %get3A_42 : vector<16xf32>
    %max3A_45 = arith.maximumf %max3A_40, %get3A_42 : vector<16xf32>
    %get3A_46 = arith.constant 160 : index
    %get3A_47 = tpu.vector_load %arg4[%get3A_46] {strides = array<i32>} : memref<2048xf32, #tpu.memory_space<vmem>>, vector<16xf32>,
    %add3A_48 = arith.addf %add3A_43, %get3A_47 : vector<16xf32>
    %min3A_49 = arith.minimumf %min3A_44, %get3A_47 : vector<16xf32>
    %max3A_50 = arith.maximumf %max3A_45, %get3A_47 : vector<16xf32>
    %get3A_51 = arith.constant 176 : index
    %get3A_52 = tpu.vector_load %arg4[%get3A_51] {strides = array<i32>} : memref<2048xf32, #tpu.memory_space<vmem>>, vector<16xf32>,
    %add3A_53 = arith.addf %add3A_48, %get3A_52 : vector<16xf32>
    %min3A_54 = arith.minimumf %min3A_49, %get3A_52 : vector<16xf32>
    %max3A_55 = arith.maximumf %max3A_50, %get3A_52 : vector<16xf32>
    %get3A_56 = arith.constant 192 : index
    %get3A_57 = tpu.vector_load %arg4[%get3A_56] {strides = array<i32>} : memref<2048xf32, #tpu.memory_space<vmem>>, vector<16xf32>,
    %add3A_58 = arith.addf %add3A_53, %get3A_57 : vector<16xf32>
    %min3A_59 = arith.minimumf %min3A_54, %get3A_57 : vector<16xf32>
    %max3A_60 = arith.maximumf %max3A_55, %get3A_57 : vector<16xf32>
    %get3A_61 = arith.constant 208 : index
    %get3A_62 = tpu.vector_load %arg4[%get3A_61] {strides = array<i32>} : memref<2048xf32, #tpu.memory_space<vmem>>, vector<16xf32>,
    %add3A_63 = arith.addf %add3A_58, %get3A_62 : vector<16xf32>
    %min3A_64 = arith.minimumf %min3A_59, %get3A_62 : vector<16xf32>
    %max3A_65 = arith.maximumf %max3A_60, %get3A_62 : vector<16xf32>
    %get3A_66 = arith.constant 224 : index
    %get3A_67 = tpu.vector_load %arg4[%get3A_66] {strides = array<i32>} : memref<2048xf32, #tpu.memory_space<vmem>>, vector<16xf32>,
    %add3A_68 = arith.addf %add3A_63, %get3A_67 : vector<16xf32>
    %min3A_69 = arith.minimumf %min3A_64, %get3A_67 : vector<16xf32>
    %max3A_70 = arith.maximumf %max3A_65, %get3A_67 : vector<16xf32>
    %get3A_71 = arith.constant 240 : index
    %get3A_72 = tpu.vector_load %arg4[%get3A_71] {strides = array<i32>} : memref<2048xf32, #tpu.memory_space<vmem>>, vector<16xf32>,
    %add3A_73 = arith.addf %add3A_68, %get3A_72 : vector<16xf32>
    %min3A_74 = arith.minimumf %min3A_69, %get3A_72 : vector<16xf32>
    %max3A_75 = arith.maximumf %max3A_70, %get3A_72 : vector<16xf32>
    %get3A_76 = arith.constant 256 : index
    %get3A_77 = tpu.vector_load %arg4[%get3A_76] {strides = array<i32>} : memref<2048xf32, #tpu.memory_space<vmem>>, vector<16xf32>,
    %add3A_78 = arith.addf %add3A_73, %get3A_77 : vector<16xf32>
    %min3A_79 = arith.minimumf %min3A_74, %get3A_77 : vector<16xf32>
    %max3A_80 = arith.maximumf %max3A_75, %get3A_77 : vector<16xf32>
    %get3A_81 = arith.constant 272 : index
    %get3A_82 = tpu.vector_load %arg4[%get3A_81] {strides = array<i32>} : memref<2048xf32, #tpu.memory_space<vmem>>, vector<16xf32>,
    %add3A_83 = arith.addf %add3A_78, %get3A_82 : vector<16xf32>
    %min3A_84 = arith.minimumf %min3A_79, %get3A_82 : vector<16xf32>
    %max3A_85 = arith.maximumf %max3A_80, %get3A_82 : vector<16xf32>
    %get3A_86 = arith.constant 288 : index
    %get3A_87 = tpu.vector_load %arg4[%get3A_86] {strides = array<i32>} : memref<2048xf32, #tpu.memory_space<vmem>>, vector<16xf32>,
    %add3A_88 = arith.addf %add3A_83, %get3A_87 : vector<16xf32>
    %min3A_89 = arith.minimumf %min3A_84, %get3A_87 : vector<16xf32>
    %max3A_90 = arith.maximumf %max3A_85, %get3A_87 : vector<16xf32>
    %get3A_91 = arith.constant 304 : index
    %get3A_92 = tpu.vector_load %arg4[%get3A_91] {strides = array<i32>} : memref<2048xf32, #tpu.memory_space<vmem>>, vector<16xf32>,
    %add3A_93 = arith.addf %add3A_88, %get3A_92 : vector<16xf32>
    %min3A_94 = arith.minimumf %min3A_89, %get3A_92 : vector<16xf32>
    %max3A_95 = arith.maximumf %max3A_90, %get3A_92 : vector<16xf32>
    %get3A_96 = arith.constant 320 : index
    %get3A_97 = tpu.vector_load %arg4[%get3A_96] {strides = array<i32>} : memref<2048xf32, #tpu.memory_space<vmem>>, vector<16xf32>,
    %add3A_98 = arith.addf %add3A_93, %get3A_97 : vector<16xf32>
    %min3A_99 = arith.minimumf %min3A_94, %get3A_97 : vector<16xf32>
    %max3A_100 = arith.maximumf %max3A_95, %get3A_97 : vector<16xf32>
    %get3A_101 = arith.constant 336 : index
    %get3A_102 = tpu.vector_load %arg4[%get3A_101] {strides = array<i32>} : memref<2048xf32, #tpu.memory_space<vmem>>, vector<16xf32>,
    %add3A_103 = arith.addf %add3A_98, %get3A_102 : vector<16xf32>
    %min3A_104 = arith.minimumf %min3A_99, %get3A_102 : vector<16xf32>
    %max3A_105 = arith.maximumf %max3A_100, %get3A_102 : vector<16xf32>
    %get3A_106 = arith.constant 352 : index
    %get3A_107 = tpu.vector_load %arg4[%get3A_106] {strides = array<i32>} : memref<2048xf32, #tpu.memory_space<vmem>>, vector<16xf32>,
    %add3A_108 = arith.addf %add3A_103, %get3A_107 : vector<16xf32>
    %min3A_109 = arith.minimumf %min3A_104, %get3A_107 : vector<16xf32>
    %max3A_110 = arith.maximumf %max3A_105, %get3A_107 : vector<16xf32>
    %get3A_111 = arith.constant 368 : index
    %get3A_112 = tpu.vector_load %arg4[%get3A_111] {strides = array<i32>} : memref<2048xf32, #tpu.memory_space<vmem>>, vector<16xf32>,
    %add3A_113 = arith.addf %add3A_108, %get3A_112 : vector<16xf32>
    %min3A_114 = arith.minimumf %min3A_109, %get3A_112 : vector<16xf32>
    %max3A_115 = arith.maximumf %max3A_110, %get3A_112 : vector<16xf32>
    %get3A_116 = arith.constant 384 : index
    %get3A_117 = tpu.vector_load %arg4[%get3A_116] {strides = array<i32>} : memref<2048xf32, #tpu.memory_space<vmem>>, vector<16xf32>,
    %add3A_118 = arith.addf %add3A_113, %get3A_117 : vector<16xf32>
    %min3A_119 = arith.minimumf %min3A_114, %get3A_117 : vector<16xf32>
    %max3A_120 = arith.maximumf %max3A_115, %get3A_117 : vector<16xf32>
    %get3A_121 = arith.constant 400 : index
    %get3A_122 = tpu.vector_load %arg4[%get3A_121] {strides = array<i32>} : memref<2048xf32, #tpu.memory_space<vmem>>, vector<16xf32>,
    %add3A_123 = arith.addf %add3A_118, %get3A_122 : vector<16xf32>
    %min3A_124 = arith.minimumf %min3A_119, %get3A_122 : vector<16xf32>
    %max3A_125 = arith.maximumf %max3A_120, %get3A_122 : vector<16xf32>
    %get3A_126 = arith.constant 416 : index
    %get3A_127 = tpu.vector_load %arg4[%get3A_126] {strides = array<i32>} : memref<2048xf32, #tpu.memory_space<vmem>>, vector<16xf32>,
    %add3A_128 = arith.addf %add3A_123, %get3A_127 : vector<16xf32>
    %min3A_129 = arith.minimumf %min3A_124, %get3A_127 : vector<16xf32>
    %max3A_130 = arith.maximumf %max3A_125, %get3A_127 : vector<16xf32>
    %get3A_131 = arith.constant 432 : index
    %get3A_132 = tpu.vector_load %arg4[%get3A_131] {strides = array<i32>} : memref<2048xf32, #tpu.memory_space<vmem>>, vector<16xf32>,
    %add3A_133 = arith.addf %add3A_128, %get3A_132 : vector<16xf32>
    %min3A_134 = arith.minimumf %min3A_129, %get3A_132 : vector<16xf32>
    %max3A_135 = arith.maximumf %max3A_130, %get3A_132 : vector<16xf32>
    %get3A_136 = arith.constant 448 : index
    %get3A_137 = tpu.vector_load %arg4[%get3A_136] {strides = array<i32>} : memref<2048xf32, #tpu.memory_space<vmem>>, vector<16xf32>,
    %add3A_138 = arith.addf %add3A_133, %get3A_137 : vector<16xf32>
    %min3A_139 = arith.minimumf %min3A_134, %get3A_137 : vector<16xf32>
    %max3A_140 = arith.maximumf %max3A_135, %get3A_137 : vector<16xf32>
    %get3A_141 = arith.constant 464 : index
    %get3A_142 = tpu.vector_load %arg4[%get3A_141] {strides = array<i32>} : memref<2048xf32, #tpu.memory_space<vmem>>, vector<16xf32>,
    %add3A_143 = arith.addf %add3A_138, %get3A_142 : vector<16xf32>
    %min3A_144 = arith.minimumf %min3A_139, %get3A_142 : vector<16xf32>
    %max3A_145 = arith.maximumf %max3A_140, %get3A_142 : vector<16xf32>
    %get3A_146 = arith.constant 480 : index
    %get3A_147 = tpu.vector_load %arg4[%get3A_146] {strides = array<i32>} : memref<2048xf32, #tpu.memory_space<vmem>>, vector<16xf32>,
    %add3A_148 = arith.addf %add3A_143, %get3A_147 : vector<16xf32>
    %min3A_149 = arith.minimumf %min3A_144, %get3A_147 : vector<16xf32>
    %max3A_150 = arith.maximumf %max3A_145, %get3A_147 : vector<16xf32>
    %get3A_151 = arith.constant 496 : index
    %get3A_152 = tpu.vector_load %arg4[%get3A_151] {strides = array<i32>} : memref<2048xf32, #tpu.memory_space<vmem>>, vector<16xf32>,
    %add3A_153 = arith.addf %add3A_148, %get3A_152 : vector<16xf32>
    %min3A_154 = arith.minimumf %min3A_149, %get3A_152 : vector<16xf32>
    %max3A_155 = arith.maximumf %max3A_150, %get3A_152 : vector<16xf32>
    %get3A_156 = arith.constant 512 : index
    %get3A_157 = tpu.vector_load %arg4[%get3A_156] {strides = array<i32>} : memref<2048xf32, #tpu.memory_space<vmem>>, vector<16xf32>,
    %add3A_158 = arith.addf %add3A_153, %get3A_157 : vector<16xf32>
    %min3A_159 = arith.minimumf %min3A_154, %get3A_157 : vector<16xf32>
    %max3A_160 = arith.maximumf %max3A_155, %get3A_157 : vector<16xf32>
    %get3A_161 = arith.constant 528 : index
    %get3A_162 = tpu.vector_load %arg4[%get3A_161] {strides = array<i32>} : memref<2048xf32, #tpu.memory_space<vmem>>, vector<16xf32>,
    %add3A_163 = arith.addf %add3A_158, %get3A_162 : vector<16xf32>
    %min3A_164 = arith.minimumf %min3A_159, %get3A_162 : vector<16xf32>
    %max3A_165 = arith.maximumf %max3A_160, %get3A_162 : vector<16xf32>
    %get3A_166 = arith.constant 544 : index
    %get3A_167 = tpu.vector_load %arg4[%get3A_166] {strides = array<i32>} : memref<2048xf32, #tpu.memory_space<vmem>>, vector<16xf32>,
    %add3A_168 = arith.addf %add3A_163, %get3A_167 : vector<16xf32>
    %min3A_169 = arith.minimumf %min3A_164, %get3A_167 : vector<16xf32>
    %max3A_170 = arith.maximumf %max3A_165, %get3A_167 : vector<16xf32>
    %get3A_171 = arith.constant 560 : index
    %get3A_172 = tpu.vector_load %arg4[%get3A_171] {strides = array<i32>} : memref<2048xf32, #tpu.memory_space<vmem>>, vector<16xf32>,
    %add3A_173 = arith.addf %add3A_168, %get3A_172 : vector<16xf32>
    %min3A_174 = arith.minimumf %min3A_169, %get3A_172 : vector<16xf32>
    %max3A_175 = arith.maximumf %max3A_170, %get3A_172 : vector<16xf32>
    %get3A_176 = arith.constant 576 : index
    %get3A_177 = tpu.vector_load %arg4[%get3A_176] {strides = array<i32>} : memref<2048xf32, #tpu.memory_space<vmem>>, vector<16xf32>,
    %add3A_178 = arith.addf %add3A_173, %get3A_177 : vector<16xf32>
    %min3A_179 = arith.minimumf %min3A_174, %get3A_177 : vector<16xf32>
    %max3A_180 = arith.maximumf %max3A_175, %get3A_177 : vector<16xf32>
    %get3A_181 = arith.constant 592 : index
    %get3A_182 = tpu.vector_load %arg4[%get3A_181] {strides = array<i32>} : memref<2048xf32, #tpu.memory_space<vmem>>, vector<16xf32>,
    %add3A_183 = arith.addf %add3A_178, %get3A_182 : vector<16xf32>
    %min3A_184 = arith.minimumf %min3A_179, %get3A_182 : vector<16xf32>
    %max3A_185 = arith.maximumf %max3A_180, %get3A_182 : vector<16xf32>
    %get3A_186 = arith.constant 608 : index
    %get3A_187 = tpu.vector_load %arg4[%get3A_186] {strides = array<i32>} : memref<2048xf32, #tpu.memory_space<vmem>>, vector<16xf32>,
    %add3A_188 = arith.addf %add3A_183, %get3A_187 : vector<16xf32>
    %min3A_189 = arith.minimumf %min3A_184, %get3A_187 : vector<16xf32>
    %max3A_190 = arith.maximumf %max3A_185, %get3A_187 : vector<16xf32>
    %get3A_191 = arith.constant 624 : index
    %get3A_192 = tpu.vector_load %arg4[%get3A_191] {strides = array<i32>} : memref<2048xf32, #tpu.memory_space<vmem>>, vector<16xf32>,
    %add3A_193 = arith.addf %add3A_188, %get3A_192 : vector<16xf32>
    %min3A_194 = arith.minimumf %min3A_189, %get3A_192 : vector<16xf32>
    %max3A_195 = arith.maximumf %max3A_190, %get3A_192 : vector<16xf32>
    %get3A_196 = arith.constant 640 : index
    %get3A_197 = tpu.vector_load %arg4[%get3A_196] {strides = array<i32>} : memref<2048xf32, #tpu.memory_space<vmem>>, vector<16xf32>,
    %add3A_198 = arith.addf %add3A_193, %get3A_197 : vector<16xf32>
    %min3A_199 = arith.minimumf %min3A_194, %get3A_197 : vector<16xf32>
    %max3A_200 = arith.maximumf %max3A_195, %get3A_197 : vector<16xf32>
    %get3A_201 = arith.constant 656 : index
    %get3A_202 = tpu.vector_load %arg4[%get3A_201] {strides = array<i32>} : memref<2048xf32, #tpu.memory_space<vmem>>, vector<16xf32>,
    %add3A_203 = arith.addf %add3A_198, %get3A_202 : vector<16xf32>
    %min3A_204 = arith.minimumf %min3A_199, %get3A_202 : vector<16xf32>
    %max3A_205 = arith.maximumf %max3A_200, %get3A_202 : vector<16xf32>
    %get3A_206 = arith.constant 672 : index
    %get3A_207 = tpu.vector_load %arg4[%get3A_206] {strides = array<i32>} : memref<2048xf32, #tpu.memory_space<vmem>>, vector<16xf32>,
    %add3A_208 = arith.addf %add3A_203, %get3A_207 : vector<16xf32>
    %min3A_209 = arith.minimumf %min3A_204, %get3A_207 : vector<16xf32>
    %max3A_210 = arith.maximumf %max3A_205, %get3A_207 : vector<16xf32>
    %get3A_211 = arith.constant 688 : index
    %get3A_212 = tpu.vector_load %arg4[%get3A_211] {strides = array<i32>} : memref<2048xf32, #tpu.memory_space<vmem>>, vector<16xf32>,
    %add3A_213 = arith.addf %add3A_208, %get3A_212 : vector<16xf32>
    %min3A_214 = arith.minimumf %min3A_209, %get3A_212 : vector<16xf32>
    %max3A_215 = arith.maximumf %max3A_210, %get3A_212 : vector<16xf32>
    %get3A_216 = arith.constant 704 : index
    %get3A_217 = tpu.vector_load %arg4[%get3A_216] {strides = array<i32>} : memref<2048xf32, #tpu.memory_space<vmem>>, vector<16xf32>,
    %add3A_218 = arith.addf %add3A_213, %get3A_217 : vector<16xf32>
    %min3A_219 = arith.minimumf %min3A_214, %get3A_217 : vector<16xf32>
    %max3A_220 = arith.maximumf %max3A_215, %get3A_217 : vector<16xf32>
    %get3A_221 = arith.constant 720 : index
    %get3A_222 = tpu.vector_load %arg4[%get3A_221] {strides = array<i32>} : memref<2048xf32, #tpu.memory_space<vmem>>, vector<16xf32>,
    %add3A_223 = arith.addf %add3A_218, %get3A_222 : vector<16xf32>
    %min3A_224 = arith.minimumf %min3A_219, %get3A_222 : vector<16xf32>
    %max3A_225 = arith.maximumf %max3A_220, %get3A_222 : vector<16xf32>
    %get3A_226 = arith.constant 736 : index
    %get3A_227 = tpu.vector_load %arg4[%get3A_226] {strides = array<i32>} : memref<2048xf32, #tpu.memory_space<vmem>>, vector<16xf32>,
    %add3A_228 = arith.addf %add3A_223, %get3A_227 : vector<16xf32>
    %min3A_229 = arith.minimumf %min3A_224, %get3A_227 : vector<16xf32>
    %max3A_230 = arith.maximumf %max3A_225, %get3A_227 : vector<16xf32>
    %get3A_231 = arith.constant 752 : index
    %get3A_232 = tpu.vector_load %arg4[%get3A_231] {strides = array<i32>} : memref<2048xf32, #tpu.memory_space<vmem>>, vector<16xf32>,
    %add3A_233 = arith.addf %add3A_228, %get3A_232 : vector<16xf32>
    %min3A_234 = arith.minimumf %min3A_229, %get3A_232 : vector<16xf32>
    %max3A_235 = arith.maximumf %max3A_230, %get3A_232 : vector<16xf32>
    %get3A_236 = arith.constant 768 : index
    %get3A_237 = tpu.vector_load %arg4[%get3A_236] {strides = array<i32>} : memref<2048xf32, #tpu.memory_space<vmem>>, vector<16xf32>,
    %add3A_238 = arith.addf %add3A_233, %get3A_237 : vector<16xf32>
    %min3A_239 = arith.minimumf %min3A_234, %get3A_237 : vector<16xf32>
    %max3A_240 = arith.maximumf %max3A_235, %get3A_237 : vector<16xf32>
    %get3A_241 = arith.constant 784 : index
    %get3A_242 = tpu.vector_load %arg4[%get3A_241] {strides = array<i32>} : memref<2048xf32, #tpu.memory_space<vmem>>, vector<16xf32>,
    %add3A_243 = arith.addf %add3A_238, %get3A_242 : vector<16xf32>
    %min3A_244 = arith.minimumf %min3A_239, %get3A_242 : vector<16xf32>
    %max3A_245 = arith.maximumf %max3A_240, %get3A_242 : vector<16xf32>
    %get3A_246 = arith.constant 800 : index
    %get3A_247 = tpu.vector_load %arg4[%get3A_246] {strides = array<i32>} : memref<2048xf32, #tpu.memory_space<vmem>>, vector<16xf32>,
    %add3A_248 = arith.addf %add3A_243, %get3A_247 : vector<16xf32>
    %min3A_249 = arith.minimumf %min3A_244, %get3A_247 : vector<16xf32>
    %max3A_250 = arith.maximumf %max3A_245, %get3A_247 : vector<16xf32>
    %get3A_251 = arith.constant 816 : index
    %get3A_252 = tpu.vector_load %arg4[%get3A_251] {strides = array<i32>} : memref<2048xf32, #tpu.memory_space<vmem>>, vector<16xf32>,
    %add3A_253 = arith.addf %add3A_248, %get3A_252 : vector<16xf32>
    %min3A_254 = arith.minimumf %min3A_249, %get3A_252 : vector<16xf32>
    %max3A_255 = arith.maximumf %max3A_250, %get3A_252 : vector<16xf32>
    %get3A_256 = arith.constant 832 : index
    %get3A_257 = tpu.vector_load %arg4[%get3A_256] {strides = array<i32>} : memref<2048xf32, #tpu.memory_space<vmem>>, vector<16xf32>,
    %add3A_258 = arith.addf %add3A_253, %get3A_257 : vector<16xf32>
    %min3A_259 = arith.minimumf %min3A_254, %get3A_257 : vector<16xf32>
    %max3A_260 = arith.maximumf %max3A_255, %get3A_257 : vector<16xf32>
    %get3A_261 = arith.constant 848 : index
    %get3A_262 = tpu.vector_load %arg4[%get3A_261] {strides = array<i32>} : memref<2048xf32, #tpu.memory_space<vmem>>, vector<16xf32>,
    %add3A_263 = arith.addf %add3A_258, %get3A_262 : vector<16xf32>
    %min3A_264 = arith.minimumf %min3A_259, %get3A_262 : vector<16xf32>
    %max3A_265 = arith.maximumf %max3A_260, %get3A_262 : vector<16xf32>
    %get3A_266 = arith.constant 864 : index
    %get3A_267 = tpu.vector_load %arg4[%get3A_266] {strides = array<i32>} : memref<2048xf32, #tpu.memory_space<vmem>>, vector<16xf32>,
    %add3A_268 = arith.addf %add3A_263, %get3A_267 : vector<16xf32>
    %min3A_269 = arith.minimumf %min3A_264, %get3A_267 : vector<16xf32>
    %max3A_270 = arith.maximumf %max3A_265, %get3A_267 : vector<16xf32>
    %get3A_271 = arith.constant 880 : index
    %get3A_272 = tpu.vector_load %arg4[%get3A_271] {strides = array<i32>} : memref<2048xf32, #tpu.memory_space<vmem>>, vector<16xf32>,
    %add3A_273 = arith.addf %add3A_268, %get3A_272 : vector<16xf32>
    %min3A_274 = arith.minimumf %min3A_269, %get3A_272 : vector<16xf32>
    %max3A_275 = arith.maximumf %max3A_270, %get3A_272 : vector<16xf32>
    %get3A_276 = arith.constant 896 : index
    %get3A_277 = tpu.vector_load %arg4[%get3A_276] {strides = array<i32>} : memref<2048xf32, #tpu.memory_space<vmem>>, vector<16xf32>,
    %add3A_278 = arith.addf %add3A_273, %get3A_277 : vector<16xf32>
    %min3A_279 = arith.minimumf %min3A_274, %get3A_277 : vector<16xf32>
    %max3A_280 = arith.maximumf %max3A_275, %get3A_277 : vector<16xf32>
    %get3A_281 = arith.constant 912 : index
    %get3A_282 = tpu.vector_load %arg4[%get3A_281] {strides = array<i32>} : memref<2048xf32, #tpu.memory_space<vmem>>, vector<16xf32>,
    %add3A_283 = arith.addf %add3A_278, %get3A_282 : vector<16xf32>
    %min3A_284 = arith.minimumf %min3A_279, %get3A_282 : vector<16xf32>
    %max3A_285 = arith.maximumf %max3A_280, %get3A_282 : vector<16xf32>
    %get3A_286 = arith.constant 928 : index
    %get3A_287 = tpu.vector_load %arg4[%get3A_286] {strides = array<i32>} : memref<2048xf32, #tpu.memory_space<vmem>>, vector<16xf32>,
    %add3A_288 = arith.addf %add3A_283, %get3A_287 : vector<16xf32>
    %min3A_289 = arith.minimumf %min3A_284, %get3A_287 : vector<16xf32>
    %max3A_290 = arith.maximumf %max3A_285, %get3A_287 : vector<16xf32>
    %get3A_291 = arith.constant 944 : index
    %get3A_292 = tpu.vector_load %arg4[%get3A_291] {strides = array<i32>} : memref<2048xf32, #tpu.memory_space<vmem>>, vector<16xf32>,
    %add3A_293 = arith.addf %add3A_288, %get3A_292 : vector<16xf32>
    %min3A_294 = arith.minimumf %min3A_289, %get3A_292 : vector<16xf32>
    %max3A_295 = arith.maximumf %max3A_290, %get3A_292 : vector<16xf32>
    %get3A_296 = arith.constant 960 : index
    %get3A_297 = tpu.vector_load %arg4[%get3A_296] {strides = array<i32>} : memref<2048xf32, #tpu.memory_space<vmem>>, vector<16xf32>,
    %add3A_298 = arith.addf %add3A_293, %get3A_297 : vector<16xf32>
    %min3A_299 = arith.minimumf %min3A_294, %get3A_297 : vector<16xf32>
    %max3A_300 = arith.maximumf %max3A_295, %get3A_297 : vector<16xf32>
    %get3A_301 = arith.constant 976 : index
    %get3A_302 = tpu.vector_load %arg4[%get3A_301] {strides = array<i32>} : memref<2048xf32, #tpu.memory_space<vmem>>, vector<16xf32>,
    %add3A_303 = arith.addf %add3A_298, %get3A_302 : vector<16xf32>
    %min3A_304 = arith.minimumf %min3A_299, %get3A_302 : vector<16xf32>
    %max3A_305 = arith.maximumf %max3A_300, %get3A_302 : vector<16xf32>
    %get3A_306 = arith.constant 992 : index
    %get3A_307 = tpu.vector_load %arg4[%get3A_306] {strides = array<i32>} : memref<2048xf32, #tpu.memory_space<vmem>>, vector<16xf32>,
    %add3A_308 = arith.addf %add3A_303, %get3A_307 : vector<16xf32>
    %min3A_309 = arith.minimumf %min3A_304, %get3A_307 : vector<16xf32>
    %max3A_310 = arith.maximumf %max3A_305, %get3A_307 : vector<16xf32>
    %get3A_311 = arith.constant 1008 : index
    %get3A_312 = tpu.vector_load %arg4[%get3A_311] {strides = array<i32>} : memref<2048xf32, #tpu.memory_space<vmem>>, vector<16xf32>,
    %add3A_313 = arith.addf %add3A_308, %get3A_312 : vector<16xf32>
    %min3A_314 = arith.minimumf %min3A_309, %get3A_312 : vector<16xf32>
    %max3A_315 = arith.maximumf %max3A_310, %get3A_312 : vector<16xf32>
    %get3A_316 = arith.constant 1024 : index
    %get3A_317 = tpu.vector_load %arg4[%get3A_316] {strides = array<i32>} : memref<2048xf32, #tpu.memory_space<vmem>>, vector<16xf32>,
    %add3A_318 = arith.addf %add3A_313, %get3A_317 : vector<16xf32>
    %min3A_319 = arith.minimumf %min3A_314, %get3A_317 : vector<16xf32>
    %max3A_320 = arith.maximumf %max3A_315, %get3A_317 : vector<16xf32>
    %get3A_321 = arith.constant 1040 : index
    %get3A_322 = tpu.vector_load %arg4[%get3A_321] {strides = array<i32>} : memref<2048xf32, #tpu.memory_space<vmem>>, vector<16xf32>,
    %add3A_323 = arith.addf %add3A_318, %get3A_322 : vector<16xf32>
    %min3A_324 = arith.minimumf %min3A_319, %get3A_322 : vector<16xf32>
    %max3A_325 = arith.maximumf %max3A_320, %get3A_322 : vector<16xf32>
    %get3A_326 = arith.constant 1056 : index
    %get3A_327 = tpu.vector_load %arg4[%get3A_326] {strides = array<i32>} : memref<2048xf32, #tpu.memory_space<vmem>>, vector<16xf32>,
    %add3A_328 = arith.addf %add3A_323, %get3A_327 : vector<16xf32>
    %min3A_329 = arith.minimumf %min3A_324, %get3A_327 : vector<16xf32>
    %max3A_330 = arith.maximumf %max3A_325, %get3A_327 : vector<16xf32>
    %get3A_331 = arith.constant 1072 : index
    %get3A_332 = tpu.vector_load %arg4[%get3A_331] {strides = array<i32>} : memref<2048xf32, #tpu.memory_space<vmem>>, vector<16xf32>,
    %add3A_333 = arith.addf %add3A_328, %get3A_332 : vector<16xf32>
    %min3A_334 = arith.minimumf %min3A_329, %get3A_332 : vector<16xf32>
    %max3A_335 = arith.maximumf %max3A_330, %get3A_332 : vector<16xf32>
    %get3A_336 = arith.constant 1088 : index
    %get3A_337 = tpu.vector_load %arg4[%get3A_336] {strides = array<i32>} : memref<2048xf32, #tpu.memory_space<vmem>>, vector<16xf32>,
    %add3A_338 = arith.addf %add3A_333, %get3A_337 : vector<16xf32>
    %min3A_339 = arith.minimumf %min3A_334, %get3A_337 : vector<16xf32>
    %max3A_340 = arith.maximumf %max3A_335, %get3A_337 : vector<16xf32>
    %get3A_341 = arith.constant 1104 : index
    %get3A_342 = tpu.vector_load %arg4[%get3A_341] {strides = array<i32>} : memref<2048xf32, #tpu.memory_space<vmem>>, vector<16xf32>,
    %add3A_343 = arith.addf %add3A_338, %get3A_342 : vector<16xf32>
    %min3A_344 = arith.minimumf %min3A_339, %get3A_342 : vector<16xf32>
    %max3A_345 = arith.maximumf %max3A_340, %get3A_342 : vector<16xf32>
    %get3A_346 = arith.constant 1120 : index
    %get3A_347 = tpu.vector_load %arg4[%get3A_346] {strides = array<i32>} : memref<2048xf32, #tpu.memory_space<vmem>>, vector<16xf32>,
    %add3A_348 = arith.addf %add3A_343, %get3A_347 : vector<16xf32>
    %min3A_349 = arith.minimumf %min3A_344, %get3A_347 : vector<16xf32>
    %max3A_350 = arith.maximumf %max3A_345, %get3A_347 : vector<16xf32>
    %get3A_351 = arith.constant 1136 : index
    %get3A_352 = tpu.vector_load %arg4[%get3A_351] {strides = array<i32>} : memref<2048xf32, #tpu.memory_space<vmem>>, vector<16xf32>,
    %add3A_353 = arith.addf %add3A_348, %get3A_352 : vector<16xf32>
    %min3A_354 = arith.minimumf %min3A_349, %get3A_352 : vector<16xf32>
    %max3A_355 = arith.maximumf %max3A_350, %get3A_352 : vector<16xf32>
    %get3A_356 = arith.constant 1152 : index
    %get3A_357 = tpu.vector_load %arg4[%get3A_356] {strides = array<i32>} : memref<2048xf32, #tpu.memory_space<vmem>>, vector<16xf32>,
    %add3A_358 = arith.addf %add3A_353, %get3A_357 : vector<16xf32>
    %min3A_359 = arith.minimumf %min3A_354, %get3A_357 : vector<16xf32>
    %max3A_360 = arith.maximumf %max3A_355, %get3A_357 : vector<16xf32>
    %get3A_361 = arith.constant 1168 : index
    %get3A_362 = tpu.vector_load %arg4[%get3A_361] {strides = array<i32>} : memref<2048xf32, #tpu.memory_space<vmem>>, vector<16xf32>,
    %add3A_363 = arith.addf %add3A_358, %get3A_362 : vector<16xf32>
    %min3A_364 = arith.minimumf %min3A_359, %get3A_362 : vector<16xf32>
    %max3A_365 = arith.maximumf %max3A_360, %get3A_362 : vector<16xf32>
    %get3A_366 = arith.constant 1184 : index
    %get3A_367 = tpu.vector_load %arg4[%get3A_366] {strides = array<i32>} : memref<2048xf32, #tpu.memory_space<vmem>>, vector<16xf32>,
    %add3A_368 = arith.addf %add3A_363, %get3A_367 : vector<16xf32>
    %min3A_369 = arith.minimumf %min3A_364, %get3A_367 : vector<16xf32>
    %max3A_370 = arith.maximumf %max3A_365, %get3A_367 : vector<16xf32>
    %get3A_371 = arith.constant 1200 : index
    %get3A_372 = tpu.vector_load %arg4[%get3A_371] {strides = array<i32>} : memref<2048xf32, #tpu.memory_space<vmem>>, vector<16xf32>,
    %add3A_373 = arith.addf %add3A_368, %get3A_372 : vector<16xf32>
    %min3A_374 = arith.minimumf %min3A_369, %get3A_372 : vector<16xf32>
    %max3A_375 = arith.maximumf %max3A_370, %get3A_372 : vector<16xf32>
    %get3A_376 = arith.constant 1216 : index
    %get3A_377 = tpu.vector_load %arg4[%get3A_376] {strides = array<i32>} : memref<2048xf32, #tpu.memory_space<vmem>>, vector<16xf32>,
    %add3A_378 = arith.addf %add3A_373, %get3A_377 : vector<16xf32>
    %min3A_379 = arith.minimumf %min3A_374, %get3A_377 : vector<16xf32>
    %max3A_380 = arith.maximumf %max3A_375, %get3A_377 : vector<16xf32>
    %get3A_381 = arith.constant 1232 : index
    %get3A_382 = tpu.vector_load %arg4[%get3A_381] {strides = array<i32>} : memref<2048xf32, #tpu.memory_space<vmem>>, vector<16xf32>,
    %add3A_383 = arith.addf %add3A_378, %get3A_382 : vector<16xf32>
    %min3A_384 = arith.minimumf %min3A_379, %get3A_382 : vector<16xf32>
    %max3A_385 = arith.maximumf %max3A_380, %get3A_382 : vector<16xf32>
    %get3A_386 = arith.constant 1248 : index
    %get3A_387 = tpu.vector_load %arg4[%get3A_386] {strides = array<i32>} : memref<2048xf32, #tpu.memory_space<vmem>>, vector<16xf32>,
    %add3A_388 = arith.addf %add3A_383, %get3A_387 : vector<16xf32>
    %min3A_389 = arith.minimumf %min3A_384, %get3A_387 : vector<16xf32>
    %max3A_390 = arith.maximumf %max3A_385, %get3A_387 : vector<16xf32>
    %get3A_391 = arith.constant 1264 : index
    %get3A_392 = tpu.vector_load %arg4[%get3A_391] {strides = array<i32>} : memref<2048xf32, #tpu.memory_space<vmem>>, vector<16xf32>,
    %add3A_393 = arith.addf %add3A_388, %get3A_392 : vector<16xf32>
    %min3A_394 = arith.minimumf %min3A_389, %get3A_392 : vector<16xf32>
    %max3A_395 = arith.maximumf %max3A_390, %get3A_392 : vector<16xf32>
    %get3A_396 = arith.constant 1280 : index
    %get3A_397 = tpu.vector_load %arg4[%get3A_396] {strides = array<i32>} : memref<2048xf32, #tpu.memory_space<vmem>>, vector<16xf32>,
    %add3A_398 = arith.addf %add3A_393, %get3A_397 : vector<16xf32>
    %min3A_399 = arith.minimumf %min3A_394, %get3A_397 : vector<16xf32>
    %max3A_400 = arith.maximumf %max3A_395, %get3A_397 : vector<16xf32>
    %get3A_401 = arith.constant 1296 : index
    %get3A_402 = tpu.vector_load %arg4[%get3A_401] {strides = array<i32>} : memref<2048xf32, #tpu.memory_space<vmem>>, vector<16xf32>,
    %add3A_403 = arith.addf %add3A_398, %get3A_402 : vector<16xf32>
    %min3A_404 = arith.minimumf %min3A_399, %get3A_402 : vector<16xf32>
    %max3A_405 = arith.maximumf %max3A_400, %get3A_402 : vector<16xf32>
    %get3A_406 = arith.constant 1312 : index
    %get3A_407 = tpu.vector_load %arg4[%get3A_406] {strides = array<i32>} : memref<2048xf32, #tpu.memory_space<vmem>>, vector<16xf32>,
    %add3A_408 = arith.addf %add3A_403, %get3A_407 : vector<16xf32>
    %min3A_409 = arith.minimumf %min3A_404, %get3A_407 : vector<16xf32>
    %max3A_410 = arith.maximumf %max3A_405, %get3A_407 : vector<16xf32>
    %get3A_411 = arith.constant 1328 : index
    %get3A_412 = tpu.vector_load %arg4[%get3A_411] {strides = array<i32>} : memref<2048xf32, #tpu.memory_space<vmem>>, vector<16xf32>,
    %add3A_413 = arith.addf %add3A_408, %get3A_412 : vector<16xf32>
    %min3A_414 = arith.minimumf %min3A_409, %get3A_412 : vector<16xf32>
    %max3A_415 = arith.maximumf %max3A_410, %get3A_412 : vector<16xf32>
    %get3A_416 = arith.constant 1344 : index
    %get3A_417 = tpu.vector_load %arg4[%get3A_416] {strides = array<i32>} : memref<2048xf32, #tpu.memory_space<vmem>>, vector<16xf32>,
    %add3A_418 = arith.addf %add3A_413, %get3A_417 : vector<16xf32>
    %min3A_419 = arith.minimumf %min3A_414, %get3A_417 : vector<16xf32>
    %max3A_420 = arith.maximumf %max3A_415, %get3A_417 : vector<16xf32>
    %get3A_421 = arith.constant 1360 : index
    %get3A_422 = tpu.vector_load %arg4[%get3A_421] {strides = array<i32>} : memref<2048xf32, #tpu.memory_space<vmem>>, vector<16xf32>,
    %add3A_423 = arith.addf %add3A_418, %get3A_422 : vector<16xf32>
    %min3A_424 = arith.minimumf %min3A_419, %get3A_422 : vector<16xf32>
    %max3A_425 = arith.maximumf %max3A_420, %get3A_422 : vector<16xf32>
    %get3A_426 = arith.constant 1376 : index
    %get3A_427 = tpu.vector_load %arg4[%get3A_426] {strides = array<i32>} : memref<2048xf32, #tpu.memory_space<vmem>>, vector<16xf32>,
    %add3A_428 = arith.addf %add3A_423, %get3A_427 : vector<16xf32>
    %min3A_429 = arith.minimumf %min3A_424, %get3A_427 : vector<16xf32>
    %max3A_430 = arith.maximumf %max3A_425, %get3A_427 : vector<16xf32>
    %get3A_431 = arith.constant 1392 : index
    %get3A_432 = tpu.vector_load %arg4[%get3A_431] {strides = array<i32>} : memref<2048xf32, #tpu.memory_space<vmem>>, vector<16xf32>,
    %add3A_433 = arith.addf %add3A_428, %get3A_432 : vector<16xf32>
    %min3A_434 = arith.minimumf %min3A_429, %get3A_432 : vector<16xf32>
    %max3A_435 = arith.maximumf %max3A_430, %get3A_432 : vector<16xf32>
    %get3A_436 = arith.constant 1408 : index
    %get3A_437 = tpu.vector_load %arg4[%get3A_436] {strides = array<i32>} : memref<2048xf32, #tpu.memory_space<vmem>>, vector<16xf32>,
    %add3A_438 = arith.addf %add3A_433, %get3A_437 : vector<16xf32>
    %min3A_439 = arith.minimumf %min3A_434, %get3A_437 : vector<16xf32>
    %max3A_440 = arith.maximumf %max3A_435, %get3A_437 : vector<16xf32>
    %get3A_441 = arith.constant 1424 : index
    %get3A_442 = tpu.vector_load %arg4[%get3A_441] {strides = array<i32>} : memref<2048xf32, #tpu.memory_space<vmem>>, vector<16xf32>,
    %add3A_443 = arith.addf %add3A_438, %get3A_442 : vector<16xf32>
    %min3A_444 = arith.minimumf %min3A_439, %get3A_442 : vector<16xf32>
    %max3A_445 = arith.maximumf %max3A_440, %get3A_442 : vector<16xf32>
    %get3A_446 = arith.constant 1440 : index
    %get3A_447 = tpu.vector_load %arg4[%get3A_446] {strides = array<i32>} : memref<2048xf32, #tpu.memory_space<vmem>>, vector<16xf32>,
    %add3A_448 = arith.addf %add3A_443, %get3A_447 : vector<16xf32>
    %min3A_449 = arith.minimumf %min3A_444, %get3A_447 : vector<16xf32>
    %max3A_450 = arith.maximumf %max3A_445, %get3A_447 : vector<16xf32>
    %get3A_451 = arith.constant 1456 : index
    %get3A_452 = tpu.vector_load %arg4[%get3A_451] {strides = array<i32>} : memref<2048xf32, #tpu.memory_space<vmem>>, vector<16xf32>,
    %add3A_453 = arith.addf %add3A_448, %get3A_452 : vector<16xf32>
    %min3A_454 = arith.minimumf %min3A_449, %get3A_452 : vector<16xf32>
    %max3A_455 = arith.maximumf %max3A_450, %get3A_452 : vector<16xf32>
    %get3A_456 = arith.constant 1472 : index
    %get3A_457 = tpu.vector_load %arg4[%get3A_456] {strides = array<i32>} : memref<2048xf32, #tpu.memory_space<vmem>>, vector<16xf32>,
    %add3A_458 = arith.addf %add3A_453, %get3A_457 : vector<16xf32>
    %min3A_459 = arith.minimumf %min3A_454, %get3A_457 : vector<16xf32>
    %max3A_460 = arith.maximumf %max3A_455, %get3A_457 : vector<16xf32>
    %get3A_461 = arith.constant 1488 : index
    %get3A_462 = tpu.vector_load %arg4[%get3A_461] {strides = array<i32>} : memref<2048xf32, #tpu.memory_space<vmem>>, vector<16xf32>,
    %add3A_463 = arith.addf %add3A_458, %get3A_462 : vector<16xf32>
    %min3A_464 = arith.minimumf %min3A_459, %get3A_462 : vector<16xf32>
    %max3A_465 = arith.maximumf %max3A_460, %get3A_462 : vector<16xf32>
    %get3A_466 = arith.constant 1504 : index
    %get3A_467 = tpu.vector_load %arg4[%get3A_466] {strides = array<i32>} : memref<2048xf32, #tpu.memory_space<vmem>>, vector<16xf32>,
    %add3A_468 = arith.addf %add3A_463, %get3A_467 : vector<16xf32>
    %min3A_469 = arith.minimumf %min3A_464, %get3A_467 : vector<16xf32>
    %max3A_470 = arith.maximumf %max3A_465, %get3A_467 : vector<16xf32>
    %get3A_471 = arith.constant 1520 : index
    %get3A_472 = tpu.vector_load %arg4[%get3A_471] {strides = array<i32>} : memref<2048xf32, #tpu.memory_space<vmem>>, vector<16xf32>,
    %add3A_473 = arith.addf %add3A_468, %get3A_472 : vector<16xf32>
    %min3A_474 = arith.minimumf %min3A_469, %get3A_472 : vector<16xf32>
    %max3A_475 = arith.maximumf %max3A_470, %get3A_472 : vector<16xf32>
    %get3A_476 = arith.constant 1536 : index
    %get3A_477 = tpu.vector_load %arg4[%get3A_476] {strides = array<i32>} : memref<2048xf32, #tpu.memory_space<vmem>>, vector<16xf32>,
    %add3A_478 = arith.addf %add3A_473, %get3A_477 : vector<16xf32>
    %min3A_479 = arith.minimumf %min3A_474, %get3A_477 : vector<16xf32>
    %max3A_480 = arith.maximumf %max3A_475, %get3A_477 : vector<16xf32>
    %get3A_481 = arith.constant 1552 : index
    %get3A_482 = tpu.vector_load %arg4[%get3A_481] {strides = array<i32>} : memref<2048xf32, #tpu.memory_space<vmem>>, vector<16xf32>,
    %add3A_483 = arith.addf %add3A_478, %get3A_482 : vector<16xf32>
    %min3A_484 = arith.minimumf %min3A_479, %get3A_482 : vector<16xf32>
    %max3A_485 = arith.maximumf %max3A_480, %get3A_482 : vector<16xf32>
    %get3A_486 = arith.constant 1568 : index
    %get3A_487 = tpu.vector_load %arg4[%get3A_486] {strides = array<i32>} : memref<2048xf32, #tpu.memory_space<vmem>>, vector<16xf32>,
    %add3A_488 = arith.addf %add3A_483, %get3A_487 : vector<16xf32>
    %min3A_489 = arith.minimumf %min3A_484, %get3A_487 : vector<16xf32>
    %max3A_490 = arith.maximumf %max3A_485, %get3A_487 : vector<16xf32>
    %get3A_491 = arith.constant 1584 : index
    %get3A_492 = tpu.vector_load %arg4[%get3A_491] {strides = array<i32>} : memref<2048xf32, #tpu.memory_space<vmem>>, vector<16xf32>,
    %add3A_493 = arith.addf %add3A_488, %get3A_492 : vector<16xf32>
    %min3A_494 = arith.minimumf %min3A_489, %get3A_492 : vector<16xf32>
    %max3A_495 = arith.maximumf %max3A_490, %get3A_492 : vector<16xf32>
    %get3A_496 = arith.constant 1600 : index
    %get3A_497 = tpu.vector_load %arg4[%get3A_496] {strides = array<i32>} : memref<2048xf32, #tpu.memory_space<vmem>>, vector<16xf32>,
    %add3A_498 = arith.addf %add3A_493, %get3A_497 : vector<16xf32>
    %min3A_499 = arith.minimumf %min3A_494, %get3A_497 : vector<16xf32>
    %max3A_500 = arith.maximumf %max3A_495, %get3A_497 : vector<16xf32>
    %get3A_501 = arith.constant 1616 : index
    %get3A_502 = tpu.vector_load %arg4[%get3A_501] {strides = array<i32>} : memref<2048xf32, #tpu.memory_space<vmem>>, vector<16xf32>,
    %add3A_503 = arith.addf %add3A_498, %get3A_502 : vector<16xf32>
    %min3A_504 = arith.minimumf %min3A_499, %get3A_502 : vector<16xf32>
    %max3A_505 = arith.maximumf %max3A_500, %get3A_502 : vector<16xf32>
    %get3A_506 = arith.constant 1632 : index
    %get3A_507 = tpu.vector_load %arg4[%get3A_506] {strides = array<i32>} : memref<2048xf32, #tpu.memory_space<vmem>>, vector<16xf32>,
    %add3A_508 = arith.addf %add3A_503, %get3A_507 : vector<16xf32>
    %min3A_509 = arith.minimumf %min3A_504, %get3A_507 : vector<16xf32>
    %max3A_510 = arith.maximumf %max3A_505, %get3A_507 : vector<16xf32>
    %get3A_511 = arith.constant 1648 : index
    %get3A_512 = tpu.vector_load %arg4[%get3A_511] {strides = array<i32>} : memref<2048xf32, #tpu.memory_space<vmem>>, vector<16xf32>,
    %add3A_513 = arith.addf %add3A_508, %get3A_512 : vector<16xf32>
    %min3A_514 = arith.minimumf %min3A_509, %get3A_512 : vector<16xf32>
    %max3A_515 = arith.maximumf %max3A_510, %get3A_512 : vector<16xf32>
    %get3A_516 = arith.constant 1664 : index
    %get3A_517 = tpu.vector_load %arg4[%get3A_516] {strides = array<i32>} : memref<2048xf32, #tpu.memory_space<vmem>>, vector<16xf32>,
    %add3A_518 = arith.addf %add3A_513, %get3A_517 : vector<16xf32>
    %min3A_519 = arith.minimumf %min3A_514, %get3A_517 : vector<16xf32>
    %max3A_520 = arith.maximumf %max3A_515, %get3A_517 : vector<16xf32>
    %get3A_521 = arith.constant 1680 : index
    %get3A_522 = tpu.vector_load %arg4[%get3A_521] {strides = array<i32>} : memref<2048xf32, #tpu.memory_space<vmem>>, vector<16xf32>,
    %add3A_523 = arith.addf %add3A_518, %get3A_522 : vector<16xf32>
    %min3A_524 = arith.minimumf %min3A_519, %get3A_522 : vector<16xf32>
    %max3A_525 = arith.maximumf %max3A_520, %get3A_522 : vector<16xf32>
    %get3A_526 = arith.constant 1696 : index
    %get3A_527 = tpu.vector_load %arg4[%get3A_526] {strides = array<i32>} : memref<2048xf32, #tpu.memory_space<vmem>>, vector<16xf32>,
    %add3A_528 = arith.addf %add3A_523, %get3A_527 : vector<16xf32>
    %min3A_529 = arith.minimumf %min3A_524, %get3A_527 : vector<16xf32>
    %max3A_530 = arith.maximumf %max3A_525, %get3A_527 : vector<16xf32>
    %get3A_531 = arith.constant 1712 : index
    %get3A_532 = tpu.vector_load %arg4[%get3A_531] {strides = array<i32>} : memref<2048xf32, #tpu.memory_space<vmem>>, vector<16xf32>,
    %add3A_533 = arith.addf %add3A_528, %get3A_532 : vector<16xf32>
    %min3A_534 = arith.minimumf %min3A_529, %get3A_532 : vector<16xf32>
    %max3A_535 = arith.maximumf %max3A_530, %get3A_532 : vector<16xf32>
    %get3A_536 = arith.constant 1728 : index
    %get3A_537 = tpu.vector_load %arg4[%get3A_536] {strides = array<i32>} : memref<2048xf32, #tpu.memory_space<vmem>>, vector<16xf32>,
    %add3A_538 = arith.addf %add3A_533, %get3A_537 : vector<16xf32>
    %min3A_539 = arith.minimumf %min3A_534, %get3A_537 : vector<16xf32>
    %max3A_540 = arith.maximumf %max3A_535, %get3A_537 : vector<16xf32>
    %get3A_541 = arith.constant 1744 : index
    %get3A_542 = tpu.vector_load %arg4[%get3A_541] {strides = array<i32>} : memref<2048xf32, #tpu.memory_space<vmem>>, vector<16xf32>,
    %add3A_543 = arith.addf %add3A_538, %get3A_542 : vector<16xf32>
    %min3A_544 = arith.minimumf %min3A_539, %get3A_542 : vector<16xf32>
    %max3A_545 = arith.maximumf %max3A_540, %get3A_542 : vector<16xf32>
    %get3A_546 = arith.constant 1760 : index
    %get3A_547 = tpu.vector_load %arg4[%get3A_546] {strides = array<i32>} : memref<2048xf32, #tpu.memory_space<vmem>>, vector<16xf32>,
    %add3A_548 = arith.addf %add3A_543, %get3A_547 : vector<16xf32>
    %min3A_549 = arith.minimumf %min3A_544, %get3A_547 : vector<16xf32>
    %max3A_550 = arith.maximumf %max3A_545, %get3A_547 : vector<16xf32>
    %get3A_551 = arith.constant 1776 : index
    %get3A_552 = tpu.vector_load %arg4[%get3A_551] {strides = array<i32>} : memref<2048xf32, #tpu.memory_space<vmem>>, vector<16xf32>,
    %add3A_553 = arith.addf %add3A_548, %get3A_552 : vector<16xf32>
    %min3A_554 = arith.minimumf %min3A_549, %get3A_552 : vector<16xf32>
    %max3A_555 = arith.maximumf %max3A_550, %get3A_552 : vector<16xf32>
    %get3A_556 = arith.constant 1792 : index
    %get3A_557 = tpu.vector_load %arg4[%get3A_556] {strides = array<i32>} : memref<2048xf32, #tpu.memory_space<vmem>>, vector<16xf32>,
    %add3A_558 = arith.addf %add3A_553, %get3A_557 : vector<16xf32>
    %min3A_559 = arith.minimumf %min3A_554, %get3A_557 : vector<16xf32>
    %max3A_560 = arith.maximumf %max3A_555, %get3A_557 : vector<16xf32>
    %get3A_561 = arith.constant 1808 : index
    %get3A_562 = tpu.vector_load %arg4[%get3A_561] {strides = array<i32>} : memref<2048xf32, #tpu.memory_space<vmem>>, vector<16xf32>,
    %add3A_563 = arith.addf %add3A_558, %get3A_562 : vector<16xf32>
    %min3A_564 = arith.minimumf %min3A_559, %get3A_562 : vector<16xf32>
    %max3A_565 = arith.maximumf %max3A_560, %get3A_562 : vector<16xf32>
    %get3A_566 = arith.constant 1824 : index
    %get3A_567 = tpu.vector_load %arg4[%get3A_566] {strides = array<i32>} : memref<2048xf32, #tpu.memory_space<vmem>>, vector<16xf32>,
    %add3A_568 = arith.addf %add3A_563, %get3A_567 : vector<16xf32>
    %min3A_569 = arith.minimumf %min3A_564, %get3A_567 : vector<16xf32>
    %max3A_570 = arith.maximumf %max3A_565, %get3A_567 : vector<16xf32>
    %get3A_571 = arith.constant 1840 : index
    %get3A_572 = tpu.vector_load %arg4[%get3A_571] {strides = array<i32>} : memref<2048xf32, #tpu.memory_space<vmem>>, vector<16xf32>,
    %add3A_573 = arith.addf %add3A_568, %get3A_572 : vector<16xf32>
    %min3A_574 = arith.minimumf %min3A_569, %get3A_572 : vector<16xf32>
    %max3A_575 = arith.maximumf %max3A_570, %get3A_572 : vector<16xf32>
    %get3A_576 = arith.constant 1856 : index
    %get3A_577 = tpu.vector_load %arg4[%get3A_576] {strides = array<i32>} : memref<2048xf32, #tpu.memory_space<vmem>>, vector<16xf32>,
    %add3A_578 = arith.addf %add3A_573, %get3A_577 : vector<16xf32>
    %min3A_579 = arith.minimumf %min3A_574, %get3A_577 : vector<16xf32>
    %max3A_580 = arith.maximumf %max3A_575, %get3A_577 : vector<16xf32>
    %get3A_581 = arith.constant 1872 : index
    %get3A_582 = tpu.vector_load %arg4[%get3A_581] {strides = array<i32>} : memref<2048xf32, #tpu.memory_space<vmem>>, vector<16xf32>,
    %add3A_583 = arith.addf %add3A_578, %get3A_582 : vector<16xf32>
    %min3A_584 = arith.minimumf %min3A_579, %get3A_582 : vector<16xf32>
    %max3A_585 = arith.maximumf %max3A_580, %get3A_582 : vector<16xf32>
    %get3A_586 = arith.constant 1888 : index
    %get3A_587 = tpu.vector_load %arg4[%get3A_586] {strides = array<i32>} : memref<2048xf32, #tpu.memory_space<vmem>>, vector<16xf32>,
    %add3A_588 = arith.addf %add3A_583, %get3A_587 : vector<16xf32>
    %min3A_589 = arith.minimumf %min3A_584, %get3A_587 : vector<16xf32>
    %max3A_590 = arith.maximumf %max3A_585, %get3A_587 : vector<16xf32>
    %get3A_591 = arith.constant 1904 : index
    %get3A_592 = tpu.vector_load %arg4[%get3A_591] {strides = array<i32>} : memref<2048xf32, #tpu.memory_space<vmem>>, vector<16xf32>,
    %add3A_593 = arith.addf %add3A_588, %get3A_592 : vector<16xf32>
    %min3A_594 = arith.minimumf %min3A_589, %get3A_592 : vector<16xf32>
    %max3A_595 = arith.maximumf %max3A_590, %get3A_592 : vector<16xf32>
    %get3A_596 = arith.constant 1920 : index
    %get3A_597 = tpu.vector_load %arg4[%get3A_596] {strides = array<i32>} : memref<2048xf32, #tpu.memory_space<vmem>>, vector<16xf32>,
    %add3A_598 = arith.addf %add3A_593, %get3A_597 : vector<16xf32>
    %min3A_599 = arith.minimumf %min3A_594, %get3A_597 : vector<16xf32>
    %max3A_600 = arith.maximumf %max3A_595, %get3A_597 : vector<16xf32>
    %get3A_601 = arith.constant 1936 : index
    %get3A_602 = tpu.vector_load %arg4[%get3A_601] {strides = array<i32>} : memref<2048xf32, #tpu.memory_space<vmem>>, vector<16xf32>,
    %add3A_603 = arith.addf %add3A_598, %get3A_602 : vector<16xf32>
    %min3A_604 = arith.minimumf %min3A_599, %get3A_602 : vector<16xf32>
    %max3A_605 = arith.maximumf %max3A_600, %get3A_602 : vector<16xf32>
    %get3A_606 = arith.constant 1952 : index
    %get3A_607 = tpu.vector_load %arg4[%get3A_606] {strides = array<i32>} : memref<2048xf32, #tpu.memory_space<vmem>>, vector<16xf32>,
    %add3A_608 = arith.addf %add3A_603, %get3A_607 : vector<16xf32>
    %min3A_609 = arith.minimumf %min3A_604, %get3A_607 : vector<16xf32>
    %max3A_610 = arith.maximumf %max3A_605, %get3A_607 : vector<16xf32>
    %get3A_611 = arith.constant 1968 : index
    %get3A_612 = tpu.vector_load %arg4[%get3A_611] {strides = array<i32>} : memref<2048xf32, #tpu.memory_space<vmem>>, vector<16xf32>,
    %add3A_613 = arith.addf %add3A_608, %get3A_612 : vector<16xf32>
    %min3A_614 = arith.minimumf %min3A_609, %get3A_612 : vector<16xf32>
    %max3A_615 = arith.maximumf %max3A_610, %get3A_612 : vector<16xf32>
    %get3A_616 = arith.constant 1984 : index
    %get3A_617 = tpu.vector_load %arg4[%get3A_616] {strides = array<i32>} : memref<2048xf32, #tpu.memory_space<vmem>>, vector<16xf32>,
    %add3A_618 = arith.addf %add3A_613, %get3A_617 : vector<16xf32>
    %min3A_619 = arith.minimumf %min3A_614, %get3A_617 : vector<16xf32>
    %max3A_620 = arith.maximumf %max3A_615, %get3A_617 : vector<16xf32>
    %get3A_621 = arith.constant 2000 : index
    %get3A_622 = tpu.vector_load %arg4[%get3A_621] {strides = array<i32>} : memref<2048xf32, #tpu.memory_space<vmem>>, vector<16xf32>,
    %add3A_623 = arith.addf %add3A_618, %get3A_622 : vector<16xf32>
    %min3A_624 = arith.minimumf %min3A_619, %get3A_622 : vector<16xf32>
    %max3A_625 = arith.maximumf %max3A_620, %get3A_622 : vector<16xf32>
    %get3A_626 = arith.constant 2016 : index
    %get3A_627 = tpu.vector_load %arg4[%get3A_626] {strides = array<i32>} : memref<2048xf32, #tpu.memory_space<vmem>>, vector<16xf32>,
    %add3A_628 = arith.addf %add3A_623, %get3A_627 : vector<16xf32>
    %min3A_629 = arith.minimumf %min3A_624, %get3A_627 : vector<16xf32>
    %max3A_630 = arith.maximumf %max3A_625, %get3A_627 : vector<16xf32>
    %get3A_631 = arith.constant 2032 : index
    %get3A_632 = tpu.vector_load %arg4[%get3A_631] {strides = array<i32>} : memref<2048xf32, #tpu.memory_space<vmem>>, vector<16xf32>,
    %add3A_633 = arith.addf %add3A_628, %get3A_632 : vector<16xf32>
    %min3A_634 = arith.minimumf %min3A_629, %get3A_632 : vector<16xf32>
    %max3A_635 = arith.maximumf %max3A_630, %get3A_632 : vector<16xf32>
    %slice3A = vector.extract_strided_slice %add3A_633 {offsets = [0], sizes = [1], strides = [1]} : vector<16xf32> to vector<1xf32>
    %squeeze3A = vector.extract %slice3A[0] : f32 from vector<1xf32>
    %slice3A_636 = vector.extract_strided_slice %add3A_633 {offsets = [1], sizes = [1], strides = [1]} : vector<16xf32> to vector<1xf32>
    %squeeze3A_637 = vector.extract %slice3A_636[0] : f32 from vector<1xf32>
    %add3A_638 = arith.addf %squeeze3A, %squeeze3A_637 : f32
    %slice3A_639 = vector.extract_strided_slice %add3A_633 {offsets = [2], sizes = [1], strides = [1]} : vector<16xf32> to vector<1xf32>
    %squeeze3A_640 = vector.extract %slice3A_639[0] : f32 from vector<1xf32>
    %add3A_641 = arith.addf %add3A_638, %squeeze3A_640 : f32
    %slice3A_642 = vector.extract_strided_slice %add3A_633 {offsets = [3], sizes = [1], strides = [1]} : vector<16xf32> to vector<1xf32>
    %squeeze3A_643 = vector.extract %slice3A_642[0] : f32 from vector<1xf32>
    %add3A_644 = arith.addf %add3A_641, %squeeze3A_643 : f32
    %slice3A_645 = vector.extract_strided_slice %add3A_633 {offsets = [4], sizes = [1], strides = [1]} : vector<16xf32> to vector<1xf32>
    %squeeze3A_646 = vector.extract %slice3A_645[0] : f32 from vector<1xf32>
    %add3A_647 = arith.addf %add3A_644, %squeeze3A_646 : f32
    %slice3A_648 = vector.extract_strided_slice %add3A_633 {offsets = [5], sizes = [1], strides = [1]} : vector<16xf32> to vector<1xf32>
    %squeeze3A_649 = vector.extract %slice3A_648[0] : f32 from vector<1xf32>
    %add3A_650 = arith.addf %add3A_647, %squeeze3A_649 : f32
    %slice3A_651 = vector.extract_strided_slice %add3A_633 {offsets = [6], sizes = [1], strides = [1]} : vector<16xf32> to vector<1xf32>
    %squeeze3A_652 = vector.extract %slice3A_651[0] : f32 from vector<1xf32>
    %add3A_653 = arith.addf %add3A_650, %squeeze3A_652 : f32
    %slice3A_654 = vector.extract_strided_slice %add3A_633 {offsets = [7], sizes = [1], strides = [1]} : vector<16xf32> to vector<1xf32>
    %squeeze3A_655 = vector.extract %slice3A_654[0] : f32 from vector<1xf32>
    %add3A_656 = arith.addf %add3A_653, %squeeze3A_655 : f32
    %slice3A_657 = vector.extract_strided_slice %add3A_633 {offsets = [8], sizes = [1], strides = [1]} : vector<16xf32> to vector<1xf32>
    %squeeze3A_658 = vector.extract %slice3A_657[0] : f32 from vector<1xf32>
    %add3A_659 = arith.addf %add3A_656, %squeeze3A_658 : f32
    %slice3A_660 = vector.extract_strided_slice %add3A_633 {offsets = [9], sizes = [1], strides = [1]} : vector<16xf32> to vector<1xf32>
    %squeeze3A_661 = vector.extract %slice3A_660[0] : f32 from vector<1xf32>
    %add3A_662 = arith.addf %add3A_659, %squeeze3A_661 : f32
    %slice3A_663 = vector.extract_strided_slice %add3A_633 {offsets = [10], sizes = [1], strides = [1]} : vector<16xf32> to vector<1xf32>
    %squeeze3A_664 = vector.extract %slice3A_663[0] : f32 from vector<1xf32>
    %add3A_665 = arith.addf %add3A_662, %squeeze3A_664 : f32
    %slice3A_666 = vector.extract_strided_slice %add3A_633 {offsets = [11], sizes = [1], strides = [1]} : vector<16xf32> to vector<1xf32>
    %squeeze3A_667 = vector.extract %slice3A_666[0] : f32 from vector<1xf32>
    %add3A_668 = arith.addf %add3A_665, %squeeze3A_667 : f32
    %slice3A_669 = vector.extract_strided_slice %add3A_633 {offsets = [12], sizes = [1], strides = [1]} : vector<16xf32> to vector<1xf32>
    %squeeze3A_670 = vector.extract %slice3A_669[0] : f32 from vector<1xf32>
    %add3A_671 = arith.addf %add3A_668, %squeeze3A_670 : f32
    %slice3A_672 = vector.extract_strided_slice %add3A_633 {offsets = [13], sizes = [1], strides = [1]} : vector<16xf32> to vector<1xf32>
    %squeeze3A_673 = vector.extract %slice3A_672[0] : f32 from vector<1xf32>
    %add3A_674 = arith.addf %add3A_671, %squeeze3A_673 : f32
    %slice3A_675 = vector.extract_strided_slice %add3A_633 {offsets = [14], sizes = [1], strides = [1]} : vector<16xf32> to vector<1xf32>
    %squeeze3A_676 = vector.extract %slice3A_675[0] : f32 from vector<1xf32>
    %add3A_677 = arith.addf %add3A_674, %squeeze3A_676 : f32
    %slice3A_678 = vector.extract_strided_slice %add3A_633 {offsets = [15], sizes = [1], strides = [1]} : vector<16xf32> to vector<1xf32>
    %squeeze3A_679 = vector.extract %slice3A_678[0] : f32 from vector<1xf32>
    %add3A_680 = arith.addf %add3A_677, %squeeze3A_679 : f32
    %mul3A_681 = arith.constant 4.8828125E-4 : f32
    %mul3A_682 = arith.mulf %add3A_680, %mul3A_681 : f32
    %slice3A_683 = vector.extract_strided_slice %min3A_634 {offsets = [0], sizes = [1], strides = [1]} : vector<16xf32> to vector<1xf32>
    %squeeze3A_684 = vector.extract %slice3A_683[0] : f32 from vector<1xf32>
    %slice3A_685 = vector.extract_strided_slice %min3A_634 {offsets = [1], sizes = [1], strides = [1]} : vector<16xf32> to vector<1xf32>
    %squeeze3A_686 = vector.extract %slice3A_685[0] : f32 from vector<1xf32>
    %min3A_687 = arith.minimumf %squeeze3A_684, %squeeze3A_686 : f32
    %slice3A_688 = vector.extract_strided_slice %min3A_634 {offsets = [2], sizes = [1], strides = [1]} : vector<16xf32> to vector<1xf32>
    %squeeze3A_689 = vector.extract %slice3A_688[0] : f32 from vector<1xf32>
    %min3A_690 = arith.minimumf %min3A_687, %squeeze3A_689 : f32
    %slice3A_691 = vector.extract_strided_slice %min3A_634 {offsets = [3], sizes = [1], strides = [1]} : vector<16xf32> to vector<1xf32>
    %squeeze3A_692 = vector.extract %slice3A_691[0] : f32 from vector<1xf32>
    %min3A_693 = arith.minimumf %min3A_690, %squeeze3A_692 : f32
    %slice3A_694 = vector.extract_strided_slice %min3A_634 {offsets = [4], sizes = [1], strides = [1]} : vector<16xf32> to vector<1xf32>
    %squeeze3A_695 = vector.extract %slice3A_694[0] : f32 from vector<1xf32>
    %min3A_696 = arith.minimumf %min3A_693, %squeeze3A_695 : f32
    %slice3A_697 = vector.extract_strided_slice %min3A_634 {offsets = [5], sizes = [1], strides = [1]} : vector<16xf32> to vector<1xf32>
    %squeeze3A_698 = vector.extract %slice3A_697[0] : f32 from vector<1xf32>
    %min3A_699 = arith.minimumf %min3A_696, %squeeze3A_698 : f32
    %slice3A_700 = vector.extract_strided_slice %min3A_634 {offsets = [6], sizes = [1], strides = [1]} : vector<16xf32> to vector<1xf32>
    %squeeze3A_701 = vector.extract %slice3A_700[0] : f32 from vector<1xf32>
    %min3A_702 = arith.minimumf %min3A_699, %squeeze3A_701 : f32
    %slice3A_703 = vector.extract_strided_slice %min3A_634 {offsets = [7], sizes = [1], strides = [1]} : vector<16xf32> to vector<1xf32>
    %squeeze3A_704 = vector.extract %slice3A_703[0] : f32 from vector<1xf32>
    %min3A_705 = arith.minimumf %min3A_702, %squeeze3A_704 : f32
    %slice3A_706 = vector.extract_strided_slice %min3A_634 {offsets = [8], sizes = [1], strides = [1]} : vector<16xf32> to vector<1xf32>
    %squeeze3A_707 = vector.extract %slice3A_706[0] : f32 from vector<1xf32>
    %min3A_708 = arith.minimumf %min3A_705, %squeeze3A_707 : f32
    %slice3A_709 = vector.extract_strided_slice %min3A_634 {offsets = [9], sizes = [1], strides = [1]} : vector<16xf32> to vector<1xf32>
    %squeeze3A_710 = vector.extract %slice3A_709[0] : f32 from vector<1xf32>
    %min3A_711 = arith.minimumf %min3A_708, %squeeze3A_710 : f32
    %slice3A_712 = vector.extract_strided_slice %min3A_634 {offsets = [10], sizes = [1], strides = [1]} : vector<16xf32> to vector<1xf32>
    %squeeze3A_713 = vector.extract %slice3A_712[0] : f32 from vector<1xf32>
    %min3A_714 = arith.minimumf %min3A_711, %squeeze3A_713 : f32
    %slice3A_715 = vector.extract_strided_slice %min3A_634 {offsets = [11], sizes = [1], strides = [1]} : vector<16xf32> to vector<1xf32>
    %squeeze3A_716 = vector.extract %slice3A_715[0] : f32 from vector<1xf32>
    %min3A_717 = arith.minimumf %min3A_714, %squeeze3A_716 : f32
    %slice3A_718 = vector.extract_strided_slice %min3A_634 {offsets = [12], sizes = [1], strides = [1]} : vector<16xf32> to vector<1xf32>
    %squeeze3A_719 = vector.extract %slice3A_718[0] : f32 from vector<1xf32>
    %min3A_720 = arith.minimumf %min3A_717, %squeeze3A_719 : f32
    %slice3A_721 = vector.extract_strided_slice %min3A_634 {offsets = [13], sizes = [1], strides = [1]} : vector<16xf32> to vector<1xf32>
    %squeeze3A_722 = vector.extract %slice3A_721[0] : f32 from vector<1xf32>
    %min3A_723 = arith.minimumf %min3A_720, %squeeze3A_722 : f32
    %slice3A_724 = vector.extract_strided_slice %min3A_634 {offsets = [14], sizes = [1], strides = [1]} : vector<16xf32> to vector<1xf32>
    %squeeze3A_725 = vector.extract %slice3A_724[0] : f32 from vector<1xf32>
    %min3A_726 = arith.minimumf %min3A_723, %squeeze3A_725 : f32
    %slice3A_727 = vector.extract_strided_slice %min3A_634 {offsets = [15], sizes = [1], strides = [1]} : vector<16xf32> to vector<1xf32>
    %squeeze3A_728 = vector.extract %slice3A_727[0] : f32 from vector<1xf32>
    %min3A_729 = arith.minimumf %min3A_726, %squeeze3A_728 : f32
    %slice3A_730 = vector.extract_strided_slice %max3A_635 {offsets = [0], sizes = [1], strides = [1]} : vector<16xf32> to vector<1xf32>
    %squeeze3A_731 = vector.extract %slice3A_730[0] : f32 from vector<1xf32>
    %slice3A_732 = vector.extract_strided_slice %max3A_635 {offsets = [1], sizes = [1], strides = [1]} : vector<16xf32> to vector<1xf32>
    %squeeze3A_733 = vector.extract %slice3A_732[0] : f32 from vector<1xf32>
    %max3A_734 = arith.maximumf %squeeze3A_731, %squeeze3A_733 : f32
    %slice3A_735 = vector.extract_strided_slice %max3A_635 {offsets = [2], sizes = [1], strides = [1]} : vector<16xf32> to vector<1xf32>
    %squeeze3A_736 = vector.extract %slice3A_735[0] : f32 from vector<1xf32>
    %max3A_737 = arith.maximumf %max3A_734, %squeeze3A_736 : f32
    %slice3A_738 = vector.extract_strided_slice %max3A_635 {offsets = [3], sizes = [1], strides = [1]} : vector<16xf32> to vector<1xf32>
    %squeeze3A_739 = vector.extract %slice3A_738[0] : f32 from vector<1xf32>
    %max3A_740 = arith.maximumf %max3A_737, %squeeze3A_739 : f32
    %slice3A_741 = vector.extract_strided_slice %max3A_635 {offsets = [4], sizes = [1], strides = [1]} : vector<16xf32> to vector<1xf32>
    %squeeze3A_742 = vector.extract %slice3A_741[0] : f32 from vector<1xf32>
    %max3A_743 = arith.maximumf %max3A_740, %squeeze3A_742 : f32
    %slice3A_744 = vector.extract_strided_slice %max3A_635 {offsets = [5], sizes = [1], strides = [1]} : vector<16xf32> to vector<1xf32>
    %squeeze3A_745 = vector.extract %slice3A_744[0] : f32 from vector<1xf32>
    %max3A_746 = arith.maximumf %max3A_743, %squeeze3A_745 : f32
    %slice3A_747 = vector.extract_strided_slice %max3A_635 {offsets = [6], sizes = [1], strides = [1]} : vector<16xf32> to vector<1xf32>
    %squeeze3A_748 = vector.extract %slice3A_747[0] : f32 from vector<1xf32>
    %max3A_749 = arith.maximumf %max3A_746, %squeeze3A_748 : f32
    %slice3A_750 = vector.extract_strided_slice %max3A_635 {offsets = [7], sizes = [1], strides = [1]} : vector<16xf32> to vector<1xf32>
    %squeeze3A_751 = vector.extract %slice3A_750[0] : f32 from vector<1xf32>
    %max3A_752 = arith.maximumf %max3A_749, %squeeze3A_751 : f32
    %slice3A_753 = vector.extract_strided_slice %max3A_635 {offsets = [8], sizes = [1], strides = [1]} : vector<16xf32> to vector<1xf32>
    %squeeze3A_754 = vector.extract %slice3A_753[0] : f32 from vector<1xf32>
    %max3A_755 = arith.maximumf %max3A_752, %squeeze3A_754 : f32
    %slice3A_756 = vector.extract_strided_slice %max3A_635 {offsets = [9], sizes = [1], strides = [1]} : vector<16xf32> to vector<1xf32>
    %squeeze3A_757 = vector.extract %slice3A_756[0] : f32 from vector<1xf32>
    %max3A_758 = arith.maximumf %max3A_755, %squeeze3A_757 : f32
    %slice3A_759 = vector.extract_strided_slice %max3A_635 {offsets = [10], sizes = [1], strides = [1]} : vector<16xf32> to vector<1xf32>
    %squeeze3A_760 = vector.extract %slice3A_759[0] : f32 from vector<1xf32>
    %max3A_761 = arith.maximumf %max3A_758, %squeeze3A_760 : f32
    %slice3A_762 = vector.extract_strided_slice %max3A_635 {offsets = [11], sizes = [1], strides = [1]} : vector<16xf32> to vector<1xf32>
    %squeeze3A_763 = vector.extract %slice3A_762[0] : f32 from vector<1xf32>
    %max3A_764 = arith.maximumf %max3A_761, %squeeze3A_763 : f32
    %slice3A_765 = vector.extract_strided_slice %max3A_635 {offsets = [12], sizes = [1], strides = [1]} : vector<16xf32> to vector<1xf32>
    %squeeze3A_766 = vector.extract %slice3A_765[0] : f32 from vector<1xf32>
    %max3A_767 = arith.maximumf %max3A_764, %squeeze3A_766 : f32
    %slice3A_768 = vector.extract_strided_slice %max3A_635 {offsets = [13], sizes = [1], strides = [1]} : vector<16xf32> to vector<1xf32>
    %squeeze3A_769 = vector.extract %slice3A_768[0] : f32 from vector<1xf32>
    %max3A_770 = arith.maximumf %max3A_767, %squeeze3A_769 : f32
    %slice3A_771 = vector.extract_strided_slice %max3A_635 {offsets = [14], sizes = [1], strides = [1]} : vector<16xf32> to vector<1xf32>
    %squeeze3A_772 = vector.extract %slice3A_771[0] : f32 from vector<1xf32>
    %max3A_773 = arith.maximumf %max3A_770, %squeeze3A_772 : f32
    %slice3A_774 = vector.extract_strided_slice %max3A_635 {offsets = [15], sizes = [1], strides = [1]} : vector<16xf32> to vector<1xf32>
    %squeeze3A_775 = vector.extract %slice3A_774[0] : f32 from vector<1xf32>
    %max3A_776 = arith.maximumf %max3A_773, %squeeze3A_775 : f32
    %broadcast_in_dim3A_777 = vector.broadcast %mul3A_682 : f32 to vector<16xf32>
    %get3A_778 = arith.constant 0 : index
    %get3A_779 = tpu.vector_load %arg4[%get3A_778] {strides = array<i32>} : memref<2048xf32, #tpu.memory_space<vmem>>, vector<16xf32>,
    %sub3A = arith.subf %get3A_779, %broadcast_in_dim3A_777 : vector<16xf32>
    %mul3A_780 = arith.mulf %sub3A, %sub3A : vector<16xf32>
    %add3A_781 = arith.addf %broadcast_in_dim3A_1, %mul3A_780 : vector<16xf32>
    %get3A_782 = arith.constant 16 : index
    %get3A_783 = tpu.vector_load %arg4[%get3A_782] {strides = array<i32>} : memref<2048xf32, #tpu.memory_space<vmem>>, vector<16xf32>,
    %sub3A_784 = arith.subf %get3A_783, %broadcast_in_dim3A_777 : vector<16xf32>
    %mul3A_785 = arith.mulf %sub3A_784, %sub3A_784 : vector<16xf32>
    %add3A_786 = arith.addf %add3A_781, %mul3A_785 : vector<16xf32>
    %get3A_787 = arith.constant 32 : index
    %get3A_788 = tpu.vector_load %arg4[%get3A_787] {strides = array<i32>} : memref<2048xf32, #tpu.memory_space<vmem>>, vector<16xf32>,
    %sub3A_789 = arith.subf %get3A_788, %broadcast_in_dim3A_777 : vector<16xf32>
    %mul3A_790 = arith.mulf %sub3A_789, %sub3A_789 : vector<16xf32>
    %add3A_791 = arith.addf %add3A_786, %mul3A_790 : vector<16xf32>
    %get3A_792 = arith.constant 48 : index
    %get3A_793 = tpu.vector_load %arg4[%get3A_792] {strides = array<i32>} : memref<2048xf32, #tpu.memory_space<vmem>>, vector<16xf32>,
    %sub3A_794 = arith.subf %get3A_793, %broadcast_in_dim3A_777 : vector<16xf32>
    %mul3A_795 = arith.mulf %sub3A_794, %sub3A_794 : vector<16xf32>
    %add3A_796 = arith.addf %add3A_791, %mul3A_795 : vector<16xf32>
    %get3A_797 = arith.constant 64 : index
    %get3A_798 = tpu.vector_load %arg4[%get3A_797] {strides = array<i32>} : memref<2048xf32, #tpu.memory_space<vmem>>, vector<16xf32>,
    %sub3A_799 = arith.subf %get3A_798, %broadcast_in_dim3A_777 : vector<16xf32>
    %mul3A_800 = arith.mulf %sub3A_799, %sub3A_799 : vector<16xf32>
    %add3A_801 = arith.addf %add3A_796, %mul3A_800 : vector<16xf32>
    %get3A_802 = arith.constant 80 : index
    %get3A_803 = tpu.vector_load %arg4[%get3A_802] {strides = array<i32>} : memref<2048xf32, #tpu.memory_space<vmem>>, vector<16xf32>,
    %sub3A_804 = arith.subf %get3A_803, %broadcast_in_dim3A_777 : vector<16xf32>
    %mul3A_805 = arith.mulf %sub3A_804, %sub3A_804 : vector<16xf32>
    %add3A_806 = arith.addf %add3A_801, %mul3A_805 : vector<16xf32>
    %get3A_807 = arith.constant 96 : index
    %get3A_808 = tpu.vector_load %arg4[%get3A_807] {strides = array<i32>} : memref<2048xf32, #tpu.memory_space<vmem>>, vector<16xf32>,
    %sub3A_809 = arith.subf %get3A_808, %broadcast_in_dim3A_777 : vector<16xf32>
    %mul3A_810 = arith.mulf %sub3A_809, %sub3A_809 : vector<16xf32>
    %add3A_811 = arith.addf %add3A_806, %mul3A_810 : vector<16xf32>
    %get3A_812 = arith.constant 112 : index
    %get3A_813 = tpu.vector_load %arg4[%get3A_812] {strides = array<i32>} : memref<2048xf32, #tpu.memory_space<vmem>>, vector<16xf32>,
    %sub3A_814 = arith.subf %get3A_813, %broadcast_in_dim3A_777 : vector<16xf32>
    %mul3A_815 = arith.mulf %sub3A_814, %sub3A_814 : vector<16xf32>
    %add3A_816 = arith.addf %add3A_811, %mul3A_815 : vector<16xf32>
    %get3A_817 = arith.constant 128 : index
    %get3A_818 = tpu.vector_load %arg4[%get3A_817] {strides = array<i32>} : memref<2048xf32, #tpu.memory_space<vmem>>, vector<16xf32>,
    %sub3A_819 = arith.subf %get3A_818, %broadcast_in_dim3A_777 : vector<16xf32>
    %mul3A_820 = arith.mulf %sub3A_819, %sub3A_819 : vector<16xf32>
    %add3A_821 = arith.addf %add3A_816, %mul3A_820 : vector<16xf32>
    %get3A_822 = arith.constant 144 : index
    %get3A_823 = tpu.vector_load %arg4[%get3A_822] {strides = array<i32>} : memref<2048xf32, #tpu.memory_space<vmem>>, vector<16xf32>,
    %sub3A_824 = arith.subf %get3A_823, %broadcast_in_dim3A_777 : vector<16xf32>
    %mul3A_825 = arith.mulf %sub3A_824, %sub3A_824 : vector<16xf32>
    %add3A_826 = arith.addf %add3A_821, %mul3A_825 : vector<16xf32>
    %get3A_827 = arith.constant 160 : index
    %get3A_828 = tpu.vector_load %arg4[%get3A_827] {strides = array<i32>} : memref<2048xf32, #tpu.memory_space<vmem>>, vector<16xf32>,
    %sub3A_829 = arith.subf %get3A_828, %broadcast_in_dim3A_777 : vector<16xf32>
    %mul3A_830 = arith.mulf %sub3A_829, %sub3A_829 : vector<16xf32>
    %add3A_831 = arith.addf %add3A_826, %mul3A_830 : vector<16xf32>
    %get3A_832 = arith.constant 176 : index
    %get3A_833 = tpu.vector_load %arg4[%get3A_832] {strides = array<i32>} : memref<2048xf32, #tpu.memory_space<vmem>>, vector<16xf32>,
    %sub3A_834 = arith.subf %get3A_833, %broadcast_in_dim3A_777 : vector<16xf32>
    %mul3A_835 = arith.mulf %sub3A_834, %sub3A_834 : vector<16xf32>
    %add3A_836 = arith.addf %add3A_831, %mul3A_835 : vector<16xf32>
    %get3A_837 = arith.constant 192 : index
    %get3A_838 = tpu.vector_load %arg4[%get3A_837] {strides = array<i32>} : memref<2048xf32, #tpu.memory_space<vmem>>, vector<16xf32>,
    %sub3A_839 = arith.subf %get3A_838, %broadcast_in_dim3A_777 : vector<16xf32>
    %mul3A_840 = arith.mulf %sub3A_839, %sub3A_839 : vector<16xf32>
    %add3A_841 = arith.addf %add3A_836, %mul3A_840 : vector<16xf32>
    %get3A_842 = arith.constant 208 : index
    %get3A_843 = tpu.vector_load %arg4[%get3A_842] {strides = array<i32>} : memref<2048xf32, #tpu.memory_space<vmem>>, vector<16xf32>,
    %sub3A_844 = arith.subf %get3A_843, %broadcast_in_dim3A_777 : vector<16xf32>
    %mul3A_845 = arith.mulf %sub3A_844, %sub3A_844 : vector<16xf32>
    %add3A_846 = arith.addf %add3A_841, %mul3A_845 : vector<16xf32>
    %get3A_847 = arith.constant 224 : index
    %get3A_848 = tpu.vector_load %arg4[%get3A_847] {strides = array<i32>} : memref<2048xf32, #tpu.memory_space<vmem>>, vector<16xf32>,
    %sub3A_849 = arith.subf %get3A_848, %broadcast_in_dim3A_777 : vector<16xf32>
    %mul3A_850 = arith.mulf %sub3A_849, %sub3A_849 : vector<16xf32>
    %add3A_851 = arith.addf %add3A_846, %mul3A_850 : vector<16xf32>
    %get3A_852 = arith.constant 240 : index
    %get3A_853 = tpu.vector_load %arg4[%get3A_852] {strides = array<i32>} : memref<2048xf32, #tpu.memory_space<vmem>>, vector<16xf32>,
    %sub3A_854 = arith.subf %get3A_853, %broadcast_in_dim3A_777 : vector<16xf32>
    %mul3A_855 = arith.mulf %sub3A_854, %sub3A_854 : vector<16xf32>
    %add3A_856 = arith.addf %add3A_851, %mul3A_855 : vector<16xf32>
    %get3A_857 = arith.constant 256 : index
    %get3A_858 = tpu.vector_load %arg4[%get3A_857] {strides = array<i32>} : memref<2048xf32, #tpu.memory_space<vmem>>, vector<16xf32>,
    %sub3A_859 = arith.subf %get3A_858, %broadcast_in_dim3A_777 : vector<16xf32>
    %mul3A_860 = arith.mulf %sub3A_859, %sub3A_859 : vector<16xf32>
    %add3A_861 = arith.addf %add3A_856, %mul3A_860 : vector<16xf32>
    %get3A_862 = arith.constant 272 : index
    %get3A_863 = tpu.vector_load %arg4[%get3A_862] {strides = array<i32>} : memref<2048xf32, #tpu.memory_space<vmem>>, vector<16xf32>,
    %sub3A_864 = arith.subf %get3A_863, %broadcast_in_dim3A_777 : vector<16xf32>
    %mul3A_865 = arith.mulf %sub3A_864, %sub3A_864 : vector<16xf32>
    %add3A_866 = arith.addf %add3A_861, %mul3A_865 : vector<16xf32>
    %get3A_867 = arith.constant 288 : index
    %get3A_868 = tpu.vector_load %arg4[%get3A_867] {strides = array<i32>} : memref<2048xf32, #tpu.memory_space<vmem>>, vector<16xf32>,
    %sub3A_869 = arith.subf %get3A_868, %broadcast_in_dim3A_777 : vector<16xf32>
    %mul3A_870 = arith.mulf %sub3A_869, %sub3A_869 : vector<16xf32>
    %add3A_871 = arith.addf %add3A_866, %mul3A_870 : vector<16xf32>
    %get3A_872 = arith.constant 304 : index
    %get3A_873 = tpu.vector_load %arg4[%get3A_872] {strides = array<i32>} : memref<2048xf32, #tpu.memory_space<vmem>>, vector<16xf32>,
    %sub3A_874 = arith.subf %get3A_873, %broadcast_in_dim3A_777 : vector<16xf32>
    %mul3A_875 = arith.mulf %sub3A_874, %sub3A_874 : vector<16xf32>
    %add3A_876 = arith.addf %add3A_871, %mul3A_875 : vector<16xf32>
    %get3A_877 = arith.constant 320 : index
    %get3A_878 = tpu.vector_load %arg4[%get3A_877] {strides = array<i32>} : memref<2048xf32, #tpu.memory_space<vmem>>, vector<16xf32>,
    %sub3A_879 = arith.subf %get3A_878, %broadcast_in_dim3A_777 : vector<16xf32>
    %mul3A_880 = arith.mulf %sub3A_879, %sub3A_879 : vector<16xf32>
    %add3A_881 = arith.addf %add3A_876, %mul3A_880 : vector<16xf32>
    %get3A_882 = arith.constant 336 : index
    %get3A_883 = tpu.vector_load %arg4[%get3A_882] {strides = array<i32>} : memref<2048xf32, #tpu.memory_space<vmem>>, vector<16xf32>,
    %sub3A_884 = arith.subf %get3A_883, %broadcast_in_dim3A_777 : vector<16xf32>
    %mul3A_885 = arith.mulf %sub3A_884, %sub3A_884 : vector<16xf32>
    %add3A_886 = arith.addf %add3A_881, %mul3A_885 : vector<16xf32>
    %get3A_887 = arith.constant 352 : index
    %get3A_888 = tpu.vector_load %arg4[%get3A_887] {strides = array<i32>} : memref<2048xf32, #tpu.memory_space<vmem>>, vector<16xf32>,
    %sub3A_889 = arith.subf %get3A_888, %broadcast_in_dim3A_777 : vector<16xf32>
    %mul3A_890 = arith.mulf %sub3A_889, %sub3A_889 : vector<16xf32>
    %add3A_891 = arith.addf %add3A_886, %mul3A_890 : vector<16xf32>
    %get3A_892 = arith.constant 368 : index
    %get3A_893 = tpu.vector_load %arg4[%get3A_892] {strides = array<i32>} : memref<2048xf32, #tpu.memory_space<vmem>>, vector<16xf32>,
    %sub3A_894 = arith.subf %get3A_893, %broadcast_in_dim3A_777 : vector<16xf32>
    %mul3A_895 = arith.mulf %sub3A_894, %sub3A_894 : vector<16xf32>
    %add3A_896 = arith.addf %add3A_891, %mul3A_895 : vector<16xf32>
    %get3A_897 = arith.constant 384 : index
    %get3A_898 = tpu.vector_load %arg4[%get3A_897] {strides = array<i32>} : memref<2048xf32, #tpu.memory_space<vmem>>, vector<16xf32>,
    %sub3A_899 = arith.subf %get3A_898, %broadcast_in_dim3A_777 : vector<16xf32>
    %mul3A_900 = arith.mulf %sub3A_899, %sub3A_899 : vector<16xf32>
    %add3A_901 = arith.addf %add3A_896, %mul3A_900 : vector<16xf32>
    %get3A_902 = arith.constant 400 : index
    %get3A_903 = tpu.vector_load %arg4[%get3A_902] {strides = array<i32>} : memref<2048xf32, #tpu.memory_space<vmem>>, vector<16xf32>,
    %sub3A_904 = arith.subf %get3A_903, %broadcast_in_dim3A_777 : vector<16xf32>
    %mul3A_905 = arith.mulf %sub3A_904, %sub3A_904 : vector<16xf32>
    %add3A_906 = arith.addf %add3A_901, %mul3A_905 : vector<16xf32>
    %get3A_907 = arith.constant 416 : index
    %get3A_908 = tpu.vector_load %arg4[%get3A_907] {strides = array<i32>} : memref<2048xf32, #tpu.memory_space<vmem>>, vector<16xf32>,
    %sub3A_909 = arith.subf %get3A_908, %broadcast_in_dim3A_777 : vector<16xf32>
    %mul3A_910 = arith.mulf %sub3A_909, %sub3A_909 : vector<16xf32>
    %add3A_911 = arith.addf %add3A_906, %mul3A_910 : vector<16xf32>
    %get3A_912 = arith.constant 432 : index
    %get3A_913 = tpu.vector_load %arg4[%get3A_912] {strides = array<i32>} : memref<2048xf32, #tpu.memory_space<vmem>>, vector<16xf32>,
    %sub3A_914 = arith.subf %get3A_913, %broadcast_in_dim3A_777 : vector<16xf32>
    %mul3A_915 = arith.mulf %sub3A_914, %sub3A_914 : vector<16xf32>
    %add3A_916 = arith.addf %add3A_911, %mul3A_915 : vector<16xf32>
    %get3A_917 = arith.constant 448 : index
    %get3A_918 = tpu.vector_load %arg4[%get3A_917] {strides = array<i32>} : memref<2048xf32, #tpu.memory_space<vmem>>, vector<16xf32>,
    %sub3A_919 = arith.subf %get3A_918, %broadcast_in_dim3A_777 : vector<16xf32>
    %mul3A_920 = arith.mulf %sub3A_919, %sub3A_919 : vector<16xf32>
    %add3A_921 = arith.addf %add3A_916, %mul3A_920 : vector<16xf32>
    %get3A_922 = arith.constant 464 : index
    %get3A_923 = tpu.vector_load %arg4[%get3A_922] {strides = array<i32>} : memref<2048xf32, #tpu.memory_space<vmem>>, vector<16xf32>,
    %sub3A_924 = arith.subf %get3A_923, %broadcast_in_dim3A_777 : vector<16xf32>
    %mul3A_925 = arith.mulf %sub3A_924, %sub3A_924 : vector<16xf32>
    %add3A_926 = arith.addf %add3A_921, %mul3A_925 : vector<16xf32>
    %get3A_927 = arith.constant 480 : index
    %get3A_928 = tpu.vector_load %arg4[%get3A_927] {strides = array<i32>} : memref<2048xf32, #tpu.memory_space<vmem>>, vector<16xf32>,
    %sub3A_929 = arith.subf %get3A_928, %broadcast_in_dim3A_777 : vector<16xf32>
    %mul3A_930 = arith.mulf %sub3A_929, %sub3A_929 : vector<16xf32>
    %add3A_931 = arith.addf %add3A_926, %mul3A_930 : vector<16xf32>
    %get3A_932 = arith.constant 496 : index
    %get3A_933 = tpu.vector_load %arg4[%get3A_932] {strides = array<i32>} : memref<2048xf32, #tpu.memory_space<vmem>>, vector<16xf32>,
    %sub3A_934 = arith.subf %get3A_933, %broadcast_in_dim3A_777 : vector<16xf32>
    %mul3A_935 = arith.mulf %sub3A_934, %sub3A_934 : vector<16xf32>
    %add3A_936 = arith.addf %add3A_931, %mul3A_935 : vector<16xf32>
    %get3A_937 = arith.constant 512 : index
    %get3A_938 = tpu.vector_load %arg4[%get3A_937] {strides = array<i32>} : memref<2048xf32, #tpu.memory_space<vmem>>, vector<16xf32>,
    %sub3A_939 = arith.subf %get3A_938, %broadcast_in_dim3A_777 : vector<16xf32>
    %mul3A_940 = arith.mulf %sub3A_939, %sub3A_939 : vector<16xf32>
    %add3A_941 = arith.addf %add3A_936, %mul3A_940 : vector<16xf32>
    %get3A_942 = arith.constant 528 : index
    %get3A_943 = tpu.vector_load %arg4[%get3A_942] {strides = array<i32>} : memref<2048xf32, #tpu.memory_space<vmem>>, vector<16xf32>,
    %sub3A_944 = arith.subf %get3A_943, %broadcast_in_dim3A_777 : vector<16xf32>
    %mul3A_945 = arith.mulf %sub3A_944, %sub3A_944 : vector<16xf32>
    %add3A_946 = arith.addf %add3A_941, %mul3A_945 : vector<16xf32>
    %get3A_947 = arith.constant 544 : index
    %get3A_948 = tpu.vector_load %arg4[%get3A_947] {strides = array<i32>} : memref<2048xf32, #tpu.memory_space<vmem>>, vector<16xf32>,
    %sub3A_949 = arith.subf %get3A_948, %broadcast_in_dim3A_777 : vector<16xf32>
    %mul3A_950 = arith.mulf %sub3A_949, %sub3A_949 : vector<16xf32>
    %add3A_951 = arith.addf %add3A_946, %mul3A_950 : vector<16xf32>
    %get3A_952 = arith.constant 560 : index
    %get3A_953 = tpu.vector_load %arg4[%get3A_952] {strides = array<i32>} : memref<2048xf32, #tpu.memory_space<vmem>>, vector<16xf32>,
    %sub3A_954 = arith.subf %get3A_953, %broadcast_in_dim3A_777 : vector<16xf32>
    %mul3A_955 = arith.mulf %sub3A_954, %sub3A_954 : vector<16xf32>
    %add3A_956 = arith.addf %add3A_951, %mul3A_955 : vector<16xf32>
    %get3A_957 = arith.constant 576 : index
    %get3A_958 = tpu.vector_load %arg4[%get3A_957] {strides = array<i32>} : memref<2048xf32, #tpu.memory_space<vmem>>, vector<16xf32>,
    %sub3A_959 = arith.subf %get3A_958, %broadcast_in_dim3A_777 : vector<16xf32>
    %mul3A_960 = arith.mulf %sub3A_959, %sub3A_959 : vector<16xf32>
    %add3A_961 = arith.addf %add3A_956, %mul3A_960 : vector<16xf32>
    %get3A_962 = arith.constant 592 : index
    %get3A_963 = tpu.vector_load %arg4[%get3A_962] {strides = array<i32>} : memref<2048xf32, #tpu.memory_space<vmem>>, vector<16xf32>,
    %sub3A_964 = arith.subf %get3A_963, %broadcast_in_dim3A_777 : vector<16xf32>
    %mul3A_965 = arith.mulf %sub3A_964, %sub3A_964 : vector<16xf32>
    %add3A_966 = arith.addf %add3A_961, %mul3A_965 : vector<16xf32>
    %get3A_967 = arith.constant 608 : index
    %get3A_968 = tpu.vector_load %arg4[%get3A_967] {strides = array<i32>} : memref<2048xf32, #tpu.memory_space<vmem>>, vector<16xf32>,
    %sub3A_969 = arith.subf %get3A_968, %broadcast_in_dim3A_777 : vector<16xf32>
    %mul3A_970 = arith.mulf %sub3A_969, %sub3A_969 : vector<16xf32>
    %add3A_971 = arith.addf %add3A_966, %mul3A_970 : vector<16xf32>
    %get3A_972 = arith.constant 624 : index
    %get3A_973 = tpu.vector_load %arg4[%get3A_972] {strides = array<i32>} : memref<2048xf32, #tpu.memory_space<vmem>>, vector<16xf32>,
    %sub3A_974 = arith.subf %get3A_973, %broadcast_in_dim3A_777 : vector<16xf32>
    %mul3A_975 = arith.mulf %sub3A_974, %sub3A_974 : vector<16xf32>
    %add3A_976 = arith.addf %add3A_971, %mul3A_975 : vector<16xf32>
    %get3A_977 = arith.constant 640 : index
    %get3A_978 = tpu.vector_load %arg4[%get3A_977] {strides = array<i32>} : memref<2048xf32, #tpu.memory_space<vmem>>, vector<16xf32>,
    %sub3A_979 = arith.subf %get3A_978, %broadcast_in_dim3A_777 : vector<16xf32>
    %mul3A_980 = arith.mulf %sub3A_979, %sub3A_979 : vector<16xf32>
    %add3A_981 = arith.addf %add3A_976, %mul3A_980 : vector<16xf32>
    %get3A_982 = arith.constant 656 : index
    %get3A_983 = tpu.vector_load %arg4[%get3A_982] {strides = array<i32>} : memref<2048xf32, #tpu.memory_space<vmem>>, vector<16xf32>,
    %sub3A_984 = arith.subf %get3A_983, %broadcast_in_dim3A_777 : vector<16xf32>
    %mul3A_985 = arith.mulf %sub3A_984, %sub3A_984 : vector<16xf32>
    %add3A_986 = arith.addf %add3A_981, %mul3A_985 : vector<16xf32>
    %get3A_987 = arith.constant 672 : index
    %get3A_988 = tpu.vector_load %arg4[%get3A_987] {strides = array<i32>} : memref<2048xf32, #tpu.memory_space<vmem>>, vector<16xf32>,
    %sub3A_989 = arith.subf %get3A_988, %broadcast_in_dim3A_777 : vector<16xf32>
    %mul3A_990 = arith.mulf %sub3A_989, %sub3A_989 : vector<16xf32>
    %add3A_991 = arith.addf %add3A_986, %mul3A_990 : vector<16xf32>
    %get3A_992 = arith.constant 688 : index
    %get3A_993 = tpu.vector_load %arg4[%get3A_992] {strides = array<i32>} : memref<2048xf32, #tpu.memory_space<vmem>>, vector<16xf32>,
    %sub3A_994 = arith.subf %get3A_993, %broadcast_in_dim3A_777 : vector<16xf32>
    %mul3A_995 = arith.mulf %sub3A_994, %sub3A_994 : vector<16xf32>
    %add3A_996 = arith.addf %add3A_991, %mul3A_995 : vector<16xf32>
    %get3A_997 = arith.constant 704 : index
    %get3A_998 = tpu.vector_load %arg4[%get3A_997] {strides = array<i32>} : memref<2048xf32, #tpu.memory_space<vmem>>, vector<16xf32>,
    %sub3A_999 = arith.subf %get3A_998, %broadcast_in_dim3A_777 : vector<16xf32>
    %mul3A_1000 = arith.mulf %sub3A_999, %sub3A_999 : vector<16xf32>
    %add3A_1001 = arith.addf %add3A_996, %mul3A_1000 : vector<16xf32>
    %get3A_1002 = arith.constant 720 : index
    %get3A_1003 = tpu.vector_load %arg4[%get3A_1002] {strides = array<i32>} : memref<2048xf32, #tpu.memory_space<vmem>>, vector<16xf32>,
    %sub3A_1004 = arith.subf %get3A_1003, %broadcast_in_dim3A_777 : vector<16xf32>
    %mul3A_1005 = arith.mulf %sub3A_1004, %sub3A_1004 : vector<16xf32>
    %add3A_1006 = arith.addf %add3A_1001, %mul3A_1005 : vector<16xf32>
    %get3A_1007 = arith.constant 736 : index
    %get3A_1008 = tpu.vector_load %arg4[%get3A_1007] {strides = array<i32>} : memref<2048xf32, #tpu.memory_space<vmem>>, vector<16xf32>,
    %sub3A_1009 = arith.subf %get3A_1008, %broadcast_in_dim3A_777 : vector<16xf32>
    %mul3A_1010 = arith.mulf %sub3A_1009, %sub3A_1009 : vector<16xf32>
    %add3A_1011 = arith.addf %add3A_1006, %mul3A_1010 : vector<16xf32>
    %get3A_1012 = arith.constant 752 : index
    %get3A_1013 = tpu.vector_load %arg4[%get3A_1012] {strides = array<i32>} : memref<2048xf32, #tpu.memory_space<vmem>>, vector<16xf32>,
    %sub3A_1014 = arith.subf %get3A_1013, %broadcast_in_dim3A_777 : vector<16xf32>
    %mul3A_1015 = arith.mulf %sub3A_1014, %sub3A_1014 : vector<16xf32>
    %add3A_1016 = arith.addf %add3A_1011, %mul3A_1015 : vector<16xf32>
    %get3A_1017 = arith.constant 768 : index
    %get3A_1018 = tpu.vector_load %arg4[%get3A_1017] {strides = array<i32>} : memref<2048xf32, #tpu.memory_space<vmem>>, vector<16xf32>,
    %sub3A_1019 = arith.subf %get3A_1018, %broadcast_in_dim3A_777 : vector<16xf32>
    %mul3A_1020 = arith.mulf %sub3A_1019, %sub3A_1019 : vector<16xf32>
    %add3A_1021 = arith.addf %add3A_1016, %mul3A_1020 : vector<16xf32>
    %get3A_1022 = arith.constant 784 : index
    %get3A_1023 = tpu.vector_load %arg4[%get3A_1022] {strides = array<i32>} : memref<2048xf32, #tpu.memory_space<vmem>>, vector<16xf32>,
    %sub3A_1024 = arith.subf %get3A_1023, %broadcast_in_dim3A_777 : vector<16xf32>
    %mul3A_1025 = arith.mulf %sub3A_1024, %sub3A_1024 : vector<16xf32>
    %add3A_1026 = arith.addf %add3A_1021, %mul3A_1025 : vector<16xf32>
    %get3A_1027 = arith.constant 800 : index
    %get3A_1028 = tpu.vector_load %arg4[%get3A_1027] {strides = array<i32>} : memref<2048xf32, #tpu.memory_space<vmem>>, vector<16xf32>,
    %sub3A_1029 = arith.subf %get3A_1028, %broadcast_in_dim3A_777 : vector<16xf32>
    %mul3A_1030 = arith.mulf %sub3A_1029, %sub3A_1029 : vector<16xf32>
    %add3A_1031 = arith.addf %add3A_1026, %mul3A_1030 : vector<16xf32>
    %get3A_1032 = arith.constant 816 : index
    %get3A_1033 = tpu.vector_load %arg4[%get3A_1032] {strides = array<i32>} : memref<2048xf32, #tpu.memory_space<vmem>>, vector<16xf32>,
    %sub3A_1034 = arith.subf %get3A_1033, %broadcast_in_dim3A_777 : vector<16xf32>
    %mul3A_1035 = arith.mulf %sub3A_1034, %sub3A_1034 : vector<16xf32>
    %add3A_1036 = arith.addf %add3A_1031, %mul3A_1035 : vector<16xf32>
    %get3A_1037 = arith.constant 832 : index
    %get3A_1038 = tpu.vector_load %arg4[%get3A_1037] {strides = array<i32>} : memref<2048xf32, #tpu.memory_space<vmem>>, vector<16xf32>,
    %sub3A_1039 = arith.subf %get3A_1038, %broadcast_in_dim3A_777 : vector<16xf32>
    %mul3A_1040 = arith.mulf %sub3A_1039, %sub3A_1039 : vector<16xf32>
    %add3A_1041 = arith.addf %add3A_1036, %mul3A_1040 : vector<16xf32>
    %get3A_1042 = arith.constant 848 : index
    %get3A_1043 = tpu.vector_load %arg4[%get3A_1042] {strides = array<i32>} : memref<2048xf32, #tpu.memory_space<vmem>>, vector<16xf32>,
    %sub3A_1044 = arith.subf %get3A_1043, %broadcast_in_dim3A_777 : vector<16xf32>
    %mul3A_1045 = arith.mulf %sub3A_1044, %sub3A_1044 : vector<16xf32>
    %add3A_1046 = arith.addf %add3A_1041, %mul3A_1045 : vector<16xf32>
    %get3A_1047 = arith.constant 864 : index
    %get3A_1048 = tpu.vector_load %arg4[%get3A_1047] {strides = array<i32>} : memref<2048xf32, #tpu.memory_space<vmem>>, vector<16xf32>,
    %sub3A_1049 = arith.subf %get3A_1048, %broadcast_in_dim3A_777 : vector<16xf32>
    %mul3A_1050 = arith.mulf %sub3A_1049, %sub3A_1049 : vector<16xf32>
    %add3A_1051 = arith.addf %add3A_1046, %mul3A_1050 : vector<16xf32>
    %get3A_1052 = arith.constant 880 : index
    %get3A_1053 = tpu.vector_load %arg4[%get3A_1052] {strides = array<i32>} : memref<2048xf32, #tpu.memory_space<vmem>>, vector<16xf32>,
    %sub3A_1054 = arith.subf %get3A_1053, %broadcast_in_dim3A_777 : vector<16xf32>
    %mul3A_1055 = arith.mulf %sub3A_1054, %sub3A_1054 : vector<16xf32>
    %add3A_1056 = arith.addf %add3A_1051, %mul3A_1055 : vector<16xf32>
    %get3A_1057 = arith.constant 896 : index
    %get3A_1058 = tpu.vector_load %arg4[%get3A_1057] {strides = array<i32>} : memref<2048xf32, #tpu.memory_space<vmem>>, vector<16xf32>,
    %sub3A_1059 = arith.subf %get3A_1058, %broadcast_in_dim3A_777 : vector<16xf32>
    %mul3A_1060 = arith.mulf %sub3A_1059, %sub3A_1059 : vector<16xf32>
    %add3A_1061 = arith.addf %add3A_1056, %mul3A_1060 : vector<16xf32>
    %get3A_1062 = arith.constant 912 : index
    %get3A_1063 = tpu.vector_load %arg4[%get3A_1062] {strides = array<i32>} : memref<2048xf32, #tpu.memory_space<vmem>>, vector<16xf32>,
    %sub3A_1064 = arith.subf %get3A_1063, %broadcast_in_dim3A_777 : vector<16xf32>
    %mul3A_1065 = arith.mulf %sub3A_1064, %sub3A_1064 : vector<16xf32>
    %add3A_1066 = arith.addf %add3A_1061, %mul3A_1065 : vector<16xf32>
    %get3A_1067 = arith.constant 928 : index
    %get3A_1068 = tpu.vector_load %arg4[%get3A_1067] {strides = array<i32>} : memref<2048xf32, #tpu.memory_space<vmem>>, vector<16xf32>,
    %sub3A_1069 = arith.subf %get3A_1068, %broadcast_in_dim3A_777 : vector<16xf32>
    %mul3A_1070 = arith.mulf %sub3A_1069, %sub3A_1069 : vector<16xf32>
    %add3A_1071 = arith.addf %add3A_1066, %mul3A_1070 : vector<16xf32>
    %get3A_1072 = arith.constant 944 : index
    %get3A_1073 = tpu.vector_load %arg4[%get3A_1072] {strides = array<i32>} : memref<2048xf32, #tpu.memory_space<vmem>>, vector<16xf32>,
    %sub3A_1074 = arith.subf %get3A_1073, %broadcast_in_dim3A_777 : vector<16xf32>
    %mul3A_1075 = arith.mulf %sub3A_1074, %sub3A_1074 : vector<16xf32>
    %add3A_1076 = arith.addf %add3A_1071, %mul3A_1075 : vector<16xf32>
    %get3A_1077 = arith.constant 960 : index
    %get3A_1078 = tpu.vector_load %arg4[%get3A_1077] {strides = array<i32>} : memref<2048xf32, #tpu.memory_space<vmem>>, vector<16xf32>,
    %sub3A_1079 = arith.subf %get3A_1078, %broadcast_in_dim3A_777 : vector<16xf32>
    %mul3A_1080 = arith.mulf %sub3A_1079, %sub3A_1079 : vector<16xf32>
    %add3A_1081 = arith.addf %add3A_1076, %mul3A_1080 : vector<16xf32>
    %get3A_1082 = arith.constant 976 : index
    %get3A_1083 = tpu.vector_load %arg4[%get3A_1082] {strides = array<i32>} : memref<2048xf32, #tpu.memory_space<vmem>>, vector<16xf32>,
    %sub3A_1084 = arith.subf %get3A_1083, %broadcast_in_dim3A_777 : vector<16xf32>
    %mul3A_1085 = arith.mulf %sub3A_1084, %sub3A_1084 : vector<16xf32>
    %add3A_1086 = arith.addf %add3A_1081, %mul3A_1085 : vector<16xf32>
    %get3A_1087 = arith.constant 992 : index
    %get3A_1088 = tpu.vector_load %arg4[%get3A_1087] {strides = array<i32>} : memref<2048xf32, #tpu.memory_space<vmem>>, vector<16xf32>,
    %sub3A_1089 = arith.subf %get3A_1088, %broadcast_in_dim3A_777 : vector<16xf32>
    %mul3A_1090 = arith.mulf %sub3A_1089, %sub3A_1089 : vector<16xf32>
    %add3A_1091 = arith.addf %add3A_1086, %mul3A_1090 : vector<16xf32>
    %get3A_1092 = arith.constant 1008 : index
    %get3A_1093 = tpu.vector_load %arg4[%get3A_1092] {strides = array<i32>} : memref<2048xf32, #tpu.memory_space<vmem>>, vector<16xf32>,
    %sub3A_1094 = arith.subf %get3A_1093, %broadcast_in_dim3A_777 : vector<16xf32>
    %mul3A_1095 = arith.mulf %sub3A_1094, %sub3A_1094 : vector<16xf32>
    %add3A_1096 = arith.addf %add3A_1091, %mul3A_1095 : vector<16xf32>
    %get3A_1097 = arith.constant 1024 : index
    %get3A_1098 = tpu.vector_load %arg4[%get3A_1097] {strides = array<i32>} : memref<2048xf32, #tpu.memory_space<vmem>>, vector<16xf32>,
    %sub3A_1099 = arith.subf %get3A_1098, %broadcast_in_dim3A_777 : vector<16xf32>
    %mul3A_1100 = arith.mulf %sub3A_1099, %sub3A_1099 : vector<16xf32>
    %add3A_1101 = arith.addf %add3A_1096, %mul3A_1100 : vector<16xf32>
    %get3A_1102 = arith.constant 1040 : index
    %get3A_1103 = tpu.vector_load %arg4[%get3A_1102] {strides = array<i32>} : memref<2048xf32, #tpu.memory_space<vmem>>, vector<16xf32>,
    %sub3A_1104 = arith.subf %get3A_1103, %broadcast_in_dim3A_777 : vector<16xf32>
    %mul3A_1105 = arith.mulf %sub3A_1104, %sub3A_1104 : vector<16xf32>
    %add3A_1106 = arith.addf %add3A_1101, %mul3A_1105 : vector<16xf32>
    %get3A_1107 = arith.constant 1056 : index
    %get3A_1108 = tpu.vector_load %arg4[%get3A_1107] {strides = array<i32>} : memref<2048xf32, #tpu.memory_space<vmem>>, vector<16xf32>,
    %sub3A_1109 = arith.subf %get3A_1108, %broadcast_in_dim3A_777 : vector<16xf32>
    %mul3A_1110 = arith.mulf %sub3A_1109, %sub3A_1109 : vector<16xf32>
    %add3A_1111 = arith.addf %add3A_1106, %mul3A_1110 : vector<16xf32>
    %get3A_1112 = arith.constant 1072 : index
    %get3A_1113 = tpu.vector_load %arg4[%get3A_1112] {strides = array<i32>} : memref<2048xf32, #tpu.memory_space<vmem>>, vector<16xf32>,
    %sub3A_1114 = arith.subf %get3A_1113, %broadcast_in_dim3A_777 : vector<16xf32>
    %mul3A_1115 = arith.mulf %sub3A_1114, %sub3A_1114 : vector<16xf32>
    %add3A_1116 = arith.addf %add3A_1111, %mul3A_1115 : vector<16xf32>
    %get3A_1117 = arith.constant 1088 : index
    %get3A_1118 = tpu.vector_load %arg4[%get3A_1117] {strides = array<i32>} : memref<2048xf32, #tpu.memory_space<vmem>>, vector<16xf32>,
    %sub3A_1119 = arith.subf %get3A_1118, %broadcast_in_dim3A_777 : vector<16xf32>
    %mul3A_1120 = arith.mulf %sub3A_1119, %sub3A_1119 : vector<16xf32>
    %add3A_1121 = arith.addf %add3A_1116, %mul3A_1120 : vector<16xf32>
    %get3A_1122 = arith.constant 1104 : index
    %get3A_1123 = tpu.vector_load %arg4[%get3A_1122] {strides = array<i32>} : memref<2048xf32, #tpu.memory_space<vmem>>, vector<16xf32>,
    %sub3A_1124 = arith.subf %get3A_1123, %broadcast_in_dim3A_777 : vector<16xf32>
    %mul3A_1125 = arith.mulf %sub3A_1124, %sub3A_1124 : vector<16xf32>
    %add3A_1126 = arith.addf %add3A_1121, %mul3A_1125 : vector<16xf32>
    %get3A_1127 = arith.constant 1120 : index
    %get3A_1128 = tpu.vector_load %arg4[%get3A_1127] {strides = array<i32>} : memref<2048xf32, #tpu.memory_space<vmem>>, vector<16xf32>,
    %sub3A_1129 = arith.subf %get3A_1128, %broadcast_in_dim3A_777 : vector<16xf32>
    %mul3A_1130 = arith.mulf %sub3A_1129, %sub3A_1129 : vector<16xf32>
    %add3A_1131 = arith.addf %add3A_1126, %mul3A_1130 : vector<16xf32>
    %get3A_1132 = arith.constant 1136 : index
    %get3A_1133 = tpu.vector_load %arg4[%get3A_1132] {strides = array<i32>} : memref<2048xf32, #tpu.memory_space<vmem>>, vector<16xf32>,
    %sub3A_1134 = arith.subf %get3A_1133, %broadcast_in_dim3A_777 : vector<16xf32>
    %mul3A_1135 = arith.mulf %sub3A_1134, %sub3A_1134 : vector<16xf32>
    %add3A_1136 = arith.addf %add3A_1131, %mul3A_1135 : vector<16xf32>
    %get3A_1137 = arith.constant 1152 : index
    %get3A_1138 = tpu.vector_load %arg4[%get3A_1137] {strides = array<i32>} : memref<2048xf32, #tpu.memory_space<vmem>>, vector<16xf32>,
    %sub3A_1139 = arith.subf %get3A_1138, %broadcast_in_dim3A_777 : vector<16xf32>
    %mul3A_1140 = arith.mulf %sub3A_1139, %sub3A_1139 : vector<16xf32>
    %add3A_1141 = arith.addf %add3A_1136, %mul3A_1140 : vector<16xf32>
    %get3A_1142 = arith.constant 1168 : index
    %get3A_1143 = tpu.vector_load %arg4[%get3A_1142] {strides = array<i32>} : memref<2048xf32, #tpu.memory_space<vmem>>, vector<16xf32>,
    %sub3A_1144 = arith.subf %get3A_1143, %broadcast_in_dim3A_777 : vector<16xf32>
    %mul3A_1145 = arith.mulf %sub3A_1144, %sub3A_1144 : vector<16xf32>
    %add3A_1146 = arith.addf %add3A_1141, %mul3A_1145 : vector<16xf32>
    %get3A_1147 = arith.constant 1184 : index
    %get3A_1148 = tpu.vector_load %arg4[%get3A_1147] {strides = array<i32>} : memref<2048xf32, #tpu.memory_space<vmem>>, vector<16xf32>,
    %sub3A_1149 = arith.subf %get3A_1148, %broadcast_in_dim3A_777 : vector<16xf32>
    %mul3A_1150 = arith.mulf %sub3A_1149, %sub3A_1149 : vector<16xf32>
    %add3A_1151 = arith.addf %add3A_1146, %mul3A_1150 : vector<16xf32>
    %get3A_1152 = arith.constant 1200 : index
    %get3A_1153 = tpu.vector_load %arg4[%get3A_1152] {strides = array<i32>} : memref<2048xf32, #tpu.memory_space<vmem>>, vector<16xf32>,
    %sub3A_1154 = arith.subf %get3A_1153, %broadcast_in_dim3A_777 : vector<16xf32>
    %mul3A_1155 = arith.mulf %sub3A_1154, %sub3A_1154 : vector<16xf32>
    %add3A_1156 = arith.addf %add3A_1151, %mul3A_1155 : vector<16xf32>
    %get3A_1157 = arith.constant 1216 : index
    %get3A_1158 = tpu.vector_load %arg4[%get3A_1157] {strides = array<i32>} : memref<2048xf32, #tpu.memory_space<vmem>>, vector<16xf32>,
    %sub3A_1159 = arith.subf %get3A_1158, %broadcast_in_dim3A_777 : vector<16xf32>
    %mul3A_1160 = arith.mulf %sub3A_1159, %sub3A_1159 : vector<16xf32>
    %add3A_1161 = arith.addf %add3A_1156, %mul3A_1160 : vector<16xf32>
    %get3A_1162 = arith.constant 1232 : index
    %get3A_1163 = tpu.vector_load %arg4[%get3A_1162] {strides = array<i32>} : memref<2048xf32, #tpu.memory_space<vmem>>, vector<16xf32>,
    %sub3A_1164 = arith.subf %get3A_1163, %broadcast_in_dim3A_777 : vector<16xf32>
    %mul3A_1165 = arith.mulf %sub3A_1164, %sub3A_1164 : vector<16xf32>
    %add3A_1166 = arith.addf %add3A_1161, %mul3A_1165 : vector<16xf32>
    %get3A_1167 = arith.constant 1248 : index
    %get3A_1168 = tpu.vector_load %arg4[%get3A_1167] {strides = array<i32>} : memref<2048xf32, #tpu.memory_space<vmem>>, vector<16xf32>,
    %sub3A_1169 = arith.subf %get3A_1168, %broadcast_in_dim3A_777 : vector<16xf32>
    %mul3A_1170 = arith.mulf %sub3A_1169, %sub3A_1169 : vector<16xf32>
    %add3A_1171 = arith.addf %add3A_1166, %mul3A_1170 : vector<16xf32>
    %get3A_1172 = arith.constant 1264 : index
    %get3A_1173 = tpu.vector_load %arg4[%get3A_1172] {strides = array<i32>} : memref<2048xf32, #tpu.memory_space<vmem>>, vector<16xf32>,
    %sub3A_1174 = arith.subf %get3A_1173, %broadcast_in_dim3A_777 : vector<16xf32>
    %mul3A_1175 = arith.mulf %sub3A_1174, %sub3A_1174 : vector<16xf32>
    %add3A_1176 = arith.addf %add3A_1171, %mul3A_1175 : vector<16xf32>
    %get3A_1177 = arith.constant 1280 : index
    %get3A_1178 = tpu.vector_load %arg4[%get3A_1177] {strides = array<i32>} : memref<2048xf32, #tpu.memory_space<vmem>>, vector<16xf32>,
    %sub3A_1179 = arith.subf %get3A_1178, %broadcast_in_dim3A_777 : vector<16xf32>
    %mul3A_1180 = arith.mulf %sub3A_1179, %sub3A_1179 : vector<16xf32>
    %add3A_1181 = arith.addf %add3A_1176, %mul3A_1180 : vector<16xf32>
    %get3A_1182 = arith.constant 1296 : index
    %get3A_1183 = tpu.vector_load %arg4[%get3A_1182] {strides = array<i32>} : memref<2048xf32, #tpu.memory_space<vmem>>, vector<16xf32>,
    %sub3A_1184 = arith.subf %get3A_1183, %broadcast_in_dim3A_777 : vector<16xf32>
    %mul3A_1185 = arith.mulf %sub3A_1184, %sub3A_1184 : vector<16xf32>
    %add3A_1186 = arith.addf %add3A_1181, %mul3A_1185 : vector<16xf32>
    %get3A_1187 = arith.constant 1312 : index
    %get3A_1188 = tpu.vector_load %arg4[%get3A_1187] {strides = array<i32>} : memref<2048xf32, #tpu.memory_space<vmem>>, vector<16xf32>,
    %sub3A_1189 = arith.subf %get3A_1188, %broadcast_in_dim3A_777 : vector<16xf32>
    %mul3A_1190 = arith.mulf %sub3A_1189, %sub3A_1189 : vector<16xf32>
    %add3A_1191 = arith.addf %add3A_1186, %mul3A_1190 : vector<16xf32>
    %get3A_1192 = arith.constant 1328 : index
    %get3A_1193 = tpu.vector_load %arg4[%get3A_1192] {strides = array<i32>} : memref<2048xf32, #tpu.memory_space<vmem>>, vector<16xf32>,
    %sub3A_1194 = arith.subf %get3A_1193, %broadcast_in_dim3A_777 : vector<16xf32>
    %mul3A_1195 = arith.mulf %sub3A_1194, %sub3A_1194 : vector<16xf32>
    %add3A_1196 = arith.addf %add3A_1191, %mul3A_1195 : vector<16xf32>
    %get3A_1197 = arith.constant 1344 : index
    %get3A_1198 = tpu.vector_load %arg4[%get3A_1197] {strides = array<i32>} : memref<2048xf32, #tpu.memory_space<vmem>>, vector<16xf32>,
    %sub3A_1199 = arith.subf %get3A_1198, %broadcast_in_dim3A_777 : vector<16xf32>
    %mul3A_1200 = arith.mulf %sub3A_1199, %sub3A_1199 : vector<16xf32>
    %add3A_1201 = arith.addf %add3A_1196, %mul3A_1200 : vector<16xf32>
    %get3A_1202 = arith.constant 1360 : index
    %get3A_1203 = tpu.vector_load %arg4[%get3A_1202] {strides = array<i32>} : memref<2048xf32, #tpu.memory_space<vmem>>, vector<16xf32>,
    %sub3A_1204 = arith.subf %get3A_1203, %broadcast_in_dim3A_777 : vector<16xf32>
    %mul3A_1205 = arith.mulf %sub3A_1204, %sub3A_1204 : vector<16xf32>
    %add3A_1206 = arith.addf %add3A_1201, %mul3A_1205 : vector<16xf32>
    %get3A_1207 = arith.constant 1376 : index
    %get3A_1208 = tpu.vector_load %arg4[%get3A_1207] {strides = array<i32>} : memref<2048xf32, #tpu.memory_space<vmem>>, vector<16xf32>,
    %sub3A_1209 = arith.subf %get3A_1208, %broadcast_in_dim3A_777 : vector<16xf32>
    %mul3A_1210 = arith.mulf %sub3A_1209, %sub3A_1209 : vector<16xf32>
    %add3A_1211 = arith.addf %add3A_1206, %mul3A_1210 : vector<16xf32>
    %get3A_1212 = arith.constant 1392 : index
    %get3A_1213 = tpu.vector_load %arg4[%get3A_1212] {strides = array<i32>} : memref<2048xf32, #tpu.memory_space<vmem>>, vector<16xf32>,
    %sub3A_1214 = arith.subf %get3A_1213, %broadcast_in_dim3A_777 : vector<16xf32>
    %mul3A_1215 = arith.mulf %sub3A_1214, %sub3A_1214 : vector<16xf32>
    %add3A_1216 = arith.addf %add3A_1211, %mul3A_1215 : vector<16xf32>
    %get3A_1217 = arith.constant 1408 : index
    %get3A_1218 = tpu.vector_load %arg4[%get3A_1217] {strides = array<i32>} : memref<2048xf32, #tpu.memory_space<vmem>>, vector<16xf32>,
    %sub3A_1219 = arith.subf %get3A_1218, %broadcast_in_dim3A_777 : vector<16xf32>
    %mul3A_1220 = arith.mulf %sub3A_1219, %sub3A_1219 : vector<16xf32>
    %add3A_1221 = arith.addf %add3A_1216, %mul3A_1220 : vector<16xf32>
    %get3A_1222 = arith.constant 1424 : index
    %get3A_1223 = tpu.vector_load %arg4[%get3A_1222] {strides = array<i32>} : memref<2048xf32, #tpu.memory_space<vmem>>, vector<16xf32>,
    %sub3A_1224 = arith.subf %get3A_1223, %broadcast_in_dim3A_777 : vector<16xf32>
    %mul3A_1225 = arith.mulf %sub3A_1224, %sub3A_1224 : vector<16xf32>
    %add3A_1226 = arith.addf %add3A_1221, %mul3A_1225 : vector<16xf32>
    %get3A_1227 = arith.constant 1440 : index
    %get3A_1228 = tpu.vector_load %arg4[%get3A_1227] {strides = array<i32>} : memref<2048xf32, #tpu.memory_space<vmem>>, vector<16xf32>,
    %sub3A_1229 = arith.subf %get3A_1228, %broadcast_in_dim3A_777 : vector<16xf32>
    %mul3A_1230 = arith.mulf %sub3A_1229, %sub3A_1229 : vector<16xf32>
    %add3A_1231 = arith.addf %add3A_1226, %mul3A_1230 : vector<16xf32>
    %get3A_1232 = arith.constant 1456 : index
    %get3A_1233 = tpu.vector_load %arg4[%get3A_1232] {strides = array<i32>} : memref<2048xf32, #tpu.memory_space<vmem>>, vector<16xf32>,
    %sub3A_1234 = arith.subf %get3A_1233, %broadcast_in_dim3A_777 : vector<16xf32>
    %mul3A_1235 = arith.mulf %sub3A_1234, %sub3A_1234 : vector<16xf32>
    %add3A_1236 = arith.addf %add3A_1231, %mul3A_1235 : vector<16xf32>
    %get3A_1237 = arith.constant 1472 : index
    %get3A_1238 = tpu.vector_load %arg4[%get3A_1237] {strides = array<i32>} : memref<2048xf32, #tpu.memory_space<vmem>>, vector<16xf32>,
    %sub3A_1239 = arith.subf %get3A_1238, %broadcast_in_dim3A_777 : vector<16xf32>
    %mul3A_1240 = arith.mulf %sub3A_1239, %sub3A_1239 : vector<16xf32>
    %add3A_1241 = arith.addf %add3A_1236, %mul3A_1240 : vector<16xf32>
    %get3A_1242 = arith.constant 1488 : index
    %get3A_1243 = tpu.vector_load %arg4[%get3A_1242] {strides = array<i32>} : memref<2048xf32, #tpu.memory_space<vmem>>, vector<16xf32>,
    %sub3A_1244 = arith.subf %get3A_1243, %broadcast_in_dim3A_777 : vector<16xf32>
    %mul3A_1245 = arith.mulf %sub3A_1244, %sub3A_1244 : vector<16xf32>
    %add3A_1246 = arith.addf %add3A_1241, %mul3A_1245 : vector<16xf32>
    %get3A_1247 = arith.constant 1504 : index
    %get3A_1248 = tpu.vector_load %arg4[%get3A_1247] {strides = array<i32>} : memref<2048xf32, #tpu.memory_space<vmem>>, vector<16xf32>,
    %sub3A_1249 = arith.subf %get3A_1248, %broadcast_in_dim3A_777 : vector<16xf32>
    %mul3A_1250 = arith.mulf %sub3A_1249, %sub3A_1249 : vector<16xf32>
    %add3A_1251 = arith.addf %add3A_1246, %mul3A_1250 : vector<16xf32>
    %get3A_1252 = arith.constant 1520 : index
    %get3A_1253 = tpu.vector_load %arg4[%get3A_1252] {strides = array<i32>} : memref<2048xf32, #tpu.memory_space<vmem>>, vector<16xf32>,
    %sub3A_1254 = arith.subf %get3A_1253, %broadcast_in_dim3A_777 : vector<16xf32>
    %mul3A_1255 = arith.mulf %sub3A_1254, %sub3A_1254 : vector<16xf32>
    %add3A_1256 = arith.addf %add3A_1251, %mul3A_1255 : vector<16xf32>
    %get3A_1257 = arith.constant 1536 : index
    %get3A_1258 = tpu.vector_load %arg4[%get3A_1257] {strides = array<i32>} : memref<2048xf32, #tpu.memory_space<vmem>>, vector<16xf32>,
    %sub3A_1259 = arith.subf %get3A_1258, %broadcast_in_dim3A_777 : vector<16xf32>
    %mul3A_1260 = arith.mulf %sub3A_1259, %sub3A_1259 : vector<16xf32>
    %add3A_1261 = arith.addf %add3A_1256, %mul3A_1260 : vector<16xf32>
    %get3A_1262 = arith.constant 1552 : index
    %get3A_1263 = tpu.vector_load %arg4[%get3A_1262] {strides = array<i32>} : memref<2048xf32, #tpu.memory_space<vmem>>, vector<16xf32>,
    %sub3A_1264 = arith.subf %get3A_1263, %broadcast_in_dim3A_777 : vector<16xf32>
    %mul3A_1265 = arith.mulf %sub3A_1264, %sub3A_1264 : vector<16xf32>
    %add3A_1266 = arith.addf %add3A_1261, %mul3A_1265 : vector<16xf32>
    %get3A_1267 = arith.constant 1568 : index
    %get3A_1268 = tpu.vector_load %arg4[%get3A_1267] {strides = array<i32>} : memref<2048xf32, #tpu.memory_space<vmem>>, vector<16xf32>,
    %sub3A_1269 = arith.subf %get3A_1268, %broadcast_in_dim3A_777 : vector<16xf32>
    %mul3A_1270 = arith.mulf %sub3A_1269, %sub3A_1269 : vector<16xf32>
    %add3A_1271 = arith.addf %add3A_1266, %mul3A_1270 : vector<16xf32>
    %get3A_1272 = arith.constant 1584 : index
    %get3A_1273 = tpu.vector_load %arg4[%get3A_1272] {strides = array<i32>} : memref<2048xf32, #tpu.memory_space<vmem>>, vector<16xf32>,
    %sub3A_1274 = arith.subf %get3A_1273, %broadcast_in_dim3A_777 : vector<16xf32>
    %mul3A_1275 = arith.mulf %sub3A_1274, %sub3A_1274 : vector<16xf32>
    %add3A_1276 = arith.addf %add3A_1271, %mul3A_1275 : vector<16xf32>
    %get3A_1277 = arith.constant 1600 : index
    %get3A_1278 = tpu.vector_load %arg4[%get3A_1277] {strides = array<i32>} : memref<2048xf32, #tpu.memory_space<vmem>>, vector<16xf32>,
    %sub3A_1279 = arith.subf %get3A_1278, %broadcast_in_dim3A_777 : vector<16xf32>
    %mul3A_1280 = arith.mulf %sub3A_1279, %sub3A_1279 : vector<16xf32>
    %add3A_1281 = arith.addf %add3A_1276, %mul3A_1280 : vector<16xf32>
    %get3A_1282 = arith.constant 1616 : index
    %get3A_1283 = tpu.vector_load %arg4[%get3A_1282] {strides = array<i32>} : memref<2048xf32, #tpu.memory_space<vmem>>, vector<16xf32>,
    %sub3A_1284 = arith.subf %get3A_1283, %broadcast_in_dim3A_777 : vector<16xf32>
    %mul3A_1285 = arith.mulf %sub3A_1284, %sub3A_1284 : vector<16xf32>
    %add3A_1286 = arith.addf %add3A_1281, %mul3A_1285 : vector<16xf32>
    %get3A_1287 = arith.constant 1632 : index
    %get3A_1288 = tpu.vector_load %arg4[%get3A_1287] {strides = array<i32>} : memref<2048xf32, #tpu.memory_space<vmem>>, vector<16xf32>,
    %sub3A_1289 = arith.subf %get3A_1288, %broadcast_in_dim3A_777 : vector<16xf32>
    %mul3A_1290 = arith.mulf %sub3A_1289, %sub3A_1289 : vector<16xf32>
    %add3A_1291 = arith.addf %add3A_1286, %mul3A_1290 : vector<16xf32>
    %get3A_1292 = arith.constant 1648 : index
    %get3A_1293 = tpu.vector_load %arg4[%get3A_1292] {strides = array<i32>} : memref<2048xf32, #tpu.memory_space<vmem>>, vector<16xf32>,
    %sub3A_1294 = arith.subf %get3A_1293, %broadcast_in_dim3A_777 : vector<16xf32>
    %mul3A_1295 = arith.mulf %sub3A_1294, %sub3A_1294 : vector<16xf32>
    %add3A_1296 = arith.addf %add3A_1291, %mul3A_1295 : vector<16xf32>
    %get3A_1297 = arith.constant 1664 : index
    %get3A_1298 = tpu.vector_load %arg4[%get3A_1297] {strides = array<i32>} : memref<2048xf32, #tpu.memory_space<vmem>>, vector<16xf32>,
    %sub3A_1299 = arith.subf %get3A_1298, %broadcast_in_dim3A_777 : vector<16xf32>
    %mul3A_1300 = arith.mulf %sub3A_1299, %sub3A_1299 : vector<16xf32>
    %add3A_1301 = arith.addf %add3A_1296, %mul3A_1300 : vector<16xf32>
    %get3A_1302 = arith.constant 1680 : index
    %get3A_1303 = tpu.vector_load %arg4[%get3A_1302] {strides = array<i32>} : memref<2048xf32, #tpu.memory_space<vmem>>, vector<16xf32>,
    %sub3A_1304 = arith.subf %get3A_1303, %broadcast_in_dim3A_777 : vector<16xf32>
    %mul3A_1305 = arith.mulf %sub3A_1304, %sub3A_1304 : vector<16xf32>
    %add3A_1306 = arith.addf %add3A_1301, %mul3A_1305 : vector<16xf32>
    %get3A_1307 = arith.constant 1696 : index
    %get3A_1308 = tpu.vector_load %arg4[%get3A_1307] {strides = array<i32>} : memref<2048xf32, #tpu.memory_space<vmem>>, vector<16xf32>,
    %sub3A_1309 = arith.subf %get3A_1308, %broadcast_in_dim3A_777 : vector<16xf32>
    %mul3A_1310 = arith.mulf %sub3A_1309, %sub3A_1309 : vector<16xf32>
    %add3A_1311 = arith.addf %add3A_1306, %mul3A_1310 : vector<16xf32>
    %get3A_1312 = arith.constant 1712 : index
    %get3A_1313 = tpu.vector_load %arg4[%get3A_1312] {strides = array<i32>} : memref<2048xf32, #tpu.memory_space<vmem>>, vector<16xf32>,
    %sub3A_1314 = arith.subf %get3A_1313, %broadcast_in_dim3A_777 : vector<16xf32>
    %mul3A_1315 = arith.mulf %sub3A_1314, %sub3A_1314 : vector<16xf32>
    %add3A_1316 = arith.addf %add3A_1311, %mul3A_1315 : vector<16xf32>
    %get3A_1317 = arith.constant 1728 : index
    %get3A_1318 = tpu.vector_load %arg4[%get3A_1317] {strides = array<i32>} : memref<2048xf32, #tpu.memory_space<vmem>>, vector<16xf32>,
    %sub3A_1319 = arith.subf %get3A_1318, %broadcast_in_dim3A_777 : vector<16xf32>
    %mul3A_1320 = arith.mulf %sub3A_1319, %sub3A_1319 : vector<16xf32>
    %add3A_1321 = arith.addf %add3A_1316, %mul3A_1320 : vector<16xf32>
    %get3A_1322 = arith.constant 1744 : index
    %get3A_1323 = tpu.vector_load %arg4[%get3A_1322] {strides = array<i32>} : memref<2048xf32, #tpu.memory_space<vmem>>, vector<16xf32>,
    %sub3A_1324 = arith.subf %get3A_1323, %broadcast_in_dim3A_777 : vector<16xf32>
    %mul3A_1325 = arith.mulf %sub3A_1324, %sub3A_1324 : vector<16xf32>
    %add3A_1326 = arith.addf %add3A_1321, %mul3A_1325 : vector<16xf32>
    %get3A_1327 = arith.constant 1760 : index
    %get3A_1328 = tpu.vector_load %arg4[%get3A_1327] {strides = array<i32>} : memref<2048xf32, #tpu.memory_space<vmem>>, vector<16xf32>,
    %sub3A_1329 = arith.subf %get3A_1328, %broadcast_in_dim3A_777 : vector<16xf32>
    %mul3A_1330 = arith.mulf %sub3A_1329, %sub3A_1329 : vector<16xf32>
    %add3A_1331 = arith.addf %add3A_1326, %mul3A_1330 : vector<16xf32>
    %get3A_1332 = arith.constant 1776 : index
    %get3A_1333 = tpu.vector_load %arg4[%get3A_1332] {strides = array<i32>} : memref<2048xf32, #tpu.memory_space<vmem>>, vector<16xf32>,
    %sub3A_1334 = arith.subf %get3A_1333, %broadcast_in_dim3A_777 : vector<16xf32>
    %mul3A_1335 = arith.mulf %sub3A_1334, %sub3A_1334 : vector<16xf32>
    %add3A_1336 = arith.addf %add3A_1331, %mul3A_1335 : vector<16xf32>
    %get3A_1337 = arith.constant 1792 : index
    %get3A_1338 = tpu.vector_load %arg4[%get3A_1337] {strides = array<i32>} : memref<2048xf32, #tpu.memory_space<vmem>>, vector<16xf32>,
    %sub3A_1339 = arith.subf %get3A_1338, %broadcast_in_dim3A_777 : vector<16xf32>
    %mul3A_1340 = arith.mulf %sub3A_1339, %sub3A_1339 : vector<16xf32>
    %add3A_1341 = arith.addf %add3A_1336, %mul3A_1340 : vector<16xf32>
    %get3A_1342 = arith.constant 1808 : index
    %get3A_1343 = tpu.vector_load %arg4[%get3A_1342] {strides = array<i32>} : memref<2048xf32, #tpu.memory_space<vmem>>, vector<16xf32>,
    %sub3A_1344 = arith.subf %get3A_1343, %broadcast_in_dim3A_777 : vector<16xf32>
    %mul3A_1345 = arith.mulf %sub3A_1344, %sub3A_1344 : vector<16xf32>
    %add3A_1346 = arith.addf %add3A_1341, %mul3A_1345 : vector<16xf32>
    %get3A_1347 = arith.constant 1824 : index
    %get3A_1348 = tpu.vector_load %arg4[%get3A_1347] {strides = array<i32>} : memref<2048xf32, #tpu.memory_space<vmem>>, vector<16xf32>,
    %sub3A_1349 = arith.subf %get3A_1348, %broadcast_in_dim3A_777 : vector<16xf32>
    %mul3A_1350 = arith.mulf %sub3A_1349, %sub3A_1349 : vector<16xf32>
    %add3A_1351 = arith.addf %add3A_1346, %mul3A_1350 : vector<16xf32>
    %get3A_1352 = arith.constant 1840 : index
    %get3A_1353 = tpu.vector_load %arg4[%get3A_1352] {strides = array<i32>} : memref<2048xf32, #tpu.memory_space<vmem>>, vector<16xf32>,
    %sub3A_1354 = arith.subf %get3A_1353, %broadcast_in_dim3A_777 : vector<16xf32>
    %mul3A_1355 = arith.mulf %sub3A_1354, %sub3A_1354 : vector<16xf32>
    %add3A_1356 = arith.addf %add3A_1351, %mul3A_1355 : vector<16xf32>
    %get3A_1357 = arith.constant 1856 : index
    %get3A_1358 = tpu.vector_load %arg4[%get3A_1357] {strides = array<i32>} : memref<2048xf32, #tpu.memory_space<vmem>>, vector<16xf32>,
    %sub3A_1359 = arith.subf %get3A_1358, %broadcast_in_dim3A_777 : vector<16xf32>
    %mul3A_1360 = arith.mulf %sub3A_1359, %sub3A_1359 : vector<16xf32>
    %add3A_1361 = arith.addf %add3A_1356, %mul3A_1360 : vector<16xf32>
    %get3A_1362 = arith.constant 1872 : index
    %get3A_1363 = tpu.vector_load %arg4[%get3A_1362] {strides = array<i32>} : memref<2048xf32, #tpu.memory_space<vmem>>, vector<16xf32>,
    %sub3A_1364 = arith.subf %get3A_1363, %broadcast_in_dim3A_777 : vector<16xf32>
    %mul3A_1365 = arith.mulf %sub3A_1364, %sub3A_1364 : vector<16xf32>
    %add3A_1366 = arith.addf %add3A_1361, %mul3A_1365 : vector<16xf32>
    %get3A_1367 = arith.constant 1888 : index
    %get3A_1368 = tpu.vector_load %arg4[%get3A_1367] {strides = array<i32>} : memref<2048xf32, #tpu.memory_space<vmem>>, vector<16xf32>,
    %sub3A_1369 = arith.subf %get3A_1368, %broadcast_in_dim3A_777 : vector<16xf32>
    %mul3A_1370 = arith.mulf %sub3A_1369, %sub3A_1369 : vector<16xf32>
    %add3A_1371 = arith.addf %add3A_1366, %mul3A_1370 : vector<16xf32>
    %get3A_1372 = arith.constant 1904 : index
    %get3A_1373 = tpu.vector_load %arg4[%get3A_1372] {strides = array<i32>} : memref<2048xf32, #tpu.memory_space<vmem>>, vector<16xf32>,
    %sub3A_1374 = arith.subf %get3A_1373, %broadcast_in_dim3A_777 : vector<16xf32>
    %mul3A_1375 = arith.mulf %sub3A_1374, %sub3A_1374 : vector<16xf32>
    %add3A_1376 = arith.addf %add3A_1371, %mul3A_1375 : vector<16xf32>
    %get3A_1377 = arith.constant 1920 : index
    %get3A_1378 = tpu.vector_load %arg4[%get3A_1377] {strides = array<i32>} : memref<2048xf32, #tpu.memory_space<vmem>>, vector<16xf32>,
    %sub3A_1379 = arith.subf %get3A_1378, %broadcast_in_dim3A_777 : vector<16xf32>
    %mul3A_1380 = arith.mulf %sub3A_1379, %sub3A_1379 : vector<16xf32>
    %add3A_1381 = arith.addf %add3A_1376, %mul3A_1380 : vector<16xf32>
    %get3A_1382 = arith.constant 1936 : index
    %get3A_1383 = tpu.vector_load %arg4[%get3A_1382] {strides = array<i32>} : memref<2048xf32, #tpu.memory_space<vmem>>, vector<16xf32>,
    %sub3A_1384 = arith.subf %get3A_1383, %broadcast_in_dim3A_777 : vector<16xf32>
    %mul3A_1385 = arith.mulf %sub3A_1384, %sub3A_1384 : vector<16xf32>
    %add3A_1386 = arith.addf %add3A_1381, %mul3A_1385 : vector<16xf32>
    %get3A_1387 = arith.constant 1952 : index
    %get3A_1388 = tpu.vector_load %arg4[%get3A_1387] {strides = array<i32>} : memref<2048xf32, #tpu.memory_space<vmem>>, vector<16xf32>,
    %sub3A_1389 = arith.subf %get3A_1388, %broadcast_in_dim3A_777 : vector<16xf32>
    %mul3A_1390 = arith.mulf %sub3A_1389, %sub3A_1389 : vector<16xf32>
    %add3A_1391 = arith.addf %add3A_1386, %mul3A_1390 : vector<16xf32>
    %get3A_1392 = arith.constant 1968 : index
    %get3A_1393 = tpu.vector_load %arg4[%get3A_1392] {strides = array<i32>} : memref<2048xf32, #tpu.memory_space<vmem>>, vector<16xf32>,
    %sub3A_1394 = arith.subf %get3A_1393, %broadcast_in_dim3A_777 : vector<16xf32>
    %mul3A_1395 = arith.mulf %sub3A_1394, %sub3A_1394 : vector<16xf32>
    %add3A_1396 = arith.addf %add3A_1391, %mul3A_1395 : vector<16xf32>
    %get3A_1397 = arith.constant 1984 : index
    %get3A_1398 = tpu.vector_load %arg4[%get3A_1397] {strides = array<i32>} : memref<2048xf32, #tpu.memory_space<vmem>>, vector<16xf32>,
    %sub3A_1399 = arith.subf %get3A_1398, %broadcast_in_dim3A_777 : vector<16xf32>
    %mul3A_1400 = arith.mulf %sub3A_1399, %sub3A_1399 : vector<16xf32>
    %add3A_1401 = arith.addf %add3A_1396, %mul3A_1400 : vector<16xf32>
    %get3A_1402 = arith.constant 2000 : index
    %get3A_1403 = tpu.vector_load %arg4[%get3A_1402] {strides = array<i32>} : memref<2048xf32, #tpu.memory_space<vmem>>, vector<16xf32>,
    %sub3A_1404 = arith.subf %get3A_1403, %broadcast_in_dim3A_777 : vector<16xf32>
    %mul3A_1405 = arith.mulf %sub3A_1404, %sub3A_1404 : vector<16xf32>
    %add3A_1406 = arith.addf %add3A_1401, %mul3A_1405 : vector<16xf32>
    %get3A_1407 = arith.constant 2016 : index
    %get3A_1408 = tpu.vector_load %arg4[%get3A_1407] {strides = array<i32>} : memref<2048xf32, #tpu.memory_space<vmem>>, vector<16xf32>,
    %sub3A_1409 = arith.subf %get3A_1408, %broadcast_in_dim3A_777 : vector<16xf32>
    %mul3A_1410 = arith.mulf %sub3A_1409, %sub3A_1409 : vector<16xf32>
    %add3A_1411 = arith.addf %add3A_1406, %mul3A_1410 : vector<16xf32>
    %get3A_1412 = arith.constant 2032 : index
    %get3A_1413 = tpu.vector_load %arg4[%get3A_1412] {strides = array<i32>} : memref<2048xf32, #tpu.memory_space<vmem>>, vector<16xf32>,
    %sub3A_1414 = arith.subf %get3A_1413, %broadcast_in_dim3A_777 : vector<16xf32>
    %mul3A_1415 = arith.mulf %sub3A_1414, %sub3A_1414 : vector<16xf32>
    %add3A_1416 = arith.addf %add3A_1411, %mul3A_1415 : vector<16xf32>
    %slice3A_1417 = vector.extract_strided_slice %add3A_1416 {offsets = [0], sizes = [1], strides = [1]} : vector<16xf32> to vector<1xf32>
    %squeeze3A_1418 = vector.extract %slice3A_1417[0] : f32 from vector<1xf32>
    %slice3A_1419 = vector.extract_strided_slice %add3A_1416 {offsets = [1], sizes = [1], strides = [1]} : vector<16xf32> to vector<1xf32>
    %squeeze3A_1420 = vector.extract %slice3A_1419[0] : f32 from vector<1xf32>
    %add3A_1421 = arith.addf %squeeze3A_1418, %squeeze3A_1420 : f32
    %slice3A_1422 = vector.extract_strided_slice %add3A_1416 {offsets = [2], sizes = [1], strides = [1]} : vector<16xf32> to vector<1xf32>
    %squeeze3A_1423 = vector.extract %slice3A_1422[0] : f32 from vector<1xf32>
    %add3A_1424 = arith.addf %add3A_1421, %squeeze3A_1423 : f32
    %slice3A_1425 = vector.extract_strided_slice %add3A_1416 {offsets = [3], sizes = [1], strides = [1]} : vector<16xf32> to vector<1xf32>
    %squeeze3A_1426 = vector.extract %slice3A_1425[0] : f32 from vector<1xf32>
    %add3A_1427 = arith.addf %add3A_1424, %squeeze3A_1426 : f32
    %slice3A_1428 = vector.extract_strided_slice %add3A_1416 {offsets = [4], sizes = [1], strides = [1]} : vector<16xf32> to vector<1xf32>
    %squeeze3A_1429 = vector.extract %slice3A_1428[0] : f32 from vector<1xf32>
    %add3A_1430 = arith.addf %add3A_1427, %squeeze3A_1429 : f32
    %slice3A_1431 = vector.extract_strided_slice %add3A_1416 {offsets = [5], sizes = [1], strides = [1]} : vector<16xf32> to vector<1xf32>
    %squeeze3A_1432 = vector.extract %slice3A_1431[0] : f32 from vector<1xf32>
    %add3A_1433 = arith.addf %add3A_1430, %squeeze3A_1432 : f32
    %slice3A_1434 = vector.extract_strided_slice %add3A_1416 {offsets = [6], sizes = [1], strides = [1]} : vector<16xf32> to vector<1xf32>
    %squeeze3A_1435 = vector.extract %slice3A_1434[0] : f32 from vector<1xf32>
    %add3A_1436 = arith.addf %add3A_1433, %squeeze3A_1435 : f32
    %slice3A_1437 = vector.extract_strided_slice %add3A_1416 {offsets = [7], sizes = [1], strides = [1]} : vector<16xf32> to vector<1xf32>
    %squeeze3A_1438 = vector.extract %slice3A_1437[0] : f32 from vector<1xf32>
    %add3A_1439 = arith.addf %add3A_1436, %squeeze3A_1438 : f32
    %slice3A_1440 = vector.extract_strided_slice %add3A_1416 {offsets = [8], sizes = [1], strides = [1]} : vector<16xf32> to vector<1xf32>
    %squeeze3A_1441 = vector.extract %slice3A_1440[0] : f32 from vector<1xf32>
    %add3A_1442 = arith.addf %add3A_1439, %squeeze3A_1441 : f32
    %slice3A_1443 = vector.extract_strided_slice %add3A_1416 {offsets = [9], sizes = [1], strides = [1]} : vector<16xf32> to vector<1xf32>
    %squeeze3A_1444 = vector.extract %slice3A_1443[0] : f32 from vector<1xf32>
    %add3A_1445 = arith.addf %add3A_1442, %squeeze3A_1444 : f32
    %slice3A_1446 = vector.extract_strided_slice %add3A_1416 {offsets = [10], sizes = [1], strides = [1]} : vector<16xf32> to vector<1xf32>
    %squeeze3A_1447 = vector.extract %slice3A_1446[0] : f32 from vector<1xf32>
    %add3A_1448 = arith.addf %add3A_1445, %squeeze3A_1447 : f32
    %slice3A_1449 = vector.extract_strided_slice %add3A_1416 {offsets = [11], sizes = [1], strides = [1]} : vector<16xf32> to vector<1xf32>
    %squeeze3A_1450 = vector.extract %slice3A_1449[0] : f32 from vector<1xf32>
    %add3A_1451 = arith.addf %add3A_1448, %squeeze3A_1450 : f32
    %slice3A_1452 = vector.extract_strided_slice %add3A_1416 {offsets = [12], sizes = [1], strides = [1]} : vector<16xf32> to vector<1xf32>
    %squeeze3A_1453 = vector.extract %slice3A_1452[0] : f32 from vector<1xf32>
    %add3A_1454 = arith.addf %add3A_1451, %squeeze3A_1453 : f32
    %slice3A_1455 = vector.extract_strided_slice %add3A_1416 {offsets = [13], sizes = [1], strides = [1]} : vector<16xf32> to vector<1xf32>
    %squeeze3A_1456 = vector.extract %slice3A_1455[0] : f32 from vector<1xf32>
    %add3A_1457 = arith.addf %add3A_1454, %squeeze3A_1456 : f32
    %slice3A_1458 = vector.extract_strided_slice %add3A_1416 {offsets = [14], sizes = [1], strides = [1]} : vector<16xf32> to vector<1xf32>
    %squeeze3A_1459 = vector.extract %slice3A_1458[0] : f32 from vector<1xf32>
    %add3A_1460 = arith.addf %add3A_1457, %squeeze3A_1459 : f32
    %slice3A_1461 = vector.extract_strided_slice %add3A_1416 {offsets = [15], sizes = [1], strides = [1]} : vector<16xf32> to vector<1xf32>
    %squeeze3A_1462 = vector.extract %slice3A_1461[0] : f32 from vector<1xf32>
    %add3A_1463 = arith.addf %add3A_1460, %squeeze3A_1462 : f32
    %broadcast_in_dim3A_1464 = arith.constant 0 : i32
    %broadcast_in_dim3A_1465 = vector.broadcast %broadcast_in_dim3A_1464 : i32 to vector<16xi32>
    %scan3A = arith.constant 512 : i32
    %scan3A_1466 = arith.constant 0 : i32
    %scan3A_1467 = arith.constant 26 : i32
    %scan3A_1468 = arith.addi %scan3A_1466, %scan3A_1467 : i32
    %scan3A_1469 = arith.constant 1 : i32
    %scan3A_1470:2 = scf.for %scan3A_1481 = %scan3A_1466 to %scan3A_1468 step %scan3A_1469 iter_args(%scan3A_1482 = %min3A_729, %scan3A_1483 = %max3A_776) -> (f32, f32)  : i32 {
      %mul3A_1484 = arith.constant 5.000000e-01 : f32
      %mul3A_1485 = arith.mulf %scan3A_1482, %mul3A_1484 : f32
      %mul3A_1486 = arith.constant 5.000000e-01 : f32
      %mul3A_1487 = arith.mulf %scan3A_1483, %mul3A_1486 : f32
      %add3A_1488 = arith.addf %mul3A_1485, %mul3A_1487 : f32
      %broadcast_in_dim3A_1489 = vector.broadcast %add3A_1488 : f32 to vector<16xf32>
      %get3A_1490 = arith.constant 0 : index
      %get3A_1491 = tpu.vector_load %arg4[%get3A_1490] {strides = array<i32>} : memref<2048xf32, #tpu.memory_space<vmem>>, vector<16xf32>,
      %le3A = arith.cmpf ole, %get3A_1491, %broadcast_in_dim3A_1489 : vector<16xf32>
      %all_reduce_population_count3A = tpu.all_reduce %le3A {dim = 0 : i64, kind = #tpu.reduction_kind<sum>} : vector<16xi1> -> vector<16xi32>
      %add3A_1492 = arith.addi %broadcast_in_dim3A_1465, %all_reduce_population_count3A : vector<16xi32>
      %get3A_1493 = arith.constant 16 : index
      %get3A_1494 = tpu.vector_load %arg4[%get3A_1493] {strides = array<i32>} : memref<2048xf32, #tpu.memory_space<vmem>>, vector<16xf32>,
      %le3A_1495 = arith.cmpf ole, %get3A_1494, %broadcast_in_dim3A_1489 : vector<16xf32>
      %all_reduce_population_count3A_1496 = tpu.all_reduce %le3A_1495 {dim = 0 : i64, kind = #tpu.reduction_kind<sum>} : vector<16xi1> -> vector<16xi32>
      %add3A_1497 = arith.addi %broadcast_in_dim3A_1465, %all_reduce_population_count3A_1496 : vector<16xi32>
      %get3A_1498 = arith.constant 32 : index
      %get3A_1499 = tpu.vector_load %arg4[%get3A_1498] {strides = array<i32>} : memref<2048xf32, #tpu.memory_space<vmem>>, vector<16xf32>,
      %le3A_1500 = arith.cmpf ole, %get3A_1499, %broadcast_in_dim3A_1489 : vector<16xf32>
      %all_reduce_population_count3A_1501 = tpu.all_reduce %le3A_1500 {dim = 0 : i64, kind = #tpu.reduction_kind<sum>} : vector<16xi1> -> vector<16xi32>
      %add3A_1502 = arith.addi %broadcast_in_dim3A_1465, %all_reduce_population_count3A_1501 : vector<16xi32>
      %get3A_1503 = arith.constant 48 : index
      %get3A_1504 = tpu.vector_load %arg4[%get3A_1503] {strides = array<i32>} : memref<2048xf32, #tpu.memory_space<vmem>>, vector<16xf32>,
      %le3A_1505 = arith.cmpf ole, %get3A_1504, %broadcast_in_dim3A_1489 : vector<16xf32>
      %all_reduce_population_count3A_1506 = tpu.all_reduce %le3A_1505 {dim = 0 : i64, kind = #tpu.reduction_kind<sum>} : vector<16xi1> -> vector<16xi32>
      %add3A_1507 = arith.addi %broadcast_in_dim3A_1465, %all_reduce_population_count3A_1506 : vector<16xi32>
      %get3A_1508 = arith.constant 64 : index
      %get3A_1509 = tpu.vector_load %arg4[%get3A_1508] {strides = array<i32>} : memref<2048xf32, #tpu.memory_space<vmem>>, vector<16xf32>,
      %le3A_1510 = arith.cmpf ole, %get3A_1509, %broadcast_in_dim3A_1489 : vector<16xf32>
      %all_reduce_population_count3A_1511 = tpu.all_reduce %le3A_1510 {dim = 0 : i64, kind = #tpu.reduction_kind<sum>} : vector<16xi1> -> vector<16xi32>
      %add3A_1512 = arith.addi %add3A_1492, %all_reduce_population_count3A_1511 : vector<16xi32>
      %get3A_1513 = arith.constant 80 : index
      %get3A_1514 = tpu.vector_load %arg4[%get3A_1513] {strides = array<i32>} : memref<2048xf32, #tpu.memory_space<vmem>>, vector<16xf32>,
      %le3A_1515 = arith.cmpf ole, %get3A_1514, %broadcast_in_dim3A_1489 : vector<16xf32>
      %all_reduce_population_count3A_1516 = tpu.all_reduce %le3A_1515 {dim = 0 : i64, kind = #tpu.reduction_kind<sum>} : vector<16xi1> -> vector<16xi32>
      %add3A_1517 = arith.addi %add3A_1497, %all_reduce_population_count3A_1516 : vector<16xi32>
      %get3A_1518 = arith.constant 96 : index
      %get3A_1519 = tpu.vector_load %arg4[%get3A_1518] {strides = array<i32>} : memref<2048xf32, #tpu.memory_space<vmem>>, vector<16xf32>,
      %le3A_1520 = arith.cmpf ole, %get3A_1519, %broadcast_in_dim3A_1489 : vector<16xf32>
      %all_reduce_population_count3A_1521 = tpu.all_reduce %le3A_1520 {dim = 0 : i64, kind = #tpu.reduction_kind<sum>} : vector<16xi1> -> vector<16xi32>
      %add3A_1522 = arith.addi %add3A_1502, %all_reduce_population_count3A_1521 : vector<16xi32>
      %get3A_1523 = arith.constant 112 : index
      %get3A_1524 = tpu.vector_load %arg4[%get3A_1523] {strides = array<i32>} : memref<2048xf32, #tpu.memory_space<vmem>>, vector<16xf32>,
      %le3A_1525 = arith.cmpf ole, %get3A_1524, %broadcast_in_dim3A_1489 : vector<16xf32>
      %all_reduce_population_count3A_1526 = tpu.all_reduce %le3A_1525 {dim = 0 : i64, kind = #tpu.reduction_kind<sum>} : vector<16xi1> -> vector<16xi32>
      %add3A_1527 = arith.addi %add3A_1507, %all_reduce_population_count3A_1526 : vector<16xi32>
      %get3A_1528 = arith.constant 128 : index
      %get3A_1529 = tpu.vector_load %arg4[%get3A_1528] {strides = array<i32>} : memref<2048xf32, #tpu.memory_space<vmem>>, vector<16xf32>,
      %le3A_1530 = arith.cmpf ole, %get3A_1529, %broadcast_in_dim3A_1489 : vector<16xf32>
      %all_reduce_population_count3A_1531 = tpu.all_reduce %le3A_1530 {dim = 0 : i64, kind = #tpu.reduction_kind<sum>} : vector<16xi1> -> vector<16xi32>
      %add3A_1532 = arith.addi %add3A_1512, %all_reduce_population_count3A_1531 : vector<16xi32>
      %get3A_1533 = arith.constant 144 : index
      %get3A_1534 = tpu.vector_load %arg4[%get3A_1533] {strides = array<i32>} : memref<2048xf32, #tpu.memory_space<vmem>>, vector<16xf32>,
      %le3A_1535 = arith.cmpf ole, %get3A_1534, %broadcast_in_dim3A_1489 : vector<16xf32>
      %all_reduce_population_count3A_1536 = tpu.all_reduce %le3A_1535 {dim = 0 : i64, kind = #tpu.reduction_kind<sum>} : vector<16xi1> -> vector<16xi32>
      %add3A_1537 = arith.addi %add3A_1517, %all_reduce_population_count3A_1536 : vector<16xi32>
      %get3A_1538 = arith.constant 160 : index
      %get3A_1539 = tpu.vector_load %arg4[%get3A_1538] {strides = array<i32>} : memref<2048xf32, #tpu.memory_space<vmem>>, vector<16xf32>,
      %le3A_1540 = arith.cmpf ole, %get3A_1539, %broadcast_in_dim3A_1489 : vector<16xf32>
      %all_reduce_population_count3A_1541 = tpu.all_reduce %le3A_1540 {dim = 0 : i64, kind = #tpu.reduction_kind<sum>} : vector<16xi1> -> vector<16xi32>
      %add3A_1542 = arith.addi %add3A_1522, %all_reduce_population_count3A_1541 : vector<16xi32>
      %get3A_1543 = arith.constant 176 : index
      %get3A_1544 = tpu.vector_load %arg4[%get3A_1543] {strides = array<i32>} : memref<2048xf32, #tpu.memory_space<vmem>>, vector<16xf32>,
      %le3A_1545 = arith.cmpf ole, %get3A_1544, %broadcast_in_dim3A_1489 : vector<16xf32>
      %all_reduce_population_count3A_1546 = tpu.all_reduce %le3A_1545 {dim = 0 : i64, kind = #tpu.reduction_kind<sum>} : vector<16xi1> -> vector<16xi32>
      %add3A_1547 = arith.addi %add3A_1527, %all_reduce_population_count3A_1546 : vector<16xi32>
      %get3A_1548 = arith.constant 192 : index
      %get3A_1549 = tpu.vector_load %arg4[%get3A_1548] {strides = array<i32>} : memref<2048xf32, #tpu.memory_space<vmem>>, vector<16xf32>,
      %le3A_1550 = arith.cmpf ole, %get3A_1549, %broadcast_in_dim3A_1489 : vector<16xf32>
      %all_reduce_population_count3A_1551 = tpu.all_reduce %le3A_1550 {dim = 0 : i64, kind = #tpu.reduction_kind<sum>} : vector<16xi1> -> vector<16xi32>
      %add3A_1552 = arith.addi %add3A_1532, %all_reduce_population_count3A_1551 : vector<16xi32>
      %get3A_1553 = arith.constant 208 : index
      %get3A_1554 = tpu.vector_load %arg4[%get3A_1553] {strides = array<i32>} : memref<2048xf32, #tpu.memory_space<vmem>>, vector<16xf32>,
      %le3A_1555 = arith.cmpf ole, %get3A_1554, %broadcast_in_dim3A_1489 : vector<16xf32>
      %all_reduce_population_count3A_1556 = tpu.all_reduce %le3A_1555 {dim = 0 : i64, kind = #tpu.reduction_kind<sum>} : vector<16xi1> -> vector<16xi32>
      %add3A_1557 = arith.addi %add3A_1537, %all_reduce_population_count3A_1556 : vector<16xi32>
      %get3A_1558 = arith.constant 224 : index
      %get3A_1559 = tpu.vector_load %arg4[%get3A_1558] {strides = array<i32>} : memref<2048xf32, #tpu.memory_space<vmem>>, vector<16xf32>,
      %le3A_1560 = arith.cmpf ole, %get3A_1559, %broadcast_in_dim3A_1489 : vector<16xf32>
      %all_reduce_population_count3A_1561 = tpu.all_reduce %le3A_1560 {dim = 0 : i64, kind = #tpu.reduction_kind<sum>} : vector<16xi1> -> vector<16xi32>
      %add3A_1562 = arith.addi %add3A_1542, %all_reduce_population_count3A_1561 : vector<16xi32>
      %get3A_1563 = arith.constant 240 : index
      %get3A_1564 = tpu.vector_load %arg4[%get3A_1563] {strides = array<i32>} : memref<2048xf32, #tpu.memory_space<vmem>>, vector<16xf32>,
      %le3A_1565 = arith.cmpf ole, %get3A_1564, %broadcast_in_dim3A_1489 : vector<16xf32>
      %all_reduce_population_count3A_1566 = tpu.all_reduce %le3A_1565 {dim = 0 : i64, kind = #tpu.reduction_kind<sum>} : vector<16xi1> -> vector<16xi32>
      %add3A_1567 = arith.addi %add3A_1547, %all_reduce_population_count3A_1566 : vector<16xi32>
      %get3A_1568 = arith.constant 256 : index
      %get3A_1569 = tpu.vector_load %arg4[%get3A_1568] {strides = array<i32>} : memref<2048xf32, #tpu.memory_space<vmem>>, vector<16xf32>,
      %le3A_1570 = arith.cmpf ole, %get3A_1569, %broadcast_in_dim3A_1489 : vector<16xf32>
      %all_reduce_population_count3A_1571 = tpu.all_reduce %le3A_1570 {dim = 0 : i64, kind = #tpu.reduction_kind<sum>} : vector<16xi1> -> vector<16xi32>
      %add3A_1572 = arith.addi %add3A_1552, %all_reduce_population_count3A_1571 : vector<16xi32>
      %get3A_1573 = arith.constant 272 : index
      %get3A_1574 = tpu.vector_load %arg4[%get3A_1573] {strides = array<i32>} : memref<2048xf32, #tpu.memory_space<vmem>>, vector<16xf32>,
      %le3A_1575 = arith.cmpf ole, %get3A_1574, %broadcast_in_dim3A_1489 : vector<16xf32>
      %all_reduce_population_count3A_1576 = tpu.all_reduce %le3A_1575 {dim = 0 : i64, kind = #tpu.reduction_kind<sum>} : vector<16xi1> -> vector<16xi32>
      %add3A_1577 = arith.addi %add3A_1557, %all_reduce_population_count3A_1576 : vector<16xi32>
      %get3A_1578 = arith.constant 288 : index
      %get3A_1579 = tpu.vector_load %arg4[%get3A_1578] {strides = array<i32>} : memref<2048xf32, #tpu.memory_space<vmem>>, vector<16xf32>,
      %le3A_1580 = arith.cmpf ole, %get3A_1579, %broadcast_in_dim3A_1489 : vector<16xf32>
      %all_reduce_population_count3A_1581 = tpu.all_reduce %le3A_1580 {dim = 0 : i64, kind = #tpu.reduction_kind<sum>} : vector<16xi1> -> vector<16xi32>
      %add3A_1582 = arith.addi %add3A_1562, %all_reduce_population_count3A_1581 : vector<16xi32>
      %get3A_1583 = arith.constant 304 : index
      %get3A_1584 = tpu.vector_load %arg4[%get3A_1583] {strides = array<i32>} : memref<2048xf32, #tpu.memory_space<vmem>>, vector<16xf32>,
      %le3A_1585 = arith.cmpf ole, %get3A_1584, %broadcast_in_dim3A_1489 : vector<16xf32>
      %all_reduce_population_count3A_1586 = tpu.all_reduce %le3A_1585 {dim = 0 : i64, kind = #tpu.reduction_kind<sum>} : vector<16xi1> -> vector<16xi32>
      %add3A_1587 = arith.addi %add3A_1567, %all_reduce_population_count3A_1586 : vector<16xi32>
      %get3A_1588 = arith.constant 320 : index
      %get3A_1589 = tpu.vector_load %arg4[%get3A_1588] {strides = array<i32>} : memref<2048xf32, #tpu.memory_space<vmem>>, vector<16xf32>,
      %le3A_1590 = arith.cmpf ole, %get3A_1589, %broadcast_in_dim3A_1489 : vector<16xf32>
      %all_reduce_population_count3A_1591 = tpu.all_reduce %le3A_1590 {dim = 0 : i64, kind = #tpu.reduction_kind<sum>} : vector<16xi1> -> vector<16xi32>
      %add3A_1592 = arith.addi %add3A_1572, %all_reduce_population_count3A_1591 : vector<16xi32>
      %get3A_1593 = arith.constant 336 : index
      %get3A_1594 = tpu.vector_load %arg4[%get3A_1593] {strides = array<i32>} : memref<2048xf32, #tpu.memory_space<vmem>>, vector<16xf32>,
      %le3A_1595 = arith.cmpf ole, %get3A_1594, %broadcast_in_dim3A_1489 : vector<16xf32>
      %all_reduce_population_count3A_1596 = tpu.all_reduce %le3A_1595 {dim = 0 : i64, kind = #tpu.reduction_kind<sum>} : vector<16xi1> -> vector<16xi32>
      %add3A_1597 = arith.addi %add3A_1577, %all_reduce_population_count3A_1596 : vector<16xi32>
      %get3A_1598 = arith.constant 352 : index
      %get3A_1599 = tpu.vector_load %arg4[%get3A_1598] {strides = array<i32>} : memref<2048xf32, #tpu.memory_space<vmem>>, vector<16xf32>,
      %le3A_1600 = arith.cmpf ole, %get3A_1599, %broadcast_in_dim3A_1489 : vector<16xf32>
      %all_reduce_population_count3A_1601 = tpu.all_reduce %le3A_1600 {dim = 0 : i64, kind = #tpu.reduction_kind<sum>} : vector<16xi1> -> vector<16xi32>
      %add3A_1602 = arith.addi %add3A_1582, %all_reduce_population_count3A_1601 : vector<16xi32>
      %get3A_1603 = arith.constant 368 : index
      %get3A_1604 = tpu.vector_load %arg4[%get3A_1603] {strides = array<i32>} : memref<2048xf32, #tpu.memory_space<vmem>>, vector<16xf32>,
      %le3A_1605 = arith.cmpf ole, %get3A_1604, %broadcast_in_dim3A_1489 : vector<16xf32>
      %all_reduce_population_count3A_1606 = tpu.all_reduce %le3A_1605 {dim = 0 : i64, kind = #tpu.reduction_kind<sum>} : vector<16xi1> -> vector<16xi32>
      %add3A_1607 = arith.addi %add3A_1587, %all_reduce_population_count3A_1606 : vector<16xi32>
      %get3A_1608 = arith.constant 384 : index
      %get3A_1609 = tpu.vector_load %arg4[%get3A_1608] {strides = array<i32>} : memref<2048xf32, #tpu.memory_space<vmem>>, vector<16xf32>,
      %le3A_1610 = arith.cmpf ole, %get3A_1609, %broadcast_in_dim3A_1489 : vector<16xf32>
      %all_reduce_population_count3A_1611 = tpu.all_reduce %le3A_1610 {dim = 0 : i64, kind = #tpu.reduction_kind<sum>} : vector<16xi1> -> vector<16xi32>
      %add3A_1612 = arith.addi %add3A_1592, %all_reduce_population_count3A_1611 : vector<16xi32>
      %get3A_1613 = arith.constant 400 : index
      %get3A_1614 = tpu.vector_load %arg4[%get3A_1613] {strides = array<i32>} : memref<2048xf32, #tpu.memory_space<vmem>>, vector<16xf32>,
      %le3A_1615 = arith.cmpf ole, %get3A_1614, %broadcast_in_dim3A_1489 : vector<16xf32>
      %all_reduce_population_count3A_1616 = tpu.all_reduce %le3A_1615 {dim = 0 : i64, kind = #tpu.reduction_kind<sum>} : vector<16xi1> -> vector<16xi32>
      %add3A_1617 = arith.addi %add3A_1597, %all_reduce_population_count3A_1616 : vector<16xi32>
      %get3A_1618 = arith.constant 416 : index
      %get3A_1619 = tpu.vector_load %arg4[%get3A_1618] {strides = array<i32>} : memref<2048xf32, #tpu.memory_space<vmem>>, vector<16xf32>,
      %le3A_1620 = arith.cmpf ole, %get3A_1619, %broadcast_in_dim3A_1489 : vector<16xf32>
      %all_reduce_population_count3A_1621 = tpu.all_reduce %le3A_1620 {dim = 0 : i64, kind = #tpu.reduction_kind<sum>} : vector<16xi1> -> vector<16xi32>
      %add3A_1622 = arith.addi %add3A_1602, %all_reduce_population_count3A_1621 : vector<16xi32>
      %get3A_1623 = arith.constant 432 : index
      %get3A_1624 = tpu.vector_load %arg4[%get3A_1623] {strides = array<i32>} : memref<2048xf32, #tpu.memory_space<vmem>>, vector<16xf32>,
      %le3A_1625 = arith.cmpf ole, %get3A_1624, %broadcast_in_dim3A_1489 : vector<16xf32>
      %all_reduce_population_count3A_1626 = tpu.all_reduce %le3A_1625 {dim = 0 : i64, kind = #tpu.reduction_kind<sum>} : vector<16xi1> -> vector<16xi32>
      %add3A_1627 = arith.addi %add3A_1607, %all_reduce_population_count3A_1626 : vector<16xi32>
      %get3A_1628 = arith.constant 448 : index
      %get3A_1629 = tpu.vector_load %arg4[%get3A_1628] {strides = array<i32>} : memref<2048xf32, #tpu.memory_space<vmem>>, vector<16xf32>,
      %le3A_1630 = arith.cmpf ole, %get3A_1629, %broadcast_in_dim3A_1489 : vector<16xf32>
      %all_reduce_population_count3A_1631 = tpu.all_reduce %le3A_1630 {dim = 0 : i64, kind = #tpu.reduction_kind<sum>} : vector<16xi1> -> vector<16xi32>
      %add3A_1632 = arith.addi %add3A_1612, %all_reduce_population_count3A_1631 : vector<16xi32>
      %get3A_1633 = arith.constant 464 : index
      %get3A_1634 = tpu.vector_load %arg4[%get3A_1633] {strides = array<i32>} : memref<2048xf32, #tpu.memory_space<vmem>>, vector<16xf32>,
      %le3A_1635 = arith.cmpf ole, %get3A_1634, %broadcast_in_dim3A_1489 : vector<16xf32>
      %all_reduce_population_count3A_1636 = tpu.all_reduce %le3A_1635 {dim = 0 : i64, kind = #tpu.reduction_kind<sum>} : vector<16xi1> -> vector<16xi32>
      %add3A_1637 = arith.addi %add3A_1617, %all_reduce_population_count3A_1636 : vector<16xi32>
      %get3A_1638 = arith.constant 480 : index
      %get3A_1639 = tpu.vector_load %arg4[%get3A_1638] {strides = array<i32>} : memref<2048xf32, #tpu.memory_space<vmem>>, vector<16xf32>,
      %le3A_1640 = arith.cmpf ole, %get3A_1639, %broadcast_in_dim3A_1489 : vector<16xf32>
      %all_reduce_population_count3A_1641 = tpu.all_reduce %le3A_1640 {dim = 0 : i64, kind = #tpu.reduction_kind<sum>} : vector<16xi1> -> vector<16xi32>
      %add3A_1642 = arith.addi %add3A_1622, %all_reduce_population_count3A_1641 : vector<16xi32>
      %get3A_1643 = arith.constant 496 : index
      %get3A_1644 = tpu.vector_load %arg4[%get3A_1643] {strides = array<i32>} : memref<2048xf32, #tpu.memory_space<vmem>>, vector<16xf32>,
      %le3A_1645 = arith.cmpf ole, %get3A_1644, %broadcast_in_dim3A_1489 : vector<16xf32>
      %all_reduce_population_count3A_1646 = tpu.all_reduce %le3A_1645 {dim = 0 : i64, kind = #tpu.reduction_kind<sum>} : vector<16xi1> -> vector<16xi32>
      %add3A_1647 = arith.addi %add3A_1627, %all_reduce_population_count3A_1646 : vector<16xi32>
      %get3A_1648 = arith.constant 512 : index
      %get3A_1649 = tpu.vector_load %arg4[%get3A_1648] {strides = array<i32>} : memref<2048xf32, #tpu.memory_space<vmem>>, vector<16xf32>,
      %le3A_1650 = arith.cmpf ole, %get3A_1649, %broadcast_in_dim3A_1489 : vector<16xf32>
      %all_reduce_population_count3A_1651 = tpu.all_reduce %le3A_1650 {dim = 0 : i64, kind = #tpu.reduction_kind<sum>} : vector<16xi1> -> vector<16xi32>
      %add3A_1652 = arith.addi %add3A_1632, %all_reduce_population_count3A_1651 : vector<16xi32>
      %get3A_1653 = arith.constant 528 : index
      %get3A_1654 = tpu.vector_load %arg4[%get3A_1653] {strides = array<i32>} : memref<2048xf32, #tpu.memory_space<vmem>>, vector<16xf32>,
      %le3A_1655 = arith.cmpf ole, %get3A_1654, %broadcast_in_dim3A_1489 : vector<16xf32>
      %all_reduce_population_count3A_1656 = tpu.all_reduce %le3A_1655 {dim = 0 : i64, kind = #tpu.reduction_kind<sum>} : vector<16xi1> -> vector<16xi32>
      %add3A_1657 = arith.addi %add3A_1637, %all_reduce_population_count3A_1656 : vector<16xi32>
      %get3A_1658 = arith.constant 544 : index
      %get3A_1659 = tpu.vector_load %arg4[%get3A_1658] {strides = array<i32>} : memref<2048xf32, #tpu.memory_space<vmem>>, vector<16xf32>,
      %le3A_1660 = arith.cmpf ole, %get3A_1659, %broadcast_in_dim3A_1489 : vector<16xf32>
      %all_reduce_population_count3A_1661 = tpu.all_reduce %le3A_1660 {dim = 0 : i64, kind = #tpu.reduction_kind<sum>} : vector<16xi1> -> vector<16xi32>
      %add3A_1662 = arith.addi %add3A_1642, %all_reduce_population_count3A_1661 : vector<16xi32>
      %get3A_1663 = arith.constant 560 : index
      %get3A_1664 = tpu.vector_load %arg4[%get3A_1663] {strides = array<i32>} : memref<2048xf32, #tpu.memory_space<vmem>>, vector<16xf32>,
      %le3A_1665 = arith.cmpf ole, %get3A_1664, %broadcast_in_dim3A_1489 : vector<16xf32>
      %all_reduce_population_count3A_1666 = tpu.all_reduce %le3A_1665 {dim = 0 : i64, kind = #tpu.reduction_kind<sum>} : vector<16xi1> -> vector<16xi32>
      %add3A_1667 = arith.addi %add3A_1647, %all_reduce_population_count3A_1666 : vector<16xi32>
      %get3A_1668 = arith.constant 576 : index
      %get3A_1669 = tpu.vector_load %arg4[%get3A_1668] {strides = array<i32>} : memref<2048xf32, #tpu.memory_space<vmem>>, vector<16xf32>,
      %le3A_1670 = arith.cmpf ole, %get3A_1669, %broadcast_in_dim3A_1489 : vector<16xf32>
      %all_reduce_population_count3A_1671 = tpu.all_reduce %le3A_1670 {dim = 0 : i64, kind = #tpu.reduction_kind<sum>} : vector<16xi1> -> vector<16xi32>
      %add3A_1672 = arith.addi %add3A_1652, %all_reduce_population_count3A_1671 : vector<16xi32>
      %get3A_1673 = arith.constant 592 : index
      %get3A_1674 = tpu.vector_load %arg4[%get3A_1673] {strides = array<i32>} : memref<2048xf32, #tpu.memory_space<vmem>>, vector<16xf32>,
      %le3A_1675 = arith.cmpf ole, %get3A_1674, %broadcast_in_dim3A_1489 : vector<16xf32>
      %all_reduce_population_count3A_1676 = tpu.all_reduce %le3A_1675 {dim = 0 : i64, kind = #tpu.reduction_kind<sum>} : vector<16xi1> -> vector<16xi32>
      %add3A_1677 = arith.addi %add3A_1657, %all_reduce_population_count3A_1676 : vector<16xi32>
      %get3A_1678 = arith.constant 608 : index
      %get3A_1679 = tpu.vector_load %arg4[%get3A_1678] {strides = array<i32>} : memref<2048xf32, #tpu.memory_space<vmem>>, vector<16xf32>,
      %le3A_1680 = arith.cmpf ole, %get3A_1679, %broadcast_in_dim3A_1489 : vector<16xf32>
      %all_reduce_population_count3A_1681 = tpu.all_reduce %le3A_1680 {dim = 0 : i64, kind = #tpu.reduction_kind<sum>} : vector<16xi1> -> vector<16xi32>
      %add3A_1682 = arith.addi %add3A_1662, %all_reduce_population_count3A_1681 : vector<16xi32>
      %get3A_1683 = arith.constant 624 : index
      %get3A_1684 = tpu.vector_load %arg4[%get3A_1683] {strides = array<i32>} : memref<2048xf32, #tpu.memory_space<vmem>>, vector<16xf32>,
      %le3A_1685 = arith.cmpf ole, %get3A_1684, %broadcast_in_dim3A_1489 : vector<16xf32>
      %all_reduce_population_count3A_1686 = tpu.all_reduce %le3A_1685 {dim = 0 : i64, kind = #tpu.reduction_kind<sum>} : vector<16xi1> -> vector<16xi32>
      %add3A_1687 = arith.addi %add3A_1667, %all_reduce_population_count3A_1686 : vector<16xi32>
      %get3A_1688 = arith.constant 640 : index
      %get3A_1689 = tpu.vector_load %arg4[%get3A_1688] {strides = array<i32>} : memref<2048xf32, #tpu.memory_space<vmem>>, vector<16xf32>,
      %le3A_1690 = arith.cmpf ole, %get3A_1689, %broadcast_in_dim3A_1489 : vector<16xf32>
      %all_reduce_population_count3A_1691 = tpu.all_reduce %le3A_1690 {dim = 0 : i64, kind = #tpu.reduction_kind<sum>} : vector<16xi1> -> vector<16xi32>
      %add3A_1692 = arith.addi %add3A_1672, %all_reduce_population_count3A_1691 : vector<16xi32>
      %get3A_1693 = arith.constant 656 : index
      %get3A_1694 = tpu.vector_load %arg4[%get3A_1693] {strides = array<i32>} : memref<2048xf32, #tpu.memory_space<vmem>>, vector<16xf32>,
      %le3A_1695 = arith.cmpf ole, %get3A_1694, %broadcast_in_dim3A_1489 : vector<16xf32>
      %all_reduce_population_count3A_1696 = tpu.all_reduce %le3A_1695 {dim = 0 : i64, kind = #tpu.reduction_kind<sum>} : vector<16xi1> -> vector<16xi32>
      %add3A_1697 = arith.addi %add3A_1677, %all_reduce_population_count3A_1696 : vector<16xi32>
      %get3A_1698 = arith.constant 672 : index
      %get3A_1699 = tpu.vector_load %arg4[%get3A_1698] {strides = array<i32>} : memref<2048xf32, #tpu.memory_space<vmem>>, vector<16xf32>,
      %le3A_1700 = arith.cmpf ole, %get3A_1699, %broadcast_in_dim3A_1489 : vector<16xf32>
      %all_reduce_population_count3A_1701 = tpu.all_reduce %le3A_1700 {dim = 0 : i64, kind = #tpu.reduction_kind<sum>} : vector<16xi1> -> vector<16xi32>
      %add3A_1702 = arith.addi %add3A_1682, %all_reduce_population_count3A_1701 : vector<16xi32>
      %get3A_1703 = arith.constant 688 : index
      %get3A_1704 = tpu.vector_load %arg4[%get3A_1703] {strides = array<i32>} : memref<2048xf32, #tpu.memory_space<vmem>>, vector<16xf32>,
      %le3A_1705 = arith.cmpf ole, %get3A_1704, %broadcast_in_dim3A_1489 : vector<16xf32>
      %all_reduce_population_count3A_1706 = tpu.all_reduce %le3A_1705 {dim = 0 : i64, kind = #tpu.reduction_kind<sum>} : vector<16xi1> -> vector<16xi32>
      %add3A_1707 = arith.addi %add3A_1687, %all_reduce_population_count3A_1706 : vector<16xi32>
      %get3A_1708 = arith.constant 704 : index
      %get3A_1709 = tpu.vector_load %arg4[%get3A_1708] {strides = array<i32>} : memref<2048xf32, #tpu.memory_space<vmem>>, vector<16xf32>,
      %le3A_1710 = arith.cmpf ole, %get3A_1709, %broadcast_in_dim3A_1489 : vector<16xf32>
      %all_reduce_population_count3A_1711 = tpu.all_reduce %le3A_1710 {dim = 0 : i64, kind = #tpu.reduction_kind<sum>} : vector<16xi1> -> vector<16xi32>
      %add3A_1712 = arith.addi %add3A_1692, %all_reduce_population_count3A_1711 : vector<16xi32>
      %get3A_1713 = arith.constant 720 : index
      %get3A_1714 = tpu.vector_load %arg4[%get3A_1713] {strides = array<i32>} : memref<2048xf32, #tpu.memory_space<vmem>>, vector<16xf32>,
      %le3A_1715 = arith.cmpf ole, %get3A_1714, %broadcast_in_dim3A_1489 : vector<16xf32>
      %all_reduce_population_count3A_1716 = tpu.all_reduce %le3A_1715 {dim = 0 : i64, kind = #tpu.reduction_kind<sum>} : vector<16xi1> -> vector<16xi32>
      %add3A_1717 = arith.addi %add3A_1697, %all_reduce_population_count3A_1716 : vector<16xi32>
      %get3A_1718 = arith.constant 736 : index
      %get3A_1719 = tpu.vector_load %arg4[%get3A_1718] {strides = array<i32>} : memref<2048xf32, #tpu.memory_space<vmem>>, vector<16xf32>,
      %le3A_1720 = arith.cmpf ole, %get3A_1719, %broadcast_in_dim3A_1489 : vector<16xf32>
      %all_reduce_population_count3A_1721 = tpu.all_reduce %le3A_1720 {dim = 0 : i64, kind = #tpu.reduction_kind<sum>} : vector<16xi1> -> vector<16xi32>
      %add3A_1722 = arith.addi %add3A_1702, %all_reduce_population_count3A_1721 : vector<16xi32>
      %get3A_1723 = arith.constant 752 : index
      %get3A_1724 = tpu.vector_load %arg4[%get3A_1723] {strides = array<i32>} : memref<2048xf32, #tpu.memory_space<vmem>>, vector<16xf32>,
      %le3A_1725 = arith.cmpf ole, %get3A_1724, %broadcast_in_dim3A_1489 : vector<16xf32>
      %all_reduce_population_count3A_1726 = tpu.all_reduce %le3A_1725 {dim = 0 : i64, kind = #tpu.reduction_kind<sum>} : vector<16xi1> -> vector<16xi32>
      %add3A_1727 = arith.addi %add3A_1707, %all_reduce_population_count3A_1726 : vector<16xi32>
      %get3A_1728 = arith.constant 768 : index
      %get3A_1729 = tpu.vector_load %arg4[%get3A_1728] {strides = array<i32>} : memref<2048xf32, #tpu.memory_space<vmem>>, vector<16xf32>,
      %le3A_1730 = arith.cmpf ole, %get3A_1729, %broadcast_in_dim3A_1489 : vector<16xf32>
      %all_reduce_population_count3A_1731 = tpu.all_reduce %le3A_1730 {dim = 0 : i64, kind = #tpu.reduction_kind<sum>} : vector<16xi1> -> vector<16xi32>
      %add3A_1732 = arith.addi %add3A_1712, %all_reduce_population_count3A_1731 : vector<16xi32>
      %get3A_1733 = arith.constant 784 : index
      %get3A_1734 = tpu.vector_load %arg4[%get3A_1733] {strides = array<i32>} : memref<2048xf32, #tpu.memory_space<vmem>>, vector<16xf32>,
      %le3A_1735 = arith.cmpf ole, %get3A_1734, %broadcast_in_dim3A_1489 : vector<16xf32>
      %all_reduce_population_count3A_1736 = tpu.all_reduce %le3A_1735 {dim = 0 : i64, kind = #tpu.reduction_kind<sum>} : vector<16xi1> -> vector<16xi32>
      %add3A_1737 = arith.addi %add3A_1717, %all_reduce_population_count3A_1736 : vector<16xi32>
      %get3A_1738 = arith.constant 800 : index
      %get3A_1739 = tpu.vector_load %arg4[%get3A_1738] {strides = array<i32>} : memref<2048xf32, #tpu.memory_space<vmem>>, vector<16xf32>,
      %le3A_1740 = arith.cmpf ole, %get3A_1739, %broadcast_in_dim3A_1489 : vector<16xf32>
      %all_reduce_population_count3A_1741 = tpu.all_reduce %le3A_1740 {dim = 0 : i64, kind = #tpu.reduction_kind<sum>} : vector<16xi1> -> vector<16xi32>
      %add3A_1742 = arith.addi %add3A_1722, %all_reduce_population_count3A_1741 : vector<16xi32>
      %get3A_1743 = arith.constant 816 : index
      %get3A_1744 = tpu.vector_load %arg4[%get3A_1743] {strides = array<i32>} : memref<2048xf32, #tpu.memory_space<vmem>>, vector<16xf32>,
      %le3A_1745 = arith.cmpf ole, %get3A_1744, %broadcast_in_dim3A_1489 : vector<16xf32>
      %all_reduce_population_count3A_1746 = tpu.all_reduce %le3A_1745 {dim = 0 : i64, kind = #tpu.reduction_kind<sum>} : vector<16xi1> -> vector<16xi32>
      %add3A_1747 = arith.addi %add3A_1727, %all_reduce_population_count3A_1746 : vector<16xi32>
      %get3A_1748 = arith.constant 832 : index
      %get3A_1749 = tpu.vector_load %arg4[%get3A_1748] {strides = array<i32>} : memref<2048xf32, #tpu.memory_space<vmem>>, vector<16xf32>,
      %le3A_1750 = arith.cmpf ole, %get3A_1749, %broadcast_in_dim3A_1489 : vector<16xf32>
      %all_reduce_population_count3A_1751 = tpu.all_reduce %le3A_1750 {dim = 0 : i64, kind = #tpu.reduction_kind<sum>} : vector<16xi1> -> vector<16xi32>
      %add3A_1752 = arith.addi %add3A_1732, %all_reduce_population_count3A_1751 : vector<16xi32>
      %get3A_1753 = arith.constant 848 : index
      %get3A_1754 = tpu.vector_load %arg4[%get3A_1753] {strides = array<i32>} : memref<2048xf32, #tpu.memory_space<vmem>>, vector<16xf32>,
      %le3A_1755 = arith.cmpf ole, %get3A_1754, %broadcast_in_dim3A_1489 : vector<16xf32>
      %all_reduce_population_count3A_1756 = tpu.all_reduce %le3A_1755 {dim = 0 : i64, kind = #tpu.reduction_kind<sum>} : vector<16xi1> -> vector<16xi32>
      %add3A_1757 = arith.addi %add3A_1737, %all_reduce_population_count3A_1756 : vector<16xi32>
      %get3A_1758 = arith.constant 864 : index
      %get3A_1759 = tpu.vector_load %arg4[%get3A_1758] {strides = array<i32>} : memref<2048xf32, #tpu.memory_space<vmem>>, vector<16xf32>,
      %le3A_1760 = arith.cmpf ole, %get3A_1759, %broadcast_in_dim3A_1489 : vector<16xf32>
      %all_reduce_population_count3A_1761 = tpu.all_reduce %le3A_1760 {dim = 0 : i64, kind = #tpu.reduction_kind<sum>} : vector<16xi1> -> vector<16xi32>
      %add3A_1762 = arith.addi %add3A_1742, %all_reduce_population_count3A_1761 : vector<16xi32>
      %get3A_1763 = arith.constant 880 : index
      %get3A_1764 = tpu.vector_load %arg4[%get3A_1763] {strides = array<i32>} : memref<2048xf32, #tpu.memory_space<vmem>>, vector<16xf32>,
      %le3A_1765 = arith.cmpf ole, %get3A_1764, %broadcast_in_dim3A_1489 : vector<16xf32>
      %all_reduce_population_count3A_1766 = tpu.all_reduce %le3A_1765 {dim = 0 : i64, kind = #tpu.reduction_kind<sum>} : vector<16xi1> -> vector<16xi32>
      %add3A_1767 = arith.addi %add3A_1747, %all_reduce_population_count3A_1766 : vector<16xi32>
      %get3A_1768 = arith.constant 896 : index
      %get3A_1769 = tpu.vector_load %arg4[%get3A_1768] {strides = array<i32>} : memref<2048xf32, #tpu.memory_space<vmem>>, vector<16xf32>,
      %le3A_1770 = arith.cmpf ole, %get3A_1769, %broadcast_in_dim3A_1489 : vector<16xf32>
      %all_reduce_population_count3A_1771 = tpu.all_reduce %le3A_1770 {dim = 0 : i64, kind = #tpu.reduction_kind<sum>} : vector<16xi1> -> vector<16xi32>
      %add3A_1772 = arith.addi %add3A_1752, %all_reduce_population_count3A_1771 : vector<16xi32>
      %get3A_1773 = arith.constant 912 : index
      %get3A_1774 = tpu.vector_load %arg4[%get3A_1773] {strides = array<i32>} : memref<2048xf32, #tpu.memory_space<vmem>>, vector<16xf32>,
      %le3A_1775 = arith.cmpf ole, %get3A_1774, %broadcast_in_dim3A_1489 : vector<16xf32>
      %all_reduce_population_count3A_1776 = tpu.all_reduce %le3A_1775 {dim = 0 : i64, kind = #tpu.reduction_kind<sum>} : vector<16xi1> -> vector<16xi32>
      %add3A_1777 = arith.addi %add3A_1757, %all_reduce_population_count3A_1776 : vector<16xi32>
      %get3A_1778 = arith.constant 928 : index
      %get3A_1779 = tpu.vector_load %arg4[%get3A_1778] {strides = array<i32>} : memref<2048xf32, #tpu.memory_space<vmem>>, vector<16xf32>,
      %le3A_1780 = arith.cmpf ole, %get3A_1779, %broadcast_in_dim3A_1489 : vector<16xf32>
      %all_reduce_population_count3A_1781 = tpu.all_reduce %le3A_1780 {dim = 0 : i64, kind = #tpu.reduction_kind<sum>} : vector<16xi1> -> vector<16xi32>
      %add3A_1782 = arith.addi %add3A_1762, %all_reduce_population_count3A_1781 : vector<16xi32>
      %get3A_1783 = arith.constant 944 : index
      %get3A_1784 = tpu.vector_load %arg4[%get3A_1783] {strides = array<i32>} : memref<2048xf32, #tpu.memory_space<vmem>>, vector<16xf32>,
      %le3A_1785 = arith.cmpf ole, %get3A_1784, %broadcast_in_dim3A_1489 : vector<16xf32>
      %all_reduce_population_count3A_1786 = tpu.all_reduce %le3A_1785 {dim = 0 : i64, kind = #tpu.reduction_kind<sum>} : vector<16xi1> -> vector<16xi32>
      %add3A_1787 = arith.addi %add3A_1767, %all_reduce_population_count3A_1786 : vector<16xi32>
      %get3A_1788 = arith.constant 960 : index
      %get3A_1789 = tpu.vector_load %arg4[%get3A_1788] {strides = array<i32>} : memref<2048xf32, #tpu.memory_space<vmem>>, vector<16xf32>,
      %le3A_1790 = arith.cmpf ole, %get3A_1789, %broadcast_in_dim3A_1489 : vector<16xf32>
      %all_reduce_population_count3A_1791 = tpu.all_reduce %le3A_1790 {dim = 0 : i64, kind = #tpu.reduction_kind<sum>} : vector<16xi1> -> vector<16xi32>
      %add3A_1792 = arith.addi %add3A_1772, %all_reduce_population_count3A_1791 : vector<16xi32>
      %get3A_1793 = arith.constant 976 : index
      %get3A_1794 = tpu.vector_load %arg4[%get3A_1793] {strides = array<i32>} : memref<2048xf32, #tpu.memory_space<vmem>>, vector<16xf32>,
      %le3A_1795 = arith.cmpf ole, %get3A_1794, %broadcast_in_dim3A_1489 : vector<16xf32>
      %all_reduce_population_count3A_1796 = tpu.all_reduce %le3A_1795 {dim = 0 : i64, kind = #tpu.reduction_kind<sum>} : vector<16xi1> -> vector<16xi32>
      %add3A_1797 = arith.addi %add3A_1777, %all_reduce_population_count3A_1796 : vector<16xi32>
      %get3A_1798 = arith.constant 992 : index
      %get3A_1799 = tpu.vector_load %arg4[%get3A_1798] {strides = array<i32>} : memref<2048xf32, #tpu.memory_space<vmem>>, vector<16xf32>,
      %le3A_1800 = arith.cmpf ole, %get3A_1799, %broadcast_in_dim3A_1489 : vector<16xf32>
      %all_reduce_population_count3A_1801 = tpu.all_reduce %le3A_1800 {dim = 0 : i64, kind = #tpu.reduction_kind<sum>} : vector<16xi1> -> vector<16xi32>
      %add3A_1802 = arith.addi %add3A_1782, %all_reduce_population_count3A_1801 : vector<16xi32>
      %get3A_1803 = arith.constant 1008 : index
      %get3A_1804 = tpu.vector_load %arg4[%get3A_1803] {strides = array<i32>} : memref<2048xf32, #tpu.memory_space<vmem>>, vector<16xf32>,
      %le3A_1805 = arith.cmpf ole, %get3A_1804, %broadcast_in_dim3A_1489 : vector<16xf32>
      %all_reduce_population_count3A_1806 = tpu.all_reduce %le3A_1805 {dim = 0 : i64, kind = #tpu.reduction_kind<sum>} : vector<16xi1> -> vector<16xi32>
      %add3A_1807 = arith.addi %add3A_1787, %all_reduce_population_count3A_1806 : vector<16xi32>
      %get3A_1808 = arith.constant 1024 : index
      %get3A_1809 = tpu.vector_load %arg4[%get3A_1808] {strides = array<i32>} : memref<2048xf32, #tpu.memory_space<vmem>>, vector<16xf32>,
      %le3A_1810 = arith.cmpf ole, %get3A_1809, %broadcast_in_dim3A_1489 : vector<16xf32>
      %all_reduce_population_count3A_1811 = tpu.all_reduce %le3A_1810 {dim = 0 : i64, kind = #tpu.reduction_kind<sum>} : vector<16xi1> -> vector<16xi32>
      %add3A_1812 = arith.addi %add3A_1792, %all_reduce_population_count3A_1811 : vector<16xi32>
      %get3A_1813 = arith.constant 1040 : index
      %get3A_1814 = tpu.vector_load %arg4[%get3A_1813] {strides = array<i32>} : memref<2048xf32, #tpu.memory_space<vmem>>, vector<16xf32>,
      %le3A_1815 = arith.cmpf ole, %get3A_1814, %broadcast_in_dim3A_1489 : vector<16xf32>
      %all_reduce_population_count3A_1816 = tpu.all_reduce %le3A_1815 {dim = 0 : i64, kind = #tpu.reduction_kind<sum>} : vector<16xi1> -> vector<16xi32>
      %add3A_1817 = arith.addi %add3A_1797, %all_reduce_population_count3A_1816 : vector<16xi32>
      %get3A_1818 = arith.constant 1056 : index
      %get3A_1819 = tpu.vector_load %arg4[%get3A_1818] {strides = array<i32>} : memref<2048xf32, #tpu.memory_space<vmem>>, vector<16xf32>,
      %le3A_1820 = arith.cmpf ole, %get3A_1819, %broadcast_in_dim3A_1489 : vector<16xf32>
      %all_reduce_population_count3A_1821 = tpu.all_reduce %le3A_1820 {dim = 0 : i64, kind = #tpu.reduction_kind<sum>} : vector<16xi1> -> vector<16xi32>
      %add3A_1822 = arith.addi %add3A_1802, %all_reduce_population_count3A_1821 : vector<16xi32>
      %get3A_1823 = arith.constant 1072 : index
      %get3A_1824 = tpu.vector_load %arg4[%get3A_1823] {strides = array<i32>} : memref<2048xf32, #tpu.memory_space<vmem>>, vector<16xf32>,
      %le3A_1825 = arith.cmpf ole, %get3A_1824, %broadcast_in_dim3A_1489 : vector<16xf32>
      %all_reduce_population_count3A_1826 = tpu.all_reduce %le3A_1825 {dim = 0 : i64, kind = #tpu.reduction_kind<sum>} : vector<16xi1> -> vector<16xi32>
      %add3A_1827 = arith.addi %add3A_1807, %all_reduce_population_count3A_1826 : vector<16xi32>
      %get3A_1828 = arith.constant 1088 : index
      %get3A_1829 = tpu.vector_load %arg4[%get3A_1828] {strides = array<i32>} : memref<2048xf32, #tpu.memory_space<vmem>>, vector<16xf32>,
      %le3A_1830 = arith.cmpf ole, %get3A_1829, %broadcast_in_dim3A_1489 : vector<16xf32>
      %all_reduce_population_count3A_1831 = tpu.all_reduce %le3A_1830 {dim = 0 : i64, kind = #tpu.reduction_kind<sum>} : vector<16xi1> -> vector<16xi32>
      %add3A_1832 = arith.addi %add3A_1812, %all_reduce_population_count3A_1831 : vector<16xi32>
      %get3A_1833 = arith.constant 1104 : index
      %get3A_1834 = tpu.vector_load %arg4[%get3A_1833] {strides = array<i32>} : memref<2048xf32, #tpu.memory_space<vmem>>, vector<16xf32>,
      %le3A_1835 = arith.cmpf ole, %get3A_1834, %broadcast_in_dim3A_1489 : vector<16xf32>
      %all_reduce_population_count3A_1836 = tpu.all_reduce %le3A_1835 {dim = 0 : i64, kind = #tpu.reduction_kind<sum>} : vector<16xi1> -> vector<16xi32>
      %add3A_1837 = arith.addi %add3A_1817, %all_reduce_population_count3A_1836 : vector<16xi32>
      %get3A_1838 = arith.constant 1120 : index
      %get3A_1839 = tpu.vector_load %arg4[%get3A_1838] {strides = array<i32>} : memref<2048xf32, #tpu.memory_space<vmem>>, vector<16xf32>,
      %le3A_1840 = arith.cmpf ole, %get3A_1839, %broadcast_in_dim3A_1489 : vector<16xf32>
      %all_reduce_population_count3A_1841 = tpu.all_reduce %le3A_1840 {dim = 0 : i64, kind = #tpu.reduction_kind<sum>} : vector<16xi1> -> vector<16xi32>
      %add3A_1842 = arith.addi %add3A_1822, %all_reduce_population_count3A_1841 : vector<16xi32>
      %get3A_1843 = arith.constant 1136 : index
      %get3A_1844 = tpu.vector_load %arg4[%get3A_1843] {strides = array<i32>} : memref<2048xf32, #tpu.memory_space<vmem>>, vector<16xf32>,
      %le3A_1845 = arith.cmpf ole, %get3A_1844, %broadcast_in_dim3A_1489 : vector<16xf32>
      %all_reduce_population_count3A_1846 = tpu.all_reduce %le3A_1845 {dim = 0 : i64, kind = #tpu.reduction_kind<sum>} : vector<16xi1> -> vector<16xi32>
      %add3A_1847 = arith.addi %add3A_1827, %all_reduce_population_count3A_1846 : vector<16xi32>
      %get3A_1848 = arith.constant 1152 : index
      %get3A_1849 = tpu.vector_load %arg4[%get3A_1848] {strides = array<i32>} : memref<2048xf32, #tpu.memory_space<vmem>>, vector<16xf32>,
      %le3A_1850 = arith.cmpf ole, %get3A_1849, %broadcast_in_dim3A_1489 : vector<16xf32>
      %all_reduce_population_count3A_1851 = tpu.all_reduce %le3A_1850 {dim = 0 : i64, kind = #tpu.reduction_kind<sum>} : vector<16xi1> -> vector<16xi32>
      %add3A_1852 = arith.addi %add3A_1832, %all_reduce_population_count3A_1851 : vector<16xi32>
      %get3A_1853 = arith.constant 1168 : index
      %get3A_1854 = tpu.vector_load %arg4[%get3A_1853] {strides = array<i32>} : memref<2048xf32, #tpu.memory_space<vmem>>, vector<16xf32>,
      %le3A_1855 = arith.cmpf ole, %get3A_1854, %broadcast_in_dim3A_1489 : vector<16xf32>
      %all_reduce_population_count3A_1856 = tpu.all_reduce %le3A_1855 {dim = 0 : i64, kind = #tpu.reduction_kind<sum>} : vector<16xi1> -> vector<16xi32>
      %add3A_1857 = arith.addi %add3A_1837, %all_reduce_population_count3A_1856 : vector<16xi32>
      %get3A_1858 = arith.constant 1184 : index
      %get3A_1859 = tpu.vector_load %arg4[%get3A_1858] {strides = array<i32>} : memref<2048xf32, #tpu.memory_space<vmem>>, vector<16xf32>,
      %le3A_1860 = arith.cmpf ole, %get3A_1859, %broadcast_in_dim3A_1489 : vector<16xf32>
      %all_reduce_population_count3A_1861 = tpu.all_reduce %le3A_1860 {dim = 0 : i64, kind = #tpu.reduction_kind<sum>} : vector<16xi1> -> vector<16xi32>
      %add3A_1862 = arith.addi %add3A_1842, %all_reduce_population_count3A_1861 : vector<16xi32>
      %get3A_1863 = arith.constant 1200 : index
      %get3A_1864 = tpu.vector_load %arg4[%get3A_1863] {strides = array<i32>} : memref<2048xf32, #tpu.memory_space<vmem>>, vector<16xf32>,
      %le3A_1865 = arith.cmpf ole, %get3A_1864, %broadcast_in_dim3A_1489 : vector<16xf32>
      %all_reduce_population_count3A_1866 = tpu.all_reduce %le3A_1865 {dim = 0 : i64, kind = #tpu.reduction_kind<sum>} : vector<16xi1> -> vector<16xi32>
      %add3A_1867 = arith.addi %add3A_1847, %all_reduce_population_count3A_1866 : vector<16xi32>
      %get3A_1868 = arith.constant 1216 : index
      %get3A_1869 = tpu.vector_load %arg4[%get3A_1868] {strides = array<i32>} : memref<2048xf32, #tpu.memory_space<vmem>>, vector<16xf32>,
      %le3A_1870 = arith.cmpf ole, %get3A_1869, %broadcast_in_dim3A_1489 : vector<16xf32>
      %all_reduce_population_count3A_1871 = tpu.all_reduce %le3A_1870 {dim = 0 : i64, kind = #tpu.reduction_kind<sum>} : vector<16xi1> -> vector<16xi32>
      %add3A_1872 = arith.addi %add3A_1852, %all_reduce_population_count3A_1871 : vector<16xi32>
      %get3A_1873 = arith.constant 1232 : index
      %get3A_1874 = tpu.vector_load %arg4[%get3A_1873] {strides = array<i32>} : memref<2048xf32, #tpu.memory_space<vmem>>, vector<16xf32>,
      %le3A_1875 = arith.cmpf ole, %get3A_1874, %broadcast_in_dim3A_1489 : vector<16xf32>
      %all_reduce_population_count3A_1876 = tpu.all_reduce %le3A_1875 {dim = 0 : i64, kind = #tpu.reduction_kind<sum>} : vector<16xi1> -> vector<16xi32>
      %add3A_1877 = arith.addi %add3A_1857, %all_reduce_population_count3A_1876 : vector<16xi32>
      %get3A_1878 = arith.constant 1248 : index
      %get3A_1879 = tpu.vector_load %arg4[%get3A_1878] {strides = array<i32>} : memref<2048xf32, #tpu.memory_space<vmem>>, vector<16xf32>,
      %le3A_1880 = arith.cmpf ole, %get3A_1879, %broadcast_in_dim3A_1489 : vector<16xf32>
      %all_reduce_population_count3A_1881 = tpu.all_reduce %le3A_1880 {dim = 0 : i64, kind = #tpu.reduction_kind<sum>} : vector<16xi1> -> vector<16xi32>
      %add3A_1882 = arith.addi %add3A_1862, %all_reduce_population_count3A_1881 : vector<16xi32>
      %get3A_1883 = arith.constant 1264 : index
      %get3A_1884 = tpu.vector_load %arg4[%get3A_1883] {strides = array<i32>} : memref<2048xf32, #tpu.memory_space<vmem>>, vector<16xf32>,
      %le3A_1885 = arith.cmpf ole, %get3A_1884, %broadcast_in_dim3A_1489 : vector<16xf32>
      %all_reduce_population_count3A_1886 = tpu.all_reduce %le3A_1885 {dim = 0 : i64, kind = #tpu.reduction_kind<sum>} : vector<16xi1> -> vector<16xi32>
      %add3A_1887 = arith.addi %add3A_1867, %all_reduce_population_count3A_1886 : vector<16xi32>
      %get3A_1888 = arith.constant 1280 : index
      %get3A_1889 = tpu.vector_load %arg4[%get3A_1888] {strides = array<i32>} : memref<2048xf32, #tpu.memory_space<vmem>>, vector<16xf32>,
      %le3A_1890 = arith.cmpf ole, %get3A_1889, %broadcast_in_dim3A_1489 : vector<16xf32>
      %all_reduce_population_count3A_1891 = tpu.all_reduce %le3A_1890 {dim = 0 : i64, kind = #tpu.reduction_kind<sum>} : vector<16xi1> -> vector<16xi32>
      %add3A_1892 = arith.addi %add3A_1872, %all_reduce_population_count3A_1891 : vector<16xi32>
      %get3A_1893 = arith.constant 1296 : index
      %get3A_1894 = tpu.vector_load %arg4[%get3A_1893] {strides = array<i32>} : memref<2048xf32, #tpu.memory_space<vmem>>, vector<16xf32>,
      %le3A_1895 = arith.cmpf ole, %get3A_1894, %broadcast_in_dim3A_1489 : vector<16xf32>
      %all_reduce_population_count3A_1896 = tpu.all_reduce %le3A_1895 {dim = 0 : i64, kind = #tpu.reduction_kind<sum>} : vector<16xi1> -> vector<16xi32>
      %add3A_1897 = arith.addi %add3A_1877, %all_reduce_population_count3A_1896 : vector<16xi32>
      %get3A_1898 = arith.constant 1312 : index
      %get3A_1899 = tpu.vector_load %arg4[%get3A_1898] {strides = array<i32>} : memref<2048xf32, #tpu.memory_space<vmem>>, vector<16xf32>,
      %le3A_1900 = arith.cmpf ole, %get3A_1899, %broadcast_in_dim3A_1489 : vector<16xf32>
      %all_reduce_population_count3A_1901 = tpu.all_reduce %le3A_1900 {dim = 0 : i64, kind = #tpu.reduction_kind<sum>} : vector<16xi1> -> vector<16xi32>
      %add3A_1902 = arith.addi %add3A_1882, %all_reduce_population_count3A_1901 : vector<16xi32>
      %get3A_1903 = arith.constant 1328 : index
      %get3A_1904 = tpu.vector_load %arg4[%get3A_1903] {strides = array<i32>} : memref<2048xf32, #tpu.memory_space<vmem>>, vector<16xf32>,
      %le3A_1905 = arith.cmpf ole, %get3A_1904, %broadcast_in_dim3A_1489 : vector<16xf32>
      %all_reduce_population_count3A_1906 = tpu.all_reduce %le3A_1905 {dim = 0 : i64, kind = #tpu.reduction_kind<sum>} : vector<16xi1> -> vector<16xi32>
      %add3A_1907 = arith.addi %add3A_1887, %all_reduce_population_count3A_1906 : vector<16xi32>
      %get3A_1908 = arith.constant 1344 : index
      %get3A_1909 = tpu.vector_load %arg4[%get3A_1908] {strides = array<i32>} : memref<2048xf32, #tpu.memory_space<vmem>>, vector<16xf32>,
      %le3A_1910 = arith.cmpf ole, %get3A_1909, %broadcast_in_dim3A_1489 : vector<16xf32>
      %all_reduce_population_count3A_1911 = tpu.all_reduce %le3A_1910 {dim = 0 : i64, kind = #tpu.reduction_kind<sum>} : vector<16xi1> -> vector<16xi32>
      %add3A_1912 = arith.addi %add3A_1892, %all_reduce_population_count3A_1911 : vector<16xi32>
      %get3A_1913 = arith.constant 1360 : index
      %get3A_1914 = tpu.vector_load %arg4[%get3A_1913] {strides = array<i32>} : memref<2048xf32, #tpu.memory_space<vmem>>, vector<16xf32>,
      %le3A_1915 = arith.cmpf ole, %get3A_1914, %broadcast_in_dim3A_1489 : vector<16xf32>
      %all_reduce_population_count3A_1916 = tpu.all_reduce %le3A_1915 {dim = 0 : i64, kind = #tpu.reduction_kind<sum>} : vector<16xi1> -> vector<16xi32>
      %add3A_1917 = arith.addi %add3A_1897, %all_reduce_population_count3A_1916 : vector<16xi32>
      %get3A_1918 = arith.constant 1376 : index
      %get3A_1919 = tpu.vector_load %arg4[%get3A_1918] {strides = array<i32>} : memref<2048xf32, #tpu.memory_space<vmem>>, vector<16xf32>,
      %le3A_1920 = arith.cmpf ole, %get3A_1919, %broadcast_in_dim3A_1489 : vector<16xf32>
      %all_reduce_population_count3A_1921 = tpu.all_reduce %le3A_1920 {dim = 0 : i64, kind = #tpu.reduction_kind<sum>} : vector<16xi1> -> vector<16xi32>
      %add3A_1922 = arith.addi %add3A_1902, %all_reduce_population_count3A_1921 : vector<16xi32>
      %get3A_1923 = arith.constant 1392 : index
      %get3A_1924 = tpu.vector_load %arg4[%get3A_1923] {strides = array<i32>} : memref<2048xf32, #tpu.memory_space<vmem>>, vector<16xf32>,
      %le3A_1925 = arith.cmpf ole, %get3A_1924, %broadcast_in_dim3A_1489 : vector<16xf32>
      %all_reduce_population_count3A_1926 = tpu.all_reduce %le3A_1925 {dim = 0 : i64, kind = #tpu.reduction_kind<sum>} : vector<16xi1> -> vector<16xi32>
      %add3A_1927 = arith.addi %add3A_1907, %all_reduce_population_count3A_1926 : vector<16xi32>
      %get3A_1928 = arith.constant 1408 : index
      %get3A_1929 = tpu.vector_load %arg4[%get3A_1928] {strides = array<i32>} : memref<2048xf32, #tpu.memory_space<vmem>>, vector<16xf32>,
      %le3A_1930 = arith.cmpf ole, %get3A_1929, %broadcast_in_dim3A_1489 : vector<16xf32>
      %all_reduce_population_count3A_1931 = tpu.all_reduce %le3A_1930 {dim = 0 : i64, kind = #tpu.reduction_kind<sum>} : vector<16xi1> -> vector<16xi32>
      %add3A_1932 = arith.addi %add3A_1912, %all_reduce_population_count3A_1931 : vector<16xi32>
      %get3A_1933 = arith.constant 1424 : index
      %get3A_1934 = tpu.vector_load %arg4[%get3A_1933] {strides = array<i32>} : memref<2048xf32, #tpu.memory_space<vmem>>, vector<16xf32>,
      %le3A_1935 = arith.cmpf ole, %get3A_1934, %broadcast_in_dim3A_1489 : vector<16xf32>
      %all_reduce_population_count3A_1936 = tpu.all_reduce %le3A_1935 {dim = 0 : i64, kind = #tpu.reduction_kind<sum>} : vector<16xi1> -> vector<16xi32>
      %add3A_1937 = arith.addi %add3A_1917, %all_reduce_population_count3A_1936 : vector<16xi32>
      %get3A_1938 = arith.constant 1440 : index
      %get3A_1939 = tpu.vector_load %arg4[%get3A_1938] {strides = array<i32>} : memref<2048xf32, #tpu.memory_space<vmem>>, vector<16xf32>,
      %le3A_1940 = arith.cmpf ole, %get3A_1939, %broadcast_in_dim3A_1489 : vector<16xf32>
      %all_reduce_population_count3A_1941 = tpu.all_reduce %le3A_1940 {dim = 0 : i64, kind = #tpu.reduction_kind<sum>} : vector<16xi1> -> vector<16xi32>
      %add3A_1942 = arith.addi %add3A_1922, %all_reduce_population_count3A_1941 : vector<16xi32>
      %get3A_1943 = arith.constant 1456 : index
      %get3A_1944 = tpu.vector_load %arg4[%get3A_1943] {strides = array<i32>} : memref<2048xf32, #tpu.memory_space<vmem>>, vector<16xf32>,
      %le3A_1945 = arith.cmpf ole, %get3A_1944, %broadcast_in_dim3A_1489 : vector<16xf32>
      %all_reduce_population_count3A_1946 = tpu.all_reduce %le3A_1945 {dim = 0 : i64, kind = #tpu.reduction_kind<sum>} : vector<16xi1> -> vector<16xi32>
      %add3A_1947 = arith.addi %add3A_1927, %all_reduce_population_count3A_1946 : vector<16xi32>
      %get3A_1948 = arith.constant 1472 : index
      %get3A_1949 = tpu.vector_load %arg4[%get3A_1948] {strides = array<i32>} : memref<2048xf32, #tpu.memory_space<vmem>>, vector<16xf32>,
      %le3A_1950 = arith.cmpf ole, %get3A_1949, %broadcast_in_dim3A_1489 : vector<16xf32>
      %all_reduce_population_count3A_1951 = tpu.all_reduce %le3A_1950 {dim = 0 : i64, kind = #tpu.reduction_kind<sum>} : vector<16xi1> -> vector<16xi32>
      %add3A_1952 = arith.addi %add3A_1932, %all_reduce_population_count3A_1951 : vector<16xi32>
      %get3A_1953 = arith.constant 1488 : index
      %get3A_1954 = tpu.vector_load %arg4[%get3A_1953] {strides = array<i32>} : memref<2048xf32, #tpu.memory_space<vmem>>, vector<16xf32>,
      %le3A_1955 = arith.cmpf ole, %get3A_1954, %broadcast_in_dim3A_1489 : vector<16xf32>
      %all_reduce_population_count3A_1956 = tpu.all_reduce %le3A_1955 {dim = 0 : i64, kind = #tpu.reduction_kind<sum>} : vector<16xi1> -> vector<16xi32>
      %add3A_1957 = arith.addi %add3A_1937, %all_reduce_population_count3A_1956 : vector<16xi32>
      %get3A_1958 = arith.constant 1504 : index
      %get3A_1959 = tpu.vector_load %arg4[%get3A_1958] {strides = array<i32>} : memref<2048xf32, #tpu.memory_space<vmem>>, vector<16xf32>,
      %le3A_1960 = arith.cmpf ole, %get3A_1959, %broadcast_in_dim3A_1489 : vector<16xf32>
      %all_reduce_population_count3A_1961 = tpu.all_reduce %le3A_1960 {dim = 0 : i64, kind = #tpu.reduction_kind<sum>} : vector<16xi1> -> vector<16xi32>
      %add3A_1962 = arith.addi %add3A_1942, %all_reduce_population_count3A_1961 : vector<16xi32>
      %get3A_1963 = arith.constant 1520 : index
      %get3A_1964 = tpu.vector_load %arg4[%get3A_1963] {strides = array<i32>} : memref<2048xf32, #tpu.memory_space<vmem>>, vector<16xf32>,
      %le3A_1965 = arith.cmpf ole, %get3A_1964, %broadcast_in_dim3A_1489 : vector<16xf32>
      %all_reduce_population_count3A_1966 = tpu.all_reduce %le3A_1965 {dim = 0 : i64, kind = #tpu.reduction_kind<sum>} : vector<16xi1> -> vector<16xi32>
      %add3A_1967 = arith.addi %add3A_1947, %all_reduce_population_count3A_1966 : vector<16xi32>
      %get3A_1968 = arith.constant 1536 : index
      %get3A_1969 = tpu.vector_load %arg4[%get3A_1968] {strides = array<i32>} : memref<2048xf32, #tpu.memory_space<vmem>>, vector<16xf32>,
      %le3A_1970 = arith.cmpf ole, %get3A_1969, %broadcast_in_dim3A_1489 : vector<16xf32>
      %all_reduce_population_count3A_1971 = tpu.all_reduce %le3A_1970 {dim = 0 : i64, kind = #tpu.reduction_kind<sum>} : vector<16xi1> -> vector<16xi32>
      %add3A_1972 = arith.addi %add3A_1952, %all_reduce_population_count3A_1971 : vector<16xi32>
      %get3A_1973 = arith.constant 1552 : index
      %get3A_1974 = tpu.vector_load %arg4[%get3A_1973] {strides = array<i32>} : memref<2048xf32, #tpu.memory_space<vmem>>, vector<16xf32>,
      %le3A_1975 = arith.cmpf ole, %get3A_1974, %broadcast_in_dim3A_1489 : vector<16xf32>
      %all_reduce_population_count3A_1976 = tpu.all_reduce %le3A_1975 {dim = 0 : i64, kind = #tpu.reduction_kind<sum>} : vector<16xi1> -> vector<16xi32>
      %add3A_1977 = arith.addi %add3A_1957, %all_reduce_population_count3A_1976 : vector<16xi32>
      %get3A_1978 = arith.constant 1568 : index
      %get3A_1979 = tpu.vector_load %arg4[%get3A_1978] {strides = array<i32>} : memref<2048xf32, #tpu.memory_space<vmem>>, vector<16xf32>,
      %le3A_1980 = arith.cmpf ole, %get3A_1979, %broadcast_in_dim3A_1489 : vector<16xf32>
      %all_reduce_population_count3A_1981 = tpu.all_reduce %le3A_1980 {dim = 0 : i64, kind = #tpu.reduction_kind<sum>} : vector<16xi1> -> vector<16xi32>
      %add3A_1982 = arith.addi %add3A_1962, %all_reduce_population_count3A_1981 : vector<16xi32>
      %get3A_1983 = arith.constant 1584 : index
      %get3A_1984 = tpu.vector_load %arg4[%get3A_1983] {strides = array<i32>} : memref<2048xf32, #tpu.memory_space<vmem>>, vector<16xf32>,
      %le3A_1985 = arith.cmpf ole, %get3A_1984, %broadcast_in_dim3A_1489 : vector<16xf32>
      %all_reduce_population_count3A_1986 = tpu.all_reduce %le3A_1985 {dim = 0 : i64, kind = #tpu.reduction_kind<sum>} : vector<16xi1> -> vector<16xi32>
      %add3A_1987 = arith.addi %add3A_1967, %all_reduce_population_count3A_1986 : vector<16xi32>
      %get3A_1988 = arith.constant 1600 : index
      %get3A_1989 = tpu.vector_load %arg4[%get3A_1988] {strides = array<i32>} : memref<2048xf32, #tpu.memory_space<vmem>>, vector<16xf32>,
      %le3A_1990 = arith.cmpf ole, %get3A_1989, %broadcast_in_dim3A_1489 : vector<16xf32>
      %all_reduce_population_count3A_1991 = tpu.all_reduce %le3A_1990 {dim = 0 : i64, kind = #tpu.reduction_kind<sum>} : vector<16xi1> -> vector<16xi32>
      %add3A_1992 = arith.addi %add3A_1972, %all_reduce_population_count3A_1991 : vector<16xi32>
      %get3A_1993 = arith.constant 1616 : index
      %get3A_1994 = tpu.vector_load %arg4[%get3A_1993] {strides = array<i32>} : memref<2048xf32, #tpu.memory_space<vmem>>, vector<16xf32>,
      %le3A_1995 = arith.cmpf ole, %get3A_1994, %broadcast_in_dim3A_1489 : vector<16xf32>
      %all_reduce_population_count3A_1996 = tpu.all_reduce %le3A_1995 {dim = 0 : i64, kind = #tpu.reduction_kind<sum>} : vector<16xi1> -> vector<16xi32>
      %add3A_1997 = arith.addi %add3A_1977, %all_reduce_population_count3A_1996 : vector<16xi32>
      %get3A_1998 = arith.constant 1632 : index
      %get3A_1999 = tpu.vector_load %arg4[%get3A_1998] {strides = array<i32>} : memref<2048xf32, #tpu.memory_space<vmem>>, vector<16xf32>,
      %le3A_2000 = arith.cmpf ole, %get3A_1999, %broadcast_in_dim3A_1489 : vector<16xf32>
      %all_reduce_population_count3A_2001 = tpu.all_reduce %le3A_2000 {dim = 0 : i64, kind = #tpu.reduction_kind<sum>} : vector<16xi1> -> vector<16xi32>
      %add3A_2002 = arith.addi %add3A_1982, %all_reduce_population_count3A_2001 : vector<16xi32>
      %get3A_2003 = arith.constant 1648 : index
      %get3A_2004 = tpu.vector_load %arg4[%get3A_2003] {strides = array<i32>} : memref<2048xf32, #tpu.memory_space<vmem>>, vector<16xf32>,
      %le3A_2005 = arith.cmpf ole, %get3A_2004, %broadcast_in_dim3A_1489 : vector<16xf32>
      %all_reduce_population_count3A_2006 = tpu.all_reduce %le3A_2005 {dim = 0 : i64, kind = #tpu.reduction_kind<sum>} : vector<16xi1> -> vector<16xi32>
      %add3A_2007 = arith.addi %add3A_1987, %all_reduce_population_count3A_2006 : vector<16xi32>
      %get3A_2008 = arith.constant 1664 : index
      %get3A_2009 = tpu.vector_load %arg4[%get3A_2008] {strides = array<i32>} : memref<2048xf32, #tpu.memory_space<vmem>>, vector<16xf32>,
      %le3A_2010 = arith.cmpf ole, %get3A_2009, %broadcast_in_dim3A_1489 : vector<16xf32>
      %all_reduce_population_count3A_2011 = tpu.all_reduce %le3A_2010 {dim = 0 : i64, kind = #tpu.reduction_kind<sum>} : vector<16xi1> -> vector<16xi32>
      %add3A_2012 = arith.addi %add3A_1992, %all_reduce_population_count3A_2011 : vector<16xi32>
      %get3A_2013 = arith.constant 1680 : index
      %get3A_2014 = tpu.vector_load %arg4[%get3A_2013] {strides = array<i32>} : memref<2048xf32, #tpu.memory_space<vmem>>, vector<16xf32>,
      %le3A_2015 = arith.cmpf ole, %get3A_2014, %broadcast_in_dim3A_1489 : vector<16xf32>
      %all_reduce_population_count3A_2016 = tpu.all_reduce %le3A_2015 {dim = 0 : i64, kind = #tpu.reduction_kind<sum>} : vector<16xi1> -> vector<16xi32>
      %add3A_2017 = arith.addi %add3A_1997, %all_reduce_population_count3A_2016 : vector<16xi32>
      %get3A_2018 = arith.constant 1696 : index
      %get3A_2019 = tpu.vector_load %arg4[%get3A_2018] {strides = array<i32>} : memref<2048xf32, #tpu.memory_space<vmem>>, vector<16xf32>,
      %le3A_2020 = arith.cmpf ole, %get3A_2019, %broadcast_in_dim3A_1489 : vector<16xf32>
      %all_reduce_population_count3A_2021 = tpu.all_reduce %le3A_2020 {dim = 0 : i64, kind = #tpu.reduction_kind<sum>} : vector<16xi1> -> vector<16xi32>
      %add3A_2022 = arith.addi %add3A_2002, %all_reduce_population_count3A_2021 : vector<16xi32>
      %get3A_2023 = arith.constant 1712 : index
      %get3A_2024 = tpu.vector_load %arg4[%get3A_2023] {strides = array<i32>} : memref<2048xf32, #tpu.memory_space<vmem>>, vector<16xf32>,
      %le3A_2025 = arith.cmpf ole, %get3A_2024, %broadcast_in_dim3A_1489 : vector<16xf32>
      %all_reduce_population_count3A_2026 = tpu.all_reduce %le3A_2025 {dim = 0 : i64, kind = #tpu.reduction_kind<sum>} : vector<16xi1> -> vector<16xi32>
      %add3A_2027 = arith.addi %add3A_2007, %all_reduce_population_count3A_2026 : vector<16xi32>
      %get3A_2028 = arith.constant 1728 : index
      %get3A_2029 = tpu.vector_load %arg4[%get3A_2028] {strides = array<i32>} : memref<2048xf32, #tpu.memory_space<vmem>>, vector<16xf32>,
      %le3A_2030 = arith.cmpf ole, %get3A_2029, %broadcast_in_dim3A_1489 : vector<16xf32>
      %all_reduce_population_count3A_2031 = tpu.all_reduce %le3A_2030 {dim = 0 : i64, kind = #tpu.reduction_kind<sum>} : vector<16xi1> -> vector<16xi32>
      %add3A_2032 = arith.addi %add3A_2012, %all_reduce_population_count3A_2031 : vector<16xi32>
      %get3A_2033 = arith.constant 1744 : index
      %get3A_2034 = tpu.vector_load %arg4[%get3A_2033] {strides = array<i32>} : memref<2048xf32, #tpu.memory_space<vmem>>, vector<16xf32>,
      %le3A_2035 = arith.cmpf ole, %get3A_2034, %broadcast_in_dim3A_1489 : vector<16xf32>
      %all_reduce_population_count3A_2036 = tpu.all_reduce %le3A_2035 {dim = 0 : i64, kind = #tpu.reduction_kind<sum>} : vector<16xi1> -> vector<16xi32>
      %add3A_2037 = arith.addi %add3A_2017, %all_reduce_population_count3A_2036 : vector<16xi32>
      %get3A_2038 = arith.constant 1760 : index
      %get3A_2039 = tpu.vector_load %arg4[%get3A_2038] {strides = array<i32>} : memref<2048xf32, #tpu.memory_space<vmem>>, vector<16xf32>,
      %le3A_2040 = arith.cmpf ole, %get3A_2039, %broadcast_in_dim3A_1489 : vector<16xf32>
      %all_reduce_population_count3A_2041 = tpu.all_reduce %le3A_2040 {dim = 0 : i64, kind = #tpu.reduction_kind<sum>} : vector<16xi1> -> vector<16xi32>
      %add3A_2042 = arith.addi %add3A_2022, %all_reduce_population_count3A_2041 : vector<16xi32>
      %get3A_2043 = arith.constant 1776 : index
      %get3A_2044 = tpu.vector_load %arg4[%get3A_2043] {strides = array<i32>} : memref<2048xf32, #tpu.memory_space<vmem>>, vector<16xf32>,
      %le3A_2045 = arith.cmpf ole, %get3A_2044, %broadcast_in_dim3A_1489 : vector<16xf32>
      %all_reduce_population_count3A_2046 = tpu.all_reduce %le3A_2045 {dim = 0 : i64, kind = #tpu.reduction_kind<sum>} : vector<16xi1> -> vector<16xi32>
      %add3A_2047 = arith.addi %add3A_2027, %all_reduce_population_count3A_2046 : vector<16xi32>
      %get3A_2048 = arith.constant 1792 : index
      %get3A_2049 = tpu.vector_load %arg4[%get3A_2048] {strides = array<i32>} : memref<2048xf32, #tpu.memory_space<vmem>>, vector<16xf32>,
      %le3A_2050 = arith.cmpf ole, %get3A_2049, %broadcast_in_dim3A_1489 : vector<16xf32>
      %all_reduce_population_count3A_2051 = tpu.all_reduce %le3A_2050 {dim = 0 : i64, kind = #tpu.reduction_kind<sum>} : vector<16xi1> -> vector<16xi32>
      %add3A_2052 = arith.addi %add3A_2032, %all_reduce_population_count3A_2051 : vector<16xi32>
      %get3A_2053 = arith.constant 1808 : index
      %get3A_2054 = tpu.vector_load %arg4[%get3A_2053] {strides = array<i32>} : memref<2048xf32, #tpu.memory_space<vmem>>, vector<16xf32>,
      %le3A_2055 = arith.cmpf ole, %get3A_2054, %broadcast_in_dim3A_1489 : vector<16xf32>
      %all_reduce_population_count3A_2056 = tpu.all_reduce %le3A_2055 {dim = 0 : i64, kind = #tpu.reduction_kind<sum>} : vector<16xi1> -> vector<16xi32>
      %add3A_2057 = arith.addi %add3A_2037, %all_reduce_population_count3A_2056 : vector<16xi32>
      %get3A_2058 = arith.constant 1824 : index
      %get3A_2059 = tpu.vector_load %arg4[%get3A_2058] {strides = array<i32>} : memref<2048xf32, #tpu.memory_space<vmem>>, vector<16xf32>,
      %le3A_2060 = arith.cmpf ole, %get3A_2059, %broadcast_in_dim3A_1489 : vector<16xf32>
      %all_reduce_population_count3A_2061 = tpu.all_reduce %le3A_2060 {dim = 0 : i64, kind = #tpu.reduction_kind<sum>} : vector<16xi1> -> vector<16xi32>
      %add3A_2062 = arith.addi %add3A_2042, %all_reduce_population_count3A_2061 : vector<16xi32>
      %get3A_2063 = arith.constant 1840 : index
      %get3A_2064 = tpu.vector_load %arg4[%get3A_2063] {strides = array<i32>} : memref<2048xf32, #tpu.memory_space<vmem>>, vector<16xf32>,
      %le3A_2065 = arith.cmpf ole, %get3A_2064, %broadcast_in_dim3A_1489 : vector<16xf32>
      %all_reduce_population_count3A_2066 = tpu.all_reduce %le3A_2065 {dim = 0 : i64, kind = #tpu.reduction_kind<sum>} : vector<16xi1> -> vector<16xi32>
      %add3A_2067 = arith.addi %add3A_2047, %all_reduce_population_count3A_2066 : vector<16xi32>
      %get3A_2068 = arith.constant 1856 : index
      %get3A_2069 = tpu.vector_load %arg4[%get3A_2068] {strides = array<i32>} : memref<2048xf32, #tpu.memory_space<vmem>>, vector<16xf32>,
      %le3A_2070 = arith.cmpf ole, %get3A_2069, %broadcast_in_dim3A_1489 : vector<16xf32>
      %all_reduce_population_count3A_2071 = tpu.all_reduce %le3A_2070 {dim = 0 : i64, kind = #tpu.reduction_kind<sum>} : vector<16xi1> -> vector<16xi32>
      %add3A_2072 = arith.addi %add3A_2052, %all_reduce_population_count3A_2071 : vector<16xi32>
      %get3A_2073 = arith.constant 1872 : index
      %get3A_2074 = tpu.vector_load %arg4[%get3A_2073] {strides = array<i32>} : memref<2048xf32, #tpu.memory_space<vmem>>, vector<16xf32>,
      %le3A_2075 = arith.cmpf ole, %get3A_2074, %broadcast_in_dim3A_1489 : vector<16xf32>
      %all_reduce_population_count3A_2076 = tpu.all_reduce %le3A_2075 {dim = 0 : i64, kind = #tpu.reduction_kind<sum>} : vector<16xi1> -> vector<16xi32>
      %add3A_2077 = arith.addi %add3A_2057, %all_reduce_population_count3A_2076 : vector<16xi32>
      %get3A_2078 = arith.constant 1888 : index
      %get3A_2079 = tpu.vector_load %arg4[%get3A_2078] {strides = array<i32>} : memref<2048xf32, #tpu.memory_space<vmem>>, vector<16xf32>,
      %le3A_2080 = arith.cmpf ole, %get3A_2079, %broadcast_in_dim3A_1489 : vector<16xf32>
      %all_reduce_population_count3A_2081 = tpu.all_reduce %le3A_2080 {dim = 0 : i64, kind = #tpu.reduction_kind<sum>} : vector<16xi1> -> vector<16xi32>
      %add3A_2082 = arith.addi %add3A_2062, %all_reduce_population_count3A_2081 : vector<16xi32>
      %get3A_2083 = arith.constant 1904 : index
      %get3A_2084 = tpu.vector_load %arg4[%get3A_2083] {strides = array<i32>} : memref<2048xf32, #tpu.memory_space<vmem>>, vector<16xf32>,
      %le3A_2085 = arith.cmpf ole, %get3A_2084, %broadcast_in_dim3A_1489 : vector<16xf32>
      %all_reduce_population_count3A_2086 = tpu.all_reduce %le3A_2085 {dim = 0 : i64, kind = #tpu.reduction_kind<sum>} : vector<16xi1> -> vector<16xi32>
      %add3A_2087 = arith.addi %add3A_2067, %all_reduce_population_count3A_2086 : vector<16xi32>
      %get3A_2088 = arith.constant 1920 : index
      %get3A_2089 = tpu.vector_load %arg4[%get3A_2088] {strides = array<i32>} : memref<2048xf32, #tpu.memory_space<vmem>>, vector<16xf32>,
      %le3A_2090 = arith.cmpf ole, %get3A_2089, %broadcast_in_dim3A_1489 : vector<16xf32>
      %all_reduce_population_count3A_2091 = tpu.all_reduce %le3A_2090 {dim = 0 : i64, kind = #tpu.reduction_kind<sum>} : vector<16xi1> -> vector<16xi32>
      %add3A_2092 = arith.addi %add3A_2072, %all_reduce_population_count3A_2091 : vector<16xi32>
      %get3A_2093 = arith.constant 1936 : index
      %get3A_2094 = tpu.vector_load %arg4[%get3A_2093] {strides = array<i32>} : memref<2048xf32, #tpu.memory_space<vmem>>, vector<16xf32>,
      %le3A_2095 = arith.cmpf ole, %get3A_2094, %broadcast_in_dim3A_1489 : vector<16xf32>
      %all_reduce_population_count3A_2096 = tpu.all_reduce %le3A_2095 {dim = 0 : i64, kind = #tpu.reduction_kind<sum>} : vector<16xi1> -> vector<16xi32>
      %add3A_2097 = arith.addi %add3A_2077, %all_reduce_population_count3A_2096 : vector<16xi32>
      %get3A_2098 = arith.constant 1952 : index
      %get3A_2099 = tpu.vector_load %arg4[%get3A_2098] {strides = array<i32>} : memref<2048xf32, #tpu.memory_space<vmem>>, vector<16xf32>,
      %le3A_2100 = arith.cmpf ole, %get3A_2099, %broadcast_in_dim3A_1489 : vector<16xf32>
      %all_reduce_population_count3A_2101 = tpu.all_reduce %le3A_2100 {dim = 0 : i64, kind = #tpu.reduction_kind<sum>} : vector<16xi1> -> vector<16xi32>
      %add3A_2102 = arith.addi %add3A_2082, %all_reduce_population_count3A_2101 : vector<16xi32>
      %get3A_2103 = arith.constant 1968 : index
      %get3A_2104 = tpu.vector_load %arg4[%get3A_2103] {strides = array<i32>} : memref<2048xf32, #tpu.memory_space<vmem>>, vector<16xf32>,
      %le3A_2105 = arith.cmpf ole, %get3A_2104, %broadcast_in_dim3A_1489 : vector<16xf32>
      %all_reduce_population_count3A_2106 = tpu.all_reduce %le3A_2105 {dim = 0 : i64, kind = #tpu.reduction_kind<sum>} : vector<16xi1> -> vector<16xi32>
      %add3A_2107 = arith.addi %add3A_2087, %all_reduce_population_count3A_2106 : vector<16xi32>
      %get3A_2108 = arith.constant 1984 : index
      %get3A_2109 = tpu.vector_load %arg4[%get3A_2108] {strides = array<i32>} : memref<2048xf32, #tpu.memory_space<vmem>>, vector<16xf32>,
      %le3A_2110 = arith.cmpf ole, %get3A_2109, %broadcast_in_dim3A_1489 : vector<16xf32>
      %all_reduce_population_count3A_2111 = tpu.all_reduce %le3A_2110 {dim = 0 : i64, kind = #tpu.reduction_kind<sum>} : vector<16xi1> -> vector<16xi32>
      %add3A_2112 = arith.addi %add3A_2092, %all_reduce_population_count3A_2111 : vector<16xi32>
      %get3A_2113 = arith.constant 2000 : index
      %get3A_2114 = tpu.vector_load %arg4[%get3A_2113] {strides = array<i32>} : memref<2048xf32, #tpu.memory_space<vmem>>, vector<16xf32>,
      %le3A_2115 = arith.cmpf ole, %get3A_2114, %broadcast_in_dim3A_1489 : vector<16xf32>
      %all_reduce_population_count3A_2116 = tpu.all_reduce %le3A_2115 {dim = 0 : i64, kind = #tpu.reduction_kind<sum>} : vector<16xi1> -> vector<16xi32>
      %add3A_2117 = arith.addi %add3A_2097, %all_reduce_population_count3A_2116 : vector<16xi32>
      %get3A_2118 = arith.constant 2016 : index
      %get3A_2119 = tpu.vector_load %arg4[%get3A_2118] {strides = array<i32>} : memref<2048xf32, #tpu.memory_space<vmem>>, vector<16xf32>,
      %le3A_2120 = arith.cmpf ole, %get3A_2119, %broadcast_in_dim3A_1489 : vector<16xf32>
      %all_reduce_population_count3A_2121 = tpu.all_reduce %le3A_2120 {dim = 0 : i64, kind = #tpu.reduction_kind<sum>} : vector<16xi1> -> vector<16xi32>
      %add3A_2122 = arith.addi %add3A_2102, %all_reduce_population_count3A_2121 : vector<16xi32>
      %get3A_2123 = arith.constant 2032 : index
      %get3A_2124 = tpu.vector_load %arg4[%get3A_2123] {strides = array<i32>} : memref<2048xf32, #tpu.memory_space<vmem>>, vector<16xf32>,
      %le3A_2125 = arith.cmpf ole, %get3A_2124, %broadcast_in_dim3A_1489 : vector<16xf32>
      %all_reduce_population_count3A_2126 = tpu.all_reduce %le3A_2125 {dim = 0 : i64, kind = #tpu.reduction_kind<sum>} : vector<16xi1> -> vector<16xi32>
      %add3A_2127 = arith.addi %add3A_2107, %all_reduce_population_count3A_2126 : vector<16xi32>
      %add3A_2128 = arith.addi %add3A_2112, %add3A_2117 : vector<16xi32>
      %add3A_2129 = arith.addi %add3A_2122, %add3A_2127 : vector<16xi32>
      %add3A_2130 = arith.addi %add3A_2128, %add3A_2129 : vector<16xi32>
      %slice3A_2131 = vector.extract_strided_slice %add3A_2130 {offsets = [0], sizes = [1], strides = [1]} : vector<16xi32> to vector<1xi32>
      %squeeze3A_2132 = vector.extract %slice3A_2131[0] : i32 from vector<1xi32>
      %ge3A = arith.cmpi sge, %squeeze3A_2132, %scan3A : i32
      %select_n3A_2133 = arith.select %ge3A, %scan3A_1482, %add3A_1488 : f32
      %select_n3A_2134 = arith.select %ge3A, %add3A_1488, %scan3A_1483 : f32
      scf.yield %select_n3A_2133, %select_n3A_2134 : f32, f32
    }
    %scan3A_1471 = arith.constant 26 : i32
    %iota3A = tpu.iota {dimensions = array<i32: 0>} : vector<16xi32>
    %eq3A = arith.constant 0 : i32
    %eq3A_1472 = vector.broadcast %eq3A : i32 to vector<16xi32>
    %eq3A_1473 = arith.cmpi eq, %iota3A, %eq3A_1472 : vector<16xi32>
    %broadcast_in_dim3A_1474 = vector.broadcast %scan3A_1470#1 : f32 to vector<16xf32>
    %eq3A_1475 = arith.constant 1 : i32
    %eq3A_1476 = vector.broadcast %eq3A_1475 : i32 to vector<16xi32>
    %eq3A_1477 = arith.cmpi eq, %iota3A, %eq3A_1476 : vector<16xi32>
    %broadcast_in_dim3A_1478 = vector.broadcast %add3A_1463 : f32 to vector<16xf32>
    %select_n3A = arith.select %eq3A_1477, %broadcast_in_dim3A_777, %broadcast_in_dim3A_1478 : vector<16xi1>, vector<16xf32>
    %select_n3A_1479 = arith.select %eq3A_1473, %broadcast_in_dim3A_1474, %select_n3A : vector<16xi1>, vector<16xf32>
    %swap3A = arith.constant 0 : index
    %swap3A_1480 = tpu.vector_load %arg5[%swap3A] {strides = array<i32>} : memref<16xf32, #tpu.memory_space<vmem>>, vector<16xf32>,
    tpu.vector_store %arg5[%swap3A], %select_n3A_1479 {strides = array<i32>} : memref<16xf32, #tpu.memory_space<vmem>>, vector<16xf32>,
    "tpu.region"() ({
      %run_scoped3A = tpu.sem_alloc : memref<!tpu.dma_semaphore, #tpu.memory_space<semaphore_mem>>
      %dma_start3A = arith.constant 0 : i32
      %dma_start3A_1481 = tpu.memref_slice %arg3[%add3A, %dma_start3A] : memref<32x16xf32, #tpu.memory_space<hbm>> -> memref<1x16xf32, #tpu.memory_space<hbm>>
      %dma_start3A_1482 = tpu.memref_squeeze %dma_start3A_1481 : memref<1x16xf32, #tpu.memory_space<hbm>> -> memref<16xf32, #tpu.memory_space<hbm>>
      %dma_start3A_1483 = arith.constant 0 : i32
      %dma_start3A_1484 = tpu.memref_slice %arg3[%add3A, %dma_start3A_1483] : memref<32x16xf32, #tpu.memory_space<hbm>> -> memref<1x16xf32, #tpu.memory_space<hbm>>
      %dma_start3A_1485 = tpu.memref_squeeze %dma_start3A_1484 : memref<1x16xf32, #tpu.memory_space<hbm>> -> memref<16xf32, #tpu.memory_space<hbm>>
      tpu.enqueue_dma source(%arg5 : memref<16xf32, #tpu.memory_space<vmem>>) target(%dma_start3A_1485 : memref<16xf32, #tpu.memory_space<hbm>>) target_semaphore(%run_scoped3A : memref<!tpu.dma_semaphore, #tpu.memory_space<semaphore_mem>>)
      %dma_wait3A = arith.constant 0 : i32
      %dma_wait3A_1486 = tpu.memref_slice %arg3[%add3A, %dma_wait3A] : memref<32x16xf32, #tpu.memory_space<hbm>> -> memref<1x16xf32, #tpu.memory_space<hbm>>
      %dma_wait3A_1487 = tpu.memref_squeeze %dma_wait3A_1486 : memref<1x16xf32, #tpu.memory_space<hbm>> -> memref<16xf32, #tpu.memory_space<hbm>>
      %dma_wait3A_1488 = arith.constant 0 : i32
      %dma_wait3A_1489 = tpu.memref_slice %arg3[%add3A, %dma_wait3A_1488] : memref<32x16xf32, #tpu.memory_space<hbm>> -> memref<1x16xf32, #tpu.memory_space<hbm>>
      %dma_wait3A_1490 = tpu.memref_squeeze %dma_wait3A_1489 : memref<1x16xf32, #tpu.memory_space<hbm>> -> memref<16xf32, #tpu.memory_space<hbm>>
      tpu.wait_dma2 semaphore(%run_scoped3A : memref<!tpu.dma_semaphore, #tpu.memory_space<semaphore_mem>>) src(%arg5 : memref<16xf32, #tpu.memory_space<vmem>>) dst(%dma_wait3A_1490 : memref<16xf32, #tpu.memory_space<hbm>>)
      tpu.yield
    }) : () -> ()
    return
  }
}

module attributes {stable_mosaic.version = 14 : i64} {
  func.func @_bcast_kernel(%arg0: i32, %arg1: i32, %arg2: memref<8x256xf32, #tpu.memory_space<vmem>>, %arg3: memref<8x16xf32, #tpu.memory_space<vmem>>, %arg4: memref<8x256x512xf32, #tpu.memory_space<vmem>>) attributes {dimension_semantics = [#tpu.dimension_semantics<arbitrary>, #tpu.dimension_semantics<arbitrary>], iteration_bounds = array<i64: 4, 8>, scalar_prefetch = 0 : i64, scratch_operands = 0 : i64, tpu.core_type = #tpu.core_type<tc>, window_params = [{transform_indices = @transform_0, window_bounds = array<i64: 8, 256>}, {transform_indices = @transform_1, window_bounds = array<i64: 8, 16>}, {transform_indices = @transform_2, window_bounds = array<i64: 8, 256, 512>}]} {
    %get3A = arith.constant 0 : index
    %get3A_0 = arith.constant 0 : index
    %get3A_1 = vector.load %arg2[%get3A, %get3A_0] : memref<8x256xf32, #tpu.memory_space<vmem>>, vector<8x256xf32>
    %get3A_2 = arith.constant 0 : index
    %get3A_3 = arith.constant 0 : index
    %get3A_4 = vector.load %arg3[%get3A_2, %get3A_3] : memref<8x16xf32, #tpu.memory_space<vmem>>, vector<8x16xf32>
    %slice3A = vector.extract_strided_slice %get3A_4 {offsets = [0, 0], sizes = [8, 1], strides = [1, 1]} : vector<8x16xf32> to vector<8x1xf32>
    %slice3A_5 = vector.extract_strided_slice %get3A_4 {offsets = [0, 2], sizes = [8, 1], strides = [1, 1]} : vector<8x16xf32> to vector<8x1xf32>
    %div3A = arith.constant 2.047000e+03 : f32
    %div3A_6 = vector.broadcast %div3A : f32 to vector<8x1xf32>
    %div3A_7 = arith.divf %slice3A_5, %div3A_6 : vector<8x1xf32>
    %sqrt3A = math.sqrt %div3A_7 : vector<8x1xf32>
    %sub3A = vector.broadcast %slice3A : vector<8x1xf32> to vector<8x256xf32>
    %sub3A_8 = arith.subf %get3A_1, %sub3A : vector<8x256xf32>
    %pow3A = arith.constant 3.000000e-01 : f32
    %pow3A_9 = vector.broadcast %pow3A : f32 to vector<8x1xf32>
    %pow3A_10 = math.powf %sqrt3A, %pow3A_9 : vector<8x1xf32>
    %div3A_11 = vector.broadcast %pow3A_10 : vector<8x1xf32> to vector<8x256xf32>
    %div3A_12 = arith.divf %sub3A_8, %div3A_11 : vector<8x256xf32>
    %neg3A = arith.constant 0.000000e+00 : f32
    %neg3A_13 = vector.broadcast %neg3A : f32 to vector<8x256xf32>
    %neg3A_14 = arith.subf %neg3A_13, %div3A_12 : vector<8x256xf32>
    %div3A_15 = arith.constant 1.000000e-03 : f32
    %div3A_16 = vector.broadcast %div3A_15 : f32 to vector<8x256xf32>
    %div3A_17 = arith.divf %neg3A_14, %div3A_16 : vector<8x256xf32>
    %jit3A = arith.constant -5.000000e+01 : f32
    %jit3A_18 = arith.constant 5.000000e+01 : f32
    %max3A = vector.broadcast %jit3A : f32 to vector<8x256xf32>
    %max3A_19 = arith.maximumf %max3A, %div3A_17 : vector<8x256xf32>
    %min3A = vector.broadcast %jit3A_18 : f32 to vector<8x256xf32>
    %min3A_20 = arith.minimumf %min3A, %max3A_19 : vector<8x256xf32>
    %exp3A = math.exp %min3A_20 : vector<8x256xf32>
    %add3A = arith.constant 1.000000e+00 : f32
    %add3A_21 = vector.broadcast %add3A : f32 to vector<8x256xf32>
    %add3A_22 = arith.addf %add3A_21, %exp3A : vector<8x256xf32>
    %div3A_23 = arith.constant 1.000000e+00 : f32
    %div3A_24 = vector.broadcast %div3A_23 : f32 to vector<8x256xf32>
    %div3A_25 = arith.divf %div3A_24, %add3A_22 : vector<8x256xf32>
    %broadcast_in_dim3A = vector.shape_cast %div3A_25 : vector<8x256xf32> to vector<8x256x1xf32>
    %broadcast_in_dim3A_26 = vector.shape_cast %broadcast_in_dim3A : vector<8x256x1xf32> to vector<8x256x1xf32>
    %broadcast_in_dim3A_27 = vector.broadcast %broadcast_in_dim3A_26 : vector<8x256x1xf32> to vector<8x256x512xf32>
    %swap3A = arith.constant 0 : index
    %swap3A_28 = arith.constant 0 : index
    %swap3A_29 = arith.constant 0 : index
    %swap3A_30 = vector.load %arg4[%swap3A, %swap3A_28, %swap3A_29] : memref<8x256x512xf32, #tpu.memory_space<vmem>>, vector<8x256x512xf32>
    tpu.vector_store %arg4[%swap3A, %swap3A_28, %swap3A_29], %broadcast_in_dim3A_27 {strides = array<i32>} : memref<8x256x512xf32, #tpu.memory_space<vmem>>, vector<8x256x512xf32>,
    return
  }
  func.func @transform_0(%arg0: i32, %arg1: i32) -> (i32, i32) {
    %c0_i32 = arith.constant 0 : i32
    return %arg0, %arg1 : i32, i32
  }
  func.func @transform_1(%arg0: i32, %arg1: i32) -> (i32, i32) {
    %c0_i32 = arith.constant 0 : i32
    %c0_i32_0 = arith.constant 0 : i32
    return %arg0, %c0_i32 : i32, i32
  }
  func.func @transform_2(%arg0: i32, %arg1: i32) -> (i32, i32, i32) {
    %c0_i32 = arith.constant 0 : i32
    %c0_i32_0 = arith.constant 0 : i32
    return %arg0, %arg1, %c0_i32 : i32, i32, i32
  }
}

</mosaic_0001>

<sc_bundles>
// kernel: kernel.4.cloned.1.call-start
scs
__scs_entry_jumppad:
0x0: {  	(pc) =	sbr.rel $0x88, $3  }
0x1: {  	(tag) =	ssettag $0x0;
	lr =	simm.s32 $0x1  }
0x2: {  	[smem:$0x3FA0] =	sst lr;
	_ =	strace $0xD0000000  }
0x3: {  	_ = 	snop  }
0x4: {  	_ = 	snop  }
0x5: {  	_ = 	snop  }
0x6: {  	_ = 	snop  }
0x7: {  	_ = 	snop  }
__scs_overlays_trampoline_lowered:
0x8: {  	[smem:$0x3FAF] =	sst s0  }
0x9: {  	[smem:$0x3FB0] =	sst s1  }
0xa: {  	[smem:$0x3FB1] =	sst s2  }
0xb: {  	[smem:$0x3FB2] =	sst s3  }
0xc: {  	[smem:$0x3FB3] =	sst s4  }
0xd: {  	[smem:$0x3FB4] =	sst s5  }
0xe: {  	[smem:$0x3FB5] =	sst s6  }
0xf: {  	[smem:$0x3FB6] =	sst s7  }
0x10: {  	[smem:$0x3FB7] =	sst s8  }
0x11: {  	[smem:$0x3FB8] =	sst s9;
	s0 =	simm.s32 @!p0 $0x0  }
0x12: {  	s1 =	sld [smem:$0x3F9E];
	s0 =	simm.s32 @p0 $0x1  }
0x13: {  	[smem:$0x3FB9] =	sst s0;
	s0 =	simm.s32 @!p1 $0x0  }
0x14: {  	s2 =	sld [smem:$0x3F9D];
	s0 =	simm.s32 @p1 $0x1  }
0x15: {  	[smem:$0x3FBA] =	sst s0;
	s0 =	simm.s32 @!p2 $0x0  }
0x16: {  	s3 =	sld [smem:$0x3FDB];
	s0 =	simm.s32 @p2 $0x1  }
0x17: {  	s4 =	simm.s32 $0x1BF5;
	[smem:$0x3FBC] =	sst s0  }
0x18: {  	s0 =	sld [smem:$0x3F9F];
	_ =	swait.ge [sflag:s4], $0x0  }
0x19: {  	s7 =	sld [smem:$0x3FA0]  }
0x1a: {  	s8 =	sadd.s32 $0xFFFFE003, lr  }
0x1b: {  	s9 =	sadd.s32 $0xFFFFFEF7, lr;
	s5 =	simm.s32 $0xFFFFFFFF;
	p2 =	slt.u32 s8, $0xFFFFF086  }
0x1c: {  	p1 =	slt.u32 s9, $0xF7A;
	s5 =	simm.s32 @!p2 $0x0  }
0x1d: {  	s5 =	simm.s32 @p1 $0x1;
	p0 =	seq.s32 s7, s2  }
0x1e: {  	s7 =	smul.u32 @!p0 $0xF7A, s2;
	p2 =	seq.s32 @!p0 s5, $0x0  }
0x1f: {  	s9 =	smul.u32 $0xF7A, s1;
	s8 =	simm.s32 @!p0 $0x1BF5;
	p2 =	por !p2, p0  }
0x20: {  	[sflag:s8] =	ssyncset.s32 @!p0 $0xFFFFF086;
	s6 =	sadd.s32 @!p0 s3, s7;
	s7 =	simm.s32 @!p0 $0x108  }
0x21: {  	s3 =	sadd.s32 s3, s9;
	s6 =	sadd.s32 @!p0 $0x88, s6;
	s7 =	simm.s32 @p2 $0x1082  }
0x22: {  	[simem:s7], [sflag:s8] =	dma.local @!p0 [hbm:s6], $0xF7A  }
0x23: {  	s9 =	sor.u32 $0xD0000000, s2;
	s6 =	simm.s32 $0x108;
	_ =	swait.ge @!p0 [sflag:s8], $0x0  }
0x24: {  	s3 =	sadd.s32 $0x88, s3;
	s6 =	simm.s32 @!p1 $0x1082;
	[sflag:s4] =	ssyncset.s32 $0xFFFFF086  }
0x25: {  	[simem:s6], [sflag:s4] =	dma.local [hbm:s3], $0xF7A  }
0x26: {  	[smem:$0x3FA0] =	sst s1;
	(tag) =	ssettag s2;
	_ =	strace s9  }
0x27: {  	s1 =	sld [smem:$0x3FB0]  }
0x28: {  	s2 =	sld [smem:$0x3FB1]  }
0x29: {  	s4 =	sld [smem:$0x3FB3]  }
0x2a: {  	p0 =	seq.s32 s5, $0x0;
	s5 =	sld [smem:$0x3FB4]  }
0x2b: {  	s6 =	sld [smem:$0x3FB5]  }
0x2c: {  	s7 =	sld [smem:$0x3FB6]  }
0x2d: {  	s3 =	simm.s32 $0x108;
	s8 =	sld [smem:$0x3FB7]  }
0x2e: {  	s3 =	simm.s32 @!p0 $0x1082;
	s9 =	sld [smem:$0x3FB8]  }
0x2f: {  	lr =	sadd.s32 s0, s3;
	s0 =	sld [smem:$0x3FAF]  }
0x30: {  	s3 =	sld [smem:$0x3FB2]  }
0x31: {  	[smem:$0x3FBB] =	sst s10  }
0x32: {  	s10 =	sld [smem:$0x3FB9];
	_ =	sdelay $0x3  }
0x33: {  	p0 =	seq.s32 s10, $0x1;
	s10 =	sld [smem:$0x3FBB];
	_ =	sdelay $0x3  }
0x34: {  	[smem:$0x3FBB] =	sst s10  }
0x35: {  	s10 =	sld [smem:$0x3FBA];
	_ =	sdelay $0x3  }
0x36: {  	p1 =	seq.s32 s10, $0x1;
	s10 =	sld [smem:$0x3FBB];
	_ =	sdelay $0x3  }
0x37: {  	[smem:$0x3FBB] =	sst s10  }
0x38: {  	s10 =	sld [smem:$0x3FBC]  }
0x39: {  	_ = 	snop;
	(pc) =	sbr.ind lr, $3  }
0x3a: {  	_ = 	snop  }
0x3b: {  	_ = 	snop  }
0x3c: {  	p2 =	seq.s32 s10, $0x1;
	s10 =	sld [smem:$0x3FBB]  }
0x3d: {  	_ =	shalt  }
0x3e: {  	_ =	shalt  }
0x3f: {  	_ =	shalt  }
0x40: {  	_ =	shalt  }
0x41: {  	_ =	shalt  }
0x42: {  	_ =	shalt  }
0x43: {  	_ =	shalt  }
0x44: {  	_ =	shalt  }
0x45: {  	_ =	shalt  }
0x46: {  	_ =	shalt  }
0x47: {  	_ =	shalt  }
0x48: {  	_ =	shalt  }
0x49: {  	_ =	shalt  }
0x4a: {  	_ =	shalt  }
0x4b: {  	_ =	shalt  }
0x4c: {  	_ =	shalt  }
0x4d: {  	_ =	shalt  }
0x4e: {  	_ =	shalt  }
0x4f: {  	_ =	shalt  }
0x50: {  	_ =	shalt  }
0x51: {  	_ =	shalt  }
0x52: {  	_ =	shalt  }
0x53: {  	_ =	shalt  }
0x54: {  	_ =	shalt  }
0x55: {  	_ =	shalt  }
0x56: {  	_ =	shalt  }
0x57: {  	_ =	shalt  }
0x58: {  	_ =	shalt  }
0x59: {  	_ =	shalt  }
0x5a: {  	_ =	shalt  }
0x5b: {  	_ =	shalt  }
0x5c: {  	_ =	shalt  }
0x5d: {  	_ =	shalt  }
0x5e: {  	_ =	shalt  }
0x5f: {  	_ =	shalt  }
0x60: {  	_ =	shalt  }
0x61: {  	_ =	shalt  }
0x62: {  	_ =	shalt  }
0x63: {  	_ =	shalt  }
0x64: {  	_ =	shalt  }
0x65: {  	_ =	shalt  }
0x66: {  	_ =	shalt  }
0x67: {  	_ =	shalt  }
0x68: {  	_ =	shalt  }
0x69: {  	_ =	shalt  }
0x6a: {  	_ =	shalt  }
0x6b: {  	_ =	shalt  }
0x6c: {  	_ =	shalt  }
0x6d: {  	_ =	shalt  }
0x6e: {  	_ =	shalt  }
0x6f: {  	_ =	shalt  }
0x70: {  	_ =	shalt  }
0x71: {  	_ =	shalt  }
0x72: {  	_ =	shalt  }
0x73: {  	_ =	shalt  }
0x74: {  	_ =	shalt  }
0x75: {  	_ =	shalt  }
0x76: {  	_ =	shalt  }
0x77: {  	_ =	shalt  }
0x78: {  	_ =	shalt  }
0x79: {  	_ =	shalt  }
0x7a: {  	_ =	shalt  }
0x7b: {  	_ =	shalt  }
0x7c: {  	_ =	shalt  }
0x7d: {  	_ =	shalt  }
0x7e: {  	_ =	shalt  }
0x7f: {  	_ =	shalt  }
0x80: {  	_ =	shalt  }
0x81: {  	_ =	shalt  }
0x82: {  	_ =	shalt  }
0x83: {  	_ =	shalt  }
0x84: {  	_ =	shalt  }
0x85: {  	_ =	shalt  }
0x86: {  	_ =	shalt  }
0x87: {  	_ =	shalt  }
.Lfunc_end0:
.L_simem_size_0:
called_computation_lowered:
.L_overlay_start_0:
0x88: {  	s2 =	sld [smem:$0x3FD9]  }
0x89: {  	s3 =	sld [smem:$0x3FFE];
	_ =	sdelay $0x1  }
0x8a: {  	s1 =	srdreg.scid  }
0x8b: {  	s0 =	sand.u32 $0x1, s1  }
0x8c: {  	s18 =	sshll.u32 s0, $0xA;
	s2 =	sadd.s32 s3, s2  }
0x8d: {  	s2 =	sadd.s32 s2, s18  }
0x8e: {  	[smem:$0x3FC7] =	sst s2  }
0x8f: {  	_ = 	snop  }
0x90: {  	s2 =	sld [smem:$0x3FC9]  }
0x91: {  	s19 =	sld [smem:$0x3FD0];
	(tm) =	ssettm $0x1  }
0x92: {  	s4 =	sld [smem:$0x3FFB];
	_ =	sdelay $0x3  }
0x93: {  	_ =	strace s4  }
0x94: {  	s4 =	sld [smem:$0x3FFC];
	_ =	sdelay $0x3  }
0x95: {  	_ =	strace s4  }
0x96: {  	s4 =	sld [smem:$0x3FFD];
	_ =	sdelay $0x3  }
0x97: {  	_ =	strace s4  }
0x98: {  	_ =	strace $0x8FFFFFFF  }
0x99: {  	s20 =	sld [smem:$0x3FDB];
	_ =	sdelay $0x1  }
0x9a: {  	s5 =	simm.s32 $_scs_section_size  }
0x9b: {  	s6 =	simm.s32 $_size__tile_overlayer_lowered;
	s7 =	simm.s32 $_tile_overlayer_lowered  }
0x9c: {  	s23 =	simm.s32 $0x1BFF;
	s22 =	sshll.u32 s7, $0x1;
	s4 =	sadd.s32 s5, s20  }
0x9d: {  	s8 =	simm.s32 $0x0;
	s21 =	sshll.u32 s6, $0x1;
	s6 =	sadd.s32 s22, s4  }
0x9e: {  	[timem:s8], [sflag:s23] =	dma.local [hbm:s6], s21  }
0x9f: {  	_ =	swait.ge [sflag:s23], s21  }
0xa0: {  	s5 =	ssub.s32 $0x0, s21;
	[sflag:s23] =	ssyncset.done $0x0  }
0xa1: {  	[sflag:s23] =	ssyncadd.s32 s5;
	_ =	sdelay $0x1  }
0xa2: {  	s24 =	simm.s32 $0x1B8B  }
0xa3: {  	_ =	swait.ge [sflag:s24], $0x1  }
0xa4: {  	[sflag:s24] =	ssyncset.done $0x0  }
0xa5: {  	s25 =	simm.s32 $0x1B8E;
	[sflag:s24] =	ssyncadd.s32 $0xFFFFFFFF  }
0xa6: {  	s26 =	simm.s32 $execute0_lowered;
	[smem:$0x3FD2] =	sst s25  }
0xa7: {  	s5 =	sshll.u32 s26, $0x1;
	_ =	strace $0x80000046;
	[dreg:$0x1] =	wrdreg $0xFFFFFFFF  }
0xa8: {  	s28 =	simm.s32 $_size_execute0_lowered;
	s4 =	sadd.s32 s4, s5;
	[dreg:$0x0] =	wrdreg $0x0  }
0xa9: {  	s5 =	sshll.u32 s28, $0x1;
	[dreg:$0x2] =	wrdreg s4  }
0xaa: {  	[dreg:$0x3] =	wrdreg s5  }
0xab: {  	[dreg:$0x4] =	wrdreg $0xC0  }
0xac: {  	_ =	task [dreg:s8], $0x5FFFF  }
0xad: {  	[dreg:$0x1] =	wrdreg $0xFFFFFFFF  }
0xae: {  	[dreg:$0x0] =	wrdreg $0x60  }
0xaf: {  	[dreg:$0x2] =	wrdreg s2  }
0xb0: {  	[dreg:$0x3] =	wrdreg s19  }
0xb1: {  	[dreg:$0x4] =	wrdreg $0x9  }
0xb2: {  	_ =	task.clear_ibuf [dreg:s8], $0x5FFFF;
	_ =	strace $0x90000046  }
0xb3: {  	s29 =	simm.s32 $0x9;
	_ =	strace $0x80000048  }
0xb4: {  	_ =	swait.ge [sflag:s29], $0x1  }
0xb5: {  	[sflag:s29] =	ssyncadd.s32 $0xFFFFFFFF  }
0xb6: {  	_ =	strace $0x90000048  }
0xb7: {  	_ =	sfence  }
0xb8: {  	s30 =	sld [smem:$0x0];
	_ =	sdelay $0x2  }
0xb9: {  	s31 =	sshll.u32 s1, $0xD;
	s1 =	sshrl.u32 s1, $0x2  }
0xba: {  	s3 =	sand.u32 $0x4000, s31;
	s1 =	sadd.s32 s1, s30  }
0xbb: {  	s0 =	sor.u32 s3, s0;
	s1 =	sshll.u32 s1, $0x11  }
0xbc: {  	s0 =	sor.u32 s1, s0  }
0xbd: {  	s0 =	sadd.s32 $0x8F2B, s0  }
0xbe: {  	[sflag:s0] =	ssyncadd.remote.s32 $0x1  }
0xbf: {  	_ =	sfence.sel $0xFFFF  }
0xc0: {  	[dreg:$0x0] =	wrdreg $0xFFFFFFFF;
	(pc) =	sbr.abs _section_cstart, $3  }
0xc1: {  	[dreg:$0x1] =	wrdreg $0xFFFFFFFF  }
0xc2: {  	_ =	task.clear_ibuf [dreg:s8], $0x2FFFF;
	_ =	strace $0x9FFFFFFF  }
0xc3: {  	(tm) =	ssettm $0x7FFFFFFF  }
tec
execute0_lowered:
.L_overlay_start_1:
0x0: {  	(tag) =	ssettag $0x1  }
0x1: {  	s3 =	rddreg [dreg:$0x0]  }
0x2: {  	s4 =	rddreg [dreg:$0x1]  }
0x3: {  	s0 =	rddreg [dreg:$0x2];
	s2 =	simm.s32 $0x0  }
0x4: {  	s5 =	srdreg.scid;
	s1 =	stileid.u32;
	s9 =	simm.s32 $0x800  }
0x5: {  	s10 =	simm.s32 $0x0;
	[smem:$0x7FF] =	sst s2;
	s5 =	sand.u32 $0x1, s5  }
0x6: {  	s6 =	sshll.u32 s1, $0x8;
	s7 =	sshrl.u32 s1, $0x2;
	_ =	strace $0x80000047  }
0x7: {  	s8 =	sshll.u32 s5, $0x7;
	s6 =	sand.u32 $0x300, s6;
	s30 =	sshll.u32 s7, $0xE  }
0x8: {  	s7 =	sshll.u32 s7, $0xA;
	s5 =	ssub.s32 $0x2, s5;
	s6 =	sor.u32 s8, s6  }
0x9: {  	s31 =	sshrl.u32 s5, $0x1;
	s8 =	sor.u32 s30, s6;
	s6 =	sor.u32 s7, s6  }
0xa: {  	s5 =	ssub.s32 s5, s31;
	s7 =	simm.s32 $0x400;
	s8 =	sshrl.u32 s8, $0x3  }
0xb: {  	s6 =	sshrl.u32 s6, $0x3;
	s5 =	smax.u32 s5, $0x1;
	s3 =	sadd.s32 s3, s8  }
0xc: {  	vm0 =	vcmask $0x3F08;
	s4 =	sadd.s32 s4, s6;
	s6 =	simm.s32 $0x80;
	s8 =	simm.s32 $0x1  }
.LBB2_1:
0xd: {  	[tilespmem:s2], [sflag:$0x1] =	stream.strided.gather [hbm4b:s3+s6], $0x800, s7, s6, $0x38;
	[tilespmem:$0x880] =	vst v63  }
0xe: {  	_ =	swait.ge [sflag:s8], $0x800  }
0xf: {  	[sflag:s8] =	ssyncset.done $0x0  }
0x10: {  	[sflag:s8] =	ssyncadd.s32 $0xFFFFF800  }
0x11: {  	v19 =	vld [tilespmem:$0x0]  }
0x12: {  	v20 =	vld [tilespmem:$0x10]  }
0x13: {  	v18 =	vld [tilespmem:$0x20]  }
0x14: {  	v17 =	vld [tilespmem:$0x30]  }
0x15: {  	v16 =	vld [tilespmem:$0x40]  }
0x16: {  	v15 =	vld [tilespmem:$0x50]  }
0x17: {  	v14 =	vld [tilespmem:$0x60];
	v0 =	vmin.f32 v19, v20  }
0x18: {  	v13 =	vld [tilespmem:$0x70];
	v0 =	vmin.f32 v0, v18  }
0x19: {  	v8 =	vld [tilespmem:$0x80];
	v0 =	vmin.f32 v0, v17  }
0x1a: {  	v9 =	vld [tilespmem:$0x90];
	v0 =	vmin.f32 v0, v16  }
0x1b: {  	v10 =	vld [tilespmem:$0xA0];
	v0 =	vmin.f32 v0, v15  }
0x1c: {  	v11 =	vld [tilespmem:$0xB0];
	v0 =	vmin.f32 v0, v14  }
0x1d: {  	v12 =	vld [tilespmem:$0xC0];
	v0 =	vmin.f32 v0, v13  }
0x1e: {  	v7 =	vld [tilespmem:$0xD0];
	v0 =	vmin.f32 v0, v8  }
0x1f: {  	v6 =	vld [tilespmem:$0xE0];
	v0 =	vmin.f32 v0, v9  }
0x20: {  	v5 =	vld [tilespmem:$0xF0];
	v0 =	vmin.f32 v0, v10  }
0x21: {  	v4 =	vld [tilespmem:$0x100];
	v0 =	vmin.f32 v0, v11  }
0x22: {  	v3 =	vld [tilespmem:$0x110];
	v0 =	vmin.f32 v0, v12  }
0x23: {  	v2 =	vld [tilespmem:$0x120];
	v0 =	vmin.f32 v0, v7  }
0x24: {  	v1 =	vld [tilespmem:$0x130];
	v0 =	vmin.f32 v0, v6  }
0x25: {  	v21 =	vmin.f32 v0, v5;
	v0 =	vld [tilespmem:$0x140]  }
0x26: {  	v24 =	vld [tilespmem:$0x150];
	v21 =	vmin.f32 v21, v4  }
0x27: {  	v27 =	vld [tilespmem:$0x160];
	v22 =	vmax.f32 v19, v20;
	v21 =	vmin.f32 v21, v3  }
0x28: {  	v28 =	vld [tilespmem:$0x170];
	v22 =	vmax.f32 v22, v18;
	v21 =	vmin.f32 v21, v2  }
0x29: {  	v29 =	vld [tilespmem:$0x180];
	v22 =	vmax.f32 v22, v17;
	v21 =	vmin.f32 v21, v1  }
0x2a: {  	v30 =	vld [tilespmem:$0x190];
	v22 =	vmax.f32 v22, v16;
	v21 =	vmin.f32 v21, v0  }
0x2b: {  	v31 =	vld [tilespmem:$0x1A0];
	v22 =	vmax.f32 v22, v15;
	v21 =	vmin.f32 v21, v24  }
0x2c: {  	v32 =	vld [tilespmem:$0x1B0];
	v22 =	vmax.f32 v22, v14;
	v21 =	vmin.f32 v21, v27  }
0x2d: {  	v33 =	vld [tilespmem:$0x1C0];
	v22 =	vmax.f32 v22, v13;
	v21 =	vmin.f32 v21, v28  }
0x2e: {  	v34 =	vld [tilespmem:$0x1D0];
	v22 =	vmax.f32 v22, v8;
	v21 =	vmin.f32 v21, v29  }
0x2f: {  	v35 =	vld [tilespmem:$0x1E0];
	v22 =	vmax.f32 v22, v9;
	v21 =	vmin.f32 v21, v30  }
0x30: {  	v36 =	vld [tilespmem:$0x1F0];
	v22 =	vmax.f32 v22, v10;
	v21 =	vmin.f32 v21, v31  }
0x31: {  	v37 =	vld [tilespmem:$0x200];
	v22 =	vmax.f32 v22, v11;
	v21 =	vmin.f32 v21, v32  }
0x32: {  	v38 =	vld [tilespmem:$0x210];
	v22 =	vmax.f32 v22, v12;
	v21 =	vmin.f32 v21, v33  }
0x33: {  	v39 =	vld [tilespmem:$0x220];
	v22 =	vmax.f32 v22, v7;
	v21 =	vmin.f32 v21, v34  }
0x34: {  	v40 =	vld [tilespmem:$0x230];
	v22 =	vmax.f32 v22, v6;
	v21 =	vmin.f32 v21, v35  }
0x35: {  	v41 =	vld [tilespmem:$0x240];
	v22 =	vmax.f32 v22, v5;
	v21 =	vmin.f32 v21, v36  }
0x36: {  	v42 =	vld [tilespmem:$0x250];
	v22 =	vmax.f32 v22, v4;
	v21 =	vmin.f32 v21, v37  }
0x37: {  	v43 =	vld [tilespmem:$0x260];
	v22 =	vmax.f32 v22, v3;
	v21 =	vmin.f32 v21, v38  }
0x38: {  	v44 =	vld [tilespmem:$0x270];
	v22 =	vmax.f32 v22, v2;
	v21 =	vmin.f32 v21, v39  }
0x39: {  	v45 =	vld [tilespmem:$0x280];
	v22 =	vmax.f32 v22, v1;
	v21 =	vmin.f32 v21, v40  }
0x3a: {  	v46 =	vld [tilespmem:$0x290];
	v22 =	vmax.f32 v22, v0;
	v23 =	vmin.f32 v21, v41  }
0x3b: {  	v47 =	vld [tilespmem:$0x2A0];
	v25 =	vmov v24;
	v24 =	vmax.f32 v22, v24;
	v23 =	vmin.f32 v23, v42  }
0x3c: {  	v24 =	vmax.f32 v24, v27;
	v62 =	vmin.f32 v23, v43;
	v23 =	vld [tilespmem:$0x2B0]  }
0x3d: {  	v63 =	vmax.f32 v24, v28;
	v24 =	vld [tilespmem:$0x2C0];
	v21 =	vmin.f32 v62, v44  }
0x3e: {  	v50 =	vld [tilespmem:$0x2D0];
	v21 =	vmin.f32 v21, v45  }
0x3f: {  	v51 =	vld [tilespmem:$0x2E0];
	v22 =	vmax.f32 v63, v29;
	v21 =	vmin.f32 v21, v46  }
0x40: {  	v52 =	vld [tilespmem:$0x2F0];
	v22 =	vmax.f32 v22, v30;
	v21 =	vmin.f32 v21, v47  }
0x41: {  	v53 =	vld [tilespmem:$0x300];
	v22 =	vmax.f32 v22, v31;
	v21 =	vmin.f32 v21, v23  }
0x42: {  	v54 =	vld [tilespmem:$0x310];
	[tilespmem:$0x1F820] =	vst v19;
	v22 =	vmax.f32 v22, v32;
	v21 =	vmin.f32 v21, v24  }
0x43: {  	v55 =	vld [tilespmem:$0x320];
	[tilespmem:$0x1F840] =	vst v18;
	v22 =	vmax.f32 v22, v33;
	v21 =	vmin.f32 v21, v50  }
0x44: {  	v56 =	vld [tilespmem:$0x330];
	[tilespmem:$0x1F850] =	vst v17;
	v22 =	vmax.f32 v22, v34;
	v21 =	vmin.f32 v21, v51  }
0x45: {  	v57 =	vld [tilespmem:$0x340];
	[tilespmem:$0x1F860] =	vst v16;
	v22 =	vmax.f32 v22, v35;
	v21 =	vmin.f32 v21, v52  }
0x46: {  	v58 =	vld [tilespmem:$0x350];
	[tilespmem:$0x1F870] =	vst v15;
	v22 =	vmax.f32 v22, v36;
	v21 =	vmin.f32 v21, v53  }
0x47: {  	v59 =	vld [tilespmem:$0x360];
	[tilespmem:$0x1F8A0] =	vst v8;
	v22 =	vmax.f32 v22, v37;
	v21 =	vmin.f32 v21, v54  }
0x48: {  	v60 =	vld [tilespmem:$0x370];
	v26 =	vmovc v27;
	v18 =	vmovc v1;
	v17 =	vmov v2;
	v22 =	vmax.f32 v22, v38;
	v21 =	vmin.f32 v21, v55  }
0x49: {  	v61 =	vld [tilespmem:$0x380];
	v16 =	vmovc v3;
	v15 =	vmovc v4;
	v8 =	vmov v9;
	v22 =	vmax.f32 v22, v39;
	v21 =	vmin.f32 v21, v56  }
0x4a: {  	v9 =	vmovc v10;
	v10 =	vmovc v11;
	v11 =	vmov v12;
	v22 =	vmax.f32 v22, v40;
	v62 =	vld [tilespmem:$0x390];
	v21 =	vmin.f32 v21, v57  }
0x4b: {  	v12 =	vmovc v7;
	v19 =	vmovc v0;
	v27 =	vmov v28;
	v63 =	vld [tilespmem:$0x3A0];
	v22 =	vmax.f32 v22, v41;
	v21 =	vmin.f32 v21, v58  }
0x4c: {  	v7 =	vld [tilespmem:$0x3B0];
	v28 =	vmovc v29;
	v29 =	vmovc v30;
	v30 =	vmov v31;
	v22 =	vmax.f32 v22, v42;
	v21 =	vmin.f32 v21, v59  }
0x4d: {  	v0 =	vld [tilespmem:$0x3C0];
	v31 =	vmovc v32;
	v32 =	vmovc v33;
	v33 =	vmov v34;
	v22 =	vmax.f32 v22, v43;
	v21 =	vmin.f32 v21, v60  }
0x4e: {  	v1 =	vld [tilespmem:$0x3D0];
	v34 =	vmovc v35;
	v35 =	vmovc v36;
	v36 =	vmov v37;
	v22 =	vmax.f32 v22, v44;
	v21 =	vmin.f32 v21, v61  }
0x4f: {  	v2 =	vld [tilespmem:$0x3E0];
	v37 =	vmovc v38;
	v38 =	vmovc v39;
	v39 =	vmov v40;
	v22 =	vmax.f32 v22, v45;
	v21 =	vmin.f32 v21, v62  }
0x50: {  	v3 =	vld [tilespmem:$0x3F0];
	v40 =	vmovc v41;
	v41 =	vmovc v42;
	v42 =	vmov v43;
	v22 =	vmax.f32 v22, v46;
	v21 =	vmin.f32 v21, v63  }
0x51: {  	v4 =	vld [tilespmem:$0x400];
	v43 =	vmovc v44;
	v44 =	vmovc v45;
	v45 =	vmov v46;
	v22 =	vmax.f32 v22, v47;
	v21 =	vmin.f32 v21, v7  }
0x52: {  	v46 =	vmovc v47;
	v47 =	vmovc v23;
	v22 =	vmax.f32 v22, v23;
	v23 =	vmov v0;
	v21 =	vmin.f32 v21, v0;
	v0 =	vld [tilespmem:$0x410]  }
0x53: {  	v21 =	vmin.f32 v21, v1  }
0x54: {  	v21 =	vmin.f32 v21, v2  }
0x55: {  	v21 =	vmin.f32 v21, v3  }
0x56: {  	[tilespmem:$0x1F8B0] =	vst v1;
	v1 =	vld [tilespmem:$0x420];
	v21 =	vmin.f32 v21, v4  }
0x57: {  	[tilespmem:$0x1F8F0] =	vst v0;
	v21 =	vmin.f32 v21, v0;
	v0 =	vld [tilespmem:$0x460]  }
0x58: {  	[tilespmem:$0x1F8C0] =	vst v2;
	v2 =	vld [tilespmem:$0x430];
	_ =	sdelay $0x1  }
0x59: {  	[tilespmem:$0x1F880] =	vst v14  }
0x5a: {  	[tilespmem:$0x1F8D0] =	vst v3;
	v22 =	vmax.f32 v22, v24;
	v3 =	vld [tilespmem:$0x440]  }
0x5b: {  	v14 =	vmov v5;
	v5 =	vld [tilespmem:$0x450];
	v22 =	vmax.f32 v22, v50;
	v21 =	vmin.f32 v21, v1;
	[tilespmem:$0x1F9B0] =	vst v0  }
0x5c: {  	v22 =	vmax.f32 v22, v51;
	[tilespmem:$0x1F930] =	vst v2;
	v21 =	vmin.f32 v21, v2;
	v2 =	vld [tilespmem:$0x1F9B0]  }
0x5d: {  	v22 =	vmax.f32 v22, v52;
	v0 =	vld [tilespmem:$0x470]  }
0x5e: {  	v48 =	vmov v24;
	v24 =	vmov v4;
	v22 =	vmax.f32 v22, v53;
	v4 =	vld [tilespmem:$0x480]  }
0x5f: {  	[tilespmem:$0x1F890] =	vst v13;
	v13 =	vmov v6;
	v6 =	vld [tilespmem:$0x490];
	v22 =	vmax.f32 v22, v54;
	v21 =	vmin.f32 v21, v3  }
0x60: {  	v22 =	vmax.f32 v22, v55;
	[tilespmem:$0x1F910] =	vst v1;
	v1 =	vld [tilespmem:$0x4A0];
	v21 =	vmin.f32 v21, v5  }
0x61: {  	v22 =	vmax.f32 v22, v56;
	v21 =	vmin.f32 v21, v2;
	v2 =	vld [tilespmem:$0x4B0]  }
0x62: {  	v22 =	vmax.f32 v22, v57;
	[tilespmem:$0x1F960] =	vst v3;
	v3 =	vld [tilespmem:$0x4C0];
	v21 =	vmin.f32 v21, v0  }
0x63: {  	v22 =	vmax.f32 v22, v58;
	v21 =	vmin.f32 v21, v4  }
0x64: {  	v22 =	vmax.f32 v22, v59;
	v21 =	vmin.f32 v21, v6  }
0x65: {  	[tilespmem:$0x1F980] =	vst v5;
	v22 =	vmax.f32 v22, v60;
	v5 =	vld [tilespmem:$0x4D0];
	v21 =	vmin.f32 v21, v1  }
0x66: {  	v22 =	vmax.f32 v22, v61;
	[tilespmem:$0x1FA10] =	vst v2;
	v21 =	vmin.f32 v21, v2;
	v2 =	vld [tilespmem:$0x1F8B0]  }
0x67: {  	v22 =	vmax.f32 v22, v62;
	[tilespmem:$0x1FA40] =	vst v3;
	v21 =	vmin.f32 v21, v3;
	v3 =	vld [tilespmem:$0x1F8C0]  }
0x68: {  	v22 =	vmax.f32 v22, v63  }
0x69: {  	[tilespmem:$0x1F9E0] =	vst v6;
	v22 =	vmax.f32 v22, v7;
	v6 =	vld [tilespmem:$0x4E0]  }
0x6a: {  	v22 =	vmax.f32 v22, v23;
	[tilespmem:$0x1F9F0] =	vst v1  }
0x6b: {  	[tilespmem:$0x1F9C0] =	vst v0;
	v0 =	vmov v23;
	v23 =	vmax.f32 v22, v2  }
0x6c: {  	[tilespmem:$0x1FA70] =	vst v5;
	v1 =	vmov v2;
	v2 =	vmov v3;
	v3 =	vmax.f32 v23, v3  }
0x6d: {  	v21 =	vmin.f32 v21, v5;
	v5 =	vld [tilespmem:$0x1F8D0];
	[tilespmem:$0x1F8E0] =	vst v3  }
0x6e: {  	[tilespmem:$0x1FA90] =	vst v6;
	v21 =	vmin.f32 v21, v6;
	v6 =	vld [tilespmem:$0x1F8E0]  }
0x6f: {  	v49 =	vmovc v50;
	v50 =	vmovc v51;
	v51 =	vmov v52;
	v52 =	vmov v53;
	v53 =	vmov v54  }
0x70: {  	v54 =	vmovc v55;
	v55 =	vmovc v56;
	v56 =	vmov v57;
	v57 =	vmov v58;
	v58 =	vmov v59;
	[tilespmem:$0x1F9D0] =	vst v4;
	v4 =	vld [tilespmem:$0x4F0]  }
0x71: {  	v59 =	vmovc v60;
	v60 =	vmovc v61;
	v61 =	vmov v62;
	v62 =	vmov v63;
	v63 =	vmov v7;
	v7 =	vld [tilespmem:$0x500];
	_ =	sdelay $0x1  }
0x72: {  	v6 =	vmax.f32 v6, v5  }
0x73: {  	v3 =	vmov v5;
	v5 =	vmax.f32 v6, v24  }
0x74: {  	v21 =	vmin.f32 v21, v4;
	v6 =	vld [tilespmem:$0x1F8F0];
	[tilespmem:$0x1F900] =	vst v5  }
0x75: {  	[tilespmem:$0x1FAE0] =	vst v7;
	v21 =	vmin.f32 v21, v7;
	v7 =	vld [tilespmem:$0x1F900];
	_ =	sdelay $0x1  }
0x76: {  	[tilespmem:$0x1F830] =	vst v20;
	v20 =	vld [tilespmem:$0x510];
	_ =	sdelay $0x2  }
0x77: {  	v5 =	vmov v6;
	v6 =	vmax.f32 v7, v6;
	v7 =	vld [tilespmem:$0x1F910]  }
0x78: {  	[tilespmem:$0x1F920] =	vst v6;
	v6 =	vld [tilespmem:$0x560]  }
0x79: {  	[tilespmem:$0x1FB00] =	vst v20;
	v21 =	vmin.f32 v21, v20;
	v20 =	vld [tilespmem:$0x1F920];
	_ =	sdelay $0x1  }
0x7a: {  	v22 =	vld [tilespmem:$0x520];
	_ =	sdelay $0x2  }
0x7b: {  	[tilespmem:$0x1FBA0] =	vst v6;
	v6 =	vmov v7;
	v7 =	vmax.f32 v20, v7  }
0x7c: {  	v20 =	vld [tilespmem:$0x1F930];
	[tilespmem:$0x1F940] =	vst v7  }
0x7d: {  	v7 =	vmin.f32 v21, v22;
	v21 =	vld [tilespmem:$0x1F940];
	_ =	sdelay $0x3  }
0x7e: {  	v23 =	vld [tilespmem:$0x530];
	[tilespmem:$0x1F950] =	vst v7  }
0x7f: {  	v7 =	vmov v20;
	v21 =	vmax.f32 v21, v20;
	v20 =	vld [tilespmem:$0x1F950];
	_ =	sdelay $0x4  }
0x80: {  	[tilespmem:$0x1FAB0] =	vst v4;
	v4 =	vld [tilespmem:$0x540];
	v20 =	vmin.f32 v20, v23  }
0x81: {  	[tilespmem:$0x1F970] =	vst v20;
	v20 =	vld [tilespmem:$0x1F960];
	_ =	sdelay $0x4  }
0x82: {  	[tilespmem:$0x1FB60] =	vst v4;
	v20 =	vmax.f32 v21, v20;
	v21 =	vld [tilespmem:$0x1F970]  }
0x83: {  	[tilespmem:$0x1F990] =	vst v20;
	v20 =	vld [tilespmem:$0x1FB60];
	_ =	sdelay $0x4  }
0x84: {  	v20 =	vmin.f32 v21, v20  }
0x85: {  	[tilespmem:$0x1F9A0] =	vst v20;
	v20 =	vld [tilespmem:$0x590];
	_ =	sdelay $0x3  }
0x86: {  	v21 =	vld [tilespmem:$0x1F990]  }
0x87: {  	[tilespmem:$0x1FC20] =	vst v20;
	v20 =	vld [tilespmem:$0x1F980];
	_ =	sdelay $0x3  }
0x88: {  	v4 =	vmov v24;
	v24 =	vld [tilespmem:$0x550]  }
0x89: {  	v21 =	vmax.f32 v21, v20;
	v20 =	vld [tilespmem:$0x1F9A0];
	_ =	sdelay $0x4  }
0x8a: {  	[tilespmem:$0x1FB80] =	vst v24;
	v24 =	vmin.f32 v20, v24;
	v20 =	vld [tilespmem:$0x5A0];
	_ =	sdelay $0x4  }
0x8b: {  	[tilespmem:$0x1FC50] =	vst v20;
	v20 =	vld [tilespmem:$0x1F9B0];
	_ =	sdelay $0x4  }
0x8c: {  	v21 =	vmax.f32 v21, v20;
	v20 =	vld [tilespmem:$0x1FBA0];
	_ =	sdelay $0x4  }
0x8d: {  	v24 =	vmin.f32 v24, v20;
	v20 =	vld [tilespmem:$0x5B0];
	_ =	sdelay $0x4  }
0x8e: {  	[tilespmem:$0x1FC60] =	vst v20;
	v20 =	vld [tilespmem:$0x1F9C0];
	_ =	sdelay $0x4  }
0x8f: {  	v21 =	vmax.f32 v21, v20;
	v20 =	vld [tilespmem:$0x1F9D0];
	_ =	sdelay $0x4  }
0x90: {  	v21 =	vmax.f32 v21, v20;
	v20 =	vld [tilespmem:$0x1F9E0];
	_ =	sdelay $0x3  }
0x91: {  	[tilespmem:$0x1FB30] =	vst v22;
	v22 =	vld [tilespmem:$0x570]  }
0x92: {  	[tilespmem:$0x1FB50] =	vst v23;
	v23 =	vld [tilespmem:$0x580];
	v20 =	vmax.f32 v21, v20  }
0x93: {  	[tilespmem:$0x1FA00] =	vst v20;
	v20 =	vld [tilespmem:$0x1FC20];
	_ =	sdelay $0x2  }
0x94: {  	v24 =	vmin.f32 v24, v22  }
0x95: {  	v24 =	vmin.f32 v24, v23  }
0x96: {  	v21 =	vmin.f32 v24, v20;
	v20 =	vld [tilespmem:$0x5E0];
	_ =	sdelay $0x3  }
0x97: {  	v24 =	vld [tilespmem:$0x1FA00]  }
0x98: {  	[tilespmem:$0x1FCB0] =	vst v20;
	v20 =	vld [tilespmem:$0x1F9F0];
	_ =	sdelay $0x4  }
0x99: {  	v20 =	vmax.f32 v24, v20  }
0x9a: {  	[tilespmem:$0x1FA20] =	vst v20;
	v20 =	vld [tilespmem:$0x1FC50];
	_ =	sdelay $0x4  }
0x9b: {  	v20 =	vmin.f32 v21, v20;
	v21 =	vld [tilespmem:$0x1FA20]  }
0x9c: {  	[tilespmem:$0x1FA30] =	vst v20;
	v20 =	vld [tilespmem:$0x1FA10];
	_ =	sdelay $0x4  }
0x9d: {  	v20 =	vmax.f32 v21, v20;
	v21 =	vld [tilespmem:$0x1FA30]  }
0x9e: {  	[tilespmem:$0x1FA50] =	vst v20;
	v20 =	vld [tilespmem:$0x1FC60];
	_ =	sdelay $0x4  }
0x9f: {  	v20 =	vmin.f32 v21, v20  }
0xa0: {  	[tilespmem:$0x1FA60] =	vst v20;
	v20 =	vld [tilespmem:$0x600];
	_ =	sdelay $0x3  }
0xa1: {  	v21 =	vld [tilespmem:$0x1FA50]  }
0xa2: {  	[tilespmem:$0x1FD10] =	vst v20;
	v20 =	vld [tilespmem:$0x1FA40];
	_ =	sdelay $0x3  }
0xa3: {  	[tilespmem:$0x1FBC0] =	vst v22;
	v22 =	vld [tilespmem:$0x5C0]  }
0xa4: {  	v21 =	vmax.f32 v21, v20;
	v20 =	vld [tilespmem:$0x1FA60];
	_ =	sdelay $0x4  }
0xa5: {  	v20 =	vmin.f32 v20, v22  }
0xa6: {  	[tilespmem:$0x1FA80] =	vst v20;
	v20 =	vld [tilespmem:$0x1FA70];
	_ =	sdelay $0x3  }
0xa7: {  	[tilespmem:$0x1FBF0] =	vst v23;
	v23 =	vld [tilespmem:$0x5D0]  }
0xa8: {  	v21 =	vmax.f32 v21, v20;
	v20 =	vld [tilespmem:$0x1FA80];
	_ =	sdelay $0x4  }
0xa9: {  	v20 =	vmin.f32 v20, v23  }
0xaa: {  	[tilespmem:$0x1FAA0] =	vst v20;
	v20 =	vld [tilespmem:$0x1FA90];
	_ =	sdelay $0x4  }
0xab: {  	v20 =	vmax.f32 v21, v20;
	v21 =	vld [tilespmem:$0x1FAA0]  }
0xac: {  	[tilespmem:$0x1FAC0] =	vst v20;
	v20 =	vld [tilespmem:$0x1FCB0];
	_ =	sdelay $0x4  }
0xad: {  	v20 =	vmin.f32 v21, v20  }
0xae: {  	[tilespmem:$0x1FAD0] =	vst v20;
	v20 =	vld [tilespmem:$0x630];
	_ =	sdelay $0x3  }
0xaf: {  	v21 =	vld [tilespmem:$0x1FAC0]  }
0xb0: {  	[tilespmem:$0x1FD70] =	vst v20;
	v20 =	vld [tilespmem:$0x1FAB0];
	_ =	sdelay $0x3  }
0xb1: {  	v24 =	vld [tilespmem:$0x5F0]  }
0xb2: {  	v21 =	vmax.f32 v21, v20;
	v20 =	vld [tilespmem:$0x1FAD0];
	_ =	sdelay $0x4  }
0xb3: {  	v20 =	vmin.f32 v20, v24  }
0xb4: {  	[tilespmem:$0x1FAF0] =	vst v20;
	v20 =	vld [tilespmem:$0x1FAE0];
	_ =	sdelay $0x4  }
0xb5: {  	v20 =	vmax.f32 v21, v20;
	v21 =	vld [tilespmem:$0x1FAF0]  }
0xb6: {  	[tilespmem:$0x1FB10] =	vst v20;
	v20 =	vld [tilespmem:$0x1FD10];
	_ =	sdelay $0x4  }
0xb7: {  	v20 =	vmin.f32 v21, v20  }
0xb8: {  	[tilespmem:$0x1FB20] =	vst v20;
	v20 =	vld [tilespmem:$0x650];
	_ =	sdelay $0x3  }
0xb9: {  	v21 =	vld [tilespmem:$0x1FB10]  }
0xba: {  	[tilespmem:$0x1FDD0] =	vst v20;
	v20 =	vld [tilespmem:$0x1FB00];
	_ =	sdelay $0x3  }
0xbb: {  	[tilespmem:$0x1FC70] =	vst v22;
	v22 =	vld [tilespmem:$0x610]  }
0xbc: {  	v21 =	vmax.f32 v21, v20;
	v20 =	vld [tilespmem:$0x1FB20];
	_ =	sdelay $0x4  }
0xbd: {  	v20 =	vmin.f32 v20, v22  }
0xbe: {  	[tilespmem:$0x1FB40] =	vst v20;
	v20 =	vld [tilespmem:$0x1FB30];
	_ =	sdelay $0x3  }
0xbf: {  	[tilespmem:$0x1FC80] =	vst v23;
	v23 =	vld [tilespmem:$0x620]  }
0xc0: {  	v21 =	vmax.f32 v21, v20;
	v20 =	vld [tilespmem:$0x1FB40];
	_ =	sdelay $0x4  }
0xc1: {  	[tilespmem:$0x1FD50] =	vst v23;
	v23 =	vmin.f32 v20, v23;
	v20 =	vld [tilespmem:$0x670];
	_ =	sdelay $0x4  }
0xc2: {  	[tilespmem:$0x1FE10] =	vst v20;
	v20 =	vld [tilespmem:$0x1FB50];
	_ =	sdelay $0x4  }
0xc3: {  	v21 =	vmax.f32 v21, v20;
	v20 =	vld [tilespmem:$0x1FD70];
	_ =	sdelay $0x4  }
0xc4: {  	v20 =	vmin.f32 v23, v20  }
0xc5: {  	[tilespmem:$0x1FB70] =	vst v20;
	v20 =	vld [tilespmem:$0x680];
	_ =	sdelay $0x4  }
0xc6: {  	[tilespmem:$0x1FE30] =	vst v20;
	v20 =	vld [tilespmem:$0x1FB60];
	_ =	sdelay $0x3  }
0xc7: {  	[tilespmem:$0x1FCE0] =	vst v24;
	v24 =	vld [tilespmem:$0x640]  }
0xc8: {  	v23 =	vmax.f32 v21, v20;
	v20 =	vld [tilespmem:$0x1FB70];
	_ =	sdelay $0x4  }
0xc9: {  	v20 =	vmin.f32 v20, v24  }
0xca: {  	[tilespmem:$0x1FB90] =	vst v20;
	v20 =	vld [tilespmem:$0x1FB80];
	_ =	sdelay $0x4  }
0xcb: {  	[tilespmem:$0x1FDA0] =	vst v24;
	v24 =	vmax.f32 v23, v20;
	v20 =	vld [tilespmem:$0x1FDD0]  }
0xcc: {  	v23 =	vld [tilespmem:$0x1FB90];
	_ =	sdelay $0x4  }
0xcd: {  	v20 =	vmin.f32 v23, v20  }
0xce: {  	[tilespmem:$0x1FBB0] =	vst v20;
	v20 =	vld [tilespmem:$0x1FBA0];
	_ =	sdelay $0x4  }
0xcf: {  	[tilespmem:$0x1FD30] =	vst v22;
	v22 =	vld [tilespmem:$0x660];
	v20 =	vmax.f32 v24, v20  }
0xd0: {  	[tilespmem:$0x1FBD0] =	vst v20;
	v20 =	vld [tilespmem:$0x1FBB0];
	_ =	sdelay $0x4  }
0xd1: {  	[tilespmem:$0x1FDF0] =	vst v22;
	v20 =	vmin.f32 v20, v22;
	v22 =	vld [tilespmem:$0x1FBD0]  }
0xd2: {  	[tilespmem:$0x1FBE0] =	vst v20;
	v20 =	vld [tilespmem:$0x1FBC0];
	_ =	sdelay $0x4  }
0xd3: {  	v20 =	vmax.f32 v22, v20;
	v22 =	vld [tilespmem:$0x1FBE0]  }
0xd4: {  	[tilespmem:$0x1FC00] =	vst v20;
	v20 =	vld [tilespmem:$0x1FE10];
	_ =	sdelay $0x4  }
0xd5: {  	v20 =	vmin.f32 v22, v20  }
0xd6: {  	[tilespmem:$0x1FC10] =	vst v20;
	v20 =	vld [tilespmem:$0x6C0];
	_ =	sdelay $0x3  }
0xd7: {  	v22 =	vld [tilespmem:$0x1FC00]  }
0xd8: {  	[tilespmem:$0x1FEA0] =	vst v20;
	v20 =	vld [tilespmem:$0x1FBF0];
	_ =	sdelay $0x4  }
0xd9: {  	v20 =	vmax.f32 v22, v20;
	v22 =	vld [tilespmem:$0x1FC10]  }
0xda: {  	[tilespmem:$0x1FC30] =	vst v20;
	v20 =	vld [tilespmem:$0x1FE30];
	_ =	sdelay $0x4  }
0xdb: {  	v20 =	vmin.f32 v22, v20  }
0xdc: {  	[tilespmem:$0x1FC40] =	vst v20;
	v20 =	vld [tilespmem:$0x6D0];
	_ =	sdelay $0x3  }
0xdd: {  	v22 =	vld [tilespmem:$0x1FC30]  }
0xde: {  	[tilespmem:$0x1FEC0] =	vst v20;
	v20 =	vld [tilespmem:$0x1FC20];
	_ =	sdelay $0x3  }
0xdf: {  	v21 =	vld [tilespmem:$0x690]  }
0xe0: {  	v22 =	vmax.f32 v22, v20;
	v20 =	vld [tilespmem:$0x1FC40];
	_ =	sdelay $0x4  }
0xe1: {  	[tilespmem:$0x1FE40] =	vst v21;
	v21 =	vmin.f32 v20, v21;
	v20 =	vld [tilespmem:$0x6E0];
	_ =	sdelay $0x4  }
0xe2: {  	[tilespmem:$0x1FED0] =	vst v20;
	v20 =	vld [tilespmem:$0x1FC50];
	_ =	sdelay $0x4  }
0xe3: {  	v22 =	vmax.f32 v22, v20;
	v20 =	vld [tilespmem:$0x1FC60];
	_ =	sdelay $0x4  }
0xe4: {  	v22 =	vmax.f32 v22, v20;
	v20 =	vld [tilespmem:$0x1FC70];
	_ =	sdelay $0x3  }
0xe5: {  	v23 =	vld [tilespmem:$0x6A0]  }
0xe6: {  	v24 =	vld [tilespmem:$0x6B0];
	v20 =	vmax.f32 v22, v20  }
0xe7: {  	[tilespmem:$0x1FC90] =	vst v20;
	v20 =	vld [tilespmem:$0x1FEA0];
	_ =	sdelay $0x2  }
0xe8: {  	v21 =	vmin.f32 v21, v23  }
0xe9: {  	v21 =	vmin.f32 v21, v24  }
0xea: {  	v20 =	vmin.f32 v21, v20;
	v21 =	vld [tilespmem:$0x1FC90]  }
0xeb: {  	[tilespmem:$0x1FCA0] =	vst v20;
	v20 =	vld [tilespmem:$0x1FC80];
	_ =	sdelay $0x4  }
0xec: {  	v20 =	vmax.f32 v21, v20;
	v21 =	vld [tilespmem:$0x1FCA0]  }
0xed: {  	[tilespmem:$0x1FCC0] =	vst v20;
	v20 =	vld [tilespmem:$0x1FEC0];
	_ =	sdelay $0x4  }
0xee: {  	v20 =	vmin.f32 v21, v20  }
0xef: {  	[tilespmem:$0x1FCD0] =	vst v20;
	v20 =	vld [tilespmem:$0x720];
	_ =	sdelay $0x3  }
0xf0: {  	v21 =	vld [tilespmem:$0x1FCC0]  }
0xf1: {  	[tilespmem:$0x1FF20] =	vst v20;
	v20 =	vld [tilespmem:$0x1FCB0];
	_ =	sdelay $0x4  }
0xf2: {  	v20 =	vmax.f32 v21, v20;
	v21 =	vld [tilespmem:$0x1FCD0]  }
0xf3: {  	[tilespmem:$0x1FCF0] =	vst v20;
	v20 =	vld [tilespmem:$0x1FED0];
	_ =	sdelay $0x4  }
0xf4: {  	v20 =	vmin.f32 v21, v20  }
0xf5: {  	[tilespmem:$0x1FD00] =	vst v20;
	v20 =	vld [tilespmem:$0x730];
	_ =	sdelay $0x3  }
0xf6: {  	v21 =	vld [tilespmem:$0x1FCF0]  }
0xf7: {  	[tilespmem:$0x1FF30] =	vst v20;
	v20 =	vld [tilespmem:$0x1FCE0];
	_ =	sdelay $0x3  }
0xf8: {  	[tilespmem:$0x1FE50] =	vst v23;
	v23 =	vld [tilespmem:$0x6F0]  }
0xf9: {  	v21 =	vmax.f32 v21, v20;
	v20 =	vld [tilespmem:$0x1FD00];
	_ =	sdelay $0x4  }
0xfa: {  	v20 =	vmin.f32 v20, v23  }
0xfb: {  	[tilespmem:$0x1FD20] =	vst v20;
	v20 =	vld [tilespmem:$0x1FD10];
	_ =	sdelay $0x3  }
0xfc: {  	[tilespmem:$0x1FE70] =	vst v24;
	v24 =	vld [tilespmem:$0x700]  }
0xfd: {  	v21 =	vmax.f32 v21, v20;
	v20 =	vld [tilespmem:$0x1FD20];
	_ =	sdelay $0x4  }
0xfe: {  	v20 =	vmin.f32 v20, v24  }
0xff: {  	[tilespmem:$0x1FD40] =	vst v20;
	v20 =	vld [tilespmem:$0x1FD30];
	_ =	sdelay $0x3  }
0x100: {  	v22 =	vld [tilespmem:$0x710]  }
0x101: {  	v21 =	vmax.f32 v21, v20;
	v20 =	vld [tilespmem:$0x1FD40];
	_ =	sdelay $0x4  }
0x102: {  	v20 =	vmin.f32 v20, v22  }
0x103: {  	[tilespmem:$0x1FD60] =	vst v20;
	v20 =	vld [tilespmem:$0x1FD50];
	_ =	sdelay $0x4  }
0x104: {  	v20 =	vmax.f32 v21, v20;
	v21 =	vld [tilespmem:$0x1FD60]  }
0x105: {  	[tilespmem:$0x1FD80] =	vst v20;
	v20 =	vld [tilespmem:$0x1FF20];
	_ =	sdelay $0x4  }
0x106: {  	v20 =	vmin.f32 v21, v20  }
0x107: {  	[tilespmem:$0x1FD90] =	vst v20;
	v20 =	vld [tilespmem:$0x770];
	_ =	sdelay $0x3  }
0x108: {  	v21 =	vld [tilespmem:$0x1FD80]  }
0x109: {  	[tilespmem:$0x1FF70] =	vst v20;
	v20 =	vld [tilespmem:$0x1FD70];
	_ =	sdelay $0x4  }
0x10a: {  	v20 =	vmax.f32 v21, v20;
	v21 =	vld [tilespmem:$0x1FD90]  }
0x10b: {  	[tilespmem:$0x1FDB0] =	vst v20;
	v20 =	vld [tilespmem:$0x1FF30];
	_ =	sdelay $0x4  }
0x10c: {  	v20 =	vmin.f32 v21, v20  }
0x10d: {  	[tilespmem:$0x1FDC0] =	vst v20;
	v20 =	vld [tilespmem:$0x780];
	_ =	sdelay $0x3  }
0x10e: {  	v21 =	vld [tilespmem:$0x1FDB0]  }
0x10f: {  	[tilespmem:$0x1FF80] =	vst v20;
	v20 =	vld [tilespmem:$0x1FDA0];
	_ =	sdelay $0x3  }
0x110: {  	[tilespmem:$0x1FEE0] =	vst v23;
	v23 =	vld [tilespmem:$0x740]  }
0x111: {  	v21 =	vmax.f32 v21, v20;
	v20 =	vld [tilespmem:$0x1FDC0];
	_ =	sdelay $0x4  }
0x112: {  	v20 =	vmin.f32 v20, v23  }
0x113: {  	[tilespmem:$0x1FDE0] =	vst v20;
	v20 =	vld [tilespmem:$0x1FDD0];
	_ =	sdelay $0x3  }
0x114: {  	[tilespmem:$0x1FEF0] =	vst v24;
	v24 =	vld [tilespmem:$0x750]  }
0x115: {  	v21 =	vmax.f32 v21, v20;
	v20 =	vld [tilespmem:$0x1FDE0];
	_ =	sdelay $0x4  }
0x116: {  	v20 =	vmin.f32 v20, v24  }
0x117: {  	[tilespmem:$0x1FE00] =	vst v20;
	v20 =	vld [tilespmem:$0x7A0];
	_ =	sdelay $0x4  }
0x118: {  	[tilespmem:$0x1FFA0] =	vst v20;
	v20 =	vld [tilespmem:$0x1FDF0];
	_ =	sdelay $0x3  }
0x119: {  	[tilespmem:$0x1FF10] =	vst v22;
	v22 =	vld [tilespmem:$0x760]  }
0x11a: {  	[tilespmem:$0x1FF50] =	vst v24;
	v24 =	vmax.f32 v21, v20;
	v20 =	vld [tilespmem:$0x1FE00];
	_ =	sdelay $0x4  }
0x11b: {  	v20 =	vmin.f32 v20, v22  }
0x11c: {  	[tilespmem:$0x1FE20] =	vst v20;
	v20 =	vld [tilespmem:$0x1FE10];
	_ =	sdelay $0x4  }
0x11d: {  	[tilespmem:$0x1FF60] =	vst v22;
	v22 =	vmax.f32 v24, v20;
	v20 =	vld [tilespmem:$0x1FF70]  }
0x11e: {  	v24 =	vld [tilespmem:$0x1FE20];
	_ =	sdelay $0x4  }
0x11f: {  	v24 =	vmin.f32 v24, v20;
	v20 =	vld [tilespmem:$0x7C0];
	_ =	sdelay $0x4  }
0x120: {  	[tilespmem:$0x1FFC0] =	vst v20;
	v20 =	vld [tilespmem:$0x1FE30];
	_ =	sdelay $0x4  }
0x121: {  	v22 =	vmax.f32 v22, v20;
	v20 =	vld [tilespmem:$0x1FF80];
	_ =	sdelay $0x4  }
0x122: {  	v24 =	vmin.f32 v24, v20;
	v20 =	vld [tilespmem:$0x7D0];
	_ =	sdelay $0x4  }
0x123: {  	[tilespmem:$0x1FFD0] =	vst v20;
	v20 =	vld [tilespmem:$0x1FE40];
	_ =	sdelay $0x1  }
0x124: {  	[tilespmem:$0x1FF40] =	vst v23;
	v23 =	vld [tilespmem:$0x790];
	_ =	sdelay $0x2  }
0x125: {  	v20 =	vmax.f32 v22, v20  }
0x126: {  	[tilespmem:$0x1FE60] =	vst v20;
	v20 =	vld [tilespmem:$0x1FE50]  }
0x127: {  	[tilespmem:$0x1FF90] =	vst v23;
	v24 =	vmin.f32 v24, v23;
	v23 =	vld [tilespmem:$0x1FE60];
	_ =	sdelay $0x4  }
0x128: {  	v20 =	vmax.f32 v23, v20  }
0x129: {  	[tilespmem:$0x1FE80] =	vst v20;
	v20 =	vld [tilespmem:$0x1FFA0];
	_ =	sdelay $0x4  }
0x12a: {  	v20 =	vmin.f32 v24, v20;
	v24 =	vld [tilespmem:$0x1FE80]  }
0x12b: {  	[tilespmem:$0x1FE90] =	vst v20;
	v20 =	vld [tilespmem:$0x1FE70];
	_ =	sdelay $0x3  }
0x12c: {  	v21 =	vld [tilespmem:$0x7B0]  }
0x12d: {  	v24 =	vmax.f32 v24, v20;
	v20 =	vld [tilespmem:$0x1FE90];
	_ =	sdelay $0x4  }
0x12e: {  	v20 =	vmin.f32 v20, v21  }
0x12f: {  	[tilespmem:$0x1FEB0] =	vst v20;
	v20 =	vld [tilespmem:$0x1FEA0];
	_ =	sdelay $0x4  }
0x130: {  	[tilespmem:$0x1FFB0] =	vst v21;
	v21 =	vmax.f32 v24, v20;
	v20 =	vld [tilespmem:$0x1FFC0]  }
0x131: {  	v24 =	vld [tilespmem:$0x1FEB0];
	_ =	sdelay $0x4  }
0x132: {  	v24 =	vmin.f32 v24, v20;
	v20 =	vld [tilespmem:$0x1FEC0];
	_ =	sdelay $0x4  }
0x133: {  	v21 =	vmax.f32 v21, v20;
	v20 =	vld [tilespmem:$0x1FFD0];
	_ =	sdelay $0x4  }
0x134: {  	v24 =	vmin.f32 v24, v20;
	v20 =	vld [tilespmem:$0x1FED0];
	_ =	sdelay $0x4  }
0x135: {  	v21 =	vmax.f32 v21, v20;
	v20 =	vld [tilespmem:$0x1FEE0]  }
0x136: {  	v22 =	vld [tilespmem:$0x7E0]  }
0x137: {  	v23 =	vld [tilespmem:$0x7F0];
	_ =	sdelay $0x2  }
0x138: {  	v20 =	vmax.f32 v21, v20  }
0x139: {  	v24 =	vmin.f32 v24, v22;
	[tilespmem:$0x1FF00] =	vst v20;
	v20 =	vld [tilespmem:$0x1FEF0]  }
0x13a: {  	v21 =	vmin.f32 v24, v23;
	v24 =	vld [tilespmem:$0x1FF00];
	_ =	sdelay $0x4  }
0x13b: {  	v24 =	vmax.f32 v24, v20;
	v20 =	vld [tilespmem:$0x1FF10];
	_ =	sdelay $0x4  }
0x13c: {  	v24 =	vmax.f32 v24, v20;
	v20 =	vld [tilespmem:$0x1FF20];
	_ =	sdelay $0x4  }
0x13d: {  	v24 =	vmax.f32 v24, v20;
	v20 =	vld [tilespmem:$0x1FF30];
	_ =	sdelay $0x4  }
0x13e: {  	v24 =	vmax.f32 v24, v20;
	v20 =	vld [tilespmem:$0x1FF40];
	_ =	sdelay $0x4  }
0x13f: {  	v24 =	vmax.f32 v24, v20;
	v20 =	vld [tilespmem:$0x1FF50];
	_ =	sdelay $0x4  }
0x140: {  	v24 =	vmax.f32 v24, v20;
	v20 =	vld [tilespmem:$0x1FF60];
	_ =	sdelay $0x4  }
0x141: {  	v24 =	vmax.f32 v24, v20;
	v20 =	vld [tilespmem:$0x1FF70];
	_ =	sdelay $0x4  }
0x142: {  	v24 =	vmax.f32 v24, v20;
	v20 =	vld [tilespmem:$0x1FF80];
	_ =	sdelay $0x4  }
0x143: {  	v24 =	vmax.f32 v24, v20;
	v20 =	vld [tilespmem:$0x1FF90];
	_ =	sdelay $0x4  }
0x144: {  	v24 =	vmax.f32 v24, v20;
	v20 =	vld [tilespmem:$0x1FFA0];
	_ =	sdelay $0x4  }
0x145: {  	v24 =	vmax.f32 v24, v20;
	v20 =	vld [tilespmem:$0x1FFB0];
	_ =	sdelay $0x1  }
0x146: {  	(v2sf) =	vpush v21, $0x0  }
0x147: {  	(v2sf) =	vpush v21, $0x1  }
0x148: {  	(v2sf) =	vpush v21, $0x2  }
0x149: {  	(v2sf) =	vpush v21, $0x3;
	v24 =	vmax.f32 v24, v20;
	v20 =	vld [tilespmem:$0x1FFC0]  }
0x14a: {  	(v2sf) =	vpush v21, $0x4  }
0x14b: {  	(v2sf) =	vpush v21, $0x5  }
0x14c: {  	(v2sf) =	vpush v21, $0x6  }
0x14d: {  	(v2sf) =	vpush v21, $0x7  }
0x14e: {  	(v2sf) =	vpush v21, $0x8;
	v24 =	vmax.f32 v24, v20;
	v20 =	vld [tilespmem:$0x1FFD0]  }
0x14f: {  	(v2sf) =	vpush v21, $0x9  }
0x150: {  	(v2sf) =	vpush v21, $0xA  }
0x151: {  	(v2sf) =	vpush v21, $0xB  }
0x152: {  	(v2sf) =	vpush v21, $0xC  }
0x153: {  	(v2sf) =	vpush v21, $0xD;
	v20 =	vmax.f32 v24, v20  }
0x154: {  	(v2sf) =	vpush v21, $0xE;
	v20 =	vmax.f32 v20, v22  }
0x155: {  	(v2sf) =	vpush v21, $0xF;
	s11 =	spop (v2sf);
	v20 =	vmax.f32 v20, v23  }
0x156: {  	s12 =	spop (v2sf);
	(v2sf) =	vpush v20, $0x0  }
0x157: {  	s13 =	spop (v2sf);
	(v2sf) =	vpush v20, $0x1  }
0x158: {  	s14 =	spop (v2sf)  }
0x159: {  	s15 =	spop (v2sf);
	(v2sf) =	vpush v20, $0x2  }
0x15a: {  	s11 =	smin.f32 s11, s12;
	s21 =	spop (v2sf);
	(v2sf) =	vpush v20, $0x3  }
0x15b: {  	s11 =	smin.f32 s11, s13;
	s22 =	spop (v2sf);
	(v2sf) =	vpush v20, $0x4  }
0x15c: {  	s11 =	smin.f32 s11, s14;
	s23 =	spop (v2sf);
	(v2sf) =	vpush v20, $0x5  }
0x15d: {  	s11 =	smin.f32 s11, s15;
	s24 =	spop (v2sf);
	(v2sf) =	vpush v20, $0x6  }
0x15e: {  	s11 =	smin.f32 s11, s21;
	s25 =	spop (v2sf);
	(v2sf) =	vpush v20, $0x7  }
0x15f: {  	s11 =	smin.f32 s11, s22;
	s26 =	spop (v2sf);
	(v2sf) =	vpush v20, $0x8  }
0x160: {  	s11 =	smin.f32 s11, s23;
	s28 =	spop (v2sf);
	(v2sf) =	vpush v20, $0x9  }
0x161: {  	s11 =	smin.f32 s11, s24;
	s29 =	spop (v2sf);
	(v2sf) =	vpush v20, $0xA  }
0x162: {  	s11 =	smin.f32 s11, s25;
	s30 =	spop (v2sf);
	(v2sf) =	vpush v20, $0xB  }
0x163: {  	s11 =	smin.f32 s11, s26;
	s13 =	spop (v2sf);
	(v2sf) =	vpush v20, $0xC  }
0x164: {  	s11 =	smin.f32 s11, s28;
	s14 =	spop (v2sf);
	(v2sf) =	vpush v20, $0xD  }
0x165: {  	s11 =	smin.f32 s11, s29;
	(v2sf) =	vpush v20, $0xE;
	s31 =	spop (v2sf)  }
0x166: {  	s11 =	smin.f32 s11, s30;
	(v2sf) =	vpush v20, $0xF;
	s16 =	spop (v2sf)  }
0x167: {  	s13 =	smin.f32 s11, s13;
	s12 =	smax.f32 s31, s16  }
0x168: {  	s17 =	spop (v2sf);
	s16 =	smin.f32 s13, s14  }
0x169: {  	s12 =	smax.f32 s12, s17;
	s18 =	spop (v2sf)  }
0x16a: {  	s12 =	smax.f32 s12, s18;
	s19 =	spop (v2sf)  }
0x16b: {  	s12 =	smax.f32 s12, s19;
	s20 =	spop (v2sf)  }
0x16c: {  	s12 =	smax.f32 s12, s20;
	s21 =	spop (v2sf)  }
0x16d: {  	s12 =	smax.f32 s12, s21;
	s22 =	spop (v2sf)  }
0x16e: {  	s12 =	smax.f32 s12, s22;
	s23 =	spop (v2sf)  }
0x16f: {  	s12 =	smax.f32 s12, s23;
	s24 =	spop (v2sf)  }
0x170: {  	s12 =	smax.f32 s12, s24;
	s25 =	spop (v2sf)  }
0x171: {  	s12 =	smax.f32 s12, s25;
	s26 =	spop (v2sf)  }
0x172: {  	s12 =	smax.f32 s12, s26;
	s28 =	spop (v2sf)  }
0x173: {  	s12 =	smax.f32 s12, s28;
	s29 =	spop (v2sf)  }
0x174: {  	s12 =	smax.f32 s12, s29;
	s30 =	spop (v2sf)  }
0x175: {  	s12 =	smax.f32 s12, s30;
	s31 =	spop (v2sf)  }
0x176: {  	[tilespmem:$0x1FFE0] =	vst v22;
	s15 =	smul.f32 $5.000000000e-01, s16;
	s11 =	smax.f32 s12, s31  }
0x177: {  	[tilespmem:$0x1FFF0] =	vst v23;
	s12 =	simm.s32 $0x19;
	s14 =	smul.f32 $5.000000000e-01, s11  }
.LBB2_2:
0x178: {  	v20 =	vld [tilespmem:$0x1F820];
	_ =	sdelay $0x2  }
0x179: {  	s14 =	sadd.f32 s14, s15;
	_ =	sdelay $0x1  }
0x17a: {  	vm1 =	vle.f32 v20, s14;
	v20 =	vld [tilespmem:$0x1F830];
	_ =	sdelay $0x4  }
0x17b: {  	vm2 =	vle.f32 v20, s14;
	v20 =	vld [tilespmem:$0x1F840];
	_ =	sdelay $0x4  }
0x17c: {  	v21 =	vmpcnt.ones.xlane vm1;
	vm1 =	vle.f32 v20, s14;
	v20 =	vld [tilespmem:$0x1F850];
	_ =	sdelay $0x4  }
0x17d: {  	v23 =	vmpcnt.ones.xlane vm1;
	vm1 =	vle.f32 v20, s14;
	v20 =	vld [tilespmem:$0x1F860];
	_ =	sdelay $0x4  }
0x17e: {  	v24 =	vmpcnt.ones.xlane vm1;
	vm1 =	vle.f32 v20, s14;
	v20 =	vld [tilespmem:$0x1F870];
	_ =	sdelay $0x2  }
0x17f: {  	v22 =	vmpcnt.ones.xlane vm2;
	_ =	sdelay $0x1  }
0x180: {  	v21 =	vadd.s32 v21, v22;
	v22 =	vmpcnt.ones.xlane vm1;
	vm1 =	vle.f32 v20, s14;
	v20 =	vld [tilespmem:$0x1F880];
	_ =	sdelay $0x4  }
0x181: {  	v21 =	vadd.s32 v23, v21;
	v23 =	vmpcnt.ones.xlane vm1;
	vm1 =	vle.f32 v20, s14;
	v20 =	vld [tilespmem:$0x1F890];
	_ =	sdelay $0x4  }
0x182: {  	v21 =	vadd.s32 v24, v21;
	v24 =	vmpcnt.ones.xlane vm1;
	vm1 =	vle.f32 v20, s14;
	v20 =	vld [tilespmem:$0x1F8A0];
	_ =	sdelay $0x4  }
0x183: {  	v21 =	vadd.s32 v22, v21;
	v22 =	vmpcnt.ones.xlane vm1;
	vm1 =	vle.f32 v20, s14  }
0x184: {  	v21 =	vadd.s32 v23, v21;
	v23 =	vmpcnt.ones.xlane vm1;
	vm1 =	vle.f32 v8, s14  }
0x185: {  	v21 =	vadd.s32 v24, v21;
	v24 =	vmpcnt.ones.xlane vm1;
	vm1 =	vle.f32 v9, s14  }
0x186: {  	v21 =	vadd.s32 v22, v21;
	v22 =	vmpcnt.ones.xlane vm1;
	vm1 =	vle.f32 v10, s14  }
0x187: {  	v21 =	vadd.s32 v23, v21;
	v23 =	vmpcnt.ones.xlane vm1;
	vm1 =	vle.f32 v11, s14  }
0x188: {  	v21 =	vadd.s32 v24, v21;
	v24 =	vmpcnt.ones.xlane vm1;
	vm1 =	vle.f32 v12, s14  }
0x189: {  	v21 =	vadd.s32 v22, v21;
	v22 =	vmpcnt.ones.xlane vm1;
	vm1 =	vle.f32 v13, s14  }
0x18a: {  	v21 =	vadd.s32 v23, v21;
	v23 =	vmpcnt.ones.xlane vm1;
	vm1 =	vle.f32 v14, s14  }
0x18b: {  	v21 =	vadd.s32 v24, v21;
	v24 =	vmpcnt.ones.xlane vm1;
	vm1 =	vle.f32 v15, s14  }
0x18c: {  	v21 =	vadd.s32 v22, v21;
	v22 =	vmpcnt.ones.xlane vm1;
	vm1 =	vle.f32 v16, s14  }
0x18d: {  	v21 =	vadd.s32 v23, v21;
	v23 =	vmpcnt.ones.xlane vm1;
	vm1 =	vle.f32 v17, s14  }
0x18e: {  	v21 =	vadd.s32 v24, v21;
	v24 =	vmpcnt.ones.xlane vm1;
	vm1 =	vle.f32 v18, s14  }
0x18f: {  	v21 =	vadd.s32 v22, v21;
	v22 =	vmpcnt.ones.xlane vm1;
	vm1 =	vle.f32 v19, s14  }
0x190: {  	v21 =	vadd.s32 v23, v21;
	v23 =	vmpcnt.ones.xlane vm1;
	vm1 =	vle.f32 v25, s14  }
0x191: {  	v21 =	vadd.s32 v24, v21;
	v24 =	vmpcnt.ones.xlane vm1;
	vm1 =	vle.f32 v26, s14  }
0x192: {  	v21 =	vadd.s32 v22, v21;
	v22 =	vmpcnt.ones.xlane vm1;
	vm1 =	vle.f32 v27, s14  }
0x193: {  	v21 =	vadd.s32 v23, v21;
	v23 =	vmpcnt.ones.xlane vm1;
	vm1 =	vle.f32 v28, s14  }
0x194: {  	v21 =	vadd.s32 v24, v21;
	v24 =	vmpcnt.ones.xlane vm1;
	vm1 =	vle.f32 v29, s14  }
0x195: {  	v21 =	vadd.s32 v22, v21;
	v22 =	vmpcnt.ones.xlane vm1;
	vm1 =	vle.f32 v30, s14  }
0x196: {  	v21 =	vadd.s32 v23, v21;
	v23 =	vmpcnt.ones.xlane vm1;
	vm1 =	vle.f32 v31, s14  }
0x197: {  	v21 =	vadd.s32 v24, v21;
	v24 =	vmpcnt.ones.xlane vm1;
	vm1 =	vle.f32 v32, s14  }
0x198: {  	v21 =	vadd.s32 v22, v21;
	v22 =	vmpcnt.ones.xlane vm1;
	vm1 =	vle.f32 v33, s14  }
0x199: {  	v21 =	vadd.s32 v23, v21;
	v23 =	vmpcnt.ones.xlane vm1;
	vm1 =	vle.f32 v34, s14  }
0x19a: {  	v21 =	vadd.s32 v24, v21;
	v24 =	vmpcnt.ones.xlane vm1;
	vm1 =	vle.f32 v35, s14  }
0x19b: {  	v21 =	vadd.s32 v22, v21;
	v22 =	vmpcnt.ones.xlane vm1;
	vm1 =	vle.f32 v36, s14  }
0x19c: {  	v21 =	vadd.s32 v23, v21;
	v23 =	vmpcnt.ones.xlane vm1;
	vm1 =	vle.f32 v37, s14  }
0x19d: {  	v21 =	vadd.s32 v24, v21;
	v24 =	vmpcnt.ones.xlane vm1;
	vm1 =	vle.f32 v38, s14  }
0x19e: {  	v21 =	vadd.s32 v22, v21;
	v22 =	vmpcnt.ones.xlane vm1;
	vm1 =	vle.f32 v39, s14  }
0x19f: {  	v21 =	vadd.s32 v23, v21;
	v23 =	vmpcnt.ones.xlane vm1;
	vm1 =	vle.f32 v40, s14  }
0x1a0: {  	v21 =	vadd.s32 v24, v21;
	v24 =	vmpcnt.ones.xlane vm1;
	vm1 =	vle.f32 v41, s14  }
0x1a1: {  	v21 =	vadd.s32 v22, v21;
	v22 =	vmpcnt.ones.xlane vm1;
	vm1 =	vle.f32 v42, s14  }
0x1a2: {  	v21 =	vadd.s32 v23, v21;
	v23 =	vmpcnt.ones.xlane vm1;
	vm1 =	vle.f32 v43, s14  }
0x1a3: {  	v21 =	vadd.s32 v24, v21;
	v24 =	vmpcnt.ones.xlane vm1;
	vm1 =	vle.f32 v44, s14  }
0x1a4: {  	v21 =	vadd.s32 v22, v21;
	v22 =	vmpcnt.ones.xlane vm1;
	vm1 =	vle.f32 v45, s14  }
0x1a5: {  	v21 =	vadd.s32 v23, v21;
	v23 =	vmpcnt.ones.xlane vm1;
	vm1 =	vle.f32 v46, s14  }
0x1a6: {  	v21 =	vadd.s32 v24, v21;
	v24 =	vmpcnt.ones.xlane vm1;
	vm1 =	vle.f32 v47, s14  }
0x1a7: {  	v21 =	vadd.s32 v22, v21;
	v22 =	vmpcnt.ones.xlane vm1;
	vm1 =	vle.f32 v48, s14  }
0x1a8: {  	v21 =	vadd.s32 v23, v21;
	v23 =	vmpcnt.ones.xlane vm1;
	vm1 =	vle.f32 v49, s14  }
0x1a9: {  	v21 =	vadd.s32 v24, v21;
	v24 =	vmpcnt.ones.xlane vm1;
	vm1 =	vle.f32 v50, s14  }
0x1aa: {  	v21 =	vadd.s32 v22, v21;
	v22 =	vmpcnt.ones.xlane vm1;
	vm1 =	vle.f32 v51, s14  }
0x1ab: {  	v21 =	vadd.s32 v23, v21;
	v23 =	vmpcnt.ones.xlane vm1;
	vm1 =	vle.f32 v52, s14  }
0x1ac: {  	v21 =	vadd.s32 v24, v21;
	v24 =	vmpcnt.ones.xlane vm1;
	vm1 =	vle.f32 v53, s14  }
0x1ad: {  	v21 =	vadd.s32 v22, v21;
	v22 =	vmpcnt.ones.xlane vm1;
	vm1 =	vle.f32 v54, s14  }
0x1ae: {  	v21 =	vadd.s32 v23, v21;
	v23 =	vmpcnt.ones.xlane vm1;
	vm1 =	vle.f32 v55, s14  }
0x1af: {  	v21 =	vadd.s32 v24, v21;
	v24 =	vmpcnt.ones.xlane vm1;
	vm1 =	vle.f32 v56, s14  }
0x1b0: {  	v21 =	vadd.s32 v22, v21;
	v22 =	vmpcnt.ones.xlane vm1;
	vm1 =	vle.f32 v57, s14  }
0x1b1: {  	v21 =	vadd.s32 v23, v21;
	v23 =	vmpcnt.ones.xlane vm1;
	vm1 =	vle.f32 v58, s14  }
0x1b2: {  	v21 =	vadd.s32 v24, v21;
	v24 =	vmpcnt.ones.xlane vm1;
	vm1 =	vle.f32 v59, s14  }
0x1b3: {  	v21 =	vadd.s32 v22, v21;
	v22 =	vmpcnt.ones.xlane vm1;
	vm1 =	vle.f32 v60, s14  }
0x1b4: {  	v21 =	vadd.s32 v23, v21;
	v23 =	vmpcnt.ones.xlane vm1;
	vm1 =	vle.f32 v61, s14  }
0x1b5: {  	v21 =	vadd.s32 v24, v21;
	v24 =	vmpcnt.ones.xlane vm1;
	vm1 =	vle.f32 v62, s14  }
0x1b6: {  	v21 =	vadd.s32 v22, v21;
	v22 =	vmpcnt.ones.xlane vm1;
	vm1 =	vle.f32 v63, s14  }
0x1b7: {  	v21 =	vadd.s32 v23, v21;
	v23 =	vmpcnt.ones.xlane vm1;
	vm1 =	vle.f32 v0, s14  }
0x1b8: {  	v21 =	vadd.s32 v24, v21;
	v24 =	vmpcnt.ones.xlane vm1;
	vm1 =	vle.f32 v1, s14  }
0x1b9: {  	v21 =	vadd.s32 v22, v21;
	v22 =	vmpcnt.ones.xlane vm1;
	vm1 =	vle.f32 v2, s14  }
0x1ba: {  	v20 =	vld [tilespmem:$0x1F960];
	v21 =	vadd.s32 v23, v21;
	v23 =	vmpcnt.ones.xlane vm1;
	vm1 =	vle.f32 v3, s14  }
0x1bb: {  	v21 =	vadd.s32 v24, v21;
	v24 =	vmpcnt.ones.xlane vm1;
	vm1 =	vle.f32 v4, s14  }
0x1bc: {  	v21 =	vadd.s32 v22, v21;
	v22 =	vmpcnt.ones.xlane vm1;
	vm1 =	vle.f32 v5, s14  }
0x1bd: {  	v21 =	vadd.s32 v23, v21;
	v23 =	vmpcnt.ones.xlane vm1;
	vm1 =	vle.f32 v6, s14  }
0x1be: {  	v21 =	vadd.s32 v24, v21;
	v24 =	vmpcnt.ones.xlane vm1;
	vm1 =	vle.f32 v7, s14  }
0x1bf: {  	v21 =	vadd.s32 v22, v21;
	v22 =	vmpcnt.ones.xlane vm1;
	vm1 =	vle.f32 v20, s14;
	v20 =	vld [tilespmem:$0x1F980];
	_ =	sdelay $0x4  }
0x1c0: {  	v21 =	vadd.s32 v23, v21;
	v23 =	vmpcnt.ones.xlane vm1;
	vm1 =	vle.f32 v20, s14;
	v20 =	vld [tilespmem:$0x1F9B0];
	_ =	sdelay $0x4  }
0x1c1: {  	v21 =	vadd.s32 v24, v21;
	v24 =	vmpcnt.ones.xlane vm1;
	vm1 =	vle.f32 v20, s14;
	v20 =	vld [tilespmem:$0x1F9C0];
	_ =	sdelay $0x4  }
0x1c2: {  	v21 =	vadd.s32 v22, v21;
	v22 =	vmpcnt.ones.xlane vm1;
	vm1 =	vle.f32 v20, s14;
	v20 =	vld [tilespmem:$0x1F9D0];
	_ =	sdelay $0x4  }
0x1c3: {  	v21 =	vadd.s32 v23, v21;
	v23 =	vmpcnt.ones.xlane vm1;
	vm1 =	vle.f32 v20, s14;
	v20 =	vld [tilespmem:$0x1F9E0];
	_ =	sdelay $0x4  }
0x1c4: {  	v21 =	vadd.s32 v24, v21;
	v24 =	vmpcnt.ones.xlane vm1;
	vm1 =	vle.f32 v20, s14;
	v20 =	vld [tilespmem:$0x1F9F0];
	_ =	sdelay $0x4  }
0x1c5: {  	v21 =	vadd.s32 v22, v21;
	v22 =	vmpcnt.ones.xlane vm1;
	vm1 =	vle.f32 v20, s14;
	v20 =	vld [tilespmem:$0x1FA10];
	_ =	sdelay $0x4  }
0x1c6: {  	v21 =	vadd.s32 v23, v21;
	v23 =	vmpcnt.ones.xlane vm1;
	vm1 =	vle.f32 v20, s14;
	v20 =	vld [tilespmem:$0x1FA40];
	_ =	sdelay $0x4  }
0x1c7: {  	v21 =	vadd.s32 v24, v21;
	v24 =	vmpcnt.ones.xlane vm1;
	vm1 =	vle.f32 v20, s14;
	v20 =	vld [tilespmem:$0x1FA70];
	_ =	sdelay $0x4  }
0x1c8: {  	v21 =	vadd.s32 v22, v21;
	v22 =	vmpcnt.ones.xlane vm1;
	vm1 =	vle.f32 v20, s14;
	v20 =	vld [tilespmem:$0x1FA90];
	_ =	sdelay $0x4  }
0x1c9: {  	v21 =	vadd.s32 v23, v21;
	v23 =	vmpcnt.ones.xlane vm1;
	vm1 =	vle.f32 v20, s14;
	v20 =	vld [tilespmem:$0x1FAB0];
	_ =	sdelay $0x4  }
0x1ca: {  	v21 =	vadd.s32 v24, v21;
	v24 =	vmpcnt.ones.xlane vm1;
	vm1 =	vle.f32 v20, s14;
	v20 =	vld [tilespmem:$0x1FAE0];
	_ =	sdelay $0x4  }
0x1cb: {  	v21 =	vadd.s32 v22, v21;
	v22 =	vmpcnt.ones.xlane vm1;
	vm1 =	vle.f32 v20, s14;
	v20 =	vld [tilespmem:$0x1FB00];
	_ =	sdelay $0x4  }
0x1cc: {  	v21 =	vadd.s32 v23, v21;
	v23 =	vmpcnt.ones.xlane vm1;
	vm1 =	vle.f32 v20, s14;
	v20 =	vld [tilespmem:$0x1FB30];
	_ =	sdelay $0x4  }
0x1cd: {  	v21 =	vadd.s32 v24, v21;
	v24 =	vmpcnt.ones.xlane vm1;
	vm1 =	vle.f32 v20, s14;
	v20 =	vld [tilespmem:$0x1FB50];
	_ =	sdelay $0x4  }
0x1ce: {  	v21 =	vadd.s32 v22, v21;
	v22 =	vmpcnt.ones.xlane vm1;
	vm1 =	vle.f32 v20, s14;
	v20 =	vld [tilespmem:$0x1FB60];
	_ =	sdelay $0x4  }
0x1cf: {  	v21 =	vadd.s32 v23, v21;
	v23 =	vmpcnt.ones.xlane vm1;
	vm1 =	vle.f32 v20, s14;
	v20 =	vld [tilespmem:$0x1FB80];
	_ =	sdelay $0x4  }
0x1d0: {  	v21 =	vadd.s32 v24, v21;
	v24 =	vmpcnt.ones.xlane vm1;
	vm1 =	vle.f32 v20, s14;
	v20 =	vld [tilespmem:$0x1FBA0];
	_ =	sdelay $0x4  }
0x1d1: {  	v21 =	vadd.s32 v22, v21;
	v22 =	vmpcnt.ones.xlane vm1;
	vm1 =	vle.f32 v20, s14;
	v20 =	vld [tilespmem:$0x1FBC0];
	_ =	sdelay $0x4  }
0x1d2: {  	v21 =	vadd.s32 v23, v21;
	v23 =	vmpcnt.ones.xlane vm1;
	vm1 =	vle.f32 v20, s14;
	v20 =	vld [tilespmem:$0x1FBF0];
	_ =	sdelay $0x4  }
0x1d3: {  	v21 =	vadd.s32 v24, v21;
	v24 =	vmpcnt.ones.xlane vm1;
	vm1 =	vle.f32 v20, s14;
	v20 =	vld [tilespmem:$0x1FC20];
	_ =	sdelay $0x4  }
0x1d4: {  	v21 =	vadd.s32 v22, v21;
	v22 =	vmpcnt.ones.xlane vm1;
	vm1 =	vle.f32 v20, s14;
	v20 =	vld [tilespmem:$0x1FC50];
	_ =	sdelay $0x4  }
0x1d5: {  	v21 =	vadd.s32 v23, v21;
	v23 =	vmpcnt.ones.xlane vm1;
	vm1 =	vle.f32 v20, s14;
	v20 =	vld [tilespmem:$0x1FC60];
	_ =	sdelay $0x4  }
0x1d6: {  	v21 =	vadd.s32 v24, v21;
	v24 =	vmpcnt.ones.xlane vm1;
	vm1 =	vle.f32 v20, s14;
	v20 =	vld [tilespmem:$0x1FC70];
	_ =	sdelay $0x4  }
0x1d7: {  	v21 =	vadd.s32 v22, v21;
	v22 =	vmpcnt.ones.xlane vm1;
	vm1 =	vle.f32 v20, s14;
	v20 =	vld [tilespmem:$0x1FC80];
	_ =	sdelay $0x4  }
0x1d8: {  	v21 =	vadd.s32 v23, v21;
	v23 =	vmpcnt.ones.xlane vm1;
	vm1 =	vle.f32 v20, s14;
	v20 =	vld [tilespmem:$0x1FCB0];
	_ =	sdelay $0x4  }
0x1d9: {  	v21 =	vadd.s32 v24, v21;
	v24 =	vmpcnt.ones.xlane vm1;
	vm1 =	vle.f32 v20, s14;
	v20 =	vld [tilespmem:$0x1FCE0];
	_ =	sdelay $0x4  }
0x1da: {  	v21 =	vadd.s32 v22, v21;
	v22 =	vmpcnt.ones.xlane vm1;
	vm1 =	vle.f32 v20, s14;
	v20 =	vld [tilespmem:$0x1FD10];
	_ =	sdelay $0x4  }
0x1db: {  	v21 =	vadd.s32 v23, v21;
	v23 =	vmpcnt.ones.xlane vm1;
	vm1 =	vle.f32 v20, s14;
	v20 =	vld [tilespmem:$0x1FD30];
	_ =	sdelay $0x4  }
0x1dc: {  	v21 =	vadd.s32 v24, v21;
	v24 =	vmpcnt.ones.xlane vm1;
	vm1 =	vle.f32 v20, s14;
	v20 =	vld [tilespmem:$0x1FD50];
	_ =	sdelay $0x4  }
0x1dd: {  	v21 =	vadd.s32 v22, v21;
	v22 =	vmpcnt.ones.xlane vm1;
	vm1 =	vle.f32 v20, s14;
	v20 =	vld [tilespmem:$0x1FD70];
	_ =	sdelay $0x4  }
0x1de: {  	v21 =	vadd.s32 v23, v21;
	v23 =	vmpcnt.ones.xlane vm1;
	vm1 =	vle.f32 v20, s14;
	v20 =	vld [tilespmem:$0x1FDA0];
	_ =	sdelay $0x4  }
0x1df: {  	v21 =	vadd.s32 v24, v21;
	v24 =	vmpcnt.ones.xlane vm1;
	vm1 =	vle.f32 v20, s14;
	v20 =	vld [tilespmem:$0x1FDD0];
	_ =	sdelay $0x4  }
0x1e0: {  	v21 =	vadd.s32 v22, v21;
	v22 =	vmpcnt.ones.xlane vm1;
	vm1 =	vle.f32 v20, s14;
	v20 =	vld [tilespmem:$0x1FDF0];
	_ =	sdelay $0x4  }
0x1e1: {  	v21 =	vadd.s32 v23, v21;
	v23 =	vmpcnt.ones.xlane vm1;
	vm1 =	vle.f32 v20, s14;
	v20 =	vld [tilespmem:$0x1FE10];
	_ =	sdelay $0x4  }
0x1e2: {  	v21 =	vadd.s32 v24, v21;
	v24 =	vmpcnt.ones.xlane vm1;
	vm1 =	vle.f32 v20, s14;
	v20 =	vld [tilespmem:$0x1FE30];
	_ =	sdelay $0x4  }
0x1e3: {  	v21 =	vadd.s32 v22, v21;
	v22 =	vmpcnt.ones.xlane vm1;
	vm1 =	vle.f32 v20, s14;
	v20 =	vld [tilespmem:$0x1FE40];
	_ =	sdelay $0x4  }
0x1e4: {  	v21 =	vadd.s32 v23, v21;
	v23 =	vmpcnt.ones.xlane vm1;
	vm1 =	vle.f32 v20, s14;
	v20 =	vld [tilespmem:$0x1FE50];
	_ =	sdelay $0x4  }
0x1e5: {  	v21 =	vadd.s32 v24, v21;
	v24 =	vmpcnt.ones.xlane vm1;
	vm1 =	vle.f32 v20, s14;
	v20 =	vld [tilespmem:$0x1FE70];
	_ =	sdelay $0x4  }
0x1e6: {  	v21 =	vadd.s32 v22, v21;
	v22 =	vmpcnt.ones.xlane vm1;
	vm1 =	vle.f32 v20, s14;
	v20 =	vld [tilespmem:$0x1FEA0];
	_ =	sdelay $0x4  }
0x1e7: {  	v21 =	vadd.s32 v23, v21;
	v23 =	vmpcnt.ones.xlane vm1;
	vm1 =	vle.f32 v20, s14;
	v20 =	vld [tilespmem:$0x1FEC0];
	_ =	sdelay $0x4  }
0x1e8: {  	v21 =	vadd.s32 v24, v21;
	v24 =	vmpcnt.ones.xlane vm1;
	vm1 =	vle.f32 v20, s14;
	v20 =	vld [tilespmem:$0x1FED0];
	_ =	sdelay $0x4  }
0x1e9: {  	v21 =	vadd.s32 v22, v21;
	v22 =	vmpcnt.ones.xlane vm1;
	vm1 =	vle.f32 v20, s14;
	v20 =	vld [tilespmem:$0x1FEE0];
	_ =	sdelay $0x4  }
0x1ea: {  	v21 =	vadd.s32 v23, v21;
	v23 =	vmpcnt.ones.xlane vm1;
	vm1 =	vle.f32 v20, s14;
	v20 =	vld [tilespmem:$0x1FEF0];
	_ =	sdelay $0x4  }
0x1eb: {  	v21 =	vadd.s32 v24, v21;
	v24 =	vmpcnt.ones.xlane vm1;
	vm1 =	vle.f32 v20, s14;
	v20 =	vld [tilespmem:$0x1FF10];
	_ =	sdelay $0x4  }
0x1ec: {  	v21 =	vadd.s32 v22, v21;
	v22 =	vmpcnt.ones.xlane vm1;
	vm1 =	vle.f32 v20, s14;
	v20 =	vld [tilespmem:$0x1FF20];
	_ =	sdelay $0x4  }
0x1ed: {  	v21 =	vadd.s32 v23, v21;
	v23 =	vmpcnt.ones.xlane vm1;
	vm1 =	vle.f32 v20, s14;
	v20 =	vld [tilespmem:$0x1FF30];
	_ =	sdelay $0x4  }
0x1ee: {  	v21 =	vadd.s32 v24, v21;
	v24 =	vmpcnt.ones.xlane vm1;
	vm1 =	vle.f32 v20, s14;
	v20 =	vld [tilespmem:$0x1FF40];
	_ =	sdelay $0x4  }
0x1ef: {  	v21 =	vadd.s32 v22, v21;
	v22 =	vmpcnt.ones.xlane vm1;
	vm1 =	vle.f32 v20, s14;
	v20 =	vld [tilespmem:$0x1FF50];
	_ =	sdelay $0x4  }
0x1f0: {  	v21 =	vadd.s32 v23, v21;
	v23 =	vmpcnt.ones.xlane vm1;
	vm1 =	vle.f32 v20, s14;
	v20 =	vld [tilespmem:$0x1FF60];
	_ =	sdelay $0x4  }
0x1f1: {  	v21 =	vadd.s32 v24, v21;
	v24 =	vmpcnt.ones.xlane vm1;
	vm1 =	vle.f32 v20, s14;
	v20 =	vld [tilespmem:$0x1FF70];
	_ =	sdelay $0x4  }
0x1f2: {  	v21 =	vadd.s32 v22, v21;
	v22 =	vmpcnt.ones.xlane vm1;
	vm1 =	vle.f32 v20, s14;
	v20 =	vld [tilespmem:$0x1FF80];
	_ =	sdelay $0x4  }
0x1f3: {  	v21 =	vadd.s32 v23, v21;
	v23 =	vmpcnt.ones.xlane vm1;
	vm1 =	vle.f32 v20, s14;
	v20 =	vld [tilespmem:$0x1FF90];
	_ =	sdelay $0x4  }
0x1f4: {  	v21 =	vadd.s32 v24, v21;
	v24 =	vmpcnt.ones.xlane vm1;
	vm1 =	vle.f32 v20, s14;
	v20 =	vld [tilespmem:$0x1FFA0];
	_ =	sdelay $0x4  }
0x1f5: {  	v21 =	vadd.s32 v22, v21;
	v22 =	vmpcnt.ones.xlane vm1;
	vm1 =	vle.f32 v20, s14;
	v20 =	vld [tilespmem:$0x1FFB0];
	_ =	sdelay $0x4  }
0x1f6: {  	v21 =	vadd.s32 v23, v21;
	v23 =	vmpcnt.ones.xlane vm1;
	vm1 =	vle.f32 v20, s14;
	v20 =	vld [tilespmem:$0x1FFC0];
	_ =	sdelay $0x4  }
0x1f7: {  	v21 =	vadd.s32 v24, v21;
	v24 =	vmpcnt.ones.xlane vm1;
	vm1 =	vle.f32 v20, s14;
	v20 =	vld [tilespmem:$0x1FFD0];
	_ =	sdelay $0x4  }
0x1f8: {  	v21 =	vadd.s32 v22, v21;
	v22 =	vmpcnt.ones.xlane vm1;
	vm1 =	vle.f32 v20, s14;
	v20 =	vld [tilespmem:$0x1FFE0];
	_ =	sdelay $0x4  }
0x1f9: {  	v21 =	vadd.s32 v23, v21;
	v23 =	vmpcnt.ones.xlane vm1;
	vm1 =	vle.f32 v20, s14;
	v20 =	vld [tilespmem:$0x1FFF0];
	_ =	sdelay $0x3  }
0x1fa: {  	v21 =	vadd.s32 v24, v21  }
0x1fb: {  	v21 =	vadd.s32 v22, v21;
	v24 =	vmpcnt.ones.xlane vm1;
	vm1 =	vle.f32 v20, s14  }
0x1fc: {  	v21 =	vadd.s32 v23, v21;
	v22 =	vmpcnt.ones.xlane vm1  }
0x1fd: {  	v21 =	vadd.s32 v24, v21  }
0x1fe: {  	v21 =	vadd.s32 v22, v21  }
0x1ff: {  	(v2sf) =	vpush v21, $0x0;
	_ =	sdelay $0xd  }
0x200: {  	p0 =	sne.s32 s12, $0x1  }
.Ltmp0:
0x201: {  	s31 =	spop (v2sf);
	(pc) =	sbr.rel @p0 .LBB2_2-.Ltmp0, $4  }
0x202: {  	p1 =	sgt.s32 s31, $0x1FF  }
0x203: {  	s13 =	smov.u32 s16;
	s16 =	smov.u32 s14;
	s11 =	smov.u32 @p1 s14  }
0x204: {  	s16 =	smov.u32 @p1 s13;
	s14 =	smul.f32 $5.000000000e-01, s11  }
0x205: {  	s12 =	sadd.s32 $0xFFFFFFFF, s12;
	s15 =	smul.f32 $5.000000000e-01, s16  }
0x206: {  	v21 =	vld [tilespmem:$0x1F820]  }
0x207: {  	v24 =	vld [tilespmem:$0x1F830];
	_ =	sdelay $0x1  }
0x208: {  	v23 =	vld [tilespmem:$0x1F840];
	_ =	sdelay $0x1  }
0x209: {  	v20 =	vld [tilespmem:$0x1F850]  }
0x20a: {  	v21 =	vadd.f32 v24, v21;
	_ =	sdelay $0x1  }
0x20b: {  	v21 =	vadd.f32 v23, v21;
	_ =	sdelay $0x1  }
0x20c: {  	v21 =	vadd.f32 v20, v21;
	v20 =	vld [tilespmem:$0x1F860];
	_ =	sdelay $0x4  }
0x20d: {  	v21 =	vadd.f32 v20, v21;
	v20 =	vld [tilespmem:$0x1F870];
	_ =	sdelay $0x4  }
0x20e: {  	v21 =	vadd.f32 v20, v21;
	v20 =	vld [tilespmem:$0x1F880];
	_ =	sdelay $0x4  }
0x20f: {  	v21 =	vadd.f32 v20, v21;
	v20 =	vld [tilespmem:$0x1F890];
	_ =	sdelay $0x4  }
0x210: {  	v21 =	vadd.f32 v20, v21;
	v20 =	vld [tilespmem:$0x1F8A0];
	_ =	sdelay $0x4  }
0x211: {  	v21 =	vadd.f32 v20, v21;
	_ =	sdelay $0x1  }
0x212: {  	v21 =	vadd.f32 v8, v21;
	_ =	sdelay $0x1  }
0x213: {  	v21 =	vadd.f32 v9, v21;
	_ =	sdelay $0x1  }
0x214: {  	v21 =	vadd.f32 v10, v21;
	_ =	sdelay $0x1  }
0x215: {  	v21 =	vadd.f32 v11, v21;
	_ =	sdelay $0x1  }
0x216: {  	v21 =	vadd.f32 v12, v21;
	_ =	sdelay $0x1  }
0x217: {  	v21 =	vadd.f32 v13, v21;
	_ =	sdelay $0x1  }
0x218: {  	v21 =	vadd.f32 v14, v21;
	_ =	sdelay $0x1  }
0x219: {  	v21 =	vadd.f32 v15, v21;
	_ =	sdelay $0x1  }
0x21a: {  	v21 =	vadd.f32 v16, v21;
	_ =	sdelay $0x1  }
0x21b: {  	v21 =	vadd.f32 v17, v21;
	_ =	sdelay $0x1  }
0x21c: {  	v21 =	vadd.f32 v18, v21;
	_ =	sdelay $0x1  }
0x21d: {  	v21 =	vadd.f32 v19, v21;
	_ =	sdelay $0x1  }
0x21e: {  	v21 =	vadd.f32 v25, v21;
	_ =	sdelay $0x1  }
0x21f: {  	v21 =	vadd.f32 v26, v21;
	_ =	sdelay $0x1  }
0x220: {  	v21 =	vadd.f32 v27, v21;
	_ =	sdelay $0x1  }
0x221: {  	v21 =	vadd.f32 v28, v21;
	_ =	sdelay $0x1  }
0x222: {  	v21 =	vadd.f32 v29, v21;
	_ =	sdelay $0x1  }
0x223: {  	v21 =	vadd.f32 v30, v21;
	_ =	sdelay $0x1  }
0x224: {  	v21 =	vadd.f32 v31, v21;
	_ =	sdelay $0x1  }
0x225: {  	v21 =	vadd.f32 v32, v21;
	_ =	sdelay $0x1  }
0x226: {  	v21 =	vadd.f32 v33, v21;
	_ =	sdelay $0x1  }
0x227: {  	v21 =	vadd.f32 v34, v21;
	_ =	sdelay $0x1  }
0x228: {  	v22 =	vld [tilespmem:$0x1F820];
	s12 =	sadd.f32 s14, s15;
	v21 =	vadd.f32 v35, v21;
	_ =	sdelay $0x1  }
0x229: {  	vm2 =	vle.f32 v24, s12;
	v24 =	vld [tilespmem:$0x1F850];
	v21 =	vadd.f32 v36, v21;
	_ =	sdelay $0x1  }
0x22a: {  	v21 =	vadd.f32 v37, v21  }
0x22b: {  	vm1 =	vle.f32 v22, s12;
	vm3 =	vle.f32 v23, s12  }
0x22c: {  	v22 =	vmpcnt.ones.xlane vm1;
	v23 =	vmpcnt.ones.xlane vm2;
	v21 =	vadd.f32 v38, v21  }
0x22d: {  	vm1 =	vle.f32 v24, s12;
	v24 =	vmpcnt.ones.xlane vm3  }
0x22e: {  	v22 =	vadd.s32 v22, v23;
	v21 =	vadd.f32 v39, v21  }
0x22f: {  	v22 =	vadd.s32 v24, v22;
	v24 =	vld [tilespmem:$0x1F860]  }
0x230: {  	v21 =	vadd.f32 v40, v21;
	_ =	sdelay $0x1  }
0x231: {  	v21 =	vadd.f32 v41, v21;
	_ =	sdelay $0x1  }
0x232: {  	v23 =	vmpcnt.ones.xlane vm1;
	vm1 =	vle.f32 v24, s12;
	v24 =	vld [tilespmem:$0x1F870];
	v21 =	vadd.f32 v42, v21;
	_ =	sdelay $0x1  }
0x233: {  	v21 =	vadd.f32 v43, v21;
	_ =	sdelay $0x1  }
0x234: {  	v21 =	vadd.f32 v44, v21  }
0x235: {  	vm2 =	vle.f32 v24, s12;
	v24 =	vld [tilespmem:$0x1F880]  }
0x236: {  	v21 =	vadd.f32 v45, v21;
	_ =	sdelay $0x1  }
0x237: {  	v21 =	vadd.f32 v46, v21  }
0x238: {  	v22 =	vadd.s32 v23, v22;
	v23 =	vmpcnt.ones.xlane vm1  }
0x239: {  	vm1 =	vle.f32 v24, s12;
	v24 =	vmpcnt.ones.xlane vm2;
	v21 =	vadd.f32 v47, v21  }
0x23a: {  	v22 =	vadd.s32 v23, v22  }
0x23b: {  	v22 =	vadd.s32 v24, v22;
	v24 =	vld [tilespmem:$0x1F890];
	v21 =	vadd.f32 v48, v21;
	_ =	sdelay $0x1  }
0x23c: {  	v21 =	vadd.f32 v49, v21  }
0x23d: {  	v23 =	vmpcnt.ones.xlane vm1  }
0x23e: {  	v21 =	vadd.f32 v50, v21  }
0x23f: {  	v22 =	vadd.s32 v23, v22;
	vm1 =	vle.f32 v24, s12  }
0x240: {  	vm2 =	vle.f32 v20, s12;
	v23 =	vmpcnt.ones.xlane vm1;
	v21 =	vadd.f32 v51, v21  }
0x241: {  	vm1 =	vle.f32 v8, s12;
	v24 =	vmpcnt.ones.xlane vm2  }
0x242: {  	v22 =	vadd.s32 v23, v22;
	v23 =	vmpcnt.ones.xlane vm1;
	v21 =	vadd.f32 v52, v21  }
0x243: {  	vm2 =	vle.f32 v10, s12;
	vm1 =	vle.f32 v9, s12;
	v22 =	vadd.s32 v24, v22  }
0x244: {  	v22 =	vadd.s32 v23, v22;
	v23 =	vmpcnt.ones.xlane vm1;
	v21 =	vadd.f32 v53, v21  }
0x245: {  	[tilespmem:$0x1F4F0] =	vst v10;
	vm1 =	vle.f32 v11, s12;
	v10 =	vmpcnt.ones.xlane vm2  }
0x246: {  	vm2 =	vle.f32 v13, s12;
	v22 =	vadd.s32 v23, v22;
	v21 =	vadd.f32 v54, v21  }
0x247: {  	[tilespmem:$0x1F500] =	vst v11;
	v11 =	vmpcnt.ones.xlane vm1;
	v22 =	vadd.s32 v10, v22;
	vm1 =	vle.f32 v12, s12  }
0x248: {  	v10 =	vmpcnt.ones.xlane vm2;
	vm2 =	vle.f32 v16, s12;
	v21 =	vadd.f32 v55, v21  }
0x249: {  	[tilespmem:$0x1F520] =	vst v13;
	v22 =	vadd.s32 v11, v22;
	v13 =	vmpcnt.ones.xlane vm1;
	vm1 =	vle.f32 v14, s12  }
0x24a: {  	v11 =	vmpcnt.ones.xlane vm1;
	vm1 =	vle.f32 v15, s12;
	v21 =	vadd.f32 v56, v21  }
0x24b: {  	[tilespmem:$0x1F510] =	vst v12;
	v22 =	vadd.s32 v13, v22;
	v12 =	vmpcnt.ones.xlane vm1;
	vm1 =	vle.f32 v17, s12  }
0x24c: {  	v13 =	vmpcnt.ones.xlane vm2;
	v22 =	vadd.s32 v10, v22;
	v21 =	vadd.f32 v57, v21  }
0x24d: {  	[tilespmem:$0x1F530] =	vst v14;
	vm2 =	vle.f32 v19, s12;
	v14 =	vmpcnt.ones.xlane vm1;
	v22 =	vadd.s32 v11, v22  }
0x24e: {  	vm1 =	vle.f32 v18, s12;
	v22 =	vadd.s32 v12, v22;
	v21 =	vadd.f32 v58, v21  }
0x24f: {  	[tilespmem:$0x1F540] =	vst v15;
	v15 =	vmpcnt.ones.xlane vm1;
	vm1 =	vle.f32 v25, s12;
	v22 =	vadd.s32 v13, v22  }
0x250: {  	[tilespmem:$0x1F550] =	vst v16;
	v16 =	vmpcnt.ones.xlane vm2;
	v22 =	vadd.s32 v14, v22;
	v21 =	vadd.f32 v59, v21  }
0x251: {  	[tilespmem:$0x1F560] =	vst v17;
	v22 =	vadd.s32 v15, v22;
	v17 =	vmpcnt.ones.xlane vm1  }
0x252: {  	vm1 =	vle.f32 v26, s12;
	v22 =	vadd.s32 v16, v22;
	v21 =	vadd.f32 v60, v21  }
0x253: {  	[tilespmem:$0x1F570] =	vst v18;
	vm2 =	vle.f32 v27, s12;
	v22 =	vadd.s32 v17, v22;
	v18 =	vmpcnt.ones.xlane vm1  }
0x254: {  	[tilespmem:$0x1F580] =	vst v19;
	vm1 =	vle.f32 v28, s12;
	v19 =	vmpcnt.ones.xlane vm2;
	v21 =	vadd.f32 v61, v21  }
0x255: {  	[tilespmem:$0x1F5C0] =	vst v28;
	v22 =	vadd.s32 v18, v22;
	v28 =	vmpcnt.ones.xlane vm1  }
0x256: {  	v22 =	vadd.s32 v19, v22;
	vm1 =	vle.f32 v29, s12;
	v21 =	vadd.f32 v62, v21  }
0x257: {  	[tilespmem:$0x1F5D0] =	vst v29;
	vm2 =	vle.f32 v30, s12;
	v22 =	vadd.s32 v28, v22;
	v29 =	vmpcnt.ones.xlane vm1  }
0x258: {  	[tilespmem:$0x1F5E0] =	vst v30;
	vm1 =	vle.f32 v31, s12;
	v30 =	vmpcnt.ones.xlane vm2;
	v21 =	vadd.f32 v63, v21  }
0x259: {  	[tilespmem:$0x1F5F0] =	vst v31;
	v22 =	vadd.s32 v29, v22;
	v31 =	vmpcnt.ones.xlane vm1  }
0x25a: {  	v22 =	vadd.s32 v30, v22;
	vm1 =	vle.f32 v32, s12;
	v21 =	vadd.f32 v0, v21  }
0x25b: {  	[tilespmem:$0x1F600] =	vst v32;
	vm2 =	vle.f32 v33, s12;
	v22 =	vadd.s32 v31, v22;
	v32 =	vmpcnt.ones.xlane vm1  }
0x25c: {  	[tilespmem:$0x1F610] =	vst v33;
	vm1 =	vle.f32 v34, s12;
	v33 =	vmpcnt.ones.xlane vm2;
	v21 =	vadd.f32 v1, v21  }
0x25d: {  	[tilespmem:$0x1F620] =	vst v34;
	v22 =	vadd.s32 v32, v22;
	v34 =	vmpcnt.ones.xlane vm1  }
0x25e: {  	v22 =	vadd.s32 v33, v22;
	vm1 =	vle.f32 v35, s12;
	v21 =	vadd.f32 v2, v21  }
0x25f: {  	[tilespmem:$0x1F630] =	vst v35;
	vm2 =	vle.f32 v36, s12;
	v22 =	vadd.s32 v34, v22;
	v35 =	vmpcnt.ones.xlane vm1  }
0x260: {  	[tilespmem:$0x1F640] =	vst v36;
	vm1 =	vle.f32 v37, s12;
	v36 =	vmpcnt.ones.xlane vm2;
	v21 =	vadd.f32 v3, v21  }
0x261: {  	[tilespmem:$0x1F650] =	vst v37;
	v22 =	vadd.s32 v35, v22;
	v37 =	vmpcnt.ones.xlane vm1  }
0x262: {  	v22 =	vadd.s32 v36, v22;
	vm1 =	vle.f32 v38, s12;
	v21 =	vadd.f32 v4, v21  }
0x263: {  	[tilespmem:$0x1F660] =	vst v38;
	vm2 =	vle.f32 v39, s12;
	v22 =	vadd.s32 v37, v22;
	v38 =	vmpcnt.ones.xlane vm1  }
0x264: {  	[tilespmem:$0x1F670] =	vst v39;
	vm1 =	vle.f32 v40, s12;
	v39 =	vmpcnt.ones.xlane vm2;
	v21 =	vadd.f32 v5, v21  }
0x265: {  	[tilespmem:$0x1F680] =	vst v40;
	v10 =	vld [tilespmem:$0x1F960];
	v22 =	vadd.s32 v38, v22;
	v40 =	vmpcnt.ones.xlane vm1  }
0x266: {  	v22 =	vadd.s32 v39, v22;
	vm1 =	vle.f32 v41, s12;
	v21 =	vadd.f32 v6, v21  }
0x267: {  	[tilespmem:$0x1F690] =	vst v41;
	v11 =	vld [tilespmem:$0x1F980];
	vm2 =	vle.f32 v42, s12;
	v22 =	vadd.s32 v40, v22;
	v41 =	vmpcnt.ones.xlane vm1  }
0x268: {  	[tilespmem:$0x1F6A0] =	vst v42;
	vm1 =	vle.f32 v43, s12;
	v42 =	vmpcnt.ones.xlane vm2;
	v21 =	vadd.f32 v7, v21  }
0x269: {  	[tilespmem:$0x1F6B0] =	vst v43;
	v12 =	vld [tilespmem:$0x1F9B0];
	v22 =	vadd.s32 v41, v22;
	v43 =	vmpcnt.ones.xlane vm1  }
0x26a: {  	v22 =	vadd.s32 v42, v22;
	vm1 =	vle.f32 v44, s12;
	v21 =	vadd.f32 v10, v21  }
0x26b: {  	[tilespmem:$0x1F6C0] =	vst v44;
	v13 =	vld [tilespmem:$0x1F9C0];
	vm2 =	vle.f32 v45, s12;
	v22 =	vadd.s32 v43, v22;
	v44 =	vmpcnt.ones.xlane vm1  }
0x26c: {  	[tilespmem:$0x1F6D0] =	vst v45;
	vm1 =	vle.f32 v46, s12;
	v45 =	vmpcnt.ones.xlane vm2;
	v21 =	vadd.f32 v11, v21  }
0x26d: {  	[tilespmem:$0x1F6E0] =	vst v46;
	v14 =	vld [tilespmem:$0x1F9D0];
	v22 =	vadd.s32 v44, v22;
	v46 =	vmpcnt.ones.xlane vm1  }
0x26e: {  	v22 =	vadd.s32 v45, v22;
	vm1 =	vle.f32 v47, s12;
	v21 =	vadd.f32 v12, v21  }
0x26f: {  	[tilespmem:$0x1F6F0] =	vst v47;
	v15 =	vld [tilespmem:$0x1F9E0];
	vm2 =	vle.f32 v48, s12;
	v22 =	vadd.s32 v46, v22;
	v47 =	vmpcnt.ones.xlane vm1  }
0x270: {  	[tilespmem:$0x1F700] =	vst v48;
	vm1 =	vle.f32 v49, s12;
	v48 =	vmpcnt.ones.xlane vm2;
	v21 =	vadd.f32 v13, v21  }
0x271: {  	[tilespmem:$0x1F710] =	vst v49;
	v16 =	vld [tilespmem:$0x1F9F0];
	v22 =	vadd.s32 v47, v22;
	v49 =	vmpcnt.ones.xlane vm1  }
0x272: {  	[tilespmem:$0x1F720] =	vst v50;
	v22 =	vadd.s32 v48, v22;
	vm1 =	vle.f32 v50, s12;
	v21 =	vadd.f32 v14, v21  }
0x273: {  	[tilespmem:$0x1F730] =	vst v51;
	v17 =	vld [tilespmem:$0x1FA10];
	vm2 =	vle.f32 v51, s12;
	v22 =	vadd.s32 v49, v22;
	v50 =	vmpcnt.ones.xlane vm1  }
0x274: {  	[tilespmem:$0x1F740] =	vst v52;
	vm1 =	vle.f32 v52, s12;
	v51 =	vmpcnt.ones.xlane vm2;
	v21 =	vadd.f32 v15, v21  }
0x275: {  	[tilespmem:$0x1F750] =	vst v53;
	v18 =	vld [tilespmem:$0x1FA40];
	v22 =	vadd.s32 v50, v22;
	vm2 =	vle.f32 v54, s12;
	v52 =	vmpcnt.ones.xlane vm1  }
0x276: {  	[tilespmem:$0x1F760] =	vst v54;
	v22 =	vadd.s32 v51, v22;
	vm1 =	vle.f32 v53, s12;
	v21 =	vadd.f32 v16, v21  }
0x277: {  	[tilespmem:$0x1F790] =	vst v57;
	v53 =	vmpcnt.ones.xlane vm1;
	v54 =	vmpcnt.ones.xlane vm2;
	vm2 =	vle.f32 v57, s12;
	v57 =	vld [tilespmem:$0x1FA70]  }
0x278: {  	v22 =	vadd.s32 v52, v22;
	vm1 =	vle.f32 v55, s12;
	v21 =	vadd.f32 v17, v21  }
0x279: {  	[tilespmem:$0x1F770] =	vst v55;
	v22 =	vadd.s32 v53, v22;
	v53 =	vld [tilespmem:$0x1FA90];
	v55 =	vmpcnt.ones.xlane vm1  }
0x27a: {  	v22 =	vadd.s32 v54, v22;
	v21 =	vadd.f32 v18, v21  }
0x27b: {  	v22 =	vadd.s32 v55, v22;
	v55 =	vld [tilespmem:$0x1FAB0]  }
0x27c: {  	v21 =	vadd.f32 v57, v21  }
0x27d: {  	v30 =	vld [tilespmem:$0x1FAE0]  }
0x27e: {  	v21 =	vadd.f32 v53, v21  }
0x27f: {  	v32 =	vld [tilespmem:$0x1FB00];
	v51 =	vmpcnt.ones.xlane vm2;
	vm2 =	vle.f32 v60, s12  }
0x280: {  	vm1 =	vle.f32 v56, s12;
	v28 =	vmpcnt.ones.xlane vm2;
	v21 =	vadd.f32 v55, v21  }
0x281: {  	[tilespmem:$0x1F780] =	vst v56;
	v35 =	vld [tilespmem:$0x1FB30];
	vm2 =	vle.f32 v63, s12;
	v56 =	vmpcnt.ones.xlane vm1;
	vm1 =	vle.f32 v58, s12  }
0x282: {  	v52 =	vmpcnt.ones.xlane vm1;
	vm1 =	vle.f32 v59, s12;
	v21 =	vadd.f32 v30, v21  }
0x283: {  	v37 =	vld [tilespmem:$0x1FB50];
	v33 =	vmpcnt.ones.xlane vm2;
	v22 =	vadd.s32 v56, v22;
	v54 =	vmpcnt.ones.xlane vm1  }
0x284: {  	vm1 =	vle.f32 v61, s12;
	v22 =	vadd.s32 v51, v22;
	v21 =	vadd.f32 v32, v21  }
0x285: {  	v40 =	vld [tilespmem:$0x1FB60];
	v29 =	vmpcnt.ones.xlane vm1;
	vm1 =	vle.f32 v62, s12;
	v22 =	vadd.s32 v52, v22  }
0x286: {  	v31 =	vmpcnt.ones.xlane vm1;
	vm1 =	vle.f32 v0, s12;
	v21 =	vadd.f32 v35, v21  }
0x287: {  	v42 =	vld [tilespmem:$0x1FB80];
	vm2 =	vle.f32 v2, s12;
	v22 =	vadd.s32 v54, v22;
	v34 =	vmpcnt.ones.xlane vm1  }
0x288: {  	vm1 =	vle.f32 v1, s12;
	v22 =	vadd.s32 v28, v22;
	v21 =	vadd.f32 v37, v21  }
0x289: {  	v45 =	vld [tilespmem:$0x1FBA0];
	v38 =	vmpcnt.ones.xlane vm2;
	v36 =	vmpcnt.ones.xlane vm1;
	v22 =	vadd.s32 v29, v22  }
0x28a: {  	vm1 =	vle.f32 v3, s12;
	v22 =	vadd.s32 v31, v22;
	v21 =	vadd.f32 v40, v21  }
0x28b: {  	v47 =	vld [tilespmem:$0x1FBC0];
	vm2 =	vle.f32 v5, s12;
	v39 =	vmpcnt.ones.xlane vm1;
	v22 =	vadd.s32 v33, v22  }
0x28c: {  	vm1 =	vle.f32 v4, s12;
	v22 =	vadd.s32 v34, v22;
	v21 =	vadd.f32 v42, v21  }
0x28d: {  	v50 =	vld [tilespmem:$0x1FBF0];
	v43 =	vmpcnt.ones.xlane vm2;
	v41 =	vmpcnt.ones.xlane vm1;
	v22 =	vadd.s32 v36, v22  }
0x28e: {  	vm1 =	vle.f32 v6, s12;
	v22 =	vadd.s32 v38, v22;
	v21 =	vadd.f32 v45, v21  }
0x28f: {  	[tilespmem:$0x1F7F0] =	vst v63;
	vm2 =	vle.f32 v10, s12;
	v44 =	vmpcnt.ones.xlane vm1;
	v22 =	vadd.s32 v39, v22;
	v63 =	vld [tilespmem:$0x1FC20]  }
0x290: {  	vm1 =	vle.f32 v7, s12;
	v22 =	vadd.s32 v41, v22;
	v21 =	vadd.f32 v47, v21  }
0x291: {  	[tilespmem:$0x1F7E0] =	vst v62;
	v48 =	vmpcnt.ones.xlane vm2;
	v46 =	vmpcnt.ones.xlane vm1;
	v62 =	vld [tilespmem:$0x1FC50];
	v22 =	vadd.s32 v43, v22  }
0x292: {  	vm1 =	vle.f32 v11, s12;
	v22 =	vadd.s32 v44, v22;
	v21 =	vadd.f32 v50, v21  }
0x293: {  	[tilespmem:$0x1F7D0] =	vst v61;
	v61 =	vld [tilespmem:$0x1FC60];
	v49 =	vmpcnt.ones.xlane vm1;
	v22 =	vadd.s32 v46, v22  }
0x294: {  	vm1 =	vle.f32 v12, s12;
	v22 =	vadd.s32 v48, v22;
	v21 =	vadd.f32 v63, v21  }
0x295: {  	[tilespmem:$0x1F7C0] =	vst v60;
	vm2 =	vle.f32 v13, s12;
	v60 =	vld [tilespmem:$0x1FC70];
	v22 =	vadd.s32 v49, v22;
	v7 =	vmpcnt.ones.xlane vm1  }
0x296: {  	vm1 =	vle.f32 v14, s12;
	v10 =	vmpcnt.ones.xlane vm2;
	v21 =	vadd.f32 v62, v21  }
0x297: {  	[tilespmem:$0x1F7B0] =	vst v59;
	v59 =	vld [tilespmem:$0x1FC80];
	v22 =	vadd.s32 v7, v22;
	v11 =	vmpcnt.ones.xlane vm1;
	vm1 =	vle.f32 v15, s12  }
0x298: {  	v22 =	vadd.s32 v10, v22;
	v12 =	vmpcnt.ones.xlane vm1;
	v21 =	vadd.f32 v61, v21  }
0x299: {  	[tilespmem:$0x1F7A0] =	vst v58;
	v58 =	vld [tilespmem:$0x1FCB0];
	vm2 =	vle.f32 v16, s12;
	v22 =	vadd.s32 v11, v22;
	vm1 =	vle.f32 v17, s12  }
0x29a: {  	v13 =	vmpcnt.ones.xlane vm2;
	v22 =	vadd.s32 v12, v22;
	v21 =	vadd.f32 v60, v21  }
0x29b: {  	vm2 =	vle.f32 v57, s12;
	v14 =	vmpcnt.ones.xlane vm1;
	vm1 =	vle.f32 v18, s12;
	v57 =	vld [tilespmem:$0x1FCE0]  }
0x29c: {  	v22 =	vadd.s32 v13, v22;
	v15 =	vmpcnt.ones.xlane vm1;
	v21 =	vadd.f32 v59, v21  }
0x29d: {  	v56 =	vld [tilespmem:$0x1FD10];
	v22 =	vadd.s32 v14, v22;
	vm1 =	vle.f32 v53, s12;
	v16 =	vmpcnt.ones.xlane vm2  }
0x29e: {  	v22 =	vadd.s32 v15, v22;
	vm2 =	vle.f32 v30, s12;
	v21 =	vadd.f32 v58, v21  }
0x29f: {  	v17 =	vmpcnt.ones.xlane vm1;
	v22 =	vadd.s32 v16, v22;
	vm1 =	vle.f32 v55, s12;
	v55 =	vld [tilespmem:$0x1FD30]  }
0x2a0: {  	v18 =	vmpcnt.ones.xlane vm1;
	vm1 =	vle.f32 v32, s12;
	v21 =	vadd.f32 v57, v21  }
0x2a1: {  	[tilespmem:$0x1F5B0] =	vst v27;
	v54 =	vld [tilespmem:$0x1FD50];
	v19 =	vmpcnt.ones.xlane vm2;
	v22 =	vadd.s32 v17, v22;
	v27 =	vmpcnt.ones.xlane vm1  }
0x2a2: {  	vm1 =	vle.f32 v35, s12;
	v22 =	vadd.s32 v18, v22;
	v21 =	vadd.f32 v56, v21  }
0x2a3: {  	vm2 =	vle.f32 v37, s12;
	v28 =	vmpcnt.ones.xlane vm1;
	v22 =	vadd.s32 v19, v22;
	v53 =	vld [tilespmem:$0x1FD70]  }
0x2a4: {  	v29 =	vmpcnt.ones.xlane vm2;
	v22 =	vadd.s32 v27, v22;
	v21 =	vadd.f32 v55, v21  }
0x2a5: {  	v52 =	vld [tilespmem:$0x1FDA0];
	vm2 =	vle.f32 v45, s12;
	vm1 =	vle.f32 v40, s12;
	v22 =	vadd.s32 v28, v22  }
0x2a6: {  	v30 =	vmpcnt.ones.xlane vm1;
	vm1 =	vle.f32 v42, s12;
	v21 =	vadd.f32 v54, v21  }
0x2a7: {  	v51 =	vld [tilespmem:$0x1FDD0];
	v22 =	vadd.s32 v29, v22;
	v31 =	vmpcnt.ones.xlane vm1;
	vm1 =	vle.f32 v47, s12  }
0x2a8: {  	v22 =	vadd.s32 v30, v22;
	v32 =	vmpcnt.ones.xlane vm2;
	v21 =	vadd.f32 v53, v21  }
0x2a9: {  	v33 =	vmpcnt.ones.xlane vm1;
	vm1 =	vle.f32 v50, s12;
	vm2 =	vle.f32 v63, s12;
	v50 =	vld [tilespmem:$0x1FDF0]  }
0x2aa: {  	v22 =	vadd.s32 v31, v22;
	v34 =	vmpcnt.ones.xlane vm1;
	v21 =	vadd.f32 v52, v21  }
0x2ab: {  	v49 =	vld [tilespmem:$0x1FE10];
	vm1 =	vle.f32 v62, s12;
	v22 =	vadd.s32 v32, v22;
	v35 =	vmpcnt.ones.xlane vm2  }
0x2ac: {  	v36 =	vmpcnt.ones.xlane vm1;
	v22 =	vadd.s32 v33, v22;
	v21 =	vadd.f32 v51, v21  }
0x2ad: {  	v48 =	vld [tilespmem:$0x1FE30];
	vm1 =	vle.f32 v61, s12;
	vm2 =	vle.f32 v60, s12;
	v22 =	vadd.s32 v34, v22  }
0x2ae: {  	v37 =	vmpcnt.ones.xlane vm1;
	vm1 =	vle.f32 v59, s12;
	v21 =	vadd.f32 v50, v21  }
0x2af: {  	v38 =	vmpcnt.ones.xlane vm2;
	v22 =	vadd.s32 v35, v22;
	v39 =	vmpcnt.ones.xlane vm1;
	v47 =	vld [tilespmem:$0x1FE40]  }
0x2b0: {  	vm1 =	vle.f32 v58, s12;
	v22 =	vadd.s32 v36, v22;
	v21 =	vadd.f32 v49, v21  }
0x2b1: {  	v46 =	vld [tilespmem:$0x1FE50];
	vm2 =	vle.f32 v57, s12;
	v40 =	vmpcnt.ones.xlane vm1;
	v22 =	vadd.s32 v37, v22  }
0x2b2: {  	vm1 =	vle.f32 v56, s12;
	v22 =	vadd.s32 v38, v22;
	v21 =	vadd.f32 v48, v21  }
0x2b3: {  	v41 =	vmpcnt.ones.xlane vm2;
	v42 =	vmpcnt.ones.xlane vm1;
	v22 =	vadd.s32 v39, v22;
	v45 =	vld [tilespmem:$0x1FE70]  }
0x2b4: {  	vm1 =	vle.f32 v55, s12;
	v22 =	vadd.s32 v40, v22;
	v21 =	vadd.f32 v47, v21  }
0x2b5: {  	v44 =	vld [tilespmem:$0x1FEA0];
	v43 =	vmpcnt.ones.xlane vm1;
	v22 =	vadd.s32 v41, v22  }
0x2b6: {  	v22 =	vadd.s32 v42, v22;
	v21 =	vadd.f32 v46, v21  }
0x2b7: {  	v22 =	vadd.s32 v43, v22;
	v43 =	vld [tilespmem:$0x1FEC0]  }
0x2b8: {  	v21 =	vadd.f32 v45, v21  }
0x2b9: {  	v42 =	vld [tilespmem:$0x1FED0]  }
0x2ba: {  	vm2 =	vle.f32 v54, s12;
	v21 =	vadd.f32 v44, v21  }
0x2bb: {  	[tilespmem:$0x1F800] =	vst v0;
	v0 =	vmpcnt.ones.xlane vm2;
	vm2 =	vle.f32 v51, s12;
	vm1 =	vle.f32 v53, s12;
	v41 =	vld [tilespmem:$0x1FEE0]  }
0x2bc: {  	v1 =	vmpcnt.ones.xlane vm1;
	vm1 =	vle.f32 v52, s12;
	v21 =	vadd.f32 v43, v21  }
0x2bd: {  	v3 =	vmpcnt.ones.xlane vm2;
	v40 =	vld [tilespmem:$0x1FEF0];
	v2 =	vmpcnt.ones.xlane vm1;
	v22 =	vadd.s32 v0, v22  }
0x2be: {  	vm2 =	vle.f32 v48, s12;
	v22 =	vadd.s32 v1, v22;
	v21 =	vadd.f32 v42, v21  }
0x2bf: {  	v6 =	vmpcnt.ones.xlane vm2;
	v39 =	vld [tilespmem:$0x1FF10];
	vm2 =	vle.f32 v45, s12;
	v22 =	vadd.s32 v2, v22  }
0x2c0: {  	v11 =	vmpcnt.ones.xlane vm2;
	vm1 =	vle.f32 v50, s12;
	v21 =	vadd.f32 v41, v21  }
0x2c1: {  	[tilespmem:$0x1F810] =	vst v4;
	v38 =	vld [tilespmem:$0x1FF20];
	v22 =	vadd.s32 v3, v22;
	v4 =	vmpcnt.ones.xlane vm1;
	vm1 =	vle.f32 v49, s12  }
0x2c2: {  	v5 =	vmpcnt.ones.xlane vm1;
	vm1 =	vle.f32 v47, s12;
	v21 =	vadd.f32 v40, v21  }
0x2c3: {  	v37 =	vld [tilespmem:$0x1FF30];
	vm2 =	vle.f32 v42, s12;
	v22 =	vadd.s32 v4, v22;
	v7 =	vmpcnt.ones.xlane vm1  }
0x2c4: {  	vm1 =	vle.f32 v46, s12;
	v22 =	vadd.s32 v5, v22;
	v21 =	vadd.f32 v39, v21  }
0x2c5: {  	v36 =	vld [tilespmem:$0x1FF40];
	v10 =	vmpcnt.ones.xlane vm1;
	vm1 =	vle.f32 v44, s12;
	v22 =	vadd.s32 v6, v22  }
0x2c6: {  	v12 =	vmpcnt.ones.xlane vm1;
	vm1 =	vle.f32 v43, s12;
	v21 =	vadd.f32 v38, v21  }
0x2c7: {  	v35 =	vld [tilespmem:$0x1FF50];
	v14 =	vmpcnt.ones.xlane vm2;
	v22 =	vadd.s32 v7, v22;
	v13 =	vmpcnt.ones.xlane vm1  }
0x2c8: {  	vm1 =	vle.f32 v41, s12;
	v22 =	vadd.s32 v10, v22;
	v21 =	vadd.f32 v37, v21  }
0x2c9: {  	v34 =	vld [tilespmem:$0x1FF60];
	vm2 =	vle.f32 v39, s12;
	v15 =	vmpcnt.ones.xlane vm1;
	v22 =	vadd.s32 v11, v22  }
0x2ca: {  	vm1 =	vle.f32 v40, s12;
	v22 =	vadd.s32 v12, v22;
	v21 =	vadd.f32 v36, v21  }
0x2cb: {  	v33 =	vld [tilespmem:$0x1FF70];
	v17 =	vmpcnt.ones.xlane vm2;
	v16 =	vmpcnt.ones.xlane vm1;
	v22 =	vadd.s32 v13, v22  }
0x2cc: {  	vm1 =	vle.f32 v38, s12;
	v22 =	vadd.s32 v14, v22;
	v21 =	vadd.f32 v35, v21  }
0x2cd: {  	v32 =	vld [tilespmem:$0x1FF80];
	vm2 =	vle.f32 v36, s12;
	v18 =	vmpcnt.ones.xlane vm1;
	v22 =	vadd.s32 v15, v22  }
0x2ce: {  	vm1 =	vle.f32 v37, s12;
	v22 =	vadd.s32 v16, v22;
	v21 =	vadd.f32 v34, v21  }
0x2cf: {  	v31 =	vld [tilespmem:$0x1FF90];
	v28 =	vmpcnt.ones.xlane vm2;
	v19 =	vmpcnt.ones.xlane vm1;
	v22 =	vadd.s32 v17, v22  }
0x2d0: {  	vm1 =	vle.f32 v35, s12;
	v22 =	vadd.s32 v18, v22;
	v21 =	vadd.f32 v33, v21  }
0x2d1: {  	v30 =	vld [tilespmem:$0x1FFA0];
	v29 =	vmpcnt.ones.xlane vm1;
	v22 =	vadd.s32 v19, v22  }
0x2d2: {  	v22 =	vadd.s32 v28, v22;
	v21 =	vadd.f32 v32, v21  }
0x2d3: {  	vm2 =	vle.f32 v33, s12;
	vm1 =	vle.f32 v34, s12;
	v22 =	vadd.s32 v29, v22;
	v29 =	vld [tilespmem:$0x1FFB0]  }
0x2d4: {  	[tilespmem:$0x1F5A0] =	vst v26;
	v26 =	vld [tilespmem:$0x1FFD0];
	v0 =	vmpcnt.ones.xlane vm1;
	vm1 =	vle.f32 v32, s12;
	v21 =	vadd.f32 v31, v21  }
0x2d5: {  	[tilespmem:$0x1F590] =	vst v25;
	v25 =	vld [tilespmem:$0x1FFC0];
	v1 =	vmpcnt.ones.xlane vm2;
	v2 =	vmpcnt.ones.xlane vm1  }
0x2d6: {  	vm1 =	vle.f32 v31, s12;
	v22 =	vadd.s32 v0, v22;
	v21 =	vadd.f32 v30, v21  }
0x2d7: {  	v27 =	vld [tilespmem:$0x1FFE0];
	vm2 =	vle.f32 v30, s12;
	v3 =	vmpcnt.ones.xlane vm1;
	v22 =	vadd.s32 v1, v22  }
0x2d8: {  	v4 =	vmpcnt.ones.xlane vm2;
	v28 =	vld [tilespmem:$0x1FFF0];
	v22 =	vadd.s32 v2, v22;
	v21 =	vadd.f32 v29, v21  }
0x2d9: {  	vm2 =	vle.f32 v26, s12;
	v22 =	vadd.s32 v3, v22;
	vm1 =	vle.f32 v29, s12  }
0x2da: {  	v5 =	vmpcnt.ones.xlane vm1;
	vm1 =	vle.f32 v25, s12;
	v21 =	vadd.f32 v25, v21  }
0x2db: {  	v7 =	vmpcnt.ones.xlane vm2;
	v22 =	vadd.s32 v4, v22;
	v6 =	vmpcnt.ones.xlane vm1  }
0x2dc: {  	vm1 =	vle.f32 v27, s12;
	v22 =	vadd.s32 v5, v22;
	v21 =	vadd.f32 v26, v21  }
0x2dd: {  	vm2 =	vle.f32 v28, s12;
	v10 =	vmpcnt.ones.xlane vm1;
	v22 =	vadd.s32 v6, v22  }
0x2de: {  	v11 =	vmpcnt.ones.xlane vm2;
	v22 =	vadd.s32 v7, v22;
	v21 =	vadd.f32 v27, v21  }
0x2df: {  	v22 =	vadd.s32 v10, v22  }
0x2e0: {  	v22 =	vadd.s32 v11, v22;
	v21 =	vadd.f32 v28, v21  }
0x2e1: {  	(v2sf) =	vpush v22, $0x0  }
0x2e2: {  	(v2sf) =	vpush v21, $0x0  }
0x2e3: {  	(v2sf) =	vpush v21, $0x1;
	_ =	sdelay $0x1  }
0x2e4: {  	(v2sf) =	vpush v21, $0x2;
	_ =	sdelay $0x1  }
0x2e5: {  	(v2sf) =	vpush v21, $0x3;
	_ =	sdelay $0x1  }
0x2e6: {  	(v2sf) =	vpush v21, $0x4;
	_ =	sdelay $0x1  }
0x2e7: {  	(v2sf) =	vpush v21, $0x5;
	_ =	sdelay $0x1  }
0x2e8: {  	(v2sf) =	vpush v21, $0x6;
	_ =	sdelay $0x1  }
0x2e9: {  	(v2sf) =	vpush v21, $0x7  }
0x2ea: {  	s13 =	spop (v2sf)  }
0x2eb: {  	(v2sf) =	vpush v21, $0x8;
	s15 =	spop (v2sf)  }
0x2ec: {  	s16 =	spop (v2sf)  }
0x2ed: {  	(v2sf) =	vpush v21, $0x9;
	s14 =	sadd.f32 s16, s15  }
0x2ee: {  	s17 =	spop (v2sf)  }
0x2ef: {  	(v2sf) =	vpush v21, $0xA;
	s14 =	sadd.f32 s14, s17  }
0x2f0: {  	s18 =	spop (v2sf)  }
0x2f1: {  	(v2sf) =	vpush v21, $0xB;
	s14 =	sadd.f32 s14, s18  }
0x2f2: {  	s19 =	spop (v2sf)  }
0x2f3: {  	(v2sf) =	vpush v21, $0xC;
	s14 =	sadd.f32 s14, s19  }
0x2f4: {  	s20 =	spop (v2sf)  }
0x2f5: {  	(v2sf) =	vpush v21, $0xD;
	s14 =	sadd.f32 s14, s20  }
0x2f6: {  	s21 =	spop (v2sf)  }
0x2f7: {  	(v2sf) =	vpush v21, $0xE;
	s14 =	sadd.f32 s14, s21  }
0x2f8: {  	s22 =	spop (v2sf)  }
0x2f9: {  	(v2sf) =	vpush v21, $0xF;
	s14 =	sadd.f32 s14, s22  }
0x2fa: {  	s23 =	spop (v2sf)  }
0x2fb: {  	s14 =	sadd.f32 s14, s23  }
0x2fc: {  	s24 =	spop (v2sf)  }
0x2fd: {  	s14 =	sadd.f32 s14, s24  }
0x2fe: {  	s25 =	spop (v2sf)  }
0x2ff: {  	s14 =	sadd.f32 s14, s25  }
0x300: {  	s26 =	spop (v2sf)  }
0x301: {  	s14 =	sadd.f32 s14, s26  }
0x302: {  	s28 =	spop (v2sf)  }
0x303: {  	s14 =	sadd.f32 s14, s28  }
0x304: {  	s29 =	spop (v2sf)  }
0x305: {  	s14 =	sadd.f32 s14, s29  }
0x306: {  	s30 =	spop (v2sf)  }
0x307: {  	s14 =	sadd.f32 s14, s30  }
0x308: {  	v12 =	vld [tilespmem:$0x1F820];
	s31 =	spop (v2sf)  }
0x309: {  	v14 =	vld [tilespmem:$0x1F830];
	s14 =	sadd.f32 s14, s31;
	_ =	sdelay $0x1  }
0x30a: {  	v22 =	vld [tilespmem:$0x1F840];
	s14 =	smul.f32 $4.882812500e-04, s14;
	_ =	sdelay $0x1  }
0x30b: {  	v24 =	vld [tilespmem:$0x1F850];
	v21 =	vmov s14  }
0x30c: {  	v13 =	vsub.f32 v12, v21;
	v15 =	vsub.f32 v14, v21  }
0x30d: {  	v4 =	vld [tilespmem:$0x1F860]  }
0x30e: {  	v23 =	vsub.f32 v22, v21;
	v19 =	vmul.f32 v13, v13;
	v20 =	vmul.f32 v15, v15;
	_ =	sdelay $0x1  }
0x30f: {  	v3 =	vsub.f32 v24, v21;
	v18 =	vmul.f32 v23, v23;
	v19 =	vadd.f32 v20, v19;
	_ =	sdelay $0x1  }
0x310: {  	v6 =	vld [tilespmem:$0x1F870];
	v5 =	vsub.f32 v4, v21;
	v17 =	vmul.f32 v3, v3;
	v18 =	vadd.f32 v19, v18;
	_ =	sdelay $0x1  }
0x311: {  	v10 =	vld [tilespmem:$0x1F880];
	v16 =	vmul.f32 v5, v5;
	v17 =	vadd.f32 v18, v17;
	_ =	sdelay $0x1  }
0x312: {  	v16 =	vadd.f32 v17, v16;
	v17 =	vld [tilespmem:$0x1F890]  }
0x313: {  	v7 =	vsub.f32 v6, v21  }
0x314: {  	v19 =	vld [tilespmem:$0x1F8A0]  }
0x315: {  	v11 =	vsub.f32 v10, v21;
	v15 =	vmul.f32 v7, v7;
	_ =	sdelay $0x1  }
0x316: {  	v14 =	vmul.f32 v11, v11;
	v15 =	vadd.f32 v16, v15;
	v18 =	vsub.f32 v17, v21;
	_ =	sdelay $0x1  }
0x317: {  	v20 =	vsub.f32 v19, v21;
	v14 =	vadd.f32 v15, v14;
	v13 =	vmul.f32 v18, v18;
	_ =	sdelay $0x1  }
0x318: {  	v22 =	vsub.f32 v8, v21;
	v24 =	vld [tilespmem:$0x1F4F0];
	v12 =	vmul.f32 v20, v20;
	v13 =	vadd.f32 v14, v13;
	_ =	sdelay $0x1  }
0x319: {  	v4 =	vld [tilespmem:$0x1F500];
	v11 =	vmul.f32 v22, v22;
	v12 =	vadd.f32 v13, v12  }
0x31a: {  	v23 =	vsub.f32 v9, v21  }
0x31b: {  	v11 =	vadd.f32 v12, v11;
	v12 =	vld [tilespmem:$0x1F510]  }
0x31c: {  	v10 =	vmul.f32 v23, v23;
	v3 =	vsub.f32 v24, v21  }
0x31d: {  	v14 =	vld [tilespmem:$0x1F520]  }
0x31e: {  	v5 =	vsub.f32 v4, v21;
	v9 =	vmul.f32 v3, v3;
	v10 =	vadd.f32 v11, v10  }
0x31f: {  	v16 =	vld [tilespmem:$0x1F530]  }
0x320: {  	v8 =	vmul.f32 v5, v5;
	v9 =	vadd.f32 v10, v9;
	v13 =	vsub.f32 v12, v21  }
0x321: {  	v18 =	vld [tilespmem:$0x1F540]  }
0x322: {  	v15 =	vsub.f32 v14, v21;
	v8 =	vadd.f32 v9, v8;
	v7 =	vmul.f32 v13, v13  }
0x323: {  	v20 =	vld [tilespmem:$0x1F550]  }
0x324: {  	v17 =	vsub.f32 v16, v21;
	v6 =	vmul.f32 v15, v15;
	v7 =	vadd.f32 v8, v7;
	_ =	sdelay $0x1  }
0x325: {  	v5 =	vmul.f32 v17, v17;
	v19 =	vsub.f32 v18, v21;
	v6 =	vadd.f32 v7, v6;
	_ =	sdelay $0x1  }
0x326: {  	v22 =	vsub.f32 v20, v21;
	v4 =	vmul.f32 v19, v19;
	v5 =	vadd.f32 v6, v5;
	_ =	sdelay $0x1  }
0x327: {  	v23 =	vld [tilespmem:$0x1F560];
	v3 =	vmul.f32 v22, v22;
	v4 =	vadd.f32 v5, v4;
	_ =	sdelay $0x1  }
0x328: {  	v3 =	vadd.f32 v4, v3;
	v4 =	vld [tilespmem:$0x1F570];
	_ =	sdelay $0x1  }
0x329: {  	v6 =	vld [tilespmem:$0x1F580]  }
0x32a: {  	v24 =	vsub.f32 v23, v21  }
0x32b: {  	v7 =	vld [tilespmem:$0x1F590]  }
0x32c: {  	v2 =	vmul.f32 v24, v24;
	v5 =	vsub.f32 v4, v21  }
0x32d: {  	v9 =	vld [tilespmem:$0x1F5A0]  }
0x32e: {  	v0 =	vsub.f32 v6, v21;
	v2 =	vadd.f32 v3, v2;
	v1 =	vmul.f32 v5, v5  }
0x32f: {  	v11 =	vld [tilespmem:$0x1F5B0]  }
0x330: {  	v0 =	vmul.f32 v0, v0;
	v1 =	vadd.f32 v2, v1;
	v2 =	vsub.f32 v7, v21  }
0x331: {  	v13 =	vld [tilespmem:$0x1F5C0]  }
0x332: {  	v0 =	vadd.f32 v1, v0;
	v8 =	vmul.f32 v2, v2;
	v2 =	vsub.f32 v9, v21  }
0x333: {  	v15 =	vld [tilespmem:$0x1F5D0]  }
0x334: {  	v0 =	vadd.f32 v0, v8;
	v10 =	vmul.f32 v2, v2;
	v2 =	vsub.f32 v11, v21  }
0x335: {  	v17 =	vld [tilespmem:$0x1F5E0]  }
0x336: {  	v0 =	vadd.f32 v0, v10;
	v12 =	vmul.f32 v2, v2;
	v2 =	vsub.f32 v13, v21  }
0x337: {  	v19 =	vld [tilespmem:$0x1F5F0]  }
0x338: {  	v0 =	vadd.f32 v0, v12;
	v14 =	vmul.f32 v2, v2;
	v2 =	vsub.f32 v15, v21  }
0x339: {  	v22 =	vld [tilespmem:$0x1F600]  }
0x33a: {  	v0 =	vadd.f32 v0, v14;
	v16 =	vmul.f32 v2, v2;
	v2 =	vsub.f32 v17, v21  }
0x33b: {  	v24 =	vld [tilespmem:$0x1F610]  }
0x33c: {  	v0 =	vadd.f32 v0, v16;
	v18 =	vmul.f32 v2, v2;
	v2 =	vsub.f32 v19, v21  }
0x33d: {  	v5 =	vld [tilespmem:$0x1F620]  }
0x33e: {  	v0 =	vadd.f32 v0, v18;
	v20 =	vmul.f32 v2, v2;
	v2 =	vsub.f32 v22, v21  }
0x33f: {  	v7 =	vld [tilespmem:$0x1F630]  }
0x340: {  	v0 =	vadd.f32 v0, v20;
	v23 =	vmul.f32 v2, v2;
	v2 =	vsub.f32 v24, v21  }
0x341: {  	v9 =	vld [tilespmem:$0x1F640]  }
0x342: {  	v0 =	vadd.f32 v0, v23;
	v4 =	vmul.f32 v2, v2;
	v2 =	vsub.f32 v5, v21  }
0x343: {  	v11 =	vld [tilespmem:$0x1F650]  }
0x344: {  	v0 =	vadd.f32 v0, v4;
	v6 =	vmul.f32 v2, v2;
	v2 =	vsub.f32 v7, v21  }
0x345: {  	v13 =	vld [tilespmem:$0x1F660]  }
0x346: {  	v0 =	vadd.f32 v0, v6;
	v8 =	vmul.f32 v2, v2;
	v2 =	vsub.f32 v9, v21  }
0x347: {  	v15 =	vld [tilespmem:$0x1F670]  }
0x348: {  	v0 =	vadd.f32 v0, v8;
	v10 =	vmul.f32 v2, v2;
	v2 =	vsub.f32 v11, v21  }
0x349: {  	v17 =	vld [tilespmem:$0x1F680]  }
0x34a: {  	v0 =	vadd.f32 v0, v10;
	v12 =	vmul.f32 v2, v2;
	v2 =	vsub.f32 v13, v21  }
0x34b: {  	v19 =	vld [tilespmem:$0x1F690]  }
0x34c: {  	v0 =	vadd.f32 v0, v12;
	v14 =	vmul.f32 v2, v2;
	v2 =	vsub.f32 v15, v21  }
0x34d: {  	v22 =	vld [tilespmem:$0x1F6A0]  }
0x34e: {  	v0 =	vadd.f32 v0, v14;
	v16 =	vmul.f32 v2, v2;
	v2 =	vsub.f32 v17, v21  }
0x34f: {  	v24 =	vld [tilespmem:$0x1F6B0]  }
0x350: {  	v0 =	vadd.f32 v0, v16;
	v18 =	vmul.f32 v2, v2;
	v2 =	vsub.f32 v19, v21  }
0x351: {  	v5 =	vld [tilespmem:$0x1F6C0]  }
0x352: {  	v0 =	vadd.f32 v0, v18;
	v20 =	vmul.f32 v2, v2;
	v2 =	vsub.f32 v22, v21  }
0x353: {  	v7 =	vld [tilespmem:$0x1F6D0]  }
0x354: {  	v0 =	vadd.f32 v0, v20;
	v23 =	vmul.f32 v2, v2;
	v2 =	vsub.f32 v24, v21  }
0x355: {  	v9 =	vld [tilespmem:$0x1F6E0]  }
0x356: {  	v0 =	vadd.f32 v0, v23;
	v4 =	vmul.f32 v2, v2;
	v2 =	vsub.f32 v5, v21  }
0x357: {  	v11 =	vld [tilespmem:$0x1F6F0]  }
0x358: {  	v0 =	vadd.f32 v0, v4;
	v6 =	vmul.f32 v2, v2;
	v2 =	vsub.f32 v7, v21  }
0x359: {  	v13 =	vld [tilespmem:$0x1F700]  }
0x35a: {  	v0 =	vadd.f32 v0, v6;
	v8 =	vmul.f32 v2, v2;
	v2 =	vsub.f32 v9, v21  }
0x35b: {  	v15 =	vld [tilespmem:$0x1F710]  }
0x35c: {  	v0 =	vadd.f32 v0, v8;
	v10 =	vmul.f32 v2, v2;
	v2 =	vsub.f32 v11, v21  }
0x35d: {  	v17 =	vld [tilespmem:$0x1F720]  }
0x35e: {  	v0 =	vadd.f32 v0, v10;
	v12 =	vmul.f32 v2, v2;
	v2 =	vsub.f32 v13, v21  }
0x35f: {  	v19 =	vld [tilespmem:$0x1F730]  }
0x360: {  	v0 =	vadd.f32 v0, v12;
	v14 =	vmul.f32 v2, v2;
	v2 =	vsub.f32 v15, v21  }
0x361: {  	v22 =	vld [tilespmem:$0x1F740]  }
0x362: {  	v0 =	vadd.f32 v0, v14;
	v16 =	vmul.f32 v2, v2;
	v2 =	vsub.f32 v17, v21  }
0x363: {  	v24 =	vld [tilespmem:$0x1F750]  }
0x364: {  	v0 =	vadd.f32 v0, v16;
	v18 =	vmul.f32 v2, v2;
	v2 =	vsub.f32 v19, v21  }
0x365: {  	v5 =	vld [tilespmem:$0x1F760]  }
0x366: {  	v0 =	vadd.f32 v0, v18;
	v20 =	vmul.f32 v2, v2;
	v2 =	vsub.f32 v22, v21  }
0x367: {  	v7 =	vld [tilespmem:$0x1F770]  }
0x368: {  	v0 =	vadd.f32 v0, v20;
	v23 =	vmul.f32 v2, v2;
	v2 =	vsub.f32 v24, v21  }
0x369: {  	v9 =	vld [tilespmem:$0x1F780]  }
0x36a: {  	v0 =	vadd.f32 v0, v23;
	v4 =	vmul.f32 v2, v2;
	v2 =	vsub.f32 v5, v21  }
0x36b: {  	v11 =	vld [tilespmem:$0x1F790]  }
0x36c: {  	v0 =	vadd.f32 v0, v4;
	v6 =	vmul.f32 v2, v2;
	v2 =	vsub.f32 v7, v21  }
0x36d: {  	v13 =	vld [tilespmem:$0x1F7A0]  }
0x36e: {  	v0 =	vadd.f32 v0, v6;
	v8 =	vmul.f32 v2, v2;
	v2 =	vsub.f32 v9, v21  }
0x36f: {  	v15 =	vld [tilespmem:$0x1F7B0]  }
0x370: {  	v0 =	vadd.f32 v0, v8;
	v10 =	vmul.f32 v2, v2;
	v2 =	vsub.f32 v11, v21  }
0x371: {  	v17 =	vld [tilespmem:$0x1F7C0]  }
0x372: {  	v0 =	vadd.f32 v0, v10;
	v12 =	vmul.f32 v2, v2;
	v2 =	vsub.f32 v13, v21  }
0x373: {  	v19 =	vld [tilespmem:$0x1F7D0]  }
0x374: {  	v0 =	vadd.f32 v0, v12;
	v14 =	vmul.f32 v2, v2;
	v2 =	vsub.f32 v15, v21  }
0x375: {  	v22 =	vld [tilespmem:$0x1F7E0]  }
0x376: {  	v0 =	vadd.f32 v0, v14;
	v16 =	vmul.f32 v2, v2;
	v2 =	vsub.f32 v17, v21  }
0x377: {  	v24 =	vld [tilespmem:$0x1F7F0]  }
0x378: {  	v0 =	vadd.f32 v0, v16;
	v18 =	vmul.f32 v2, v2;
	v2 =	vsub.f32 v19, v21  }
0x379: {  	v5 =	vld [tilespmem:$0x1F800]  }
0x37a: {  	v0 =	vadd.f32 v0, v18;
	v20 =	vmul.f32 v2, v2;
	v2 =	vsub.f32 v22, v21  }
0x37b: {  	v7 =	vld [tilespmem:$0x1F8B0]  }
0x37c: {  	v0 =	vadd.f32 v0, v20;
	v23 =	vmul.f32 v2, v2;
	v2 =	vsub.f32 v24, v21  }
0x37d: {  	v9 =	vld [tilespmem:$0x1F8C0]  }
0x37e: {  	v0 =	vadd.f32 v0, v23;
	v4 =	vmul.f32 v2, v2;
	v2 =	vsub.f32 v5, v21  }
0x37f: {  	v11 =	vld [tilespmem:$0x1F8D0]  }
0x380: {  	v0 =	vadd.f32 v0, v4;
	v6 =	vmul.f32 v2, v2;
	v2 =	vsub.f32 v7, v21  }
0x381: {  	v13 =	vld [tilespmem:$0x1F810]  }
0x382: {  	v0 =	vadd.f32 v0, v6;
	v8 =	vmul.f32 v2, v2;
	v2 =	vsub.f32 v9, v21  }
0x383: {  	v15 =	vld [tilespmem:$0x1F8F0]  }
0x384: {  	v0 =	vadd.f32 v0, v8;
	v10 =	vmul.f32 v2, v2;
	v2 =	vsub.f32 v11, v21  }
0x385: {  	v17 =	vld [tilespmem:$0x1F910]  }
0x386: {  	v0 =	vadd.f32 v0, v10;
	v12 =	vmul.f32 v2, v2;
	v2 =	vsub.f32 v13, v21  }
0x387: {  	v19 =	vld [tilespmem:$0x1F930]  }
0x388: {  	v0 =	vadd.f32 v0, v12;
	v14 =	vmul.f32 v2, v2;
	v2 =	vsub.f32 v15, v21  }
0x389: {  	v22 =	vld [tilespmem:$0x1F960]  }
0x38a: {  	v0 =	vadd.f32 v0, v14;
	v16 =	vmul.f32 v2, v2;
	v2 =	vsub.f32 v17, v21  }
0x38b: {  	v24 =	vld [tilespmem:$0x1F980]  }
0x38c: {  	v0 =	vadd.f32 v0, v16;
	v18 =	vmul.f32 v2, v2;
	v2 =	vsub.f32 v19, v21  }
0x38d: {  	v5 =	vld [tilespmem:$0x1F9B0]  }
0x38e: {  	v0 =	vadd.f32 v0, v18;
	v20 =	vmul.f32 v2, v2;
	v2 =	vsub.f32 v22, v21  }
0x38f: {  	v7 =	vld [tilespmem:$0x1F9C0]  }
0x390: {  	v0 =	vadd.f32 v0, v20;
	v23 =	vmul.f32 v2, v2;
	v2 =	vsub.f32 v24, v21  }
0x391: {  	v9 =	vld [tilespmem:$0x1F9D0]  }
0x392: {  	v0 =	vadd.f32 v0, v23;
	v4 =	vmul.f32 v2, v2;
	v2 =	vsub.f32 v5, v21  }
0x393: {  	v11 =	vld [tilespmem:$0x1F9E0]  }
0x394: {  	v0 =	vadd.f32 v0, v4;
	v6 =	vmul.f32 v2, v2;
	v2 =	vsub.f32 v7, v21  }
0x395: {  	v13 =	vld [tilespmem:$0x1F9F0]  }
0x396: {  	v0 =	vadd.f32 v0, v6;
	v8 =	vmul.f32 v2, v2;
	v2 =	vsub.f32 v9, v21  }
0x397: {  	v15 =	vld [tilespmem:$0x1FA10]  }
0x398: {  	v0 =	vadd.f32 v0, v8;
	v10 =	vmul.f32 v2, v2;
	v2 =	vsub.f32 v11, v21  }
0x399: {  	v17 =	vld [tilespmem:$0x1FA40]  }
0x39a: {  	v0 =	vadd.f32 v0, v10;
	v12 =	vmul.f32 v2, v2;
	v2 =	vsub.f32 v13, v21  }
0x39b: {  	v19 =	vld [tilespmem:$0x1FA70]  }
0x39c: {  	v0 =	vadd.f32 v0, v12;
	v14 =	vmul.f32 v2, v2;
	v2 =	vsub.f32 v15, v21  }
0x39d: {  	v22 =	vld [tilespmem:$0x1FA90]  }
0x39e: {  	v0 =	vadd.f32 v0, v14;
	v16 =	vmul.f32 v2, v2;
	v2 =	vsub.f32 v17, v21  }
0x39f: {  	v24 =	vld [tilespmem:$0x1FAB0]  }
0x3a0: {  	v0 =	vadd.f32 v0, v16;
	v18 =	vmul.f32 v2, v2;
	v2 =	vsub.f32 v19, v21  }
0x3a1: {  	v5 =	vld [tilespmem:$0x1FAE0]  }
0x3a2: {  	v0 =	vadd.f32 v0, v18;
	v20 =	vmul.f32 v2, v2;
	v2 =	vsub.f32 v22, v21  }
0x3a3: {  	v7 =	vld [tilespmem:$0x1FB00]  }
0x3a4: {  	v0 =	vadd.f32 v0, v20;
	v23 =	vmul.f32 v2, v2;
	v2 =	vsub.f32 v24, v21  }
0x3a5: {  	v9 =	vld [tilespmem:$0x1FB30]  }
0x3a6: {  	v0 =	vadd.f32 v0, v23;
	v4 =	vmul.f32 v2, v2;
	v2 =	vsub.f32 v5, v21  }
0x3a7: {  	v11 =	vld [tilespmem:$0x1FB50]  }
0x3a8: {  	v0 =	vadd.f32 v0, v4;
	v6 =	vmul.f32 v2, v2;
	v2 =	vsub.f32 v7, v21  }
0x3a9: {  	v13 =	vld [tilespmem:$0x1FB60]  }
0x3aa: {  	v0 =	vadd.f32 v0, v6;
	v8 =	vmul.f32 v2, v2;
	v2 =	vsub.f32 v9, v21  }
0x3ab: {  	v15 =	vld [tilespmem:$0x1FB80]  }
0x3ac: {  	v0 =	vadd.f32 v0, v8;
	v10 =	vmul.f32 v2, v2;
	v2 =	vsub.f32 v11, v21  }
0x3ad: {  	v17 =	vld [tilespmem:$0x1FBA0]  }
0x3ae: {  	v0 =	vadd.f32 v0, v10;
	v12 =	vmul.f32 v2, v2;
	v2 =	vsub.f32 v13, v21  }
0x3af: {  	v19 =	vld [tilespmem:$0x1FBC0]  }
0x3b0: {  	v0 =	vadd.f32 v0, v12;
	v14 =	vmul.f32 v2, v2;
	v2 =	vsub.f32 v15, v21  }
0x3b1: {  	v22 =	vld [tilespmem:$0x1FBF0]  }
0x3b2: {  	v0 =	vadd.f32 v0, v14;
	v16 =	vmul.f32 v2, v2;
	v2 =	vsub.f32 v17, v21;
	_ =	sdelay $0x1  }
0x3b3: {  	v0 =	vadd.f32 v0, v16;
	v18 =	vmul.f32 v2, v2;
	v2 =	vsub.f32 v19, v21;
	_ =	sdelay $0x1  }
0x3b4: {  	v0 =	vadd.f32 v0, v18;
	v20 =	vmul.f32 v2, v2;
	v2 =	vsub.f32 v22, v21;
	_ =	sdelay $0x1  }
0x3b5: {  	v24 =	vsub.f32 v63, v21;
	v0 =	vadd.f32 v0, v20;
	v23 =	vmul.f32 v2, v2;
	_ =	sdelay $0x1  }
0x3b6: {  	v63 =	vmul.f32 v24, v24;
	v4 =	vsub.f32 v62, v21;
	v0 =	vadd.f32 v0, v23;
	_ =	sdelay $0x1  }
0x3b7: {  	v5 =	vmul.f32 v4, v4;
	v6 =	vsub.f32 v61, v21;
	v0 =	vadd.f32 v0, v63;
	_ =	sdelay $0x1  }
0x3b8: {  	v7 =	vmul.f32 v6, v6;
	v8 =	vsub.f32 v60, v21;
	v0 =	vadd.f32 v0, v5;
	_ =	sdelay $0x1  }
0x3b9: {  	v9 =	vmul.f32 v8, v8;
	v10 =	vsub.f32 v59, v21;
	v0 =	vadd.f32 v0, v7;
	_ =	sdelay $0x1  }
0x3ba: {  	v11 =	vmul.f32 v10, v10;
	v12 =	vsub.f32 v58, v21;
	v0 =	vadd.f32 v0, v9;
	_ =	sdelay $0x1  }
0x3bb: {  	v13 =	vmul.f32 v12, v12;
	v14 =	vsub.f32 v57, v21;
	v0 =	vadd.f32 v0, v11;
	_ =	sdelay $0x1  }
0x3bc: {  	v15 =	vmul.f32 v14, v14;
	v16 =	vsub.f32 v56, v21;
	v0 =	vadd.f32 v0, v13;
	_ =	sdelay $0x1  }
0x3bd: {  	v17 =	vmul.f32 v16, v16;
	v18 =	vsub.f32 v55, v21;
	v0 =	vadd.f32 v0, v15;
	_ =	sdelay $0x1  }
0x3be: {  	v19 =	vmul.f32 v18, v18;
	v20 =	vsub.f32 v54, v21;
	v0 =	vadd.f32 v0, v17;
	_ =	sdelay $0x1  }
0x3bf: {  	v22 =	vmul.f32 v20, v20;
	v23 =	vsub.f32 v53, v21;
	v0 =	vadd.f32 v0, v19;
	_ =	sdelay $0x1  }
0x3c0: {  	v53 =	vsub.f32 v52, v21;
	v24 =	vmul.f32 v23, v23;
	v0 =	vadd.f32 v0, v22;
	_ =	sdelay $0x1  }
0x3c1: {  	v55 =	vsub.f32 v51, v21;
	v54 =	vmul.f32 v53, v53;
	v0 =	vadd.f32 v0, v24;
	_ =	sdelay $0x1  }
0x3c2: {  	v57 =	vsub.f32 v50, v21;
	v56 =	vmul.f32 v55, v55;
	v0 =	vadd.f32 v0, v54;
	_ =	sdelay $0x1  }
0x3c3: {  	v59 =	vsub.f32 v49, v21;
	v58 =	vmul.f32 v57, v57;
	v0 =	vadd.f32 v0, v56;
	_ =	sdelay $0x1  }
0x3c4: {  	v61 =	vsub.f32 v48, v21;
	v60 =	vmul.f32 v59, v59;
	v0 =	vadd.f32 v0, v58;
	_ =	sdelay $0x1  }
0x3c5: {  	v62 =	vmul.f32 v61, v61;
	v63 =	vsub.f32 v47, v21;
	v0 =	vadd.f32 v0, v60;
	_ =	sdelay $0x1  }
0x3c6: {  	v4 =	vmul.f32 v63, v63;
	v5 =	vsub.f32 v46, v21;
	v0 =	vadd.f32 v0, v62;
	_ =	sdelay $0x1  }
0x3c7: {  	v6 =	vmul.f32 v5, v5;
	v7 =	vsub.f32 v45, v21;
	v0 =	vadd.f32 v0, v4;
	_ =	sdelay $0x1  }
0x3c8: {  	v8 =	vmul.f32 v7, v7;
	v9 =	vsub.f32 v44, v21;
	v0 =	vadd.f32 v0, v6;
	_ =	sdelay $0x1  }
0x3c9: {  	v10 =	vmul.f32 v9, v9;
	v11 =	vsub.f32 v43, v21;
	v0 =	vadd.f32 v0, v8;
	_ =	sdelay $0x1  }
0x3ca: {  	v12 =	vmul.f32 v11, v11;
	v13 =	vsub.f32 v42, v21;
	v0 =	vadd.f32 v0, v10;
	_ =	sdelay $0x1  }
0x3cb: {  	v14 =	vmul.f32 v13, v13;
	v15 =	vsub.f32 v41, v21;
	v0 =	vadd.f32 v0, v12;
	_ =	sdelay $0x1  }
0x3cc: {  	v16 =	vmul.f32 v15, v15;
	v17 =	vsub.f32 v40, v21;
	v0 =	vadd.f32 v0, v14;
	_ =	sdelay $0x1  }
0x3cd: {  	v18 =	vmul.f32 v17, v17;
	v19 =	vsub.f32 v39, v21;
	v0 =	vadd.f32 v0, v16;
	_ =	sdelay $0x1  }
0x3ce: {  	v20 =	vmul.f32 v19, v19;
	v22 =	vsub.f32 v38, v21;
	v0 =	vadd.f32 v0, v18;
	_ =	sdelay $0x1  }
0x3cf: {  	v23 =	vmul.f32 v22, v22;
	v24 =	vsub.f32 v37, v21;
	v0 =	vadd.f32 v0, v20;
	_ =	sdelay $0x1  }
0x3d0: {  	v38 =	vsub.f32 v36, v21;
	v37 =	vmul.f32 v24, v24;
	v0 =	vadd.f32 v0, v23;
	_ =	sdelay $0x1  }
0x3d1: {  	v40 =	vsub.f32 v35, v21;
	v39 =	vmul.f32 v38, v38;
	v0 =	vadd.f32 v0, v37;
	_ =	sdelay $0x1  }
0x3d2: {  	v42 =	vsub.f32 v34, v21;
	v41 =	vmul.f32 v40, v40;
	v0 =	vadd.f32 v0, v39;
	_ =	sdelay $0x1  }
0x3d3: {  	v44 =	vsub.f32 v33, v21;
	v43 =	vmul.f32 v42, v42;
	v0 =	vadd.f32 v0, v41;
	_ =	sdelay $0x1  }
0x3d4: {  	v46 =	vsub.f32 v32, v21;
	v45 =	vmul.f32 v44, v44;
	v0 =	vadd.f32 v0, v43;
	_ =	sdelay $0x1  }
0x3d5: {  	v48 =	vsub.f32 v31, v21;
	v47 =	vmul.f32 v46, v46;
	v0 =	vadd.f32 v0, v45;
	_ =	sdelay $0x1  }
0x3d6: {  	v49 =	vmul.f32 v48, v48;
	v50 =	vsub.f32 v30, v21;
	v0 =	vadd.f32 v0, v47;
	_ =	sdelay $0x1  }
0x3d7: {  	v51 =	vmul.f32 v50, v50;
	v52 =	vsub.f32 v29, v21;
	v0 =	vadd.f32 v0, v49;
	_ =	sdelay $0x1  }
0x3d8: {  	v53 =	vmul.f32 v52, v52;
	v54 =	vsub.f32 v25, v21;
	v0 =	vadd.f32 v0, v51;
	_ =	sdelay $0x1  }
0x3d9: {  	v55 =	vmul.f32 v54, v54;
	v56 =	vsub.f32 v26, v21;
	v0 =	vadd.f32 v0, v53;
	_ =	sdelay $0x1  }
0x3da: {  	v57 =	vmul.f32 v56, v56;
	v58 =	vsub.f32 v27, v21;
	v0 =	vadd.f32 v0, v55;
	_ =	sdelay $0x1  }
0x3db: {  	v59 =	vmul.f32 v58, v58;
	v60 =	vsub.f32 v28, v21;
	v0 =	vadd.f32 v0, v57;
	_ =	sdelay $0x1  }
0x3dc: {  	v61 =	vmul.f32 v60, v60;
	v0 =	vadd.f32 v0, v59;
	_ =	sdelay $0x1  }
0x3dd: {  	v0 =	vadd.f32 v0, v61;
	_ =	sdelay $0x1  }
0x3de: {  	(v2sf) =	vpush v0, $0x0  }
0x3df: {  	(v2sf) =	vpush v0, $0x1;
	_ =	sdelay $0x1  }
0x3e0: {  	(v2sf) =	vpush v0, $0x2;
	_ =	sdelay $0x1  }
0x3e1: {  	(v2sf) =	vpush v0, $0x3;
	_ =	sdelay $0x1  }
0x3e2: {  	(v2sf) =	vpush v0, $0x4;
	_ =	sdelay $0x1  }
0x3e3: {  	(v2sf) =	vpush v0, $0x5;
	_ =	sdelay $0x1  }
0x3e4: {  	(v2sf) =	vpush v0, $0x6;
	_ =	sdelay $0x1  }
0x3e5: {  	(v2sf) =	vpush v0, $0x7;
	_ =	sdelay $0x1  }
0x3e6: {  	s15 =	spop (v2sf);
	(v2sf) =	vpush v0, $0x8  }
0x3e7: {  	s16 =	spop (v2sf)  }
0x3e8: {  	(v2sf) =	vpush v0, $0x9;
	s14 =	sadd.f32 s16, s15  }
0x3e9: {  	s17 =	spop (v2sf)  }
0x3ea: {  	(v2sf) =	vpush v0, $0xA;
	s14 =	sadd.f32 s14, s17  }
0x3eb: {  	s18 =	spop (v2sf)  }
0x3ec: {  	(v2sf) =	vpush v0, $0xB;
	s14 =	sadd.f32 s14, s18  }
0x3ed: {  	s19 =	spop (v2sf)  }
0x3ee: {  	(v2sf) =	vpush v0, $0xC;
	s14 =	sadd.f32 s14, s19  }
0x3ef: {  	s20 =	spop (v2sf)  }
0x3f0: {  	(v2sf) =	vpush v0, $0xD;
	s14 =	sadd.f32 s14, s20  }
0x3f1: {  	s21 =	spop (v2sf)  }
0x3f2: {  	(v2sf) =	vpush v0, $0xE;
	s14 =	sadd.f32 s14, s21  }
0x3f3: {  	s22 =	spop (v2sf)  }
0x3f4: {  	(v2sf) =	vpush v0, $0xF;
	s14 =	sadd.f32 s14, s22  }
0x3f5: {  	s23 =	spop (v2sf)  }
0x3f6: {  	s14 =	sadd.f32 s14, s23  }
0x3f7: {  	s24 =	spop (v2sf)  }
0x3f8: {  	s14 =	sadd.f32 s14, s24  }
0x3f9: {  	s25 =	spop (v2sf)  }
0x3fa: {  	s14 =	sadd.f32 s14, s25  }
0x3fb: {  	s26 =	spop (v2sf)  }
0x3fc: {  	s14 =	sadd.f32 s14, s26  }
0x3fd: {  	s28 =	spop (v2sf)  }
0x3fe: {  	s14 =	sadd.f32 s14, s28  }
0x3ff: {  	s29 =	spop (v2sf)  }
0x400: {  	s14 =	sadd.f32 s14, s29  }
0x401: {  	s30 =	spop (v2sf)  }
0x402: {  	s14 =	sadd.f32 s14, s30  }
0x403: {  	s31 =	spop (v2sf)  }
0x404: {  	s14 =	sadd.f32 s14, s31  }
0x405: {  	p0 =	sgt.s32 s13, $0x1FF;
	v63 =	vlaneseq.u32  }
0x406: {  	s10 =	sadd.s32 $0x1, s10;
	s11 =	smov.u32 @p0 s12;
	vm1 =	veq.s32 v63, $0x0;
	v62 =	vsel vm0, s14, v21  }
0x407: {  	p0 =	sne.s32 s10, s5;
	v0 =	vsel vm1, s11, v62  }
.Ltmp1:
0x408: {  	[tilespmem:$0x800] =	vst v0;
	(pc) =	sbr.rel @p0 .LBB2_1-.Ltmp1, $4  }
0x409: {  	[hbm4b:s4+s2] =	stream.linear.scatter [tilespmem:s9], [sflag:$0x1], $0x80, $0x38;
	[tilespmem:$0x880] =	vst v63  }
0x40a: {  	_ =	swait.ge [sflag:s8], $0x80  }
0x40b: {  	[sflag:s8] =	ssyncset.done $0x0  }
0x40c: {  	[sflag:s8] =	ssyncadd.s32 $0xFFFFFF80  }
0x40d: {  	_ =	sfence.sel $0x180000  }
0x40e: {  	[bflag:$0x0] =	sbarrier.arrive $0xFFFF  }
0x40f: {  	p0 =	sne.s32 s1, $0x0;
	_ =	strace $0x90000047  }
0x410: {  	s0 =	sadd.s32 @!p0 $0x100000, s0;
	[bflag:$0x2] =	sbarrier.arrive $0xFFFF  }
0x411: {  	[sflag:s0] =	ssyncadd.tile.s32 @!p0 $0x1;
	_ =	shalt  }
.Lfunc_end2:
_tile_overlayer_lowered:
.L_overlay_start_2:
0x412: {  	(tag) =	ssettag $0x2  }
0x413: {  	s0 =	rddreg [dreg:$0x0];
	s2 =	stileid.u32  }
0x414: {  	s1 =	rddreg [dreg:$0x1];
	p0 =	sne.s32 s2, $0x0  }
0x415: {  	s3 =	rddreg [dreg:$0x2];
	[bflag:$0x3] =	sbarrier.arrive $0xFFFF;
	s2 =	simm.s32 @!p0 $0x1C01  }
0x416: {  	[timem:s3], [sflag:s2] =	dma.local @!p0 [hbm:s0], s1  }
0x417: {  	s0 =	simm.s32 @!p0 $0x1  }
0x418: {  	_ =	swait.ge @!p0 [sflag:s0], s1  }
0x419: {  	s1 =	ssub.s32 @!p0 $0x0, s1;
	[sflag:s0] =	ssyncset.done @!p0 $0x0  }
0x41a: {  	[sflag:s0] =	ssyncadd.s32 @!p0 s1  }
0x41b: {  	[bflag:$0x3] =	sbarrier.arrive $0xFFFF  }
0x41c: {  	_ =	shalt  }

</sc_bundles>
